<compile_context>
chip_gen: v7x
topology: tpu7x:2x2x1
jax: 0.10.2.dev20260603
libtpu: 0.0.44.dev20260713+nightly
codegen_flags: <defaults>
</compile_context>

<pallas_src>
import functools

import jax
import jax.numpy as jnp
from jax import lax
from jax.experimental import pallas as pl
from jax.experimental.pallas import tpu as pltpu
from jax.experimental.pallas import tpu_sc as plsc

N = 10000
E = 320000
B = 100
NPG = 100
DX = 96
MAXDEG = 16
RW = 16
F = 128
TAU = 0.005
SK_ITERS = 10

NC = 2
NS = 16
NW = NC * NS
EPW = E // NW
CH = 100
NCH = EPW // CH
NT = NCH // 2
NTT = NCH // 3
RPS = 624
TAIL = N - NS * RPS

def _mesh():
    return plsc.VectorSubcoreMesh(core_axis_name="c", subcore_axis_name="s",
                                  num_cores=NC, num_subcores=NS)


def _deg_body(dsts_hbm, z_hbm, out_hbm, idx_v, ones_v, acc1, acc2,
              sem_a, sem_b):
    cid = lax.axis_index("c")
    sid = lax.axis_index("s")
    wid = sid * NC + cid

    @pl.when(sid == 0)
    def _zero():
        pltpu.sync_copy(z_hbm, acc1)
        pltpu.sync_copy(z_hbm, acc2)

    def _fill_ones(i, carry):
        ones_v[i] = jnp.ones((16,), jnp.float32)
        return carry

    lax.fori_loop(0, CH, _fill_ones, 0)
    plsc.subcore_barrier()

    for g, acc in ((0, acc1), (1, acc2)):
        pltpu.sync_copy(dsts_hbm.at[g, wid], idx_v)

        def _step(t, carry, acc=acc):
            @pl.when(t > 0)
            def _wa():
                pltpu.make_async_copy(
                    ones_v, acc.at[idx_v.at[2 * t - 2]], sem_a).wait()

            pltpu.async_copy(ones_v, acc.at[idx_v.at[2 * t]], sem_a,
                             add=True)

            @pl.when(t > 0)
            def _wb():
                pltpu.make_async_copy(
                    ones_v, acc.at[idx_v.at[2 * t - 1]], sem_b).wait()

            pltpu.async_copy(ones_v, acc.at[idx_v.at[2 * t + 1]], sem_b,
                             add=True)
            return carry

        lax.fori_loop(0, NT, _step, 0)
        pltpu.make_async_copy(ones_v, acc.at[idx_v.at[NCH - 2]],
                              sem_a).wait()
        pltpu.make_async_copy(ones_v, acc.at[idx_v.at[NCH - 1]],
                              sem_b).wait()

    plsc.subcore_barrier()
    base = pl.multiple_of(sid * RPS, 8)
    pltpu.sync_copy(acc1.at[pl.ds(base, RPS)],
                    out_hbm.at[cid, 0, pl.ds(base, RPS)])
    pltpu.sync_copy(acc2.at[pl.ds(base, RPS)],
                    out_hbm.at[cid, 1, pl.ds(base, RPS)])

    @pl.when(sid == 0)
    def _tail():
        pltpu.sync_copy(acc1.at[pl.ds(NS * RPS, TAIL)],
                        out_hbm.at[cid, 0, pl.ds(NS * RPS, TAIL)])
        pltpu.sync_copy(acc2.at[pl.ds(NS * RPS, TAIL)],
                        out_hbm.at[cid, 1, pl.ds(NS * RPS, TAIL)])


def _sc_degrees(dsts, z16):
    return pl.kernel(
        _deg_body,
        out_type=jax.ShapeDtypeStruct((NC, 2, N, 16), jnp.float32),
        mesh=_mesh(),
        scratch_types=[
            pltpu.VMEM((NCH, CH), jnp.int32),
            pltpu.VMEM((CH, 16), jnp.float32),
            pltpu.VMEM_SHARED((N, 16), jnp.float32),
            pltpu.VMEM_SHARED((N, 16), jnp.float32),
            pltpu.SemaphoreType.DMA,
            pltpu.SemaphoreType.DMA,
        ],
    )(dsts, z16)


def _scatter_body(y_hbm, srcs_hbm, dsts_hbm, z_hbm, out_hbm,
                  sidx, db0, db1, rows0, rows1, acc, gs0, gs1, ds0, ds1):
    cid = lax.axis_index("c")
    sid = lax.axis_index("s")
    wid = sid * NC + cid

    @pl.when(sid == 0)
    def _zero():
        pltpu.sync_copy(z_hbm, acc)

    pltpu.sync_copy(srcs_hbm.at[wid], sidx)
    plsc.subcore_barrier()

    pltpu.async_copy(y_hbm.at[sidx.at[0]], rows0, gs0)
    pltpu.async_copy(dsts_hbm.at[wid, pl.ds(0, 1)], db0, ds0)

    def _step(t, carry):
        j0 = 2 * t
        pltpu.async_copy(y_hbm.at[sidx.at[j0 + 1]], rows1, gs1)
        pltpu.async_copy(dsts_hbm.at[wid, pl.ds(j0 + 1, 1)], db1, ds1)
        pltpu.make_async_copy(y_hbm.at[sidx.at[j0]], rows0, gs0).wait()
        pltpu.make_async_copy(dsts_hbm.at[wid, pl.ds(j0, 1)], db0,
                              ds0).wait()
        pltpu.sync_copy(rows0, acc.at[db0.at[0]], add=True)

        @pl.when(t < NT - 1)
        def _pref():
            pltpu.async_copy(y_hbm.at[sidx.at[j0 + 2]], rows0, gs0)
            pltpu.async_copy(dsts_hbm.at[wid, pl.ds(j0 + 2, 1)], db0, ds0)

        pltpu.make_async_copy(y_hbm.at[sidx.at[j0 + 1]], rows1, gs1).wait()
        pltpu.make_async_copy(dsts_hbm.at[wid, pl.ds(j0 + 1, 1)], db1,
                              ds1).wait()
        pltpu.sync_copy(rows1, acc.at[db1.at[0]], add=True)
        return carry

    lax.fori_loop(0, NT, _step, 0)

    plsc.subcore_barrier()
    base = pl.multiple_of(sid * RPS, 8)
    pltpu.sync_copy(acc.at[pl.ds(base, RPS)],
                    out_hbm.at[cid, pl.ds(base, RPS)])

    @pl.when(sid == 0)
    def _tail():
        pltpu.sync_copy(acc.at[pl.ds(NS * RPS, TAIL)],
                        out_hbm.at[cid, pl.ds(NS * RPS, TAIL)])


def _sc_scatter_rows(y, srcs, dsts, z128):
    return pl.kernel(
        _scatter_body,
        out_type=jax.ShapeDtypeStruct((NC, N, F), jnp.float32),
        mesh=_mesh(),
        scratch_types=[
            pltpu.VMEM((NCH, CH), jnp.int32),
            pltpu.VMEM((1, CH), jnp.int32),
            pltpu.VMEM((1, CH), jnp.int32),
            pltpu.VMEM((CH, F), jnp.float32),
            pltpu.VMEM((CH, F), jnp.float32),
            pltpu.VMEM_SHARED((N, F), jnp.float32),
            pltpu.SemaphoreType.DMA,
            pltpu.SemaphoreType.DMA,
            pltpu.SemaphoreType.DMA,
            pltpu.SemaphoreType.DMA,
        ],
    )(y, srcs, dsts, z128)


BT = 2000
_PREC = lax.Precision.HIGHEST


def _dinv_of(deg2_blk):
    d = deg2_blk[0, :, 0] + deg2_blk[1, :, 0] + 1.0
    return lax.rsqrt(d)


def _init_body(x_ref, cent_ref, rw_ref, deg2_ref, demb_ref, wi_ref, bi_ref,
               wg_ref, xw_ref, y_ref):
    dinv = _dinv_of(deg2_ref[...])
    iot = lax.broadcasted_iota(jnp.int32, (1, MAXDEG), 1)
    oh = (cent_ref[...] == iot).astype(jnp.float32)
    h = jnp.dot(x_ref[...], wi_ref[0:DX, :], precision=_PREC)
    h += jnp.dot(jnp.dot(oh, demb_ref[...], precision=_PREC),
                 wi_ref[DX:DX + MAXDEG, :], precision=_PREC)
    h += jnp.dot(rw_ref[...], wi_ref[DX + MAXDEG:, :], precision=_PREC)
    h = jax.nn.relu(h + bi_ref[...])
    xw = jnp.dot(h, wg_ref[...], precision=_PREC)
    xw_ref[...] = xw
    y_ref[...] = xw * dinv[:, None]


def _tc_init(x, cent, rw, deg2, demb, w_init, b_init, wg1):
    grid = (N // BT,)
    return pl.pallas_call(
        _init_body,
        grid=grid,
        in_specs=[
            pl.BlockSpec((BT, DX), lambda i: (i, 0)),
            pl.BlockSpec((BT, 1), lambda i: (i, 0)),
            pl.BlockSpec((BT, RW), lambda i: (i, 0)),
            pl.BlockSpec((2, BT, 16), lambda i: (0, i, 0)),
            pl.BlockSpec((MAXDEG, MAXDEG), lambda i: (0, 0)),
            pl.BlockSpec((DX + MAXDEG + RW, F), lambda i: (0, 0)),
            pl.BlockSpec((1, F), lambda i: (0, 0)),
            pl.BlockSpec((F, F), lambda i: (0, 0)),
        ],
        out_specs=[
            pl.BlockSpec((BT, F), lambda i: (i, 0)),
            pl.BlockSpec((BT, F), lambda i: (i, 0)),
        ],
        out_shape=[
            jax.ShapeDtypeStruct((N, F), jnp.float32),
            jax.ShapeDtypeStruct((N, F), jnp.float32),
        ],
    )(x, cent, rw, deg2, demb, w_init, b_init, wg1)


def _step_body(s_ref, xw_ref, deg2_ref, b_ref, w_ref, xwo_ref, yo_ref):
    dinv = _dinv_of(deg2_ref[...])
    agg = (s_ref[0] + s_ref[1]) * dinv[:, None]
    agg += xw_ref[...] * (dinv * dinv)[:, None]
    h = jax.nn.relu(agg + b_ref[...])
    xw = jnp.dot(h, w_ref[...], precision=_PREC)
    xwo_ref[...] = xw
    yo_ref[...] = xw * dinv[:, None]


def _tc_step(s, xw, deg2, b_prev, w_next):
    grid = (N // BT,)
    return pl.pallas_call(
        _step_body,
        grid=grid,
        in_specs=[
            pl.BlockSpec((NC, BT, F), lambda i: (0, i, 0)),
            pl.BlockSpec((BT, F), lambda i: (i, 0)),
            pl.BlockSpec((2, BT, 16), lambda i: (0, i, 0)),
            pl.BlockSpec((1, F), lambda i: (0, 0)),
            pl.BlockSpec((F, F), lambda i: (0, 0)),
        ],
        out_specs=[
            pl.BlockSpec((BT, F), lambda i: (i, 0)),
            pl.BlockSpec((BT, F), lambda i: (i, 0)),
        ],
        out_shape=[
            jax.ShapeDtypeStruct((N, F), jnp.float32),
            jax.ShapeDtypeStruct((N, F), jnp.float32),
        ],
    )(s, xw, deg2, b_prev, w_next)


def _final_body(s_ref, xw_ref, deg2_ref, b_ref, g_ref):
    dinv = _dinv_of(deg2_ref[...])
    agg = (s_ref[0] + s_ref[1]) * dinv[:, None]
    agg += xw_ref[...] * (dinv * dinv)[:, None]
    g_ref[...] = agg + b_ref[...]


def _tc_final(s, xw, deg2, b_prev):
    grid = (N // BT,)
    return pl.pallas_call(
        _final_body,
        grid=grid,
        in_specs=[
            pl.BlockSpec((NC, BT, F), lambda i: (0, i, 0)),
            pl.BlockSpec((BT, F), lambda i: (i, 0)),
            pl.BlockSpec((2, BT, 16), lambda i: (0, i, 0)),
            pl.BlockSpec((1, F), lambda i: (0, 0)),
        ],
        out_specs=pl.BlockSpec((BT, F), lambda i: (i, 0)),
        out_shape=jax.ShapeDtypeStruct((N, F), jnp.float32),
    )(s, xw, deg2, b_prev)


def _attn_body(g1_ref, g2_ref, watt_ref, ws1_ref, bs1_ref, ws2_ref, bs2_ref,
               ged_ref):
    def pool(hb):
        m = jnp.mean(hb, axis=1)
        c = jnp.tanh(jnp.dot(m, watt_ref[...], precision=_PREC))
        a = jax.nn.sigmoid(jnp.sum(hb * c[:, None, :], axis=2))
        return jnp.sum(hb * a[:, :, None], axis=1)

    e1 = pool(g1_ref[...])
    e2 = pool(g2_ref[...])
    s = jnp.concatenate([e1, e2], axis=1)
    t = jax.nn.relu(jnp.dot(s, ws1_ref[...], precision=_PREC) + bs1_ref[...])
    ged_ref[...] = jax.nn.sigmoid(
        jnp.dot(t, ws2_ref[...], precision=_PREC) + bs2_ref[...])


def _tc_attn_ged(g1r, g2r, w_att, ws1, bs1, ws2, bs2):
    return pl.pallas_call(
        _attn_body,
        grid=(1,),
        in_specs=[
            pl.BlockSpec((B, NPG, F), lambda i: (0, 0, 0)),
            pl.BlockSpec((B, NPG, F), lambda i: (0, 0, 0)),
            pl.BlockSpec((F, F), lambda i: (0, 0)),
            pl.BlockSpec((2 * F, 16), lambda i: (0, 0)),
            pl.BlockSpec((1, 16), lambda i: (0, 0)),
            pl.BlockSpec((16, 1), lambda i: (0, 0)),
            pl.BlockSpec((1, 1), lambda i: (0, 0)),
        ],
        out_specs=pl.BlockSpec((B, 1), lambda i: (0, 0)),
        out_shape=jax.ShapeDtypeStruct((B, 1), jnp.float32),
    )(g1r, g2r, w_att, ws1, bs1, ws2, bs2)


GB_SK = 4


def _sinkhorn_body(g1_ref, g2_ref, waff_ref, sim_ref):
    for k in range(GB_SK):
        a1g = jnp.dot(g1_ref[k], waff_ref[...], precision=_PREC)
        h2g = g2_ref[k]
        m0 = lax.dot_general(a1g, h2g, (((1,), (1,)), ((), ())),
                             precision=_PREC)

        def it(_, ls):
            mx2 = jnp.max(ls, axis=1, keepdims=True)
            ls = ls - (mx2 + jnp.log(jnp.sum(jnp.exp(ls - mx2), axis=1,
                                             keepdims=True)))
            mx1 = jnp.max(ls, axis=0, keepdims=True)
            ls = ls - (mx1 + jnp.log(jnp.sum(jnp.exp(ls - mx1), axis=0,
                                             keepdims=True)))
            return ls

        ls = lax.fori_loop(0, SK_ITERS, it, m0 * (1.0 / TAU))
        sim_ref[k] = jnp.exp(ls)


def _tc_sinkhorn(g1r, g2r, w_aff):
    grid = (B // GB_SK,)
    return pl.pallas_call(
        _sinkhorn_body,
        grid=grid,
        in_specs=[
            pl.BlockSpec((GB_SK, NPG, F), lambda i: (i, 0, 0)),
            pl.BlockSpec((GB_SK, NPG, F), lambda i: (i, 0, 0)),
            pl.BlockSpec((F, F), lambda i: (0, 0)),
        ],
        out_specs=pl.BlockSpec((GB_SK, NPG, NPG), lambda i: (i, 0, 0)),
        out_shape=jax.ShapeDtypeStruct((B, NPG, NPG), jnp.float32),
    )(g1r, g2r, w_aff)


def kernel(x1, cent_pe1, rw_pe1, edge_index1, x2, cent_pe2, rw_pe2,
           edge_index2, degree_emb, W_init, b_init, Wg1, bg1, Wg2, bg2,
           Wg3, bg3, W_att, W_aff, Ws1, bs1, Ws2, bs2):
    z16 = jnp.zeros((N, 16), jnp.float32)
    z128 = jnp.zeros((N, F), jnp.float32)

    srcs1 = edge_index1[0].reshape(NW, NCH, CH)
    dsts1 = edge_index1[1].reshape(NW, NCH, CH)
    srcs2 = edge_index2[0].reshape(NW, NCH, CH)
    dsts2 = edge_index2[1].reshape(NW, NCH, CH)
    dsts_all = jnp.stack([dsts1, dsts2])

    deg_out = _sc_degrees(dsts_all, z16)
    deg_1 = deg_out[:, 0]
    deg_2 = deg_out[:, 1]

    b_init2 = b_init.reshape(1, F)
    bg1_2 = bg1.reshape(1, F)
    bg2_2 = bg2.reshape(1, F)
    bg3_2 = bg3.reshape(1, F)

    def conv_chain(x, cent, rw, deg2, srcs, dsts):
        xw1, y1 = _tc_init(x, cent, rw, deg2, degree_emb, W_init, b_init2,
                           Wg1)
        s1 = _sc_scatter_rows(y1, srcs, dsts, z128)
        xw2, y2 = _tc_step(s1, xw1, deg2, bg1_2, Wg2)
        s2 = _sc_scatter_rows(y2, srcs, dsts, z128)
        xw3, y3 = _tc_step(s2, xw2, deg2, bg2_2, Wg3)
        s3 = _sc_scatter_rows(y3, srcs, dsts, z128)
        return _tc_final(s3, xw3, deg2, bg3_2)

    g1 = conv_chain(x1, cent_pe1, rw_pe1, deg_1, srcs1, dsts1)
    g2 = conv_chain(x2, cent_pe2, rw_pe2, deg_2, srcs2, dsts2)

    g1r = g1.reshape(B, NPG, F)
    g2r = g2.reshape(B, NPG, F)
    ged = _tc_attn_ged(g1r, g2r, W_att, Ws1, bs1.reshape(1, 16), Ws2,
                       bs2.reshape(1, 1))
    sim = _tc_sinkhorn(g1r, g2r, W_aff)
    return (ged.reshape(-1), sim, sim, sim)

# --- scband reference (transcript-rebuilt; emitter-appended) ---
"""Pipeline reference for scband-our-nn-64836826300518 (READ-ONLY COPY).

The authoritative reference and input builder live on the scoring server;
editing this copy changes nothing except your own understanding.
"""

import jax, jax.numpy as jnp
import numpy as np

N = 10000
E = 320000
B = 100
NP_ = 100
DX = 96
MAXDEG = 16
RW = 16
F = 128
TAU = 0.005
SK_ITERS = 10


def setup_inputs(seed: int = 0):
    key = jax.random.key(seed)
    ks = jax.random.split(key, 24)
    p = 0.05
    inp = {}
    inp["x1"] = jax.random.normal(ks[0], (N, DX), jnp.float32)
    inp["cent_pe1"] = jax.random.randint(ks[1], (N, 1), 0, MAXDEG)
    inp["rw_pe1"] = jax.random.normal(ks[2], (N, RW), jnp.float32)
    inp["edge_index1"] = jax.random.randint(ks[3], (2, E), 0, N)
    inp["x2"] = jax.random.normal(ks[4], (N, DX), jnp.float32)
    inp["cent_pe2"] = jax.random.randint(ks[5], (N, 1), 0, MAXDEG)
    inp["rw_pe2"] = jax.random.normal(ks[6], (N, RW), jnp.float32)
    inp["edge_index2"] = jax.random.randint(ks[7], (2, E), 0, N)
    inp["degree_emb"] = jax.random.normal(ks[8], (MAXDEG, MAXDEG), jnp.float32) * p
    inp["W_init"] = jax.random.normal(ks[9], (DX + MAXDEG + RW, F), jnp.float32) * p
    inp["b_init"] = jnp.zeros((F,), jnp.float32)
    inp["Wg1"] = jax.random.normal(ks[10], (F, F), jnp.float32) * p
    inp["bg1"] = jnp.zeros((F,), jnp.float32)
    inp["Wg2"] = jax.random.normal(ks[11], (F, F), jnp.float32) * p
    inp["bg2"] = jnp.zeros((F,), jnp.float32)
    inp["Wg3"] = jax.random.normal(ks[12], (F, F), jnp.float32) * p
    inp["bg3"] = jnp.zeros((F,), jnp.float32)
    inp["W_att"] = jax.random.normal(ks[13], (F, F), jnp.float32) * p
    inp["W_aff"] = jax.random.normal(ks[14], (F, F), jnp.float32) * p
    inp["Ws1"] = jax.random.normal(ks[15], (2 * F, 16), jnp.float32) * p
    inp["bs1"] = jnp.zeros((16,), jnp.float32)
    inp["Ws2"] = jax.random.normal(ks[16], (16, 1), jnp.float32) * p
    inp["bs2"] = jnp.zeros((1,), jnp.float32)
    return inp


def _gcn(x, src, dst, W, b):
    deg = jnp.zeros((N,), jnp.float32).at[dst].add(1.0) + 1.0
    dinv = jax.lax.rsqrt(deg)
    xw = x @ W
    msg = xw[src] * (dinv[src] * dinv[dst])[:, None]
    agg = jnp.zeros_like(xw).at[dst].add(msg)
    agg = agg + xw * (dinv * dinv)[:, None]
    return agg + b


def reference(x1, cent_pe1, rw_pe1, edge_index1, x2, cent_pe2, rw_pe2, edge_index2, degree_emb, W_init, b_init, Wg1, bg1, Wg2, bg2, Wg3, bg3, W_att, W_aff, Ws1, bs1, Ws2, bs2):
    def conv_pass(feat, ei):
        src, dst = ei[0], ei[1]
        f1 = _gcn(feat, src, dst, Wg1, bg1)
        f = jax.nn.relu(f1)
        f2 = _gcn(f, src, dst, Wg2, bg2)
        f = jax.nn.relu(f2)
        f3 = _gcn(f, src, dst, Wg3, bg3)
        return f3

    feat1 = jax.nn.relu(jnp.concatenate([x1, degree_emb[cent_pe1[:, 0]], rw_pe1], axis=1) @ W_init + b_init)
    feat2 = jax.nn.relu(jnp.concatenate([x2, degree_emb[cent_pe2[:, 0]], rw_pe2], axis=1) @ W_init + b_init)
    g1 = conv_pass(feat1, edge_index1)
    g2 = conv_pass(feat2, edge_index2)

    def attn(h):
        hb = h.reshape(B, NP_, F)
        c = jnp.tanh(hb.mean(axis=1) @ W_att)
        a = jax.nn.sigmoid(jnp.einsum('bnd,bd->bn', hb, c))
        return jnp.einsum('bnd,bn->bd', hb, a)

    e1 = attn(g1)
    e2 = attn(g2)
    s = jnp.concatenate([e1, e2], axis=1)
    ged = jax.nn.sigmoid(jax.nn.relu(s @ Ws1 + bs1) @ Ws2 + bs2).reshape(-1)

    X1 = g1.reshape(B, NP_, F)
    X2 = g2.reshape(B, NP_, F)
    M = jnp.einsum('bid,de,bje->bij', X1, W_aff, X2)
    log_s = M / TAU
    for _ in range(SK_ITERS):
        log_s = log_s - jax.nn.logsumexp(log_s, axis=2, keepdims=True)
        log_s = log_s - jax.nn.logsumexp(log_s, axis=1, keepdims=True)
    sim = jnp.exp(log_s)
    return (ged, sim, sim, sim)

if __name__ == "__main__":
    import jax
    _d = setup_inputs()
    print(jax.jit(kernel)(*tuple(_d.values())))

</pallas_src>

<mosaic_0001>
#map = affine_map<(d0, d1) -> (0, 0)>
#map1 = affine_map<(d0, d1) -> (0, 0, 0)>
module attributes {stable_mosaic.version = 14 : i64} {
  func.func @_scatter_body(%arg0: i32, %arg1: i32, %arg2: memref<10000x128xf32, #tpu.memory_space<hbm>>, %arg3: memref<32x100x100xi32, #tpu.memory_space<hbm>>, %arg4: memref<32x100x100xi32, #tpu.memory_space<hbm>>, %arg5: memref<10000x128xf32, #tpu.memory_space<hbm>>, %arg6: memref<2x10000x128xf32, #tpu.memory_space<hbm>>, %arg7: memref<100x100xi32, #tpu.memory_space<vmem>>, %arg8: memref<1x100xi32, #tpu.memory_space<vmem>>, %arg9: memref<1x100xi32, #tpu.memory_space<vmem>>, %arg10: memref<100x128xf32, #tpu.memory_space<vmem>>, %arg11: memref<100x128xf32, #tpu.memory_space<vmem>>, %arg12: memref<10000x128xf32, #tpu.memory_space<vmem_shared>>, %arg13: memref<!tpu.dma_semaphore, #tpu.memory_space<semaphore_mem>>, %arg14: memref<!tpu.dma_semaphore, #tpu.memory_space<semaphore_mem>>, %arg15: memref<!tpu.dma_semaphore, #tpu.memory_space<semaphore_mem>>, %arg16: memref<!tpu.dma_semaphore, #tpu.memory_space<semaphore_mem>>) attributes {dimension_semantics = [#tpu.dimension_semantics<core_parallel>, #tpu.dimension_semantics<subcore_parallel>], iteration_bounds = array<i64: 2, 16>, scalar_prefetch = 0 : i64, scratch_operands = 10 : i64, tpu.core_type = #tpu.core_type<sc_vector_subcore>, window_params = [{transform_indices = #map}, {transform_indices = #map1}, {transform_indices = #map1}, {transform_indices = #map}, {transform_indices = #map1}]} {
    %mul3A = arith.constant 2 : i32
    %mul3A_0 = arith.muli %arg1, %mul3A : i32
    %add3A = arith.addi %mul3A_0, %arg0 : i32
    %eq3A = arith.constant 0 : i32
    %eq3A_1 = arith.cmpi eq, %arg1, %eq3A : i32
    %convert_element_type3A = arith.extui %eq3A_1 : i1 to i32
    %cond3A = arith.constant 0 : i32
    %cond3A_2 = arith.cmpi ne, %convert_element_type3A, %cond3A : i32
    scf.if %cond3A_2 {
      "tpu.region"() ({
        %run_scoped3A = tpu.sem_alloc : memref<!tpu.dma_semaphore, #tpu.memory_space<semaphore_mem>>
        tpu.enqueue_dma source(%arg5 : memref<10000x128xf32, #tpu.memory_space<hbm>>) target(%arg12 : memref<10000x128xf32, #tpu.memory_space<vmem_shared>>) target_semaphore(%run_scoped3A : memref<!tpu.dma_semaphore, #tpu.memory_space<semaphore_mem>>)
        tpu.wait_dma2 semaphore(%run_scoped3A : memref<!tpu.dma_semaphore, #tpu.memory_space<semaphore_mem>>) src(%arg5 : memref<10000x128xf32, #tpu.memory_space<hbm>>) dst(%arg12 : memref<10000x128xf32, #tpu.memory_space<vmem_shared>>)
        tpu.yield
      }) : () -> ()
    } else {
    }
    "tpu.region"() ({
      %run_scoped3A = tpu.sem_alloc : memref<!tpu.dma_semaphore, #tpu.memory_space<semaphore_mem>>
      %dma_start3A_30 = arith.constant 0 : i32
      %dma_start3A_31 = arith.constant 0 : i32
      %dma_start3A_32 = tpu.memref_slice %arg3[%add3A, %dma_start3A_30, %dma_start3A_31] : memref<32x100x100xi32, #tpu.memory_space<hbm>> -> memref<1x100x100xi32, #tpu.memory_space<hbm>>
      %dma_start3A_33 = tpu.memref_squeeze %dma_start3A_32 : memref<1x100x100xi32, #tpu.memory_space<hbm>> -> memref<100x100xi32, #tpu.memory_space<hbm>>
      %dma_start3A_34 = arith.constant 0 : i32
      %dma_start3A_35 = arith.constant 0 : i32
      %dma_start3A_36 = tpu.memref_slice %arg3[%add3A, %dma_start3A_34, %dma_start3A_35] : memref<32x100x100xi32, #tpu.memory_space<hbm>> -> memref<1x100x100xi32, #tpu.memory_space<hbm>>
      %dma_start3A_37 = tpu.memref_squeeze %dma_start3A_36 : memref<1x100x100xi32, #tpu.memory_space<hbm>> -> memref<100x100xi32, #tpu.memory_space<hbm>>
      tpu.enqueue_dma source(%dma_start3A_37 : memref<100x100xi32, #tpu.memory_space<hbm>>) target(%arg7 : memref<100x100xi32, #tpu.memory_space<vmem>>) target_semaphore(%run_scoped3A : memref<!tpu.dma_semaphore, #tpu.memory_space<semaphore_mem>>)
      %dma_wait3A = arith.constant 0 : i32
      %dma_wait3A_38 = arith.constant 0 : i32
      %dma_wait3A_39 = tpu.memref_slice %arg3[%add3A, %dma_wait3A, %dma_wait3A_38] : memref<32x100x100xi32, #tpu.memory_space<hbm>> -> memref<1x100x100xi32, #tpu.memory_space<hbm>>
      %dma_wait3A_40 = tpu.memref_squeeze %dma_wait3A_39 : memref<1x100x100xi32, #tpu.memory_space<hbm>> -> memref<100x100xi32, #tpu.memory_space<hbm>>
      %dma_wait3A_41 = arith.constant 0 : i32
      %dma_wait3A_42 = arith.constant 0 : i32
      %dma_wait3A_43 = tpu.memref_slice %arg3[%add3A, %dma_wait3A_41, %dma_wait3A_42] : memref<32x100x100xi32, #tpu.memory_space<hbm>> -> memref<1x100x100xi32, #tpu.memory_space<hbm>>
      %dma_wait3A_44 = tpu.memref_squeeze %dma_wait3A_43 : memref<1x100x100xi32, #tpu.memory_space<hbm>> -> memref<100x100xi32, #tpu.memory_space<hbm>>
      tpu.wait_dma2 semaphore(%run_scoped3A : memref<!tpu.dma_semaphore, #tpu.memory_space<semaphore_mem>>) src(%dma_wait3A_44 : memref<100x100xi32, #tpu.memory_space<hbm>>) dst(%arg7 : memref<100x100xi32, #tpu.memory_space<vmem>>)
      tpu.yield
    }) : () -> ()
    %barrier3A = arith.constant 0 : index
    tpu.barrier barrier_id(%barrier3A)
    %dma_start3A = arith.constant 0 : i32
    %dma_start3A_3 = arith.constant 0 : i32
    %dma_start3A_4 = tpu.memref_slice %arg7[%dma_start3A, %dma_start3A_3] : memref<100x100xi32, #tpu.memory_space<vmem>> -> memref<1x100xi32, #tpu.memory_space<vmem>>
    %dma_start3A_5 = tpu.memref_squeeze %dma_start3A_4 : memref<1x100xi32, #tpu.memory_space<vmem>> -> memref<100xi32, #tpu.memory_space<vmem>>
    %dma_start3A_6 = arith.constant 0 : i32
    %dma_start3A_7 = arith.constant 0 : i32
    %dma_start3A_8 = tpu.memref_slice %arg2[%dma_start3A_6, %dma_start3A_7] : memref<10000x128xf32, #tpu.memory_space<hbm>> -> memref<10000x128xf32, #tpu.memory_space<hbm>>
    tpu.enqueue_indirect_dma source(%dma_start3A_8 : memref<10000x128xf32, #tpu.memory_space<hbm>>) target(%arg10 : memref<100x128xf32, #tpu.memory_space<vmem>>) offsets(%dma_start3A_5 : memref<100xi32, #tpu.memory_space<vmem>>) semaphore(%arg13 : memref<!tpu.dma_semaphore, #tpu.memory_space<semaphore_mem>>)
    %dma_start3A_9 = arith.constant 0 : i32
    %dma_start3A_10 = arith.constant 0 : i32
    %dma_start3A_11 = tpu.memref_slice %arg4[%add3A, %dma_start3A_9, %dma_start3A_10] : memref<32x100x100xi32, #tpu.memory_space<hbm>> -> memref<1x1x100xi32, #tpu.memory_space<hbm>>
    %dma_start3A_12 = tpu.memref_squeeze %dma_start3A_11 : memref<1x1x100xi32, #tpu.memory_space<hbm>> -> memref<1x100xi32, #tpu.memory_space<hbm>>
    %dma_start3A_13 = arith.constant 0 : i32
    %dma_start3A_14 = arith.constant 0 : i32
    %dma_start3A_15 = tpu.memref_slice %arg4[%add3A, %dma_start3A_13, %dma_start3A_14] : memref<32x100x100xi32, #tpu.memory_space<hbm>> -> memref<1x1x100xi32, #tpu.memory_space<hbm>>
    %dma_start3A_16 = tpu.memref_squeeze %dma_start3A_15 : memref<1x1x100xi32, #tpu.memory_space<hbm>> -> memref<1x100xi32, #tpu.memory_space<hbm>>
    tpu.enqueue_dma source(%dma_start3A_16 : memref<1x100xi32, #tpu.memory_space<hbm>>) target(%arg8 : memref<1x100xi32, #tpu.memory_space<vmem>>) target_semaphore(%arg15 : memref<!tpu.dma_semaphore, #tpu.memory_space<semaphore_mem>>)
    %scan3A = arith.constant 0 : i32
    %scan3A_17 = arith.constant 0 : i32
    %scan3A_18 = arith.constant 50 : i32
    %scan3A_19 = arith.addi %scan3A_17, %scan3A_18 : i32
    %scan3A_20 = arith.constant 1 : i32
    scf.for %scan3A_30 = %scan3A_17 to %scan3A_19 step %scan3A_20  : i32 {
      %mul3A_31 = arith.constant 2 : i32
      %mul3A_32 = arith.muli %mul3A_31, %scan3A_30 : i32
      %add3A_33 = arith.constant 1 : i32
      %add3A_34 = arith.addi %mul3A_32, %add3A_33 : i32
      %dma_start3A_35 = arith.constant 0 : i32
      %dma_start3A_36 = tpu.memref_slice %arg7[%add3A_34, %dma_start3A_35] : memref<100x100xi32, #tpu.memory_space<vmem>> -> memref<1x100xi32, #tpu.memory_space<vmem>>
      %dma_start3A_37 = tpu.memref_squeeze %dma_start3A_36 : memref<1x100xi32, #tpu.memory_space<vmem>> -> memref<100xi32, #tpu.memory_space<vmem>>
      %dma_start3A_38 = arith.constant 0 : i32
      %dma_start3A_39 = arith.constant 0 : i32
      %dma_start3A_40 = tpu.memref_slice %arg2[%dma_start3A_38, %dma_start3A_39] : memref<10000x128xf32, #tpu.memory_space<hbm>> -> memref<10000x128xf32, #tpu.memory_space<hbm>>
      tpu.enqueue_indirect_dma source(%dma_start3A_40 : memref<10000x128xf32, #tpu.memory_space<hbm>>) target(%arg11 : memref<100x128xf32, #tpu.memory_space<vmem>>) offsets(%dma_start3A_37 : memref<100xi32, #tpu.memory_space<vmem>>) semaphore(%arg14 : memref<!tpu.dma_semaphore, #tpu.memory_space<semaphore_mem>>)
      %add3A_41 = arith.constant 1 : i32
      %add3A_42 = arith.addi %mul3A_32, %add3A_41 : i32
      %dma_start3A_43 = arith.constant 0 : i32
      %dma_start3A_44 = tpu.memref_slice %arg4[%add3A, %add3A_42, %dma_start3A_43] : memref<32x100x100xi32, #tpu.memory_space<hbm>> -> memref<1x1x100xi32, #tpu.memory_space<hbm>>
      %dma_start3A_45 = tpu.memref_squeeze %dma_start3A_44 : memref<1x1x100xi32, #tpu.memory_space<hbm>> -> memref<1x100xi32, #tpu.memory_space<hbm>>
      %dma_start3A_46 = arith.constant 0 : i32
      %dma_start3A_47 = tpu.memref_slice %arg4[%add3A, %add3A_42, %dma_start3A_46] : memref<32x100x100xi32, #tpu.memory_space<hbm>> -> memref<1x1x100xi32, #tpu.memory_space<hbm>>
      %dma_start3A_48 = tpu.memref_squeeze %dma_start3A_47 : memref<1x1x100xi32, #tpu.memory_space<hbm>> -> memref<1x100xi32, #tpu.memory_space<hbm>>
      tpu.enqueue_dma source(%dma_start3A_48 : memref<1x100xi32, #tpu.memory_space<hbm>>) target(%arg9 : memref<1x100xi32, #tpu.memory_space<vmem>>) target_semaphore(%arg16 : memref<!tpu.dma_semaphore, #tpu.memory_space<semaphore_mem>>)
      %dma_wait3A = arith.constant 0 : i32
      %dma_wait3A_49 = tpu.memref_slice %arg7[%mul3A_32, %dma_wait3A] : memref<100x100xi32, #tpu.memory_space<vmem>> -> memref<1x100xi32, #tpu.memory_space<vmem>>
      %dma_wait3A_50 = tpu.memref_squeeze %dma_wait3A_49 : memref<1x100xi32, #tpu.memory_space<vmem>> -> memref<100xi32, #tpu.memory_space<vmem>>
      %dma_wait3A_51 = arith.constant 0 : i32
      %dma_wait3A_52 = arith.constant 0 : i32
      %dma_wait3A_53 = tpu.memref_slice %arg2[%dma_wait3A_51, %dma_wait3A_52] : memref<10000x128xf32, #tpu.memory_space<hbm>> -> memref<10000x128xf32, #tpu.memory_space<hbm>>
      tpu.wait_indirect_dma semaphore(%arg13 : memref<!tpu.dma_semaphore, #tpu.memory_space<semaphore_mem>>) src(%dma_wait3A_53 : memref<10000x128xf32, #tpu.memory_space<hbm>>) dst(%arg10 : memref<100x128xf32, #tpu.memory_space<vmem>>)
      %dma_wait3A_54 = arith.constant 0 : i32
      %dma_wait3A_55 = tpu.memref_slice %arg4[%add3A, %mul3A_32, %dma_wait3A_54] : memref<32x100x100xi32, #tpu.memory_space<hbm>> -> memref<1x1x100xi32, #tpu.memory_space<hbm>>
      %dma_wait3A_56 = tpu.memref_squeeze %dma_wait3A_55 : memref<1x1x100xi32, #tpu.memory_space<hbm>> -> memref<1x100xi32, #tpu.memory_space<hbm>>
      %dma_wait3A_57 = arith.constant 0 : i32
      %dma_wait3A_58 = tpu.memref_slice %arg4[%add3A, %mul3A_32, %dma_wait3A_57] : memref<32x100x100xi32, #tpu.memory_space<hbm>> -> memref<1x1x100xi32, #tpu.memory_space<hbm>>
      %dma_wait3A_59 = tpu.memref_squeeze %dma_wait3A_58 : memref<1x1x100xi32, #tpu.memory_space<hbm>> -> memref<1x100xi32, #tpu.memory_space<hbm>>
      tpu.wait_dma2 semaphore(%arg15 : memref<!tpu.dma_semaphore, #tpu.memory_space<semaphore_mem>>) src(%dma_wait3A_59 : memref<1x100xi32, #tpu.memory_space<hbm>>) dst(%arg8 : memref<1x100xi32, #tpu.memory_space<vmem>>)
      %run_scoped3A = arith.constant 0 : i32
      "tpu.region"() ({
        %run_scoped3A_81 = tpu.sem_alloc : memref<!tpu.dma_semaphore, #tpu.memory_space<semaphore_mem>>
        %dma_start3A_82 = arith.constant 0 : i32
        %dma_start3A_83 = tpu.memref_slice %arg8[%run_scoped3A, %dma_start3A_82] : memref<1x100xi32, #tpu.memory_space<vmem>> -> memref<1x100xi32, #tpu.memory_space<vmem>>
        %dma_start3A_84 = tpu.memref_squeeze %dma_start3A_83 : memref<1x100xi32, #tpu.memory_space<vmem>> -> memref<100xi32, #tpu.memory_space<vmem>>
        %dma_start3A_85 = arith.constant 0 : i32
        %dma_start3A_86 = arith.constant 0 : i32
        %dma_start3A_87 = tpu.memref_slice %arg12[%dma_start3A_85, %dma_start3A_86] : memref<10000x128xf32, #tpu.memory_space<vmem_shared>> -> memref<10000x128xf32, #tpu.memory_space<vmem_shared>>
        tpu.enqueue_indirect_dma source(%arg10 : memref<100x128xf32, #tpu.memory_space<vmem>>) target(%dma_start3A_87 : memref<10000x128xf32, #tpu.memory_space<vmem_shared>>) offsets(%dma_start3A_84 : memref<100xi32, #tpu.memory_space<vmem>>) semaphore(%run_scoped3A_81 : memref<!tpu.dma_semaphore, #tpu.memory_space<semaphore_mem>>) {add = true}
        %dma_wait3A_88 = arith.constant 0 : i32
        %dma_wait3A_89 = tpu.memref_slice %arg8[%run_scoped3A, %dma_wait3A_88] : memref<1x100xi32, #tpu.memory_space<vmem>> -> memref<1x100xi32, #tpu.memory_space<vmem>>
        %dma_wait3A_90 = tpu.memref_squeeze %dma_wait3A_89 : memref<1x100xi32, #tpu.memory_space<vmem>> -> memref<100xi32, #tpu.memory_space<vmem>>
        %dma_wait3A_91 = arith.constant 0 : i32
        %dma_wait3A_92 = arith.constant 0 : i32
        %dma_wait3A_93 = tpu.memref_slice %arg12[%dma_wait3A_91, %dma_wait3A_92] : memref<10000x128xf32, #tpu.memory_space<vmem_shared>> -> memref<10000x128xf32, #tpu.memory_space<vmem_shared>>
        tpu.wait_indirect_dma semaphore(%run_scoped3A_81 : memref<!tpu.dma_semaphore, #tpu.memory_space<semaphore_mem>>) src(%arg10 : memref<100x128xf32, #tpu.memory_space<vmem>>) dst(%dma_wait3A_93 : memref<10000x128xf32, #tpu.memory_space<vmem_shared>>)
        tpu.yield
      }) : () -> ()
      %lt3A = arith.constant 49 : i32
      %lt3A_60 = arith.cmpi slt, %scan3A_30, %lt3A : i32
      %convert_element_type3A_61 = arith.extui %lt3A_60 : i1 to i32
      %cond3A_62 = arith.constant 0 : i32
      %cond3A_63 = arith.cmpi ne, %convert_element_type3A_61, %cond3A_62 : i32
      scf.if %cond3A_63 {
        %add3A_81 = arith.constant 2 : i32
        %add3A_82 = arith.addi %mul3A_32, %add3A_81 : i32
        %dma_start3A_83 = arith.constant 0 : i32
        %dma_start3A_84 = tpu.memref_slice %arg7[%add3A_82, %dma_start3A_83] : memref<100x100xi32, #tpu.memory_space<vmem>> -> memref<1x100xi32, #tpu.memory_space<vmem>>
        %dma_start3A_85 = tpu.memref_squeeze %dma_start3A_84 : memref<1x100xi32, #tpu.memory_space<vmem>> -> memref<100xi32, #tpu.memory_space<vmem>>
        %dma_start3A_86 = arith.constant 0 : i32
        %dma_start3A_87 = arith.constant 0 : i32
        %dma_start3A_88 = tpu.memref_slice %arg2[%dma_start3A_86, %dma_start3A_87] : memref<10000x128xf32, #tpu.memory_space<hbm>> -> memref<10000x128xf32, #tpu.memory_space<hbm>>
        tpu.enqueue_indirect_dma source(%dma_start3A_88 : memref<10000x128xf32, #tpu.memory_space<hbm>>) target(%arg10 : memref<100x128xf32, #tpu.memory_space<vmem>>) offsets(%dma_start3A_85 : memref<100xi32, #tpu.memory_space<vmem>>) semaphore(%arg13 : memref<!tpu.dma_semaphore, #tpu.memory_space<semaphore_mem>>)
        %add3A_89 = arith.constant 2 : i32
        %add3A_90 = arith.addi %mul3A_32, %add3A_89 : i32
        %dma_start3A_91 = arith.constant 0 : i32
        %dma_start3A_92 = tpu.memref_slice %arg4[%add3A, %add3A_90, %dma_start3A_91] : memref<32x100x100xi32, #tpu.memory_space<hbm>> -> memref<1x1x100xi32, #tpu.memory_space<hbm>>
        %dma_start3A_93 = tpu.memref_squeeze %dma_start3A_92 : memref<1x1x100xi32, #tpu.memory_space<hbm>> -> memref<1x100xi32, #tpu.memory_space<hbm>>
        %dma_start3A_94 = arith.constant 0 : i32
        %dma_start3A_95 = tpu.memref_slice %arg4[%add3A, %add3A_90, %dma_start3A_94] : memref<32x100x100xi32, #tpu.memory_space<hbm>> -> memref<1x1x100xi32, #tpu.memory_space<hbm>>
        %dma_start3A_96 = tpu.memref_squeeze %dma_start3A_95 : memref<1x1x100xi32, #tpu.memory_space<hbm>> -> memref<1x100xi32, #tpu.memory_space<hbm>>
        tpu.enqueue_dma source(%dma_start3A_96 : memref<1x100xi32, #tpu.memory_space<hbm>>) target(%arg8 : memref<1x100xi32, #tpu.memory_space<vmem>>) target_semaphore(%arg15 : memref<!tpu.dma_semaphore, #tpu.memory_space<semaphore_mem>>)
      } else {
      }
      %add3A_64 = arith.constant 1 : i32
      %add3A_65 = arith.addi %mul3A_32, %add3A_64 : i32
      %dma_wait3A_66 = arith.constant 0 : i32
      %dma_wait3A_67 = tpu.memref_slice %arg7[%add3A_65, %dma_wait3A_66] : memref<100x100xi32, #tpu.memory_space<vmem>> -> memref<1x100xi32, #tpu.memory_space<vmem>>
      %dma_wait3A_68 = tpu.memref_squeeze %dma_wait3A_67 : memref<1x100xi32, #tpu.memory_space<vmem>> -> memref<100xi32, #tpu.memory_space<vmem>>
      %dma_wait3A_69 = arith.constant 0 : i32
      %dma_wait3A_70 = arith.constant 0 : i32
      %dma_wait3A_71 = tpu.memref_slice %arg2[%dma_wait3A_69, %dma_wait3A_70] : memref<10000x128xf32, #tpu.memory_space<hbm>> -> memref<10000x128xf32, #tpu.memory_space<hbm>>
      tpu.wait_indirect_dma semaphore(%arg14 : memref<!tpu.dma_semaphore, #tpu.memory_space<semaphore_mem>>) src(%dma_wait3A_71 : memref<10000x128xf32, #tpu.memory_space<hbm>>) dst(%arg11 : memref<100x128xf32, #tpu.memory_space<vmem>>)
      %add3A_72 = arith.constant 1 : i32
      %add3A_73 = arith.addi %mul3A_32, %add3A_72 : i32
      %dma_wait3A_74 = arith.constant 0 : i32
      %dma_wait3A_75 = tpu.memref_slice %arg4[%add3A, %add3A_73, %dma_wait3A_74] : memref<32x100x100xi32, #tpu.memory_space<hbm>> -> memref<1x1x100xi32, #tpu.memory_space<hbm>>
      %dma_wait3A_76 = tpu.memref_squeeze %dma_wait3A_75 : memref<1x1x100xi32, #tpu.memory_space<hbm>> -> memref<1x100xi32, #tpu.memory_space<hbm>>
      %dma_wait3A_77 = arith.constant 0 : i32
      %dma_wait3A_78 = tpu.memref_slice %arg4[%add3A, %add3A_73, %dma_wait3A_77] : memref<32x100x100xi32, #tpu.memory_space<hbm>> -> memref<1x1x100xi32, #tpu.memory_space<hbm>>
      %dma_wait3A_79 = tpu.memref_squeeze %dma_wait3A_78 : memref<1x1x100xi32, #tpu.memory_space<hbm>> -> memref<1x100xi32, #tpu.memory_space<hbm>>
      tpu.wait_dma2 semaphore(%arg16 : memref<!tpu.dma_semaphore, #tpu.memory_space<semaphore_mem>>) src(%dma_wait3A_79 : memref<1x100xi32, #tpu.memory_space<hbm>>) dst(%arg9 : memref<1x100xi32, #tpu.memory_space<vmem>>)
      %run_scoped3A_80 = arith.constant 0 : i32
      "tpu.region"() ({
        %run_scoped3A_81 = tpu.sem_alloc : memref<!tpu.dma_semaphore, #tpu.memory_space<semaphore_mem>>
        %dma_start3A_82 = arith.constant 0 : i32
        %dma_start3A_83 = tpu.memref_slice %arg9[%run_scoped3A_80, %dma_start3A_82] : memref<1x100xi32, #tpu.memory_space<vmem>> -> memref<1x100xi32, #tpu.memory_space<vmem>>
        %dma_start3A_84 = tpu.memref_squeeze %dma_start3A_83 : memref<1x100xi32, #tpu.memory_space<vmem>> -> memref<100xi32, #tpu.memory_space<vmem>>
        %dma_start3A_85 = arith.constant 0 : i32
        %dma_start3A_86 = arith.constant 0 : i32
        %dma_start3A_87 = tpu.memref_slice %arg12[%dma_start3A_85, %dma_start3A_86] : memref<10000x128xf32, #tpu.memory_space<vmem_shared>> -> memref<10000x128xf32, #tpu.memory_space<vmem_shared>>
        tpu.enqueue_indirect_dma source(%arg11 : memref<100x128xf32, #tpu.memory_space<vmem>>) target(%dma_start3A_87 : memref<10000x128xf32, #tpu.memory_space<vmem_shared>>) offsets(%dma_start3A_84 : memref<100xi32, #tpu.memory_space<vmem>>) semaphore(%run_scoped3A_81 : memref<!tpu.dma_semaphore, #tpu.memory_space<semaphore_mem>>) {add = true}
        %dma_wait3A_88 = arith.constant 0 : i32
        %dma_wait3A_89 = tpu.memref_slice %arg9[%run_scoped3A_80, %dma_wait3A_88] : memref<1x100xi32, #tpu.memory_space<vmem>> -> memref<1x100xi32, #tpu.memory_space<vmem>>
        %dma_wait3A_90 = tpu.memref_squeeze %dma_wait3A_89 : memref<1x100xi32, #tpu.memory_space<vmem>> -> memref<100xi32, #tpu.memory_space<vmem>>
        %dma_wait3A_91 = arith.constant 0 : i32
        %dma_wait3A_92 = arith.constant 0 : i32
        %dma_wait3A_93 = tpu.memref_slice %arg12[%dma_wait3A_91, %dma_wait3A_92] : memref<10000x128xf32, #tpu.memory_space<vmem_shared>> -> memref<10000x128xf32, #tpu.memory_space<vmem_shared>>
        tpu.wait_indirect_dma semaphore(%run_scoped3A_81 : memref<!tpu.dma_semaphore, #tpu.memory_space<semaphore_mem>>) src(%arg11 : memref<100x128xf32, #tpu.memory_space<vmem>>) dst(%dma_wait3A_93 : memref<10000x128xf32, #tpu.memory_space<vmem_shared>>)
        tpu.yield
      }) : () -> ()
    }
    %scan3A_21 = arith.constant 50 : i32
    %barrier3A_22 = arith.constant 0 : index
    tpu.barrier barrier_id(%barrier3A_22)
    %mul3A_23 = arith.constant 624 : i32
    %mul3A_24 = arith.muli %arg1, %mul3A_23 : i32
    %multiple_of3A = tpu.assume_multiple %mul3A_24, 8 : i32
    "tpu.region"() ({
      %run_scoped3A = tpu.sem_alloc : memref<!tpu.dma_semaphore, #tpu.memory_space<semaphore_mem>>
      %dma_start3A_30 = arith.constant 0 : i32
      %dma_start3A_31 = tpu.memref_slice %arg6[%arg0, %multiple_of3A, %dma_start3A_30] : memref<2x10000x128xf32, #tpu.memory_space<hbm>> -> memref<1x624x128xf32, #tpu.memory_space<hbm>>
      %dma_start3A_32 = tpu.memref_squeeze %dma_start3A_31 : memref<1x624x128xf32, #tpu.memory_space<hbm>> -> memref<624x128xf32, #tpu.memory_space<hbm>>
      %dma_start3A_33 = arith.constant 0 : i32
      %dma_start3A_34 = tpu.memref_slice %arg12[%multiple_of3A, %dma_start3A_33] : memref<10000x128xf32, #tpu.memory_space<vmem_shared>> -> memref<624x128xf32, #tpu.memory_space<vmem_shared>>
      tpu.enqueue_dma source(%dma_start3A_34 : memref<624x128xf32, #tpu.memory_space<vmem_shared>>) target(%dma_start3A_32 : memref<624x128xf32, #tpu.memory_space<hbm>>) target_semaphore(%run_scoped3A : memref<!tpu.dma_semaphore, #tpu.memory_space<semaphore_mem>>)
      %dma_wait3A = arith.constant 0 : i32
      %dma_wait3A_35 = tpu.memref_slice %arg6[%arg0, %multiple_of3A, %dma_wait3A] : memref<2x10000x128xf32, #tpu.memory_space<hbm>> -> memref<1x624x128xf32, #tpu.memory_space<hbm>>
      %dma_wait3A_36 = tpu.memref_squeeze %dma_wait3A_35 : memref<1x624x128xf32, #tpu.memory_space<hbm>> -> memref<624x128xf32, #tpu.memory_space<hbm>>
      %dma_wait3A_37 = arith.constant 0 : i32
      %dma_wait3A_38 = tpu.memref_slice %arg12[%multiple_of3A, %dma_wait3A_37] : memref<10000x128xf32, #tpu.memory_space<vmem_shared>> -> memref<624x128xf32, #tpu.memory_space<vmem_shared>>
      tpu.wait_dma2 semaphore(%run_scoped3A : memref<!tpu.dma_semaphore, #tpu.memory_space<semaphore_mem>>) src(%dma_wait3A_38 : memref<624x128xf32, #tpu.memory_space<vmem_shared>>) dst(%dma_wait3A_36 : memref<624x128xf32, #tpu.memory_space<hbm>>)
      tpu.yield
    }) : () -> ()
    %eq3A_25 = arith.constant 0 : i32
    %eq3A_26 = arith.cmpi eq, %arg1, %eq3A_25 : i32
    %convert_element_type3A_27 = arith.extui %eq3A_26 : i1 to i32
    %cond3A_28 = arith.constant 0 : i32
    %cond3A_29 = arith.cmpi ne, %convert_element_type3A_27, %cond3A_28 : i32
    scf.if %cond3A_29 {
      "tpu.region"() ({
        %run_scoped3A = tpu.sem_alloc : memref<!tpu.dma_semaphore, #tpu.memory_space<semaphore_mem>>
        %dma_start3A_30 = arith.constant 9984 : i32
        %dma_start3A_31 = arith.constant 0 : i32
        %dma_start3A_32 = tpu.memref_slice %arg6[%arg0, %dma_start3A_30, %dma_start3A_31] : memref<2x10000x128xf32, #tpu.memory_space<hbm>> -> memref<1x16x128xf32, #tpu.memory_space<hbm>>
        %dma_start3A_33 = tpu.memref_squeeze %dma_start3A_32 : memref<1x16x128xf32, #tpu.memory_space<hbm>> -> memref<16x128xf32, #tpu.memory_space<hbm>>
        %dma_start3A_34 = arith.constant 9984 : i32
        %dma_start3A_35 = arith.constant 0 : i32
        %dma_start3A_36 = tpu.memref_slice %arg12[%dma_start3A_34, %dma_start3A_35] : memref<10000x128xf32, #tpu.memory_space<vmem_shared>> -> memref<16x128xf32, #tpu.memory_space<vmem_shared>>
        tpu.enqueue_dma source(%dma_start3A_36 : memref<16x128xf32, #tpu.memory_space<vmem_shared>>) target(%dma_start3A_33 : memref<16x128xf32, #tpu.memory_space<hbm>>) target_semaphore(%run_scoped3A : memref<!tpu.dma_semaphore, #tpu.memory_space<semaphore_mem>>)
        %dma_wait3A = arith.constant 9984 : i32
        %dma_wait3A_37 = arith.constant 0 : i32
        %dma_wait3A_38 = tpu.memref_slice %arg6[%arg0, %dma_wait3A, %dma_wait3A_37] : memref<2x10000x128xf32, #tpu.memory_space<hbm>> -> memref<1x16x128xf32, #tpu.memory_space<hbm>>
        %dma_wait3A_39 = tpu.memref_squeeze %dma_wait3A_38 : memref<1x16x128xf32, #tpu.memory_space<hbm>> -> memref<16x128xf32, #tpu.memory_space<hbm>>
        %dma_wait3A_40 = arith.constant 9984 : i32
        %dma_wait3A_41 = arith.constant 0 : i32
        %dma_wait3A_42 = tpu.memref_slice %arg12[%dma_wait3A_40, %dma_wait3A_41] : memref<10000x128xf32, #tpu.memory_space<vmem_shared>> -> memref<16x128xf32, #tpu.memory_space<vmem_shared>>
        tpu.wait_dma2 semaphore(%run_scoped3A : memref<!tpu.dma_semaphore, #tpu.memory_space<semaphore_mem>>) src(%dma_wait3A_42 : memref<16x128xf32, #tpu.memory_space<vmem_shared>>) dst(%dma_wait3A_39 : memref<16x128xf32, #tpu.memory_space<hbm>>)
        tpu.yield
      }) : () -> ()
    } else {
    }
    return
  }
}

#map = affine_map<(d0, d1) -> (0, 0, 0, 0)>
#map1 = affine_map<(d0, d1) -> (0, 0)>
module attributes {stable_mosaic.version = 14 : i64} {
  func.func @_deg_body(%arg0: i32, %arg1: i32, %arg2: memref<2x32x100x100xi32, #tpu.memory_space<hbm>>, %arg3: memref<10000x16xf32, #tpu.memory_space<hbm>>, %arg4: memref<2x2x10000x16xf32, #tpu.memory_space<hbm>>, %arg5: memref<100x100xi32, #tpu.memory_space<vmem>>, %arg6: memref<100x16xf32, #tpu.memory_space<vmem>>, %arg7: memref<10000x16xf32, #tpu.memory_space<vmem_shared>>, %arg8: memref<10000x16xf32, #tpu.memory_space<vmem_shared>>, %arg9: memref<!tpu.dma_semaphore, #tpu.memory_space<semaphore_mem>>, %arg10: memref<!tpu.dma_semaphore, #tpu.memory_space<semaphore_mem>>) attributes {dimension_semantics = [#tpu.dimension_semantics<core_parallel>, #tpu.dimension_semantics<subcore_parallel>], iteration_bounds = array<i64: 2, 16>, scalar_prefetch = 0 : i64, scratch_operands = 6 : i64, tpu.core_type = #tpu.core_type<sc_vector_subcore>, window_params = [{transform_indices = #map}, {transform_indices = #map1}, {transform_indices = #map}]} {
    %mul3A = arith.constant 2 : i32
    %mul3A_0 = arith.muli %arg1, %mul3A : i32
    %add3A = arith.addi %mul3A_0, %arg0 : i32
    %eq3A = arith.constant 0 : i32
    %eq3A_1 = arith.cmpi eq, %arg1, %eq3A : i32
    %convert_element_type3A = arith.extui %eq3A_1 : i1 to i32
    %cond3A = arith.constant 0 : i32
    %cond3A_2 = arith.cmpi ne, %convert_element_type3A, %cond3A : i32
    scf.if %cond3A_2 {
      "tpu.region"() ({
        %run_scoped3A_58 = tpu.sem_alloc : memref<!tpu.dma_semaphore, #tpu.memory_space<semaphore_mem>>
        tpu.enqueue_dma source(%arg3 : memref<10000x16xf32, #tpu.memory_space<hbm>>) target(%arg7 : memref<10000x16xf32, #tpu.memory_space<vmem_shared>>) target_semaphore(%run_scoped3A_58 : memref<!tpu.dma_semaphore, #tpu.memory_space<semaphore_mem>>)
        tpu.wait_dma2 semaphore(%run_scoped3A_58 : memref<!tpu.dma_semaphore, #tpu.memory_space<semaphore_mem>>) src(%arg3 : memref<10000x16xf32, #tpu.memory_space<hbm>>) dst(%arg7 : memref<10000x16xf32, #tpu.memory_space<vmem_shared>>)
        tpu.yield
      }) : () -> ()
      "tpu.region"() ({
        %run_scoped3A_58 = tpu.sem_alloc : memref<!tpu.dma_semaphore, #tpu.memory_space<semaphore_mem>>
        tpu.enqueue_dma source(%arg3 : memref<10000x16xf32, #tpu.memory_space<hbm>>) target(%arg8 : memref<10000x16xf32, #tpu.memory_space<vmem_shared>>) target_semaphore(%run_scoped3A_58 : memref<!tpu.dma_semaphore, #tpu.memory_space<semaphore_mem>>)
        tpu.wait_dma2 semaphore(%run_scoped3A_58 : memref<!tpu.dma_semaphore, #tpu.memory_space<semaphore_mem>>) src(%arg3 : memref<10000x16xf32, #tpu.memory_space<hbm>>) dst(%arg8 : memref<10000x16xf32, #tpu.memory_space<vmem_shared>>)
        tpu.yield
      }) : () -> ()
    } else {
    }
    %scan3A = arith.constant 0 : i32
    %scan3A_3 = arith.constant 0 : i32
    %scan3A_4 = arith.constant 100 : i32
    %scan3A_5 = arith.addi %scan3A_3, %scan3A_4 : i32
    %scan3A_6 = arith.constant 1 : i32
    scf.for %scan3A_58 = %scan3A_3 to %scan3A_5 step %scan3A_6  : i32 {
      %broadcast_in_dim3A = arith.constant 1.000000e+00 : f32
      %broadcast_in_dim3A_59 = vector.broadcast %broadcast_in_dim3A : f32 to vector<16xf32>
      %swap3A = arith.index_cast %scan3A_58 : i32 to index
      %swap3A_60 = arith.constant 0 : index
      %swap3A_61 = tpu.vector_load %arg6[%swap3A, %swap3A_60] {strides = array<i32>} : memref<100x16xf32, #tpu.memory_space<vmem>>, vector<1x16xf32>,
      %swap3A_62 = vector.shape_cast %swap3A_61 : vector<1x16xf32> to vector<16xf32>
      %swap3A_63 = vector.shape_cast %broadcast_in_dim3A_59 : vector<16xf32> to vector<1x16xf32>
      tpu.vector_store %arg6[%swap3A, %swap3A_60], %swap3A_63 {strides = array<i32>} : memref<100x16xf32, #tpu.memory_space<vmem>>, vector<1x16xf32>,
    }
    %scan3A_7 = arith.constant 100 : i32
    %barrier3A = arith.constant 0 : index
    tpu.barrier barrier_id(%barrier3A)
    %run_scoped3A = arith.constant 0 : i32
    "tpu.region"() ({
      %run_scoped3A_58 = tpu.sem_alloc : memref<!tpu.dma_semaphore, #tpu.memory_space<semaphore_mem>>
      %dma_start3A = arith.constant 0 : i32
      %dma_start3A_59 = arith.constant 0 : i32
      %dma_start3A_60 = tpu.memref_slice %arg2[%run_scoped3A, %add3A, %dma_start3A, %dma_start3A_59] : memref<2x32x100x100xi32, #tpu.memory_space<hbm>> -> memref<1x1x100x100xi32, #tpu.memory_space<hbm>>
      %dma_start3A_61 = tpu.memref_squeeze %dma_start3A_60 : memref<1x1x100x100xi32, #tpu.memory_space<hbm>> -> memref<100x100xi32, #tpu.memory_space<hbm>>
      %dma_start3A_62 = arith.constant 0 : i32
      %dma_start3A_63 = arith.constant 0 : i32
      %dma_start3A_64 = tpu.memref_slice %arg2[%run_scoped3A, %add3A, %dma_start3A_62, %dma_start3A_63] : memref<2x32x100x100xi32, #tpu.memory_space<hbm>> -> memref<1x1x100x100xi32, #tpu.memory_space<hbm>>
      %dma_start3A_65 = tpu.memref_squeeze %dma_start3A_64 : memref<1x1x100x100xi32, #tpu.memory_space<hbm>> -> memref<100x100xi32, #tpu.memory_space<hbm>>
      tpu.enqueue_dma source(%dma_start3A_65 : memref<100x100xi32, #tpu.memory_space<hbm>>) target(%arg5 : memref<100x100xi32, #tpu.memory_space<vmem>>) target_semaphore(%run_scoped3A_58 : memref<!tpu.dma_semaphore, #tpu.memory_space<semaphore_mem>>)
      %dma_wait3A_66 = arith.constant 0 : i32
      %dma_wait3A_67 = arith.constant 0 : i32
      %dma_wait3A_68 = tpu.memref_slice %arg2[%run_scoped3A, %add3A, %dma_wait3A_66, %dma_wait3A_67] : memref<2x32x100x100xi32, #tpu.memory_space<hbm>> -> memref<1x1x100x100xi32, #tpu.memory_space<hbm>>
      %dma_wait3A_69 = tpu.memref_squeeze %dma_wait3A_68 : memref<1x1x100x100xi32, #tpu.memory_space<hbm>> -> memref<100x100xi32, #tpu.memory_space<hbm>>
      %dma_wait3A_70 = arith.constant 0 : i32
      %dma_wait3A_71 = arith.constant 0 : i32
      %dma_wait3A_72 = tpu.memref_slice %arg2[%run_scoped3A, %add3A, %dma_wait3A_70, %dma_wait3A_71] : memref<2x32x100x100xi32, #tpu.memory_space<hbm>> -> memref<1x1x100x100xi32, #tpu.memory_space<hbm>>
      %dma_wait3A_73 = tpu.memref_squeeze %dma_wait3A_72 : memref<1x1x100x100xi32, #tpu.memory_space<hbm>> -> memref<100x100xi32, #tpu.memory_space<hbm>>
      tpu.wait_dma2 semaphore(%run_scoped3A_58 : memref<!tpu.dma_semaphore, #tpu.memory_space<semaphore_mem>>) src(%dma_wait3A_73 : memref<100x100xi32, #tpu.memory_space<hbm>>) dst(%arg5 : memref<100x100xi32, #tpu.memory_space<vmem>>)
      tpu.yield
    }) : () -> ()
    %scan3A_8 = arith.constant 0 : i32
    %scan3A_9 = arith.constant 0 : i32
    %scan3A_10 = arith.constant 50 : i32
    %scan3A_11 = arith.addi %scan3A_9, %scan3A_10 : i32
    %scan3A_12 = arith.constant 1 : i32
    scf.for %scan3A_58 = %scan3A_9 to %scan3A_11 step %scan3A_12  : i32 {
      %gt3A = arith.constant 0 : i32
      %gt3A_59 = arith.cmpi sgt, %scan3A_58, %gt3A : i32
      %convert_element_type3A_60 = arith.extui %gt3A_59 : i1 to i32
      %cond3A_61 = arith.constant 0 : i32
      %cond3A_62 = arith.cmpi ne, %convert_element_type3A_60, %cond3A_61 : i32
      scf.if %cond3A_62 {
        %mul3A_85 = arith.constant 2 : i32
        %mul3A_86 = arith.muli %mul3A_85, %scan3A_58 : i32
        %sub3A = arith.constant 2 : i32
        %sub3A_87 = arith.subi %mul3A_86, %sub3A : i32
        %dma_wait3A_88 = arith.constant 0 : i32
        %dma_wait3A_89 = tpu.memref_slice %arg5[%sub3A_87, %dma_wait3A_88] : memref<100x100xi32, #tpu.memory_space<vmem>> -> memref<1x100xi32, #tpu.memory_space<vmem>>
        %dma_wait3A_90 = tpu.memref_squeeze %dma_wait3A_89 : memref<1x100xi32, #tpu.memory_space<vmem>> -> memref<100xi32, #tpu.memory_space<vmem>>
        %dma_wait3A_91 = arith.constant 0 : i32
        %dma_wait3A_92 = arith.constant 0 : i32
        %dma_wait3A_93 = tpu.memref_slice %arg7[%dma_wait3A_91, %dma_wait3A_92] : memref<10000x16xf32, #tpu.memory_space<vmem_shared>> -> memref<10000x16xf32, #tpu.memory_space<vmem_shared>>
        tpu.wait_indirect_dma semaphore(%arg9 : memref<!tpu.dma_semaphore, #tpu.memory_space<semaphore_mem>>) src(%arg6 : memref<100x16xf32, #tpu.memory_space<vmem>>) dst(%dma_wait3A_93 : memref<10000x16xf32, #tpu.memory_space<vmem_shared>>)
      } else {
      }
      %mul3A_63 = arith.constant 2 : i32
      %mul3A_64 = arith.muli %mul3A_63, %scan3A_58 : i32
      %dma_start3A = arith.constant 0 : i32
      %dma_start3A_65 = tpu.memref_slice %arg5[%mul3A_64, %dma_start3A] : memref<100x100xi32, #tpu.memory_space<vmem>> -> memref<1x100xi32, #tpu.memory_space<vmem>>
      %dma_start3A_66 = tpu.memref_squeeze %dma_start3A_65 : memref<1x100xi32, #tpu.memory_space<vmem>> -> memref<100xi32, #tpu.memory_space<vmem>>
      %dma_start3A_67 = arith.constant 0 : i32
      %dma_start3A_68 = arith.constant 0 : i32
      %dma_start3A_69 = tpu.memref_slice %arg7[%dma_start3A_67, %dma_start3A_68] : memref<10000x16xf32, #tpu.memory_space<vmem_shared>> -> memref<10000x16xf32, #tpu.memory_space<vmem_shared>>
      tpu.enqueue_indirect_dma source(%arg6 : memref<100x16xf32, #tpu.memory_space<vmem>>) target(%dma_start3A_69 : memref<10000x16xf32, #tpu.memory_space<vmem_shared>>) offsets(%dma_start3A_66 : memref<100xi32, #tpu.memory_space<vmem>>) semaphore(%arg9 : memref<!tpu.dma_semaphore, #tpu.memory_space<semaphore_mem>>) {add = true}
      %gt3A_70 = arith.constant 0 : i32
      %gt3A_71 = arith.cmpi sgt, %scan3A_58, %gt3A_70 : i32
      %convert_element_type3A_72 = arith.extui %gt3A_71 : i1 to i32
      %cond3A_73 = arith.constant 0 : i32
      %cond3A_74 = arith.cmpi ne, %convert_element_type3A_72, %cond3A_73 : i32
      scf.if %cond3A_74 {
        %mul3A_85 = arith.constant 2 : i32
        %mul3A_86 = arith.muli %mul3A_85, %scan3A_58 : i32
        %sub3A = arith.constant 1 : i32
        %sub3A_87 = arith.subi %mul3A_86, %sub3A : i32
        %dma_wait3A_88 = arith.constant 0 : i32
        %dma_wait3A_89 = tpu.memref_slice %arg5[%sub3A_87, %dma_wait3A_88] : memref<100x100xi32, #tpu.memory_space<vmem>> -> memref<1x100xi32, #tpu.memory_space<vmem>>
        %dma_wait3A_90 = tpu.memref_squeeze %dma_wait3A_89 : memref<1x100xi32, #tpu.memory_space<vmem>> -> memref<100xi32, #tpu.memory_space<vmem>>
        %dma_wait3A_91 = arith.constant 0 : i32
        %dma_wait3A_92 = arith.constant 0 : i32
        %dma_wait3A_93 = tpu.memref_slice %arg7[%dma_wait3A_91, %dma_wait3A_92] : memref<10000x16xf32, #tpu.memory_space<vmem_shared>> -> memref<10000x16xf32, #tpu.memory_space<vmem_shared>>
        tpu.wait_indirect_dma semaphore(%arg10 : memref<!tpu.dma_semaphore, #tpu.memory_space<semaphore_mem>>) src(%arg6 : memref<100x16xf32, #tpu.memory_space<vmem>>) dst(%dma_wait3A_93 : memref<10000x16xf32, #tpu.memory_space<vmem_shared>>)
      } else {
      }
      %mul3A_75 = arith.constant 2 : i32
      %mul3A_76 = arith.muli %mul3A_75, %scan3A_58 : i32
      %add3A_77 = arith.constant 1 : i32
      %add3A_78 = arith.addi %mul3A_76, %add3A_77 : i32
      %dma_start3A_79 = arith.constant 0 : i32
      %dma_start3A_80 = tpu.memref_slice %arg5[%add3A_78, %dma_start3A_79] : memref<100x100xi32, #tpu.memory_space<vmem>> -> memref<1x100xi32, #tpu.memory_space<vmem>>
      %dma_start3A_81 = tpu.memref_squeeze %dma_start3A_80 : memref<1x100xi32, #tpu.memory_space<vmem>> -> memref<100xi32, #tpu.memory_space<vmem>>
      %dma_start3A_82 = arith.constant 0 : i32
      %dma_start3A_83 = arith.constant 0 : i32
      %dma_start3A_84 = tpu.memref_slice %arg7[%dma_start3A_82, %dma_start3A_83] : memref<10000x16xf32, #tpu.memory_space<vmem_shared>> -> memref<10000x16xf32, #tpu.memory_space<vmem_shared>>
      tpu.enqueue_indirect_dma source(%arg6 : memref<100x16xf32, #tpu.memory_space<vmem>>) target(%dma_start3A_84 : memref<10000x16xf32, #tpu.memory_space<vmem_shared>>) offsets(%dma_start3A_81 : memref<100xi32, #tpu.memory_space<vmem>>) semaphore(%arg10 : memref<!tpu.dma_semaphore, #tpu.memory_space<semaphore_mem>>) {add = true}
    }
    %scan3A_13 = arith.constant 50 : i32
    %dma_wait3A = arith.constant 98 : i32
    %dma_wait3A_14 = arith.constant 0 : i32
    %dma_wait3A_15 = tpu.memref_slice %arg5[%dma_wait3A, %dma_wait3A_14] : memref<100x100xi32, #tpu.memory_space<vmem>> -> memref<1x100xi32, #tpu.memory_space<vmem>>
    %dma_wait3A_16 = tpu.memref_squeeze %dma_wait3A_15 : memref<1x100xi32, #tpu.memory_space<vmem>> -> memref<100xi32, #tpu.memory_space<vmem>>
    %dma_wait3A_17 = arith.constant 0 : i32
    %dma_wait3A_18 = arith.constant 0 : i32
    %dma_wait3A_19 = tpu.memref_slice %arg7[%dma_wait3A_17, %dma_wait3A_18] : memref<10000x16xf32, #tpu.memory_space<vmem_shared>> -> memref<10000x16xf32, #tpu.memory_space<vmem_shared>>
    tpu.wait_indirect_dma semaphore(%arg9 : memref<!tpu.dma_semaphore, #tpu.memory_space<semaphore_mem>>) src(%arg6 : memref<100x16xf32, #tpu.memory_space<vmem>>) dst(%dma_wait3A_19 : memref<10000x16xf32, #tpu.memory_space<vmem_shared>>)
    %dma_wait3A_20 = arith.constant 99 : i32
    %dma_wait3A_21 = arith.constant 0 : i32
    %dma_wait3A_22 = tpu.memref_slice %arg5[%dma_wait3A_20, %dma_wait3A_21] : memref<100x100xi32, #tpu.memory_space<vmem>> -> memref<1x100xi32, #tpu.memory_space<vmem>>
    %dma_wait3A_23 = tpu.memref_squeeze %dma_wait3A_22 : memref<1x100xi32, #tpu.memory_space<vmem>> -> memref<100xi32, #tpu.memory_space<vmem>>
    %dma_wait3A_24 = arith.constant 0 : i32
    %dma_wait3A_25 = arith.constant 0 : i32
    %dma_wait3A_26 = tpu.memref_slice %arg7[%dma_wait3A_24, %dma_wait3A_25] : memref<10000x16xf32, #tpu.memory_space<vmem_shared>> -> memref<10000x16xf32, #tpu.memory_space<vmem_shared>>
    tpu.wait_indirect_dma semaphore(%arg10 : memref<!tpu.dma_semaphore, #tpu.memory_space<semaphore_mem>>) src(%arg6 : memref<100x16xf32, #tpu.memory_space<vmem>>) dst(%dma_wait3A_26 : memref<10000x16xf32, #tpu.memory_space<vmem_shared>>)
    %run_scoped3A_27 = arith.constant 1 : i32
    "tpu.region"() ({
      %run_scoped3A_58 = tpu.sem_alloc : memref<!tpu.dma_semaphore, #tpu.memory_space<semaphore_mem>>
      %dma_start3A = arith.constant 0 : i32
      %dma_start3A_59 = arith.constant 0 : i32
      %dma_start3A_60 = tpu.memref_slice %arg2[%run_scoped3A_27, %add3A, %dma_start3A, %dma_start3A_59] : memref<2x32x100x100xi32, #tpu.memory_space<hbm>> -> memref<1x1x100x100xi32, #tpu.memory_space<hbm>>
      %dma_start3A_61 = tpu.memref_squeeze %dma_start3A_60 : memref<1x1x100x100xi32, #tpu.memory_space<hbm>> -> memref<100x100xi32, #tpu.memory_space<hbm>>
      %dma_start3A_62 = arith.constant 0 : i32
      %dma_start3A_63 = arith.constant 0 : i32
      %dma_start3A_64 = tpu.memref_slice %arg2[%run_scoped3A_27, %add3A, %dma_start3A_62, %dma_start3A_63] : memref<2x32x100x100xi32, #tpu.memory_space<hbm>> -> memref<1x1x100x100xi32, #tpu.memory_space<hbm>>
      %dma_start3A_65 = tpu.memref_squeeze %dma_start3A_64 : memref<1x1x100x100xi32, #tpu.memory_space<hbm>> -> memref<100x100xi32, #tpu.memory_space<hbm>>
      tpu.enqueue_dma source(%dma_start3A_65 : memref<100x100xi32, #tpu.memory_space<hbm>>) target(%arg5 : memref<100x100xi32, #tpu.memory_space<vmem>>) target_semaphore(%run_scoped3A_58 : memref<!tpu.dma_semaphore, #tpu.memory_space<semaphore_mem>>)
      %dma_wait3A_66 = arith.constant 0 : i32
      %dma_wait3A_67 = arith.constant 0 : i32
      %dma_wait3A_68 = tpu.memref_slice %arg2[%run_scoped3A_27, %add3A, %dma_wait3A_66, %dma_wait3A_67] : memref<2x32x100x100xi32, #tpu.memory_space<hbm>> -> memref<1x1x100x100xi32, #tpu.memory_space<hbm>>
      %dma_wait3A_69 = tpu.memref_squeeze %dma_wait3A_68 : memref<1x1x100x100xi32, #tpu.memory_space<hbm>> -> memref<100x100xi32, #tpu.memory_space<hbm>>
      %dma_wait3A_70 = arith.constant 0 : i32
      %dma_wait3A_71 = arith.constant 0 : i32
      %dma_wait3A_72 = tpu.memref_slice %arg2[%run_scoped3A_27, %add3A, %dma_wait3A_70, %dma_wait3A_71] : memref<2x32x100x100xi32, #tpu.memory_space<hbm>> -> memref<1x1x100x100xi32, #tpu.memory_space<hbm>>
      %dma_wait3A_73 = tpu.memref_squeeze %dma_wait3A_72 : memref<1x1x100x100xi32, #tpu.memory_space<hbm>> -> memref<100x100xi32, #tpu.memory_space<hbm>>
      tpu.wait_dma2 semaphore(%run_scoped3A_58 : memref<!tpu.dma_semaphore, #tpu.memory_space<semaphore_mem>>) src(%dma_wait3A_73 : memref<100x100xi32, #tpu.memory_space<hbm>>) dst(%arg5 : memref<100x100xi32, #tpu.memory_space<vmem>>)
      tpu.yield
    }) : () -> ()
    %scan3A_28 = arith.constant 0 : i32
    %scan3A_29 = arith.constant 0 : i32
    %scan3A_30 = arith.constant 50 : i32
    %scan3A_31 = arith.addi %scan3A_29, %scan3A_30 : i32
    %scan3A_32 = arith.constant 1 : i32
    scf.for %scan3A_58 = %scan3A_29 to %scan3A_31 step %scan3A_32  : i32 {
      %gt3A = arith.constant 0 : i32
      %gt3A_59 = arith.cmpi sgt, %scan3A_58, %gt3A : i32
      %convert_element_type3A_60 = arith.extui %gt3A_59 : i1 to i32
      %cond3A_61 = arith.constant 0 : i32
      %cond3A_62 = arith.cmpi ne, %convert_element_type3A_60, %cond3A_61 : i32
      scf.if %cond3A_62 {
        %mul3A_85 = arith.constant 2 : i32
        %mul3A_86 = arith.muli %mul3A_85, %scan3A_58 : i32
        %sub3A = arith.constant 2 : i32
        %sub3A_87 = arith.subi %mul3A_86, %sub3A : i32
        %dma_wait3A_88 = arith.constant 0 : i32
        %dma_wait3A_89 = tpu.memref_slice %arg5[%sub3A_87, %dma_wait3A_88] : memref<100x100xi32, #tpu.memory_space<vmem>> -> memref<1x100xi32, #tpu.memory_space<vmem>>
        %dma_wait3A_90 = tpu.memref_squeeze %dma_wait3A_89 : memref<1x100xi32, #tpu.memory_space<vmem>> -> memref<100xi32, #tpu.memory_space<vmem>>
        %dma_wait3A_91 = arith.constant 0 : i32
        %dma_wait3A_92 = arith.constant 0 : i32
        %dma_wait3A_93 = tpu.memref_slice %arg8[%dma_wait3A_91, %dma_wait3A_92] : memref<10000x16xf32, #tpu.memory_space<vmem_shared>> -> memref<10000x16xf32, #tpu.memory_space<vmem_shared>>
        tpu.wait_indirect_dma semaphore(%arg9 : memref<!tpu.dma_semaphore, #tpu.memory_space<semaphore_mem>>) src(%arg6 : memref<100x16xf32, #tpu.memory_space<vmem>>) dst(%dma_wait3A_93 : memref<10000x16xf32, #tpu.memory_space<vmem_shared>>)
      } else {
      }
      %mul3A_63 = arith.constant 2 : i32
      %mul3A_64 = arith.muli %mul3A_63, %scan3A_58 : i32
      %dma_start3A = arith.constant 0 : i32
      %dma_start3A_65 = tpu.memref_slice %arg5[%mul3A_64, %dma_start3A] : memref<100x100xi32, #tpu.memory_space<vmem>> -> memref<1x100xi32, #tpu.memory_space<vmem>>
      %dma_start3A_66 = tpu.memref_squeeze %dma_start3A_65 : memref<1x100xi32, #tpu.memory_space<vmem>> -> memref<100xi32, #tpu.memory_space<vmem>>
      %dma_start3A_67 = arith.constant 0 : i32
      %dma_start3A_68 = arith.constant 0 : i32
      %dma_start3A_69 = tpu.memref_slice %arg8[%dma_start3A_67, %dma_start3A_68] : memref<10000x16xf32, #tpu.memory_space<vmem_shared>> -> memref<10000x16xf32, #tpu.memory_space<vmem_shared>>
      tpu.enqueue_indirect_dma source(%arg6 : memref<100x16xf32, #tpu.memory_space<vmem>>) target(%dma_start3A_69 : memref<10000x16xf32, #tpu.memory_space<vmem_shared>>) offsets(%dma_start3A_66 : memref<100xi32, #tpu.memory_space<vmem>>) semaphore(%arg9 : memref<!tpu.dma_semaphore, #tpu.memory_space<semaphore_mem>>) {add = true}
      %gt3A_70 = arith.constant 0 : i32
      %gt3A_71 = arith.cmpi sgt, %scan3A_58, %gt3A_70 : i32
      %convert_element_type3A_72 = arith.extui %gt3A_71 : i1 to i32
      %cond3A_73 = arith.constant 0 : i32
      %cond3A_74 = arith.cmpi ne, %convert_element_type3A_72, %cond3A_73 : i32
      scf.if %cond3A_74 {
        %mul3A_85 = arith.constant 2 : i32
        %mul3A_86 = arith.muli %mul3A_85, %scan3A_58 : i32
        %sub3A = arith.constant 1 : i32
        %sub3A_87 = arith.subi %mul3A_86, %sub3A : i32
        %dma_wait3A_88 = arith.constant 0 : i32
        %dma_wait3A_89 = tpu.memref_slice %arg5[%sub3A_87, %dma_wait3A_88] : memref<100x100xi32, #tpu.memory_space<vmem>> -> memref<1x100xi32, #tpu.memory_space<vmem>>
        %dma_wait3A_90 = tpu.memref_squeeze %dma_wait3A_89 : memref<1x100xi32, #tpu.memory_space<vmem>> -> memref<100xi32, #tpu.memory_space<vmem>>
        %dma_wait3A_91 = arith.constant 0 : i32
        %dma_wait3A_92 = arith.constant 0 : i32
        %dma_wait3A_93 = tpu.memref_slice %arg8[%dma_wait3A_91, %dma_wait3A_92] : memref<10000x16xf32, #tpu.memory_space<vmem_shared>> -> memref<10000x16xf32, #tpu.memory_space<vmem_shared>>
        tpu.wait_indirect_dma semaphore(%arg10 : memref<!tpu.dma_semaphore, #tpu.memory_space<semaphore_mem>>) src(%arg6 : memref<100x16xf32, #tpu.memory_space<vmem>>) dst(%dma_wait3A_93 : memref<10000x16xf32, #tpu.memory_space<vmem_shared>>)
      } else {
      }
      %mul3A_75 = arith.constant 2 : i32
      %mul3A_76 = arith.muli %mul3A_75, %scan3A_58 : i32
      %add3A_77 = arith.constant 1 : i32
      %add3A_78 = arith.addi %mul3A_76, %add3A_77 : i32
      %dma_start3A_79 = arith.constant 0 : i32
      %dma_start3A_80 = tpu.memref_slice %arg5[%add3A_78, %dma_start3A_79] : memref<100x100xi32, #tpu.memory_space<vmem>> -> memref<1x100xi32, #tpu.memory_space<vmem>>
      %dma_start3A_81 = tpu.memref_squeeze %dma_start3A_80 : memref<1x100xi32, #tpu.memory_space<vmem>> -> memref<100xi32, #tpu.memory_space<vmem>>
      %dma_start3A_82 = arith.constant 0 : i32
      %dma_start3A_83 = arith.constant 0 : i32
      %dma_start3A_84 = tpu.memref_slice %arg8[%dma_start3A_82, %dma_start3A_83] : memref<10000x16xf32, #tpu.memory_space<vmem_shared>> -> memref<10000x16xf32, #tpu.memory_space<vmem_shared>>
      tpu.enqueue_indirect_dma source(%arg6 : memref<100x16xf32, #tpu.memory_space<vmem>>) target(%dma_start3A_84 : memref<10000x16xf32, #tpu.memory_space<vmem_shared>>) offsets(%dma_start3A_81 : memref<100xi32, #tpu.memory_space<vmem>>) semaphore(%arg10 : memref<!tpu.dma_semaphore, #tpu.memory_space<semaphore_mem>>) {add = true}
    }
    %scan3A_33 = arith.constant 50 : i32
    %dma_wait3A_34 = arith.constant 98 : i32
    %dma_wait3A_35 = arith.constant 0 : i32
    %dma_wait3A_36 = tpu.memref_slice %arg5[%dma_wait3A_34, %dma_wait3A_35] : memref<100x100xi32, #tpu.memory_space<vmem>> -> memref<1x100xi32, #tpu.memory_space<vmem>>
    %dma_wait3A_37 = tpu.memref_squeeze %dma_wait3A_36 : memref<1x100xi32, #tpu.memory_space<vmem>> -> memref<100xi32, #tpu.memory_space<vmem>>
    %dma_wait3A_38 = arith.constant 0 : i32
    %dma_wait3A_39 = arith.constant 0 : i32
    %dma_wait3A_40 = tpu.memref_slice %arg8[%dma_wait3A_38, %dma_wait3A_39] : memref<10000x16xf32, #tpu.memory_space<vmem_shared>> -> memref<10000x16xf32, #tpu.memory_space<vmem_shared>>
    tpu.wait_indirect_dma semaphore(%arg9 : memref<!tpu.dma_semaphore, #tpu.memory_space<semaphore_mem>>) src(%arg6 : memref<100x16xf32, #tpu.memory_space<vmem>>) dst(%dma_wait3A_40 : memref<10000x16xf32, #tpu.memory_space<vmem_shared>>)
    %dma_wait3A_41 = arith.constant 99 : i32
    %dma_wait3A_42 = arith.constant 0 : i32
    %dma_wait3A_43 = tpu.memref_slice %arg5[%dma_wait3A_41, %dma_wait3A_42] : memref<100x100xi32, #tpu.memory_space<vmem>> -> memref<1x100xi32, #tpu.memory_space<vmem>>
    %dma_wait3A_44 = tpu.memref_squeeze %dma_wait3A_43 : memref<1x100xi32, #tpu.memory_space<vmem>> -> memref<100xi32, #tpu.memory_space<vmem>>
    %dma_wait3A_45 = arith.constant 0 : i32
    %dma_wait3A_46 = arith.constant 0 : i32
    %dma_wait3A_47 = tpu.memref_slice %arg8[%dma_wait3A_45, %dma_wait3A_46] : memref<10000x16xf32, #tpu.memory_space<vmem_shared>> -> memref<10000x16xf32, #tpu.memory_space<vmem_shared>>
    tpu.wait_indirect_dma semaphore(%arg10 : memref<!tpu.dma_semaphore, #tpu.memory_space<semaphore_mem>>) src(%arg6 : memref<100x16xf32, #tpu.memory_space<vmem>>) dst(%dma_wait3A_47 : memref<10000x16xf32, #tpu.memory_space<vmem_shared>>)
    %barrier3A_48 = arith.constant 0 : index
    tpu.barrier barrier_id(%barrier3A_48)
    %mul3A_49 = arith.constant 624 : i32
    %mul3A_50 = arith.muli %arg1, %mul3A_49 : i32
    %multiple_of3A = tpu.assume_multiple %mul3A_50, 8 : i32
    %run_scoped3A_51 = arith.constant 0 : i32
    "tpu.region"() ({
      %run_scoped3A_58 = tpu.sem_alloc : memref<!tpu.dma_semaphore, #tpu.memory_space<semaphore_mem>>
      %dma_start3A = arith.constant 0 : i32
      %dma_start3A_59 = tpu.memref_slice %arg4[%arg0, %run_scoped3A_51, %multiple_of3A, %dma_start3A] : memref<2x2x10000x16xf32, #tpu.memory_space<hbm>> -> memref<1x1x624x16xf32, #tpu.memory_space<hbm>>
      %dma_start3A_60 = tpu.memref_squeeze %dma_start3A_59 : memref<1x1x624x16xf32, #tpu.memory_space<hbm>> -> memref<624x16xf32, #tpu.memory_space<hbm>>
      %dma_start3A_61 = arith.constant 0 : i32
      %dma_start3A_62 = tpu.memref_slice %arg7[%multiple_of3A, %dma_start3A_61] : memref<10000x16xf32, #tpu.memory_space<vmem_shared>> -> memref<624x16xf32, #tpu.memory_space<vmem_shared>>
      tpu.enqueue_dma source(%dma_start3A_62 : memref<624x16xf32, #tpu.memory_space<vmem_shared>>) target(%dma_start3A_60 : memref<624x16xf32, #tpu.memory_space<hbm>>) target_semaphore(%run_scoped3A_58 : memref<!tpu.dma_semaphore, #tpu.memory_space<semaphore_mem>>)
      %dma_wait3A_63 = arith.constant 0 : i32
      %dma_wait3A_64 = tpu.memref_slice %arg4[%arg0, %run_scoped3A_51, %multiple_of3A, %dma_wait3A_63] : memref<2x2x10000x16xf32, #tpu.memory_space<hbm>> -> memref<1x1x624x16xf32, #tpu.memory_space<hbm>>
      %dma_wait3A_65 = tpu.memref_squeeze %dma_wait3A_64 : memref<1x1x624x16xf32, #tpu.memory_space<hbm>> -> memref<624x16xf32, #tpu.memory_space<hbm>>
      %dma_wait3A_66 = arith.constant 0 : i32
      %dma_wait3A_67 = tpu.memref_slice %arg7[%multiple_of3A, %dma_wait3A_66] : memref<10000x16xf32, #tpu.memory_space<vmem_shared>> -> memref<624x16xf32, #tpu.memory_space<vmem_shared>>
      tpu.wait_dma2 semaphore(%run_scoped3A_58 : memref<!tpu.dma_semaphore, #tpu.memory_space<semaphore_mem>>) src(%dma_wait3A_67 : memref<624x16xf32, #tpu.memory_space<vmem_shared>>) dst(%dma_wait3A_65 : memref<624x16xf32, #tpu.memory_space<hbm>>)
      tpu.yield
    }) : () -> ()
    %run_scoped3A_52 = arith.constant 1 : i32
    "tpu.region"() ({
      %run_scoped3A_58 = tpu.sem_alloc : memref<!tpu.dma_semaphore, #tpu.memory_space<semaphore_mem>>
      %dma_start3A = arith.constant 0 : i32
      %dma_start3A_59 = tpu.memref_slice %arg4[%arg0, %run_scoped3A_52, %multiple_of3A, %dma_start3A] : memref<2x2x10000x16xf32, #tpu.memory_space<hbm>> -> memref<1x1x624x16xf32, #tpu.memory_space<hbm>>
      %dma_start3A_60 = tpu.memref_squeeze %dma_start3A_59 : memref<1x1x624x16xf32, #tpu.memory_space<hbm>> -> memref<624x16xf32, #tpu.memory_space<hbm>>
      %dma_start3A_61 = arith.constant 0 : i32
      %dma_start3A_62 = tpu.memref_slice %arg8[%multiple_of3A, %dma_start3A_61] : memref<10000x16xf32, #tpu.memory_space<vmem_shared>> -> memref<624x16xf32, #tpu.memory_space<vmem_shared>>
      tpu.enqueue_dma source(%dma_start3A_62 : memref<624x16xf32, #tpu.memory_space<vmem_shared>>) target(%dma_start3A_60 : memref<624x16xf32, #tpu.memory_space<hbm>>) target_semaphore(%run_scoped3A_58 : memref<!tpu.dma_semaphore, #tpu.memory_space<semaphore_mem>>)
      %dma_wait3A_63 = arith.constant 0 : i32
      %dma_wait3A_64 = tpu.memref_slice %arg4[%arg0, %run_scoped3A_52, %multiple_of3A, %dma_wait3A_63] : memref<2x2x10000x16xf32, #tpu.memory_space<hbm>> -> memref<1x1x624x16xf32, #tpu.memory_space<hbm>>
      %dma_wait3A_65 = tpu.memref_squeeze %dma_wait3A_64 : memref<1x1x624x16xf32, #tpu.memory_space<hbm>> -> memref<624x16xf32, #tpu.memory_space<hbm>>
      %dma_wait3A_66 = arith.constant 0 : i32
      %dma_wait3A_67 = tpu.memref_slice %arg8[%multiple_of3A, %dma_wait3A_66] : memref<10000x16xf32, #tpu.memory_space<vmem_shared>> -> memref<624x16xf32, #tpu.memory_space<vmem_shared>>
      tpu.wait_dma2 semaphore(%run_scoped3A_58 : memref<!tpu.dma_semaphore, #tpu.memory_space<semaphore_mem>>) src(%dma_wait3A_67 : memref<624x16xf32, #tpu.memory_space<vmem_shared>>) dst(%dma_wait3A_65 : memref<624x16xf32, #tpu.memory_space<hbm>>)
      tpu.yield
    }) : () -> ()
    %eq3A_53 = arith.constant 0 : i32
    %eq3A_54 = arith.cmpi eq, %arg1, %eq3A_53 : i32
    %convert_element_type3A_55 = arith.extui %eq3A_54 : i1 to i32
    %cond3A_56 = arith.constant 0 : i32
    %cond3A_57 = arith.cmpi ne, %convert_element_type3A_55, %cond3A_56 : i32
    scf.if %cond3A_57 {
      %run_scoped3A_58 = arith.constant 0 : i32
      "tpu.region"() ({
        %run_scoped3A_60 = tpu.sem_alloc : memref<!tpu.dma_semaphore, #tpu.memory_space<semaphore_mem>>
        %dma_start3A = arith.constant 9984 : i32
        %dma_start3A_61 = arith.constant 0 : i32
        %dma_start3A_62 = tpu.memref_slice %arg4[%arg0, %run_scoped3A_58, %dma_start3A, %dma_start3A_61] : memref<2x2x10000x16xf32, #tpu.memory_space<hbm>> -> memref<1x1x16x16xf32, #tpu.memory_space<hbm>>
        %dma_start3A_63 = tpu.memref_squeeze %dma_start3A_62 : memref<1x1x16x16xf32, #tpu.memory_space<hbm>> -> memref<16x16xf32, #tpu.memory_space<hbm>>
        %dma_start3A_64 = arith.constant 9984 : i32
        %dma_start3A_65 = arith.constant 0 : i32
        %dma_start3A_66 = tpu.memref_slice %arg7[%dma_start3A_64, %dma_start3A_65] : memref<10000x16xf32, #tpu.memory_space<vmem_shared>> -> memref<16x16xf32, #tpu.memory_space<vmem_shared>>
        tpu.enqueue_dma source(%dma_start3A_66 : memref<16x16xf32, #tpu.memory_space<vmem_shared>>) target(%dma_start3A_63 : memref<16x16xf32, #tpu.memory_space<hbm>>) target_semaphore(%run_scoped3A_60 : memref<!tpu.dma_semaphore, #tpu.memory_space<semaphore_mem>>)
        %dma_wait3A_67 = arith.constant 9984 : i32
        %dma_wait3A_68 = arith.constant 0 : i32
        %dma_wait3A_69 = tpu.memref_slice %arg4[%arg0, %run_scoped3A_58, %dma_wait3A_67, %dma_wait3A_68] : memref<2x2x10000x16xf32, #tpu.memory_space<hbm>> -> memref<1x1x16x16xf32, #tpu.memory_space<hbm>>
        %dma_wait3A_70 = tpu.memref_squeeze %dma_wait3A_69 : memref<1x1x16x16xf32, #tpu.memory_space<hbm>> -> memref<16x16xf32, #tpu.memory_space<hbm>>
        %dma_wait3A_71 = arith.constant 9984 : i32
        %dma_wait3A_72 = arith.constant 0 : i32
        %dma_wait3A_73 = tpu.memref_slice %arg7[%dma_wait3A_71, %dma_wait3A_72] : memref<10000x16xf32, #tpu.memory_space<vmem_shared>> -> memref<16x16xf32, #tpu.memory_space<vmem_shared>>
        tpu.wait_dma2 semaphore(%run_scoped3A_60 : memref<!tpu.dma_semaphore, #tpu.memory_space<semaphore_mem>>) src(%dma_wait3A_73 : memref<16x16xf32, #tpu.memory_space<vmem_shared>>) dst(%dma_wait3A_70 : memref<16x16xf32, #tpu.memory_space<hbm>>)
        tpu.yield
      }) : () -> ()
      %run_scoped3A_59 = arith.constant 1 : i32
      "tpu.region"() ({
        %run_scoped3A_60 = tpu.sem_alloc : memref<!tpu.dma_semaphore, #tpu.memory_space<semaphore_mem>>
        %dma_start3A = arith.constant 9984 : i32
        %dma_start3A_61 = arith.constant 0 : i32
        %dma_start3A_62 = tpu.memref_slice %arg4[%arg0, %run_scoped3A_59, %dma_start3A, %dma_start3A_61] : memref<2x2x10000x16xf32, #tpu.memory_space<hbm>> -> memref<1x1x16x16xf32, #tpu.memory_space<hbm>>
        %dma_start3A_63 = tpu.memref_squeeze %dma_start3A_62 : memref<1x1x16x16xf32, #tpu.memory_space<hbm>> -> memref<16x16xf32, #tpu.memory_space<hbm>>
        %dma_start3A_64 = arith.constant 9984 : i32
        %dma_start3A_65 = arith.constant 0 : i32
        %dma_start3A_66 = tpu.memref_slice %arg8[%dma_start3A_64, %dma_start3A_65] : memref<10000x16xf32, #tpu.memory_space<vmem_shared>> -> memref<16x16xf32, #tpu.memory_space<vmem_shared>>
        tpu.enqueue_dma source(%dma_start3A_66 : memref<16x16xf32, #tpu.memory_space<vmem_shared>>) target(%dma_start3A_63 : memref<16x16xf32, #tpu.memory_space<hbm>>) target_semaphore(%run_scoped3A_60 : memref<!tpu.dma_semaphore, #tpu.memory_space<semaphore_mem>>)
        %dma_wait3A_67 = arith.constant 9984 : i32
        %dma_wait3A_68 = arith.constant 0 : i32
        %dma_wait3A_69 = tpu.memref_slice %arg4[%arg0, %run_scoped3A_59, %dma_wait3A_67, %dma_wait3A_68] : memref<2x2x10000x16xf32, #tpu.memory_space<hbm>> -> memref<1x1x16x16xf32, #tpu.memory_space<hbm>>
        %dma_wait3A_70 = tpu.memref_squeeze %dma_wait3A_69 : memref<1x1x16x16xf32, #tpu.memory_space<hbm>> -> memref<16x16xf32, #tpu.memory_space<hbm>>
        %dma_wait3A_71 = arith.constant 9984 : i32
        %dma_wait3A_72 = arith.constant 0 : i32
        %dma_wait3A_73 = tpu.memref_slice %arg8[%dma_wait3A_71, %dma_wait3A_72] : memref<10000x16xf32, #tpu.memory_space<vmem_shared>> -> memref<16x16xf32, #tpu.memory_space<vmem_shared>>
        tpu.wait_dma2 semaphore(%run_scoped3A_60 : memref<!tpu.dma_semaphore, #tpu.memory_space<semaphore_mem>>) src(%dma_wait3A_73 : memref<16x16xf32, #tpu.memory_space<vmem_shared>>) dst(%dma_wait3A_70 : memref<16x16xf32, #tpu.memory_space<hbm>>)
        tpu.yield
      }) : () -> ()
    } else {
    }
    return
  }
}

#map = affine_map<(d0, d1) -> (0, 0)>
#map1 = affine_map<(d0, d1) -> (0, 0, 0)>
module attributes {stable_mosaic.version = 14 : i64} {
  func.func @_scatter_body(%arg0: i32, %arg1: i32, %arg2: memref<10000x128xf32, #tpu.memory_space<hbm>>, %arg3: memref<32x100x100xi32, #tpu.memory_space<hbm>>, %arg4: memref<32x100x100xi32, #tpu.memory_space<hbm>>, %arg5: memref<10000x128xf32, #tpu.memory_space<hbm>>, %arg6: memref<2x10000x128xf32, #tpu.memory_space<hbm>>, %arg7: memref<100x100xi32, #tpu.memory_space<vmem>>, %arg8: memref<1x100xi32, #tpu.memory_space<vmem>>, %arg9: memref<1x100xi32, #tpu.memory_space<vmem>>, %arg10: memref<100x128xf32, #tpu.memory_space<vmem>>, %arg11: memref<100x128xf32, #tpu.memory_space<vmem>>, %arg12: memref<10000x128xf32, #tpu.memory_space<vmem_shared>>, %arg13: memref<!tpu.dma_semaphore, #tpu.memory_space<semaphore_mem>>, %arg14: memref<!tpu.dma_semaphore, #tpu.memory_space<semaphore_mem>>, %arg15: memref<!tpu.dma_semaphore, #tpu.memory_space<semaphore_mem>>, %arg16: memref<!tpu.dma_semaphore, #tpu.memory_space<semaphore_mem>>) attributes {dimension_semantics = [#tpu.dimension_semantics<core_parallel>, #tpu.dimension_semantics<subcore_parallel>], iteration_bounds = array<i64: 2, 16>, scalar_prefetch = 0 : i64, scratch_operands = 10 : i64, tpu.core_type = #tpu.core_type<sc_vector_subcore>, window_params = [{transform_indices = #map}, {transform_indices = #map1}, {transform_indices = #map1}, {transform_indices = #map}, {transform_indices = #map1}]} {
    %mul3A = arith.constant 2 : i32
    %mul3A_0 = arith.muli %arg1, %mul3A : i32
    %add3A = arith.addi %mul3A_0, %arg0 : i32
    %eq3A = arith.constant 0 : i32
    %eq3A_1 = arith.cmpi eq, %arg1, %eq3A : i32
    %convert_element_type3A = arith.extui %eq3A_1 : i1 to i32
    %cond3A = arith.constant 0 : i32
    %cond3A_2 = arith.cmpi ne, %convert_element_type3A, %cond3A : i32
    scf.if %cond3A_2 {
      "tpu.region"() ({
        %run_scoped3A = tpu.sem_alloc : memref<!tpu.dma_semaphore, #tpu.memory_space<semaphore_mem>>
        tpu.enqueue_dma source(%arg5 : memref<10000x128xf32, #tpu.memory_space<hbm>>) target(%arg12 : memref<10000x128xf32, #tpu.memory_space<vmem_shared>>) target_semaphore(%run_scoped3A : memref<!tpu.dma_semaphore, #tpu.memory_space<semaphore_mem>>)
        tpu.wait_dma2 semaphore(%run_scoped3A : memref<!tpu.dma_semaphore, #tpu.memory_space<semaphore_mem>>) src(%arg5 : memref<10000x128xf32, #tpu.memory_space<hbm>>) dst(%arg12 : memref<10000x128xf32, #tpu.memory_space<vmem_shared>>)
        tpu.yield
      }) : () -> ()
    } else {
    }
    "tpu.region"() ({
      %run_scoped3A = tpu.sem_alloc : memref<!tpu.dma_semaphore, #tpu.memory_space<semaphore_mem>>
      %dma_start3A_30 = arith.constant 0 : i32
      %dma_start3A_31 = arith.constant 0 : i32
      %dma_start3A_32 = tpu.memref_slice %arg3[%add3A, %dma_start3A_30, %dma_start3A_31] : memref<32x100x100xi32, #tpu.memory_space<hbm>> -> memref<1x100x100xi32, #tpu.memory_space<hbm>>
      %dma_start3A_33 = tpu.memref_squeeze %dma_start3A_32 : memref<1x100x100xi32, #tpu.memory_space<hbm>> -> memref<100x100xi32, #tpu.memory_space<hbm>>
      %dma_start3A_34 = arith.constant 0 : i32
      %dma_start3A_35 = arith.constant 0 : i32
      %dma_start3A_36 = tpu.memref_slice %arg3[%add3A, %dma_start3A_34, %dma_start3A_35] : memref<32x100x100xi32, #tpu.memory_space<hbm>> -> memref<1x100x100xi32, #tpu.memory_space<hbm>>
      %dma_start3A_37 = tpu.memref_squeeze %dma_start3A_36 : memref<1x100x100xi32, #tpu.memory_space<hbm>> -> memref<100x100xi32, #tpu.memory_space<hbm>>
      tpu.enqueue_dma source(%dma_start3A_37 : memref<100x100xi32, #tpu.memory_space<hbm>>) target(%arg7 : memref<100x100xi32, #tpu.memory_space<vmem>>) target_semaphore(%run_scoped3A : memref<!tpu.dma_semaphore, #tpu.memory_space<semaphore_mem>>)
      %dma_wait3A = arith.constant 0 : i32
      %dma_wait3A_38 = arith.constant 0 : i32
      %dma_wait3A_39 = tpu.memref_slice %arg3[%add3A, %dma_wait3A, %dma_wait3A_38] : memref<32x100x100xi32, #tpu.memory_space<hbm>> -> memref<1x100x100xi32, #tpu.memory_space<hbm>>
      %dma_wait3A_40 = tpu.memref_squeeze %dma_wait3A_39 : memref<1x100x100xi32, #tpu.memory_space<hbm>> -> memref<100x100xi32, #tpu.memory_space<hbm>>
      %dma_wait3A_41 = arith.constant 0 : i32
      %dma_wait3A_42 = arith.constant 0 : i32
      %dma_wait3A_43 = tpu.memref_slice %arg3[%add3A, %dma_wait3A_41, %dma_wait3A_42] : memref<32x100x100xi32, #tpu.memory_space<hbm>> -> memref<1x100x100xi32, #tpu.memory_space<hbm>>
      %dma_wait3A_44 = tpu.memref_squeeze %dma_wait3A_43 : memref<1x100x100xi32, #tpu.memory_space<hbm>> -> memref<100x100xi32, #tpu.memory_space<hbm>>
      tpu.wait_dma2 semaphore(%run_scoped3A : memref<!tpu.dma_semaphore, #tpu.memory_space<semaphore_mem>>) src(%dma_wait3A_44 : memref<100x100xi32, #tpu.memory_space<hbm>>) dst(%arg7 : memref<100x100xi32, #tpu.memory_space<vmem>>)
      tpu.yield
    }) : () -> ()
    %barrier3A = arith.constant 0 : index
    tpu.barrier barrier_id(%barrier3A)
    %dma_start3A = arith.constant 0 : i32
    %dma_start3A_3 = arith.constant 0 : i32
    %dma_start3A_4 = tpu.memref_slice %arg7[%dma_start3A, %dma_start3A_3] : memref<100x100xi32, #tpu.memory_space<vmem>> -> memref<1x100xi32, #tpu.memory_space<vmem>>
    %dma_start3A_5 = tpu.memref_squeeze %dma_start3A_4 : memref<1x100xi32, #tpu.memory_space<vmem>> -> memref<100xi32, #tpu.memory_space<vmem>>
    %dma_start3A_6 = arith.constant 0 : i32
    %dma_start3A_7 = arith.constant 0 : i32
    %dma_start3A_8 = tpu.memref_slice %arg2[%dma_start3A_6, %dma_start3A_7] : memref<10000x128xf32, #tpu.memory_space<hbm>> -> memref<10000x128xf32, #tpu.memory_space<hbm>>
    tpu.enqueue_indirect_dma source(%dma_start3A_8 : memref<10000x128xf32, #tpu.memory_space<hbm>>) target(%arg10 : memref<100x128xf32, #tpu.memory_space<vmem>>) offsets(%dma_start3A_5 : memref<100xi32, #tpu.memory_space<vmem>>) semaphore(%arg13 : memref<!tpu.dma_semaphore, #tpu.memory_space<semaphore_mem>>)
    %dma_start3A_9 = arith.constant 0 : i32
    %dma_start3A_10 = arith.constant 0 : i32
    %dma_start3A_11 = tpu.memref_slice %arg4[%add3A, %dma_start3A_9, %dma_start3A_10] : memref<32x100x100xi32, #tpu.memory_space<hbm>> -> memref<1x1x100xi32, #tpu.memory_space<hbm>>
    %dma_start3A_12 = tpu.memref_squeeze %dma_start3A_11 : memref<1x1x100xi32, #tpu.memory_space<hbm>> -> memref<1x100xi32, #tpu.memory_space<hbm>>
    %dma_start3A_13 = arith.constant 0 : i32
    %dma_start3A_14 = arith.constant 0 : i32
    %dma_start3A_15 = tpu.memref_slice %arg4[%add3A, %dma_start3A_13, %dma_start3A_14] : memref<32x100x100xi32, #tpu.memory_space<hbm>> -> memref<1x1x100xi32, #tpu.memory_space<hbm>>
    %dma_start3A_16 = tpu.memref_squeeze %dma_start3A_15 : memref<1x1x100xi32, #tpu.memory_space<hbm>> -> memref<1x100xi32, #tpu.memory_space<hbm>>
    tpu.enqueue_dma source(%dma_start3A_16 : memref<1x100xi32, #tpu.memory_space<hbm>>) target(%arg8 : memref<1x100xi32, #tpu.memory_space<vmem>>) target_semaphore(%arg15 : memref<!tpu.dma_semaphore, #tpu.memory_space<semaphore_mem>>)
    %scan3A = arith.constant 0 : i32
    %scan3A_17 = arith.constant 0 : i32
    %scan3A_18 = arith.constant 50 : i32
    %scan3A_19 = arith.addi %scan3A_17, %scan3A_18 : i32
    %scan3A_20 = arith.constant 1 : i32
    scf.for %scan3A_30 = %scan3A_17 to %scan3A_19 step %scan3A_20  : i32 {
      %mul3A_31 = arith.constant 2 : i32
      %mul3A_32 = arith.muli %mul3A_31, %scan3A_30 : i32
      %add3A_33 = arith.constant 1 : i32
      %add3A_34 = arith.addi %mul3A_32, %add3A_33 : i32
      %dma_start3A_35 = arith.constant 0 : i32
      %dma_start3A_36 = tpu.memref_slice %arg7[%add3A_34, %dma_start3A_35] : memref<100x100xi32, #tpu.memory_space<vmem>> -> memref<1x100xi32, #tpu.memory_space<vmem>>
      %dma_start3A_37 = tpu.memref_squeeze %dma_start3A_36 : memref<1x100xi32, #tpu.memory_space<vmem>> -> memref<100xi32, #tpu.memory_space<vmem>>
      %dma_start3A_38 = arith.constant 0 : i32
      %dma_start3A_39 = arith.constant 0 : i32
      %dma_start3A_40 = tpu.memref_slice %arg2[%dma_start3A_38, %dma_start3A_39] : memref<10000x128xf32, #tpu.memory_space<hbm>> -> memref<10000x128xf32, #tpu.memory_space<hbm>>
      tpu.enqueue_indirect_dma source(%dma_start3A_40 : memref<10000x128xf32, #tpu.memory_space<hbm>>) target(%arg11 : memref<100x128xf32, #tpu.memory_space<vmem>>) offsets(%dma_start3A_37 : memref<100xi32, #tpu.memory_space<vmem>>) semaphore(%arg14 : memref<!tpu.dma_semaphore, #tpu.memory_space<semaphore_mem>>)
      %add3A_41 = arith.constant 1 : i32
      %add3A_42 = arith.addi %mul3A_32, %add3A_41 : i32
      %dma_start3A_43 = arith.constant 0 : i32
      %dma_start3A_44 = tpu.memref_slice %arg4[%add3A, %add3A_42, %dma_start3A_43] : memref<32x100x100xi32, #tpu.memory_space<hbm>> -> memref<1x1x100xi32, #tpu.memory_space<hbm>>
      %dma_start3A_45 = tpu.memref_squeeze %dma_start3A_44 : memref<1x1x100xi32, #tpu.memory_space<hbm>> -> memref<1x100xi32, #tpu.memory_space<hbm>>
      %dma_start3A_46 = arith.constant 0 : i32
      %dma_start3A_47 = tpu.memref_slice %arg4[%add3A, %add3A_42, %dma_start3A_46] : memref<32x100x100xi32, #tpu.memory_space<hbm>> -> memref<1x1x100xi32, #tpu.memory_space<hbm>>
      %dma_start3A_48 = tpu.memref_squeeze %dma_start3A_47 : memref<1x1x100xi32, #tpu.memory_space<hbm>> -> memref<1x100xi32, #tpu.memory_space<hbm>>
      tpu.enqueue_dma source(%dma_start3A_48 : memref<1x100xi32, #tpu.memory_space<hbm>>) target(%arg9 : memref<1x100xi32, #tpu.memory_space<vmem>>) target_semaphore(%arg16 : memref<!tpu.dma_semaphore, #tpu.memory_space<semaphore_mem>>)
      %dma_wait3A = arith.constant 0 : i32
      %dma_wait3A_49 = tpu.memref_slice %arg7[%mul3A_32, %dma_wait3A] : memref<100x100xi32, #tpu.memory_space<vmem>> -> memref<1x100xi32, #tpu.memory_space<vmem>>
      %dma_wait3A_50 = tpu.memref_squeeze %dma_wait3A_49 : memref<1x100xi32, #tpu.memory_space<vmem>> -> memref<100xi32, #tpu.memory_space<vmem>>
      %dma_wait3A_51 = arith.constant 0 : i32
      %dma_wait3A_52 = arith.constant 0 : i32
      %dma_wait3A_53 = tpu.memref_slice %arg2[%dma_wait3A_51, %dma_wait3A_52] : memref<10000x128xf32, #tpu.memory_space<hbm>> -> memref<10000x128xf32, #tpu.memory_space<hbm>>
      tpu.wait_indirect_dma semaphore(%arg13 : memref<!tpu.dma_semaphore, #tpu.memory_space<semaphore_mem>>) src(%dma_wait3A_53 : memref<10000x128xf32, #tpu.memory_space<hbm>>) dst(%arg10 : memref<100x128xf32, #tpu.memory_space<vmem>>)
      %dma_wait3A_54 = arith.constant 0 : i32
      %dma_wait3A_55 = tpu.memref_slice %arg4[%add3A, %mul3A_32, %dma_wait3A_54] : memref<32x100x100xi32, #tpu.memory_space<hbm>> -> memref<1x1x100xi32, #tpu.memory_space<hbm>>
      %dma_wait3A_56 = tpu.memref_squeeze %dma_wait3A_55 : memref<1x1x100xi32, #tpu.memory_space<hbm>> -> memref<1x100xi32, #tpu.memory_space<hbm>>
      %dma_wait3A_57 = arith.constant 0 : i32
      %dma_wait3A_58 = tpu.memref_slice %arg4[%add3A, %mul3A_32, %dma_wait3A_57] : memref<32x100x100xi32, #tpu.memory_space<hbm>> -> memref<1x1x100xi32, #tpu.memory_space<hbm>>
      %dma_wait3A_59 = tpu.memref_squeeze %dma_wait3A_58 : memref<1x1x100xi32, #tpu.memory_space<hbm>> -> memref<1x100xi32, #tpu.memory_space<hbm>>
      tpu.wait_dma2 semaphore(%arg15 : memref<!tpu.dma_semaphore, #tpu.memory_space<semaphore_mem>>) src(%dma_wait3A_59 : memref<1x100xi32, #tpu.memory_space<hbm>>) dst(%arg8 : memref<1x100xi32, #tpu.memory_space<vmem>>)
      %run_scoped3A = arith.constant 0 : i32
      "tpu.region"() ({
        %run_scoped3A_81 = tpu.sem_alloc : memref<!tpu.dma_semaphore, #tpu.memory_space<semaphore_mem>>
        %dma_start3A_82 = arith.constant 0 : i32
        %dma_start3A_83 = tpu.memref_slice %arg8[%run_scoped3A, %dma_start3A_82] : memref<1x100xi32, #tpu.memory_space<vmem>> -> memref<1x100xi32, #tpu.memory_space<vmem>>
        %dma_start3A_84 = tpu.memref_squeeze %dma_start3A_83 : memref<1x100xi32, #tpu.memory_space<vmem>> -> memref<100xi32, #tpu.memory_space<vmem>>
        %dma_start3A_85 = arith.constant 0 : i32
        %dma_start3A_86 = arith.constant 0 : i32
        %dma_start3A_87 = tpu.memref_slice %arg12[%dma_start3A_85, %dma_start3A_86] : memref<10000x128xf32, #tpu.memory_space<vmem_shared>> -> memref<10000x128xf32, #tpu.memory_space<vmem_shared>>
        tpu.enqueue_indirect_dma source(%arg10 : memref<100x128xf32, #tpu.memory_space<vmem>>) target(%dma_start3A_87 : memref<10000x128xf32, #tpu.memory_space<vmem_shared>>) offsets(%dma_start3A_84 : memref<100xi32, #tpu.memory_space<vmem>>) semaphore(%run_scoped3A_81 : memref<!tpu.dma_semaphore, #tpu.memory_space<semaphore_mem>>) {add = true}
        %dma_wait3A_88 = arith.constant 0 : i32
        %dma_wait3A_89 = tpu.memref_slice %arg8[%run_scoped3A, %dma_wait3A_88] : memref<1x100xi32, #tpu.memory_space<vmem>> -> memref<1x100xi32, #tpu.memory_space<vmem>>
        %dma_wait3A_90 = tpu.memref_squeeze %dma_wait3A_89 : memref<1x100xi32, #tpu.memory_space<vmem>> -> memref<100xi32, #tpu.memory_space<vmem>>
        %dma_wait3A_91 = arith.constant 0 : i32
        %dma_wait3A_92 = arith.constant 0 : i32
        %dma_wait3A_93 = tpu.memref_slice %arg12[%dma_wait3A_91, %dma_wait3A_92] : memref<10000x128xf32, #tpu.memory_space<vmem_shared>> -> memref<10000x128xf32, #tpu.memory_space<vmem_shared>>
        tpu.wait_indirect_dma semaphore(%run_scoped3A_81 : memref<!tpu.dma_semaphore, #tpu.memory_space<semaphore_mem>>) src(%arg10 : memref<100x128xf32, #tpu.memory_space<vmem>>) dst(%dma_wait3A_93 : memref<10000x128xf32, #tpu.memory_space<vmem_shared>>)
        tpu.yield
      }) : () -> ()
      %lt3A = arith.constant 49 : i32
      %lt3A_60 = arith.cmpi slt, %scan3A_30, %lt3A : i32
      %convert_element_type3A_61 = arith.extui %lt3A_60 : i1 to i32
      %cond3A_62 = arith.constant 0 : i32
      %cond3A_63 = arith.cmpi ne, %convert_element_type3A_61, %cond3A_62 : i32
      scf.if %cond3A_63 {
        %add3A_81 = arith.constant 2 : i32
        %add3A_82 = arith.addi %mul3A_32, %add3A_81 : i32
        %dma_start3A_83 = arith.constant 0 : i32
        %dma_start3A_84 = tpu.memref_slice %arg7[%add3A_82, %dma_start3A_83] : memref<100x100xi32, #tpu.memory_space<vmem>> -> memref<1x100xi32, #tpu.memory_space<vmem>>
        %dma_start3A_85 = tpu.memref_squeeze %dma_start3A_84 : memref<1x100xi32, #tpu.memory_space<vmem>> -> memref<100xi32, #tpu.memory_space<vmem>>
        %dma_start3A_86 = arith.constant 0 : i32
        %dma_start3A_87 = arith.constant 0 : i32
        %dma_start3A_88 = tpu.memref_slice %arg2[%dma_start3A_86, %dma_start3A_87] : memref<10000x128xf32, #tpu.memory_space<hbm>> -> memref<10000x128xf32, #tpu.memory_space<hbm>>
        tpu.enqueue_indirect_dma source(%dma_start3A_88 : memref<10000x128xf32, #tpu.memory_space<hbm>>) target(%arg10 : memref<100x128xf32, #tpu.memory_space<vmem>>) offsets(%dma_start3A_85 : memref<100xi32, #tpu.memory_space<vmem>>) semaphore(%arg13 : memref<!tpu.dma_semaphore, #tpu.memory_space<semaphore_mem>>)
        %add3A_89 = arith.constant 2 : i32
        %add3A_90 = arith.addi %mul3A_32, %add3A_89 : i32
        %dma_start3A_91 = arith.constant 0 : i32
        %dma_start3A_92 = tpu.memref_slice %arg4[%add3A, %add3A_90, %dma_start3A_91] : memref<32x100x100xi32, #tpu.memory_space<hbm>> -> memref<1x1x100xi32, #tpu.memory_space<hbm>>
        %dma_start3A_93 = tpu.memref_squeeze %dma_start3A_92 : memref<1x1x100xi32, #tpu.memory_space<hbm>> -> memref<1x100xi32, #tpu.memory_space<hbm>>
        %dma_start3A_94 = arith.constant 0 : i32
        %dma_start3A_95 = tpu.memref_slice %arg4[%add3A, %add3A_90, %dma_start3A_94] : memref<32x100x100xi32, #tpu.memory_space<hbm>> -> memref<1x1x100xi32, #tpu.memory_space<hbm>>
        %dma_start3A_96 = tpu.memref_squeeze %dma_start3A_95 : memref<1x1x100xi32, #tpu.memory_space<hbm>> -> memref<1x100xi32, #tpu.memory_space<hbm>>
        tpu.enqueue_dma source(%dma_start3A_96 : memref<1x100xi32, #tpu.memory_space<hbm>>) target(%arg8 : memref<1x100xi32, #tpu.memory_space<vmem>>) target_semaphore(%arg15 : memref<!tpu.dma_semaphore, #tpu.memory_space<semaphore_mem>>)
      } else {
      }
      %add3A_64 = arith.constant 1 : i32
      %add3A_65 = arith.addi %mul3A_32, %add3A_64 : i32
      %dma_wait3A_66 = arith.constant 0 : i32
      %dma_wait3A_67 = tpu.memref_slice %arg7[%add3A_65, %dma_wait3A_66] : memref<100x100xi32, #tpu.memory_space<vmem>> -> memref<1x100xi32, #tpu.memory_space<vmem>>
      %dma_wait3A_68 = tpu.memref_squeeze %dma_wait3A_67 : memref<1x100xi32, #tpu.memory_space<vmem>> -> memref<100xi32, #tpu.memory_space<vmem>>
      %dma_wait3A_69 = arith.constant 0 : i32
      %dma_wait3A_70 = arith.constant 0 : i32
      %dma_wait3A_71 = tpu.memref_slice %arg2[%dma_wait3A_69, %dma_wait3A_70] : memref<10000x128xf32, #tpu.memory_space<hbm>> -> memref<10000x128xf32, #tpu.memory_space<hbm>>
      tpu.wait_indirect_dma semaphore(%arg14 : memref<!tpu.dma_semaphore, #tpu.memory_space<semaphore_mem>>) src(%dma_wait3A_71 : memref<10000x128xf32, #tpu.memory_space<hbm>>) dst(%arg11 : memref<100x128xf32, #tpu.memory_space<vmem>>)
      %add3A_72 = arith.constant 1 : i32
      %add3A_73 = arith.addi %mul3A_32, %add3A_72 : i32
      %dma_wait3A_74 = arith.constant 0 : i32
      %dma_wait3A_75 = tpu.memref_slice %arg4[%add3A, %add3A_73, %dma_wait3A_74] : memref<32x100x100xi32, #tpu.memory_space<hbm>> -> memref<1x1x100xi32, #tpu.memory_space<hbm>>
      %dma_wait3A_76 = tpu.memref_squeeze %dma_wait3A_75 : memref<1x1x100xi32, #tpu.memory_space<hbm>> -> memref<1x100xi32, #tpu.memory_space<hbm>>
      %dma_wait3A_77 = arith.constant 0 : i32
      %dma_wait3A_78 = tpu.memref_slice %arg4[%add3A, %add3A_73, %dma_wait3A_77] : memref<32x100x100xi32, #tpu.memory_space<hbm>> -> memref<1x1x100xi32, #tpu.memory_space<hbm>>
      %dma_wait3A_79 = tpu.memref_squeeze %dma_wait3A_78 : memref<1x1x100xi32, #tpu.memory_space<hbm>> -> memref<1x100xi32, #tpu.memory_space<hbm>>
      tpu.wait_dma2 semaphore(%arg16 : memref<!tpu.dma_semaphore, #tpu.memory_space<semaphore_mem>>) src(%dma_wait3A_79 : memref<1x100xi32, #tpu.memory_space<hbm>>) dst(%arg9 : memref<1x100xi32, #tpu.memory_space<vmem>>)
      %run_scoped3A_80 = arith.constant 0 : i32
      "tpu.region"() ({
        %run_scoped3A_81 = tpu.sem_alloc : memref<!tpu.dma_semaphore, #tpu.memory_space<semaphore_mem>>
        %dma_start3A_82 = arith.constant 0 : i32
        %dma_start3A_83 = tpu.memref_slice %arg9[%run_scoped3A_80, %dma_start3A_82] : memref<1x100xi32, #tpu.memory_space<vmem>> -> memref<1x100xi32, #tpu.memory_space<vmem>>
        %dma_start3A_84 = tpu.memref_squeeze %dma_start3A_83 : memref<1x100xi32, #tpu.memory_space<vmem>> -> memref<100xi32, #tpu.memory_space<vmem>>
        %dma_start3A_85 = arith.constant 0 : i32
        %dma_start3A_86 = arith.constant 0 : i32
        %dma_start3A_87 = tpu.memref_slice %arg12[%dma_start3A_85, %dma_start3A_86] : memref<10000x128xf32, #tpu.memory_space<vmem_shared>> -> memref<10000x128xf32, #tpu.memory_space<vmem_shared>>
        tpu.enqueue_indirect_dma source(%arg11 : memref<100x128xf32, #tpu.memory_space<vmem>>) target(%dma_start3A_87 : memref<10000x128xf32, #tpu.memory_space<vmem_shared>>) offsets(%dma_start3A_84 : memref<100xi32, #tpu.memory_space<vmem>>) semaphore(%run_scoped3A_81 : memref<!tpu.dma_semaphore, #tpu.memory_space<semaphore_mem>>) {add = true}
        %dma_wait3A_88 = arith.constant 0 : i32
        %dma_wait3A_89 = tpu.memref_slice %arg9[%run_scoped3A_80, %dma_wait3A_88] : memref<1x100xi32, #tpu.memory_space<vmem>> -> memref<1x100xi32, #tpu.memory_space<vmem>>
        %dma_wait3A_90 = tpu.memref_squeeze %dma_wait3A_89 : memref<1x100xi32, #tpu.memory_space<vmem>> -> memref<100xi32, #tpu.memory_space<vmem>>
        %dma_wait3A_91 = arith.constant 0 : i32
        %dma_wait3A_92 = arith.constant 0 : i32
        %dma_wait3A_93 = tpu.memref_slice %arg12[%dma_wait3A_91, %dma_wait3A_92] : memref<10000x128xf32, #tpu.memory_space<vmem_shared>> -> memref<10000x128xf32, #tpu.memory_space<vmem_shared>>
        tpu.wait_indirect_dma semaphore(%run_scoped3A_81 : memref<!tpu.dma_semaphore, #tpu.memory_space<semaphore_mem>>) src(%arg11 : memref<100x128xf32, #tpu.memory_space<vmem>>) dst(%dma_wait3A_93 : memref<10000x128xf32, #tpu.memory_space<vmem_shared>>)
        tpu.yield
      }) : () -> ()
    }
    %scan3A_21 = arith.constant 50 : i32
    %barrier3A_22 = arith.constant 0 : index
    tpu.barrier barrier_id(%barrier3A_22)
    %mul3A_23 = arith.constant 624 : i32
    %mul3A_24 = arith.muli %arg1, %mul3A_23 : i32
    %multiple_of3A = tpu.assume_multiple %mul3A_24, 8 : i32
    "tpu.region"() ({
      %run_scoped3A = tpu.sem_alloc : memref<!tpu.dma_semaphore, #tpu.memory_space<semaphore_mem>>
      %dma_start3A_30 = arith.constant 0 : i32
      %dma_start3A_31 = tpu.memref_slice %arg6[%arg0, %multiple_of3A, %dma_start3A_30] : memref<2x10000x128xf32, #tpu.memory_space<hbm>> -> memref<1x624x128xf32, #tpu.memory_space<hbm>>
      %dma_start3A_32 = tpu.memref_squeeze %dma_start3A_31 : memref<1x624x128xf32, #tpu.memory_space<hbm>> -> memref<624x128xf32, #tpu.memory_space<hbm>>
      %dma_start3A_33 = arith.constant 0 : i32
      %dma_start3A_34 = tpu.memref_slice %arg12[%multiple_of3A, %dma_start3A_33] : memref<10000x128xf32, #tpu.memory_space<vmem_shared>> -> memref<624x128xf32, #tpu.memory_space<vmem_shared>>
      tpu.enqueue_dma source(%dma_start3A_34 : memref<624x128xf32, #tpu.memory_space<vmem_shared>>) target(%dma_start3A_32 : memref<624x128xf32, #tpu.memory_space<hbm>>) target_semaphore(%run_scoped3A : memref<!tpu.dma_semaphore, #tpu.memory_space<semaphore_mem>>)
      %dma_wait3A = arith.constant 0 : i32
      %dma_wait3A_35 = tpu.memref_slice %arg6[%arg0, %multiple_of3A, %dma_wait3A] : memref<2x10000x128xf32, #tpu.memory_space<hbm>> -> memref<1x624x128xf32, #tpu.memory_space<hbm>>
      %dma_wait3A_36 = tpu.memref_squeeze %dma_wait3A_35 : memref<1x624x128xf32, #tpu.memory_space<hbm>> -> memref<624x128xf32, #tpu.memory_space<hbm>>
      %dma_wait3A_37 = arith.constant 0 : i32
      %dma_wait3A_38 = tpu.memref_slice %arg12[%multiple_of3A, %dma_wait3A_37] : memref<10000x128xf32, #tpu.memory_space<vmem_shared>> -> memref<624x128xf32, #tpu.memory_space<vmem_shared>>
      tpu.wait_dma2 semaphore(%run_scoped3A : memref<!tpu.dma_semaphore, #tpu.memory_space<semaphore_mem>>) src(%dma_wait3A_38 : memref<624x128xf32, #tpu.memory_space<vmem_shared>>) dst(%dma_wait3A_36 : memref<624x128xf32, #tpu.memory_space<hbm>>)
      tpu.yield
    }) : () -> ()
    %eq3A_25 = arith.constant 0 : i32
    %eq3A_26 = arith.cmpi eq, %arg1, %eq3A_25 : i32
    %convert_element_type3A_27 = arith.extui %eq3A_26 : i1 to i32
    %cond3A_28 = arith.constant 0 : i32
    %cond3A_29 = arith.cmpi ne, %convert_element_type3A_27, %cond3A_28 : i32
    scf.if %cond3A_29 {
      "tpu.region"() ({
        %run_scoped3A = tpu.sem_alloc : memref<!tpu.dma_semaphore, #tpu.memory_space<semaphore_mem>>
        %dma_start3A_30 = arith.constant 9984 : i32
        %dma_start3A_31 = arith.constant 0 : i32
        %dma_start3A_32 = tpu.memref_slice %arg6[%arg0, %dma_start3A_30, %dma_start3A_31] : memref<2x10000x128xf32, #tpu.memory_space<hbm>> -> memref<1x16x128xf32, #tpu.memory_space<hbm>>
        %dma_start3A_33 = tpu.memref_squeeze %dma_start3A_32 : memref<1x16x128xf32, #tpu.memory_space<hbm>> -> memref<16x128xf32, #tpu.memory_space<hbm>>
        %dma_start3A_34 = arith.constant 9984 : i32
        %dma_start3A_35 = arith.constant 0 : i32
        %dma_start3A_36 = tpu.memref_slice %arg12[%dma_start3A_34, %dma_start3A_35] : memref<10000x128xf32, #tpu.memory_space<vmem_shared>> -> memref<16x128xf32, #tpu.memory_space<vmem_shared>>
        tpu.enqueue_dma source(%dma_start3A_36 : memref<16x128xf32, #tpu.memory_space<vmem_shared>>) target(%dma_start3A_33 : memref<16x128xf32, #tpu.memory_space<hbm>>) target_semaphore(%run_scoped3A : memref<!tpu.dma_semaphore, #tpu.memory_space<semaphore_mem>>)
        %dma_wait3A = arith.constant 9984 : i32
        %dma_wait3A_37 = arith.constant 0 : i32
        %dma_wait3A_38 = tpu.memref_slice %arg6[%arg0, %dma_wait3A, %dma_wait3A_37] : memref<2x10000x128xf32, #tpu.memory_space<hbm>> -> memref<1x16x128xf32, #tpu.memory_space<hbm>>
        %dma_wait3A_39 = tpu.memref_squeeze %dma_wait3A_38 : memref<1x16x128xf32, #tpu.memory_space<hbm>> -> memref<16x128xf32, #tpu.memory_space<hbm>>
        %dma_wait3A_40 = arith.constant 9984 : i32
        %dma_wait3A_41 = arith.constant 0 : i32
        %dma_wait3A_42 = tpu.memref_slice %arg12[%dma_wait3A_40, %dma_wait3A_41] : memref<10000x128xf32, #tpu.memory_space<vmem_shared>> -> memref<16x128xf32, #tpu.memory_space<vmem_shared>>
        tpu.wait_dma2 semaphore(%run_scoped3A : memref<!tpu.dma_semaphore, #tpu.memory_space<semaphore_mem>>) src(%dma_wait3A_42 : memref<16x128xf32, #tpu.memory_space<vmem_shared>>) dst(%dma_wait3A_39 : memref<16x128xf32, #tpu.memory_space<hbm>>)
        tpu.yield
      }) : () -> ()
    } else {
    }
    return
  }
}

#map = affine_map<(d0, d1) -> (0, 0)>
#map1 = affine_map<(d0, d1) -> (0, 0, 0)>
module attributes {stable_mosaic.version = 14 : i64} {
  func.func @_scatter_body(%arg0: i32, %arg1: i32, %arg2: memref<10000x128xf32, #tpu.memory_space<hbm>>, %arg3: memref<32x100x100xi32, #tpu.memory_space<hbm>>, %arg4: memref<32x100x100xi32, #tpu.memory_space<hbm>>, %arg5: memref<10000x128xf32, #tpu.memory_space<hbm>>, %arg6: memref<2x10000x128xf32, #tpu.memory_space<hbm>>, %arg7: memref<100x100xi32, #tpu.memory_space<vmem>>, %arg8: memref<1x100xi32, #tpu.memory_space<vmem>>, %arg9: memref<1x100xi32, #tpu.memory_space<vmem>>, %arg10: memref<100x128xf32, #tpu.memory_space<vmem>>, %arg11: memref<100x128xf32, #tpu.memory_space<vmem>>, %arg12: memref<10000x128xf32, #tpu.memory_space<vmem_shared>>, %arg13: memref<!tpu.dma_semaphore, #tpu.memory_space<semaphore_mem>>, %arg14: memref<!tpu.dma_semaphore, #tpu.memory_space<semaphore_mem>>, %arg15: memref<!tpu.dma_semaphore, #tpu.memory_space<semaphore_mem>>, %arg16: memref<!tpu.dma_semaphore, #tpu.memory_space<semaphore_mem>>) attributes {dimension_semantics = [#tpu.dimension_semantics<core_parallel>, #tpu.dimension_semantics<subcore_parallel>], iteration_bounds = array<i64: 2, 16>, scalar_prefetch = 0 : i64, scratch_operands = 10 : i64, tpu.core_type = #tpu.core_type<sc_vector_subcore>, window_params = [{transform_indices = #map}, {transform_indices = #map1}, {transform_indices = #map1}, {transform_indices = #map}, {transform_indices = #map1}]} {
    %mul3A = arith.constant 2 : i32
    %mul3A_0 = arith.muli %arg1, %mul3A : i32
    %add3A = arith.addi %mul3A_0, %arg0 : i32
    %eq3A = arith.constant 0 : i32
    %eq3A_1 = arith.cmpi eq, %arg1, %eq3A : i32
    %convert_element_type3A = arith.extui %eq3A_1 : i1 to i32
    %cond3A = arith.constant 0 : i32
    %cond3A_2 = arith.cmpi ne, %convert_element_type3A, %cond3A : i32
    scf.if %cond3A_2 {
      "tpu.region"() ({
        %run_scoped3A = tpu.sem_alloc : memref<!tpu.dma_semaphore, #tpu.memory_space<semaphore_mem>>
        tpu.enqueue_dma source(%arg5 : memref<10000x128xf32, #tpu.memory_space<hbm>>) target(%arg12 : memref<10000x128xf32, #tpu.memory_space<vmem_shared>>) target_semaphore(%run_scoped3A : memref<!tpu.dma_semaphore, #tpu.memory_space<semaphore_mem>>)
        tpu.wait_dma2 semaphore(%run_scoped3A : memref<!tpu.dma_semaphore, #tpu.memory_space<semaphore_mem>>) src(%arg5 : memref<10000x128xf32, #tpu.memory_space<hbm>>) dst(%arg12 : memref<10000x128xf32, #tpu.memory_space<vmem_shared>>)
        tpu.yield
      }) : () -> ()
    } else {
    }
    "tpu.region"() ({
      %run_scoped3A = tpu.sem_alloc : memref<!tpu.dma_semaphore, #tpu.memory_space<semaphore_mem>>
      %dma_start3A_30 = arith.constant 0 : i32
      %dma_start3A_31 = arith.constant 0 : i32
      %dma_start3A_32 = tpu.memref_slice %arg3[%add3A, %dma_start3A_30, %dma_start3A_31] : memref<32x100x100xi32, #tpu.memory_space<hbm>> -> memref<1x100x100xi32, #tpu.memory_space<hbm>>
      %dma_start3A_33 = tpu.memref_squeeze %dma_start3A_32 : memref<1x100x100xi32, #tpu.memory_space<hbm>> -> memref<100x100xi32, #tpu.memory_space<hbm>>
      %dma_start3A_34 = arith.constant 0 : i32
      %dma_start3A_35 = arith.constant 0 : i32
      %dma_start3A_36 = tpu.memref_slice %arg3[%add3A, %dma_start3A_34, %dma_start3A_35] : memref<32x100x100xi32, #tpu.memory_space<hbm>> -> memref<1x100x100xi32, #tpu.memory_space<hbm>>
      %dma_start3A_37 = tpu.memref_squeeze %dma_start3A_36 : memref<1x100x100xi32, #tpu.memory_space<hbm>> -> memref<100x100xi32, #tpu.memory_space<hbm>>
      tpu.enqueue_dma source(%dma_start3A_37 : memref<100x100xi32, #tpu.memory_space<hbm>>) target(%arg7 : memref<100x100xi32, #tpu.memory_space<vmem>>) target_semaphore(%run_scoped3A : memref<!tpu.dma_semaphore, #tpu.memory_space<semaphore_mem>>)
      %dma_wait3A = arith.constant 0 : i32
      %dma_wait3A_38 = arith.constant 0 : i32
      %dma_wait3A_39 = tpu.memref_slice %arg3[%add3A, %dma_wait3A, %dma_wait3A_38] : memref<32x100x100xi32, #tpu.memory_space<hbm>> -> memref<1x100x100xi32, #tpu.memory_space<hbm>>
      %dma_wait3A_40 = tpu.memref_squeeze %dma_wait3A_39 : memref<1x100x100xi32, #tpu.memory_space<hbm>> -> memref<100x100xi32, #tpu.memory_space<hbm>>
      %dma_wait3A_41 = arith.constant 0 : i32
      %dma_wait3A_42 = arith.constant 0 : i32
      %dma_wait3A_43 = tpu.memref_slice %arg3[%add3A, %dma_wait3A_41, %dma_wait3A_42] : memref<32x100x100xi32, #tpu.memory_space<hbm>> -> memref<1x100x100xi32, #tpu.memory_space<hbm>>
      %dma_wait3A_44 = tpu.memref_squeeze %dma_wait3A_43 : memref<1x100x100xi32, #tpu.memory_space<hbm>> -> memref<100x100xi32, #tpu.memory_space<hbm>>
      tpu.wait_dma2 semaphore(%run_scoped3A : memref<!tpu.dma_semaphore, #tpu.memory_space<semaphore_mem>>) src(%dma_wait3A_44 : memref<100x100xi32, #tpu.memory_space<hbm>>) dst(%arg7 : memref<100x100xi32, #tpu.memory_space<vmem>>)
      tpu.yield
    }) : () -> ()
    %barrier3A = arith.constant 0 : index
    tpu.barrier barrier_id(%barrier3A)
    %dma_start3A = arith.constant 0 : i32
    %dma_start3A_3 = arith.constant 0 : i32
    %dma_start3A_4 = tpu.memref_slice %arg7[%dma_start3A, %dma_start3A_3] : memref<100x100xi32, #tpu.memory_space<vmem>> -> memref<1x100xi32, #tpu.memory_space<vmem>>
    %dma_start3A_5 = tpu.memref_squeeze %dma_start3A_4 : memref<1x100xi32, #tpu.memory_space<vmem>> -> memref<100xi32, #tpu.memory_space<vmem>>
    %dma_start3A_6 = arith.constant 0 : i32
    %dma_start3A_7 = arith.constant 0 : i32
    %dma_start3A_8 = tpu.memref_slice %arg2[%dma_start3A_6, %dma_start3A_7] : memref<10000x128xf32, #tpu.memory_space<hbm>> -> memref<10000x128xf32, #tpu.memory_space<hbm>>
    tpu.enqueue_indirect_dma source(%dma_start3A_8 : memref<10000x128xf32, #tpu.memory_space<hbm>>) target(%arg10 : memref<100x128xf32, #tpu.memory_space<vmem>>) offsets(%dma_start3A_5 : memref<100xi32, #tpu.memory_space<vmem>>) semaphore(%arg13 : memref<!tpu.dma_semaphore, #tpu.memory_space<semaphore_mem>>)
    %dma_start3A_9 = arith.constant 0 : i32
    %dma_start3A_10 = arith.constant 0 : i32
    %dma_start3A_11 = tpu.memref_slice %arg4[%add3A, %dma_start3A_9, %dma_start3A_10] : memref<32x100x100xi32, #tpu.memory_space<hbm>> -> memref<1x1x100xi32, #tpu.memory_space<hbm>>
    %dma_start3A_12 = tpu.memref_squeeze %dma_start3A_11 : memref<1x1x100xi32, #tpu.memory_space<hbm>> -> memref<1x100xi32, #tpu.memory_space<hbm>>
    %dma_start3A_13 = arith.constant 0 : i32
    %dma_start3A_14 = arith.constant 0 : i32
    %dma_start3A_15 = tpu.memref_slice %arg4[%add3A, %dma_start3A_13, %dma_start3A_14] : memref<32x100x100xi32, #tpu.memory_space<hbm>> -> memref<1x1x100xi32, #tpu.memory_space<hbm>>
    %dma_start3A_16 = tpu.memref_squeeze %dma_start3A_15 : memref<1x1x100xi32, #tpu.memory_space<hbm>> -> memref<1x100xi32, #tpu.memory_space<hbm>>
    tpu.enqueue_dma source(%dma_start3A_16 : memref<1x100xi32, #tpu.memory_space<hbm>>) target(%arg8 : memref<1x100xi32, #tpu.memory_space<vmem>>) target_semaphore(%arg15 : memref<!tpu.dma_semaphore, #tpu.memory_space<semaphore_mem>>)
    %scan3A = arith.constant 0 : i32
    %scan3A_17 = arith.constant 0 : i32
    %scan3A_18 = arith.constant 50 : i32
    %scan3A_19 = arith.addi %scan3A_17, %scan3A_18 : i32
    %scan3A_20 = arith.constant 1 : i32
    scf.for %scan3A_30 = %scan3A_17 to %scan3A_19 step %scan3A_20  : i32 {
      %mul3A_31 = arith.constant 2 : i32
      %mul3A_32 = arith.muli %mul3A_31, %scan3A_30 : i32
      %add3A_33 = arith.constant 1 : i32
      %add3A_34 = arith.addi %mul3A_32, %add3A_33 : i32
      %dma_start3A_35 = arith.constant 0 : i32
      %dma_start3A_36 = tpu.memref_slice %arg7[%add3A_34, %dma_start3A_35] : memref<100x100xi32, #tpu.memory_space<vmem>> -> memref<1x100xi32, #tpu.memory_space<vmem>>
      %dma_start3A_37 = tpu.memref_squeeze %dma_start3A_36 : memref<1x100xi32, #tpu.memory_space<vmem>> -> memref<100xi32, #tpu.memory_space<vmem>>
      %dma_start3A_38 = arith.constant 0 : i32
      %dma_start3A_39 = arith.constant 0 : i32
      %dma_start3A_40 = tpu.memref_slice %arg2[%dma_start3A_38, %dma_start3A_39] : memref<10000x128xf32, #tpu.memory_space<hbm>> -> memref<10000x128xf32, #tpu.memory_space<hbm>>
      tpu.enqueue_indirect_dma source(%dma_start3A_40 : memref<10000x128xf32, #tpu.memory_space<hbm>>) target(%arg11 : memref<100x128xf32, #tpu.memory_space<vmem>>) offsets(%dma_start3A_37 : memref<100xi32, #tpu.memory_space<vmem>>) semaphore(%arg14 : memref<!tpu.dma_semaphore, #tpu.memory_space<semaphore_mem>>)
      %add3A_41 = arith.constant 1 : i32
      %add3A_42 = arith.addi %mul3A_32, %add3A_41 : i32
      %dma_start3A_43 = arith.constant 0 : i32
      %dma_start3A_44 = tpu.memref_slice %arg4[%add3A, %add3A_42, %dma_start3A_43] : memref<32x100x100xi32, #tpu.memory_space<hbm>> -> memref<1x1x100xi32, #tpu.memory_space<hbm>>
      %dma_start3A_45 = tpu.memref_squeeze %dma_start3A_44 : memref<1x1x100xi32, #tpu.memory_space<hbm>> -> memref<1x100xi32, #tpu.memory_space<hbm>>
      %dma_start3A_46 = arith.constant 0 : i32
      %dma_start3A_47 = tpu.memref_slice %arg4[%add3A, %add3A_42, %dma_start3A_46] : memref<32x100x100xi32, #tpu.memory_space<hbm>> -> memref<1x1x100xi32, #tpu.memory_space<hbm>>
      %dma_start3A_48 = tpu.memref_squeeze %dma_start3A_47 : memref<1x1x100xi32, #tpu.memory_space<hbm>> -> memref<1x100xi32, #tpu.memory_space<hbm>>
      tpu.enqueue_dma source(%dma_start3A_48 : memref<1x100xi32, #tpu.memory_space<hbm>>) target(%arg9 : memref<1x100xi32, #tpu.memory_space<vmem>>) target_semaphore(%arg16 : memref<!tpu.dma_semaphore, #tpu.memory_space<semaphore_mem>>)
      %dma_wait3A = arith.constant 0 : i32
      %dma_wait3A_49 = tpu.memref_slice %arg7[%mul3A_32, %dma_wait3A] : memref<100x100xi32, #tpu.memory_space<vmem>> -> memref<1x100xi32, #tpu.memory_space<vmem>>
      %dma_wait3A_50 = tpu.memref_squeeze %dma_wait3A_49 : memref<1x100xi32, #tpu.memory_space<vmem>> -> memref<100xi32, #tpu.memory_space<vmem>>
      %dma_wait3A_51 = arith.constant 0 : i32
      %dma_wait3A_52 = arith.constant 0 : i32
      %dma_wait3A_53 = tpu.memref_slice %arg2[%dma_wait3A_51, %dma_wait3A_52] : memref<10000x128xf32, #tpu.memory_space<hbm>> -> memref<10000x128xf32, #tpu.memory_space<hbm>>
      tpu.wait_indirect_dma semaphore(%arg13 : memref<!tpu.dma_semaphore, #tpu.memory_space<semaphore_mem>>) src(%dma_wait3A_53 : memref<10000x128xf32, #tpu.memory_space<hbm>>) dst(%arg10 : memref<100x128xf32, #tpu.memory_space<vmem>>)
      %dma_wait3A_54 = arith.constant 0 : i32
      %dma_wait3A_55 = tpu.memref_slice %arg4[%add3A, %mul3A_32, %dma_wait3A_54] : memref<32x100x100xi32, #tpu.memory_space<hbm>> -> memref<1x1x100xi32, #tpu.memory_space<hbm>>
      %dma_wait3A_56 = tpu.memref_squeeze %dma_wait3A_55 : memref<1x1x100xi32, #tpu.memory_space<hbm>> -> memref<1x100xi32, #tpu.memory_space<hbm>>
      %dma_wait3A_57 = arith.constant 0 : i32
      %dma_wait3A_58 = tpu.memref_slice %arg4[%add3A, %mul3A_32, %dma_wait3A_57] : memref<32x100x100xi32, #tpu.memory_space<hbm>> -> memref<1x1x100xi32, #tpu.memory_space<hbm>>
      %dma_wait3A_59 = tpu.memref_squeeze %dma_wait3A_58 : memref<1x1x100xi32, #tpu.memory_space<hbm>> -> memref<1x100xi32, #tpu.memory_space<hbm>>
      tpu.wait_dma2 semaphore(%arg15 : memref<!tpu.dma_semaphore, #tpu.memory_space<semaphore_mem>>) src(%dma_wait3A_59 : memref<1x100xi32, #tpu.memory_space<hbm>>) dst(%arg8 : memref<1x100xi32, #tpu.memory_space<vmem>>)
      %run_scoped3A = arith.constant 0 : i32
      "tpu.region"() ({
        %run_scoped3A_81 = tpu.sem_alloc : memref<!tpu.dma_semaphore, #tpu.memory_space<semaphore_mem>>
        %dma_start3A_82 = arith.constant 0 : i32
        %dma_start3A_83 = tpu.memref_slice %arg8[%run_scoped3A, %dma_start3A_82] : memref<1x100xi32, #tpu.memory_space<vmem>> -> memref<1x100xi32, #tpu.memory_space<vmem>>
        %dma_start3A_84 = tpu.memref_squeeze %dma_start3A_83 : memref<1x100xi32, #tpu.memory_space<vmem>> -> memref<100xi32, #tpu.memory_space<vmem>>
        %dma_start3A_85 = arith.constant 0 : i32
        %dma_start3A_86 = arith.constant 0 : i32
        %dma_start3A_87 = tpu.memref_slice %arg12[%dma_start3A_85, %dma_start3A_86] : memref<10000x128xf32, #tpu.memory_space<vmem_shared>> -> memref<10000x128xf32, #tpu.memory_space<vmem_shared>>
        tpu.enqueue_indirect_dma source(%arg10 : memref<100x128xf32, #tpu.memory_space<vmem>>) target(%dma_start3A_87 : memref<10000x128xf32, #tpu.memory_space<vmem_shared>>) offsets(%dma_start3A_84 : memref<100xi32, #tpu.memory_space<vmem>>) semaphore(%run_scoped3A_81 : memref<!tpu.dma_semaphore, #tpu.memory_space<semaphore_mem>>) {add = true}
        %dma_wait3A_88 = arith.constant 0 : i32
        %dma_wait3A_89 = tpu.memref_slice %arg8[%run_scoped3A, %dma_wait3A_88] : memref<1x100xi32, #tpu.memory_space<vmem>> -> memref<1x100xi32, #tpu.memory_space<vmem>>
        %dma_wait3A_90 = tpu.memref_squeeze %dma_wait3A_89 : memref<1x100xi32, #tpu.memory_space<vmem>> -> memref<100xi32, #tpu.memory_space<vmem>>
        %dma_wait3A_91 = arith.constant 0 : i32
        %dma_wait3A_92 = arith.constant 0 : i32
        %dma_wait3A_93 = tpu.memref_slice %arg12[%dma_wait3A_91, %dma_wait3A_92] : memref<10000x128xf32, #tpu.memory_space<vmem_shared>> -> memref<10000x128xf32, #tpu.memory_space<vmem_shared>>
        tpu.wait_indirect_dma semaphore(%run_scoped3A_81 : memref<!tpu.dma_semaphore, #tpu.memory_space<semaphore_mem>>) src(%arg10 : memref<100x128xf32, #tpu.memory_space<vmem>>) dst(%dma_wait3A_93 : memref<10000x128xf32, #tpu.memory_space<vmem_shared>>)
        tpu.yield
      }) : () -> ()
      %lt3A = arith.constant 49 : i32
      %lt3A_60 = arith.cmpi slt, %scan3A_30, %lt3A : i32
      %convert_element_type3A_61 = arith.extui %lt3A_60 : i1 to i32
      %cond3A_62 = arith.constant 0 : i32
      %cond3A_63 = arith.cmpi ne, %convert_element_type3A_61, %cond3A_62 : i32
      scf.if %cond3A_63 {
        %add3A_81 = arith.constant 2 : i32
        %add3A_82 = arith.addi %mul3A_32, %add3A_81 : i32
        %dma_start3A_83 = arith.constant 0 : i32
        %dma_start3A_84 = tpu.memref_slice %arg7[%add3A_82, %dma_start3A_83] : memref<100x100xi32, #tpu.memory_space<vmem>> -> memref<1x100xi32, #tpu.memory_space<vmem>>
        %dma_start3A_85 = tpu.memref_squeeze %dma_start3A_84 : memref<1x100xi32, #tpu.memory_space<vmem>> -> memref<100xi32, #tpu.memory_space<vmem>>
        %dma_start3A_86 = arith.constant 0 : i32
        %dma_start3A_87 = arith.constant 0 : i32
        %dma_start3A_88 = tpu.memref_slice %arg2[%dma_start3A_86, %dma_start3A_87] : memref<10000x128xf32, #tpu.memory_space<hbm>> -> memref<10000x128xf32, #tpu.memory_space<hbm>>
        tpu.enqueue_indirect_dma source(%dma_start3A_88 : memref<10000x128xf32, #tpu.memory_space<hbm>>) target(%arg10 : memref<100x128xf32, #tpu.memory_space<vmem>>) offsets(%dma_start3A_85 : memref<100xi32, #tpu.memory_space<vmem>>) semaphore(%arg13 : memref<!tpu.dma_semaphore, #tpu.memory_space<semaphore_mem>>)
        %add3A_89 = arith.constant 2 : i32
        %add3A_90 = arith.addi %mul3A_32, %add3A_89 : i32
        %dma_start3A_91 = arith.constant 0 : i32
        %dma_start3A_92 = tpu.memref_slice %arg4[%add3A, %add3A_90, %dma_start3A_91] : memref<32x100x100xi32, #tpu.memory_space<hbm>> -> memref<1x1x100xi32, #tpu.memory_space<hbm>>
        %dma_start3A_93 = tpu.memref_squeeze %dma_start3A_92 : memref<1x1x100xi32, #tpu.memory_space<hbm>> -> memref<1x100xi32, #tpu.memory_space<hbm>>
        %dma_start3A_94 = arith.constant 0 : i32
        %dma_start3A_95 = tpu.memref_slice %arg4[%add3A, %add3A_90, %dma_start3A_94] : memref<32x100x100xi32, #tpu.memory_space<hbm>> -> memref<1x1x100xi32, #tpu.memory_space<hbm>>
        %dma_start3A_96 = tpu.memref_squeeze %dma_start3A_95 : memref<1x1x100xi32, #tpu.memory_space<hbm>> -> memref<1x100xi32, #tpu.memory_space<hbm>>
        tpu.enqueue_dma source(%dma_start3A_96 : memref<1x100xi32, #tpu.memory_space<hbm>>) target(%arg8 : memref<1x100xi32, #tpu.memory_space<vmem>>) target_semaphore(%arg15 : memref<!tpu.dma_semaphore, #tpu.memory_space<semaphore_mem>>)
      } else {
      }
      %add3A_64 = arith.constant 1 : i32
      %add3A_65 = arith.addi %mul3A_32, %add3A_64 : i32
      %dma_wait3A_66 = arith.constant 0 : i32
      %dma_wait3A_67 = tpu.memref_slice %arg7[%add3A_65, %dma_wait3A_66] : memref<100x100xi32, #tpu.memory_space<vmem>> -> memref<1x100xi32, #tpu.memory_space<vmem>>
      %dma_wait3A_68 = tpu.memref_squeeze %dma_wait3A_67 : memref<1x100xi32, #tpu.memory_space<vmem>> -> memref<100xi32, #tpu.memory_space<vmem>>
      %dma_wait3A_69 = arith.constant 0 : i32
      %dma_wait3A_70 = arith.constant 0 : i32
      %dma_wait3A_71 = tpu.memref_slice %arg2[%dma_wait3A_69, %dma_wait3A_70] : memref<10000x128xf32, #tpu.memory_space<hbm>> -> memref<10000x128xf32, #tpu.memory_space<hbm>>
      tpu.wait_indirect_dma semaphore(%arg14 : memref<!tpu.dma_semaphore, #tpu.memory_space<semaphore_mem>>) src(%dma_wait3A_71 : memref<10000x128xf32, #tpu.memory_space<hbm>>) dst(%arg11 : memref<100x128xf32, #tpu.memory_space<vmem>>)
      %add3A_72 = arith.constant 1 : i32
      %add3A_73 = arith.addi %mul3A_32, %add3A_72 : i32
      %dma_wait3A_74 = arith.constant 0 : i32
      %dma_wait3A_75 = tpu.memref_slice %arg4[%add3A, %add3A_73, %dma_wait3A_74] : memref<32x100x100xi32, #tpu.memory_space<hbm>> -> memref<1x1x100xi32, #tpu.memory_space<hbm>>
      %dma_wait3A_76 = tpu.memref_squeeze %dma_wait3A_75 : memref<1x1x100xi32, #tpu.memory_space<hbm>> -> memref<1x100xi32, #tpu.memory_space<hbm>>
      %dma_wait3A_77 = arith.constant 0 : i32
      %dma_wait3A_78 = tpu.memref_slice %arg4[%add3A, %add3A_73, %dma_wait3A_77] : memref<32x100x100xi32, #tpu.memory_space<hbm>> -> memref<1x1x100xi32, #tpu.memory_space<hbm>>
      %dma_wait3A_79 = tpu.memref_squeeze %dma_wait3A_78 : memref<1x1x100xi32, #tpu.memory_space<hbm>> -> memref<1x100xi32, #tpu.memory_space<hbm>>
      tpu.wait_dma2 semaphore(%arg16 : memref<!tpu.dma_semaphore, #tpu.memory_space<semaphore_mem>>) src(%dma_wait3A_79 : memref<1x100xi32, #tpu.memory_space<hbm>>) dst(%arg9 : memref<1x100xi32, #tpu.memory_space<vmem>>)
      %run_scoped3A_80 = arith.constant 0 : i32
      "tpu.region"() ({
        %run_scoped3A_81 = tpu.sem_alloc : memref<!tpu.dma_semaphore, #tpu.memory_space<semaphore_mem>>
        %dma_start3A_82 = arith.constant 0 : i32
        %dma_start3A_83 = tpu.memref_slice %arg9[%run_scoped3A_80, %dma_start3A_82] : memref<1x100xi32, #tpu.memory_space<vmem>> -> memref<1x100xi32, #tpu.memory_space<vmem>>
        %dma_start3A_84 = tpu.memref_squeeze %dma_start3A_83 : memref<1x100xi32, #tpu.memory_space<vmem>> -> memref<100xi32, #tpu.memory_space<vmem>>
        %dma_start3A_85 = arith.constant 0 : i32
        %dma_start3A_86 = arith.constant 0 : i32
        %dma_start3A_87 = tpu.memref_slice %arg12[%dma_start3A_85, %dma_start3A_86] : memref<10000x128xf32, #tpu.memory_space<vmem_shared>> -> memref<10000x128xf32, #tpu.memory_space<vmem_shared>>
        tpu.enqueue_indirect_dma source(%arg11 : memref<100x128xf32, #tpu.memory_space<vmem>>) target(%dma_start3A_87 : memref<10000x128xf32, #tpu.memory_space<vmem_shared>>) offsets(%dma_start3A_84 : memref<100xi32, #tpu.memory_space<vmem>>) semaphore(%run_scoped3A_81 : memref<!tpu.dma_semaphore, #tpu.memory_space<semaphore_mem>>) {add = true}
        %dma_wait3A_88 = arith.constant 0 : i32
        %dma_wait3A_89 = tpu.memref_slice %arg9[%run_scoped3A_80, %dma_wait3A_88] : memref<1x100xi32, #tpu.memory_space<vmem>> -> memref<1x100xi32, #tpu.memory_space<vmem>>
        %dma_wait3A_90 = tpu.memref_squeeze %dma_wait3A_89 : memref<1x100xi32, #tpu.memory_space<vmem>> -> memref<100xi32, #tpu.memory_space<vmem>>
        %dma_wait3A_91 = arith.constant 0 : i32
        %dma_wait3A_92 = arith.constant 0 : i32
        %dma_wait3A_93 = tpu.memref_slice %arg12[%dma_wait3A_91, %dma_wait3A_92] : memref<10000x128xf32, #tpu.memory_space<vmem_shared>> -> memref<10000x128xf32, #tpu.memory_space<vmem_shared>>
        tpu.wait_indirect_dma semaphore(%run_scoped3A_81 : memref<!tpu.dma_semaphore, #tpu.memory_space<semaphore_mem>>) src(%arg11 : memref<100x128xf32, #tpu.memory_space<vmem>>) dst(%dma_wait3A_93 : memref<10000x128xf32, #tpu.memory_space<vmem_shared>>)
        tpu.yield
      }) : () -> ()
    }
    %scan3A_21 = arith.constant 50 : i32
    %barrier3A_22 = arith.constant 0 : index
    tpu.barrier barrier_id(%barrier3A_22)
    %mul3A_23 = arith.constant 624 : i32
    %mul3A_24 = arith.muli %arg1, %mul3A_23 : i32
    %multiple_of3A = tpu.assume_multiple %mul3A_24, 8 : i32
    "tpu.region"() ({
      %run_scoped3A = tpu.sem_alloc : memref<!tpu.dma_semaphore, #tpu.memory_space<semaphore_mem>>
      %dma_start3A_30 = arith.constant 0 : i32
      %dma_start3A_31 = tpu.memref_slice %arg6[%arg0, %multiple_of3A, %dma_start3A_30] : memref<2x10000x128xf32, #tpu.memory_space<hbm>> -> memref<1x624x128xf32, #tpu.memory_space<hbm>>
      %dma_start3A_32 = tpu.memref_squeeze %dma_start3A_31 : memref<1x624x128xf32, #tpu.memory_space<hbm>> -> memref<624x128xf32, #tpu.memory_space<hbm>>
      %dma_start3A_33 = arith.constant 0 : i32
      %dma_start3A_34 = tpu.memref_slice %arg12[%multiple_of3A, %dma_start3A_33] : memref<10000x128xf32, #tpu.memory_space<vmem_shared>> -> memref<624x128xf32, #tpu.memory_space<vmem_shared>>
      tpu.enqueue_dma source(%dma_start3A_34 : memref<624x128xf32, #tpu.memory_space<vmem_shared>>) target(%dma_start3A_32 : memref<624x128xf32, #tpu.memory_space<hbm>>) target_semaphore(%run_scoped3A : memref<!tpu.dma_semaphore, #tpu.memory_space<semaphore_mem>>)
      %dma_wait3A = arith.constant 0 : i32
      %dma_wait3A_35 = tpu.memref_slice %arg6[%arg0, %multiple_of3A, %dma_wait3A] : memref<2x10000x128xf32, #tpu.memory_space<hbm>> -> memref<1x624x128xf32, #tpu.memory_space<hbm>>
      %dma_wait3A_36 = tpu.memref_squeeze %dma_wait3A_35 : memref<1x624x128xf32, #tpu.memory_space<hbm>> -> memref<624x128xf32, #tpu.memory_space<hbm>>
      %dma_wait3A_37 = arith.constant 0 : i32
      %dma_wait3A_38 = tpu.memref_slice %arg12[%multiple_of3A, %dma_wait3A_37] : memref<10000x128xf32, #tpu.memory_space<vmem_shared>> -> memref<624x128xf32, #tpu.memory_space<vmem_shared>>
      tpu.wait_dma2 semaphore(%run_scoped3A : memref<!tpu.dma_semaphore, #tpu.memory_space<semaphore_mem>>) src(%dma_wait3A_38 : memref<624x128xf32, #tpu.memory_space<vmem_shared>>) dst(%dma_wait3A_36 : memref<624x128xf32, #tpu.memory_space<hbm>>)
      tpu.yield
    }) : () -> ()
    %eq3A_25 = arith.constant 0 : i32
    %eq3A_26 = arith.cmpi eq, %arg1, %eq3A_25 : i32
    %convert_element_type3A_27 = arith.extui %eq3A_26 : i1 to i32
    %cond3A_28 = arith.constant 0 : i32
    %cond3A_29 = arith.cmpi ne, %convert_element_type3A_27, %cond3A_28 : i32
    scf.if %cond3A_29 {
      "tpu.region"() ({
        %run_scoped3A = tpu.sem_alloc : memref<!tpu.dma_semaphore, #tpu.memory_space<semaphore_mem>>
        %dma_start3A_30 = arith.constant 9984 : i32
        %dma_start3A_31 = arith.constant 0 : i32
        %dma_start3A_32 = tpu.memref_slice %arg6[%arg0, %dma_start3A_30, %dma_start3A_31] : memref<2x10000x128xf32, #tpu.memory_space<hbm>> -> memref<1x16x128xf32, #tpu.memory_space<hbm>>
        %dma_start3A_33 = tpu.memref_squeeze %dma_start3A_32 : memref<1x16x128xf32, #tpu.memory_space<hbm>> -> memref<16x128xf32, #tpu.memory_space<hbm>>
        %dma_start3A_34 = arith.constant 9984 : i32
        %dma_start3A_35 = arith.constant 0 : i32
        %dma_start3A_36 = tpu.memref_slice %arg12[%dma_start3A_34, %dma_start3A_35] : memref<10000x128xf32, #tpu.memory_space<vmem_shared>> -> memref<16x128xf32, #tpu.memory_space<vmem_shared>>
        tpu.enqueue_dma source(%dma_start3A_36 : memref<16x128xf32, #tpu.memory_space<vmem_shared>>) target(%dma_start3A_33 : memref<16x128xf32, #tpu.memory_space<hbm>>) target_semaphore(%run_scoped3A : memref<!tpu.dma_semaphore, #tpu.memory_space<semaphore_mem>>)
        %dma_wait3A = arith.constant 9984 : i32
        %dma_wait3A_37 = arith.constant 0 : i32
        %dma_wait3A_38 = tpu.memref_slice %arg6[%arg0, %dma_wait3A, %dma_wait3A_37] : memref<2x10000x128xf32, #tpu.memory_space<hbm>> -> memref<1x16x128xf32, #tpu.memory_space<hbm>>
        %dma_wait3A_39 = tpu.memref_squeeze %dma_wait3A_38 : memref<1x16x128xf32, #tpu.memory_space<hbm>> -> memref<16x128xf32, #tpu.memory_space<hbm>>
        %dma_wait3A_40 = arith.constant 9984 : i32
        %dma_wait3A_41 = arith.constant 0 : i32
        %dma_wait3A_42 = tpu.memref_slice %arg12[%dma_wait3A_40, %dma_wait3A_41] : memref<10000x128xf32, #tpu.memory_space<vmem_shared>> -> memref<16x128xf32, #tpu.memory_space<vmem_shared>>
        tpu.wait_dma2 semaphore(%run_scoped3A : memref<!tpu.dma_semaphore, #tpu.memory_space<semaphore_mem>>) src(%dma_wait3A_42 : memref<16x128xf32, #tpu.memory_space<vmem_shared>>) dst(%dma_wait3A_39 : memref<16x128xf32, #tpu.memory_space<hbm>>)
        tpu.yield
      }) : () -> ()
    } else {
    }
    return
  }
}

#map = affine_map<(d0, d1) -> (0, 0)>
#map1 = affine_map<(d0, d1) -> (0, 0, 0)>
module attributes {stable_mosaic.version = 14 : i64} {
  func.func @_scatter_body(%arg0: i32, %arg1: i32, %arg2: memref<10000x128xf32, #tpu.memory_space<hbm>>, %arg3: memref<32x100x100xi32, #tpu.memory_space<hbm>>, %arg4: memref<32x100x100xi32, #tpu.memory_space<hbm>>, %arg5: memref<10000x128xf32, #tpu.memory_space<hbm>>, %arg6: memref<2x10000x128xf32, #tpu.memory_space<hbm>>, %arg7: memref<100x100xi32, #tpu.memory_space<vmem>>, %arg8: memref<1x100xi32, #tpu.memory_space<vmem>>, %arg9: memref<1x100xi32, #tpu.memory_space<vmem>>, %arg10: memref<100x128xf32, #tpu.memory_space<vmem>>, %arg11: memref<100x128xf32, #tpu.memory_space<vmem>>, %arg12: memref<10000x128xf32, #tpu.memory_space<vmem_shared>>, %arg13: memref<!tpu.dma_semaphore, #tpu.memory_space<semaphore_mem>>, %arg14: memref<!tpu.dma_semaphore, #tpu.memory_space<semaphore_mem>>, %arg15: memref<!tpu.dma_semaphore, #tpu.memory_space<semaphore_mem>>, %arg16: memref<!tpu.dma_semaphore, #tpu.memory_space<semaphore_mem>>) attributes {dimension_semantics = [#tpu.dimension_semantics<core_parallel>, #tpu.dimension_semantics<subcore_parallel>], iteration_bounds = array<i64: 2, 16>, scalar_prefetch = 0 : i64, scratch_operands = 10 : i64, tpu.core_type = #tpu.core_type<sc_vector_subcore>, window_params = [{transform_indices = #map}, {transform_indices = #map1}, {transform_indices = #map1}, {transform_indices = #map}, {transform_indices = #map1}]} {
    %mul3A = arith.constant 2 : i32
    %mul3A_0 = arith.muli %arg1, %mul3A : i32
    %add3A = arith.addi %mul3A_0, %arg0 : i32
    %eq3A = arith.constant 0 : i32
    %eq3A_1 = arith.cmpi eq, %arg1, %eq3A : i32
    %convert_element_type3A = arith.extui %eq3A_1 : i1 to i32
    %cond3A = arith.constant 0 : i32
    %cond3A_2 = arith.cmpi ne, %convert_element_type3A, %cond3A : i32
    scf.if %cond3A_2 {
      "tpu.region"() ({
        %run_scoped3A = tpu.sem_alloc : memref<!tpu.dma_semaphore, #tpu.memory_space<semaphore_mem>>
        tpu.enqueue_dma source(%arg5 : memref<10000x128xf32, #tpu.memory_space<hbm>>) target(%arg12 : memref<10000x128xf32, #tpu.memory_space<vmem_shared>>) target_semaphore(%run_scoped3A : memref<!tpu.dma_semaphore, #tpu.memory_space<semaphore_mem>>)
        tpu.wait_dma2 semaphore(%run_scoped3A : memref<!tpu.dma_semaphore, #tpu.memory_space<semaphore_mem>>) src(%arg5 : memref<10000x128xf32, #tpu.memory_space<hbm>>) dst(%arg12 : memref<10000x128xf32, #tpu.memory_space<vmem_shared>>)
        tpu.yield
      }) : () -> ()
    } else {
    }
    "tpu.region"() ({
      %run_scoped3A = tpu.sem_alloc : memref<!tpu.dma_semaphore, #tpu.memory_space<semaphore_mem>>
      %dma_start3A_30 = arith.constant 0 : i32
      %dma_start3A_31 = arith.constant 0 : i32
      %dma_start3A_32 = tpu.memref_slice %arg3[%add3A, %dma_start3A_30, %dma_start3A_31] : memref<32x100x100xi32, #tpu.memory_space<hbm>> -> memref<1x100x100xi32, #tpu.memory_space<hbm>>
      %dma_start3A_33 = tpu.memref_squeeze %dma_start3A_32 : memref<1x100x100xi32, #tpu.memory_space<hbm>> -> memref<100x100xi32, #tpu.memory_space<hbm>>
      %dma_start3A_34 = arith.constant 0 : i32
      %dma_start3A_35 = arith.constant 0 : i32
      %dma_start3A_36 = tpu.memref_slice %arg3[%add3A, %dma_start3A_34, %dma_start3A_35] : memref<32x100x100xi32, #tpu.memory_space<hbm>> -> memref<1x100x100xi32, #tpu.memory_space<hbm>>
      %dma_start3A_37 = tpu.memref_squeeze %dma_start3A_36 : memref<1x100x100xi32, #tpu.memory_space<hbm>> -> memref<100x100xi32, #tpu.memory_space<hbm>>
      tpu.enqueue_dma source(%dma_start3A_37 : memref<100x100xi32, #tpu.memory_space<hbm>>) target(%arg7 : memref<100x100xi32, #tpu.memory_space<vmem>>) target_semaphore(%run_scoped3A : memref<!tpu.dma_semaphore, #tpu.memory_space<semaphore_mem>>)
      %dma_wait3A = arith.constant 0 : i32
      %dma_wait3A_38 = arith.constant 0 : i32
      %dma_wait3A_39 = tpu.memref_slice %arg3[%add3A, %dma_wait3A, %dma_wait3A_38] : memref<32x100x100xi32, #tpu.memory_space<hbm>> -> memref<1x100x100xi32, #tpu.memory_space<hbm>>
      %dma_wait3A_40 = tpu.memref_squeeze %dma_wait3A_39 : memref<1x100x100xi32, #tpu.memory_space<hbm>> -> memref<100x100xi32, #tpu.memory_space<hbm>>
      %dma_wait3A_41 = arith.constant 0 : i32
      %dma_wait3A_42 = arith.constant 0 : i32
      %dma_wait3A_43 = tpu.memref_slice %arg3[%add3A, %dma_wait3A_41, %dma_wait3A_42] : memref<32x100x100xi32, #tpu.memory_space<hbm>> -> memref<1x100x100xi32, #tpu.memory_space<hbm>>
      %dma_wait3A_44 = tpu.memref_squeeze %dma_wait3A_43 : memref<1x100x100xi32, #tpu.memory_space<hbm>> -> memref<100x100xi32, #tpu.memory_space<hbm>>
      tpu.wait_dma2 semaphore(%run_scoped3A : memref<!tpu.dma_semaphore, #tpu.memory_space<semaphore_mem>>) src(%dma_wait3A_44 : memref<100x100xi32, #tpu.memory_space<hbm>>) dst(%arg7 : memref<100x100xi32, #tpu.memory_space<vmem>>)
      tpu.yield
    }) : () -> ()
    %barrier3A = arith.constant 0 : index
    tpu.barrier barrier_id(%barrier3A)
    %dma_start3A = arith.constant 0 : i32
    %dma_start3A_3 = arith.constant 0 : i32
    %dma_start3A_4 = tpu.memref_slice %arg7[%dma_start3A, %dma_start3A_3] : memref<100x100xi32, #tpu.memory_space<vmem>> -> memref<1x100xi32, #tpu.memory_space<vmem>>
    %dma_start3A_5 = tpu.memref_squeeze %dma_start3A_4 : memref<1x100xi32, #tpu.memory_space<vmem>> -> memref<100xi32, #tpu.memory_space<vmem>>
    %dma_start3A_6 = arith.constant 0 : i32
    %dma_start3A_7 = arith.constant 0 : i32
    %dma_start3A_8 = tpu.memref_slice %arg2[%dma_start3A_6, %dma_start3A_7] : memref<10000x128xf32, #tpu.memory_space<hbm>> -> memref<10000x128xf32, #tpu.memory_space<hbm>>
    tpu.enqueue_indirect_dma source(%dma_start3A_8 : memref<10000x128xf32, #tpu.memory_space<hbm>>) target(%arg10 : memref<100x128xf32, #tpu.memory_space<vmem>>) offsets(%dma_start3A_5 : memref<100xi32, #tpu.memory_space<vmem>>) semaphore(%arg13 : memref<!tpu.dma_semaphore, #tpu.memory_space<semaphore_mem>>)
    %dma_start3A_9 = arith.constant 0 : i32
    %dma_start3A_10 = arith.constant 0 : i32
    %dma_start3A_11 = tpu.memref_slice %arg4[%add3A, %dma_start3A_9, %dma_start3A_10] : memref<32x100x100xi32, #tpu.memory_space<hbm>> -> memref<1x1x100xi32, #tpu.memory_space<hbm>>
    %dma_start3A_12 = tpu.memref_squeeze %dma_start3A_11 : memref<1x1x100xi32, #tpu.memory_space<hbm>> -> memref<1x100xi32, #tpu.memory_space<hbm>>
    %dma_start3A_13 = arith.constant 0 : i32
    %dma_start3A_14 = arith.constant 0 : i32
    %dma_start3A_15 = tpu.memref_slice %arg4[%add3A, %dma_start3A_13, %dma_start3A_14] : memref<32x100x100xi32, #tpu.memory_space<hbm>> -> memref<1x1x100xi32, #tpu.memory_space<hbm>>
    %dma_start3A_16 = tpu.memref_squeeze %dma_start3A_15 : memref<1x1x100xi32, #tpu.memory_space<hbm>> -> memref<1x100xi32, #tpu.memory_space<hbm>>
    tpu.enqueue_dma source(%dma_start3A_16 : memref<1x100xi32, #tpu.memory_space<hbm>>) target(%arg8 : memref<1x100xi32, #tpu.memory_space<vmem>>) target_semaphore(%arg15 : memref<!tpu.dma_semaphore, #tpu.memory_space<semaphore_mem>>)
    %scan3A = arith.constant 0 : i32
    %scan3A_17 = arith.constant 0 : i32
    %scan3A_18 = arith.constant 50 : i32
    %scan3A_19 = arith.addi %scan3A_17, %scan3A_18 : i32
    %scan3A_20 = arith.constant 1 : i32
    scf.for %scan3A_30 = %scan3A_17 to %scan3A_19 step %scan3A_20  : i32 {
      %mul3A_31 = arith.constant 2 : i32
      %mul3A_32 = arith.muli %mul3A_31, %scan3A_30 : i32
      %add3A_33 = arith.constant 1 : i32
      %add3A_34 = arith.addi %mul3A_32, %add3A_33 : i32
      %dma_start3A_35 = arith.constant 0 : i32
      %dma_start3A_36 = tpu.memref_slice %arg7[%add3A_34, %dma_start3A_35] : memref<100x100xi32, #tpu.memory_space<vmem>> -> memref<1x100xi32, #tpu.memory_space<vmem>>
      %dma_start3A_37 = tpu.memref_squeeze %dma_start3A_36 : memref<1x100xi32, #tpu.memory_space<vmem>> -> memref<100xi32, #tpu.memory_space<vmem>>
      %dma_start3A_38 = arith.constant 0 : i32
      %dma_start3A_39 = arith.constant 0 : i32
      %dma_start3A_40 = tpu.memref_slice %arg2[%dma_start3A_38, %dma_start3A_39] : memref<10000x128xf32, #tpu.memory_space<hbm>> -> memref<10000x128xf32, #tpu.memory_space<hbm>>
      tpu.enqueue_indirect_dma source(%dma_start3A_40 : memref<10000x128xf32, #tpu.memory_space<hbm>>) target(%arg11 : memref<100x128xf32, #tpu.memory_space<vmem>>) offsets(%dma_start3A_37 : memref<100xi32, #tpu.memory_space<vmem>>) semaphore(%arg14 : memref<!tpu.dma_semaphore, #tpu.memory_space<semaphore_mem>>)
      %add3A_41 = arith.constant 1 : i32
      %add3A_42 = arith.addi %mul3A_32, %add3A_41 : i32
      %dma_start3A_43 = arith.constant 0 : i32
      %dma_start3A_44 = tpu.memref_slice %arg4[%add3A, %add3A_42, %dma_start3A_43] : memref<32x100x100xi32, #tpu.memory_space<hbm>> -> memref<1x1x100xi32, #tpu.memory_space<hbm>>
      %dma_start3A_45 = tpu.memref_squeeze %dma_start3A_44 : memref<1x1x100xi32, #tpu.memory_space<hbm>> -> memref<1x100xi32, #tpu.memory_space<hbm>>
      %dma_start3A_46 = arith.constant 0 : i32
      %dma_start3A_47 = tpu.memref_slice %arg4[%add3A, %add3A_42, %dma_start3A_46] : memref<32x100x100xi32, #tpu.memory_space<hbm>> -> memref<1x1x100xi32, #tpu.memory_space<hbm>>
      %dma_start3A_48 = tpu.memref_squeeze %dma_start3A_47 : memref<1x1x100xi32, #tpu.memory_space<hbm>> -> memref<1x100xi32, #tpu.memory_space<hbm>>
      tpu.enqueue_dma source(%dma_start3A_48 : memref<1x100xi32, #tpu.memory_space<hbm>>) target(%arg9 : memref<1x100xi32, #tpu.memory_space<vmem>>) target_semaphore(%arg16 : memref<!tpu.dma_semaphore, #tpu.memory_space<semaphore_mem>>)
      %dma_wait3A = arith.constant 0 : i32
      %dma_wait3A_49 = tpu.memref_slice %arg7[%mul3A_32, %dma_wait3A] : memref<100x100xi32, #tpu.memory_space<vmem>> -> memref<1x100xi32, #tpu.memory_space<vmem>>
      %dma_wait3A_50 = tpu.memref_squeeze %dma_wait3A_49 : memref<1x100xi32, #tpu.memory_space<vmem>> -> memref<100xi32, #tpu.memory_space<vmem>>
      %dma_wait3A_51 = arith.constant 0 : i32
      %dma_wait3A_52 = arith.constant 0 : i32
      %dma_wait3A_53 = tpu.memref_slice %arg2[%dma_wait3A_51, %dma_wait3A_52] : memref<10000x128xf32, #tpu.memory_space<hbm>> -> memref<10000x128xf32, #tpu.memory_space<hbm>>
      tpu.wait_indirect_dma semaphore(%arg13 : memref<!tpu.dma_semaphore, #tpu.memory_space<semaphore_mem>>) src(%dma_wait3A_53 : memref<10000x128xf32, #tpu.memory_space<hbm>>) dst(%arg10 : memref<100x128xf32, #tpu.memory_space<vmem>>)
      %dma_wait3A_54 = arith.constant 0 : i32
      %dma_wait3A_55 = tpu.memref_slice %arg4[%add3A, %mul3A_32, %dma_wait3A_54] : memref<32x100x100xi32, #tpu.memory_space<hbm>> -> memref<1x1x100xi32, #tpu.memory_space<hbm>>
      %dma_wait3A_56 = tpu.memref_squeeze %dma_wait3A_55 : memref<1x1x100xi32, #tpu.memory_space<hbm>> -> memref<1x100xi32, #tpu.memory_space<hbm>>
      %dma_wait3A_57 = arith.constant 0 : i32
      %dma_wait3A_58 = tpu.memref_slice %arg4[%add3A, %mul3A_32, %dma_wait3A_57] : memref<32x100x100xi32, #tpu.memory_space<hbm>> -> memref<1x1x100xi32, #tpu.memory_space<hbm>>
      %dma_wait3A_59 = tpu.memref_squeeze %dma_wait3A_58 : memref<1x1x100xi32, #tpu.memory_space<hbm>> -> memref<1x100xi32, #tpu.memory_space<hbm>>
      tpu.wait_dma2 semaphore(%arg15 : memref<!tpu.dma_semaphore, #tpu.memory_space<semaphore_mem>>) src(%dma_wait3A_59 : memref<1x100xi32, #tpu.memory_space<hbm>>) dst(%arg8 : memref<1x100xi32, #tpu.memory_space<vmem>>)
      %run_scoped3A = arith.constant 0 : i32
      "tpu.region"() ({
        %run_scoped3A_81 = tpu.sem_alloc : memref<!tpu.dma_semaphore, #tpu.memory_space<semaphore_mem>>
        %dma_start3A_82 = arith.constant 0 : i32
        %dma_start3A_83 = tpu.memref_slice %arg8[%run_scoped3A, %dma_start3A_82] : memref<1x100xi32, #tpu.memory_space<vmem>> -> memref<1x100xi32, #tpu.memory_space<vmem>>
        %dma_start3A_84 = tpu.memref_squeeze %dma_start3A_83 : memref<1x100xi32, #tpu.memory_space<vmem>> -> memref<100xi32, #tpu.memory_space<vmem>>
        %dma_start3A_85 = arith.constant 0 : i32
        %dma_start3A_86 = arith.constant 0 : i32
        %dma_start3A_87 = tpu.memref_slice %arg12[%dma_start3A_85, %dma_start3A_86] : memref<10000x128xf32, #tpu.memory_space<vmem_shared>> -> memref<10000x128xf32, #tpu.memory_space<vmem_shared>>
        tpu.enqueue_indirect_dma source(%arg10 : memref<100x128xf32, #tpu.memory_space<vmem>>) target(%dma_start3A_87 : memref<10000x128xf32, #tpu.memory_space<vmem_shared>>) offsets(%dma_start3A_84 : memref<100xi32, #tpu.memory_space<vmem>>) semaphore(%run_scoped3A_81 : memref<!tpu.dma_semaphore, #tpu.memory_space<semaphore_mem>>) {add = true}
        %dma_wait3A_88 = arith.constant 0 : i32
        %dma_wait3A_89 = tpu.memref_slice %arg8[%run_scoped3A, %dma_wait3A_88] : memref<1x100xi32, #tpu.memory_space<vmem>> -> memref<1x100xi32, #tpu.memory_space<vmem>>
        %dma_wait3A_90 = tpu.memref_squeeze %dma_wait3A_89 : memref<1x100xi32, #tpu.memory_space<vmem>> -> memref<100xi32, #tpu.memory_space<vmem>>
        %dma_wait3A_91 = arith.constant 0 : i32
        %dma_wait3A_92 = arith.constant 0 : i32
        %dma_wait3A_93 = tpu.memref_slice %arg12[%dma_wait3A_91, %dma_wait3A_92] : memref<10000x128xf32, #tpu.memory_space<vmem_shared>> -> memref<10000x128xf32, #tpu.memory_space<vmem_shared>>
        tpu.wait_indirect_dma semaphore(%run_scoped3A_81 : memref<!tpu.dma_semaphore, #tpu.memory_space<semaphore_mem>>) src(%arg10 : memref<100x128xf32, #tpu.memory_space<vmem>>) dst(%dma_wait3A_93 : memref<10000x128xf32, #tpu.memory_space<vmem_shared>>)
        tpu.yield
      }) : () -> ()
      %lt3A = arith.constant 49 : i32
      %lt3A_60 = arith.cmpi slt, %scan3A_30, %lt3A : i32
      %convert_element_type3A_61 = arith.extui %lt3A_60 : i1 to i32
      %cond3A_62 = arith.constant 0 : i32
      %cond3A_63 = arith.cmpi ne, %convert_element_type3A_61, %cond3A_62 : i32
      scf.if %cond3A_63 {
        %add3A_81 = arith.constant 2 : i32
        %add3A_82 = arith.addi %mul3A_32, %add3A_81 : i32
        %dma_start3A_83 = arith.constant 0 : i32
        %dma_start3A_84 = tpu.memref_slice %arg7[%add3A_82, %dma_start3A_83] : memref<100x100xi32, #tpu.memory_space<vmem>> -> memref<1x100xi32, #tpu.memory_space<vmem>>
        %dma_start3A_85 = tpu.memref_squeeze %dma_start3A_84 : memref<1x100xi32, #tpu.memory_space<vmem>> -> memref<100xi32, #tpu.memory_space<vmem>>
        %dma_start3A_86 = arith.constant 0 : i32
        %dma_start3A_87 = arith.constant 0 : i32
        %dma_start3A_88 = tpu.memref_slice %arg2[%dma_start3A_86, %dma_start3A_87] : memref<10000x128xf32, #tpu.memory_space<hbm>> -> memref<10000x128xf32, #tpu.memory_space<hbm>>
        tpu.enqueue_indirect_dma source(%dma_start3A_88 : memref<10000x128xf32, #tpu.memory_space<hbm>>) target(%arg10 : memref<100x128xf32, #tpu.memory_space<vmem>>) offsets(%dma_start3A_85 : memref<100xi32, #tpu.memory_space<vmem>>) semaphore(%arg13 : memref<!tpu.dma_semaphore, #tpu.memory_space<semaphore_mem>>)
        %add3A_89 = arith.constant 2 : i32
        %add3A_90 = arith.addi %mul3A_32, %add3A_89 : i32
        %dma_start3A_91 = arith.constant 0 : i32
        %dma_start3A_92 = tpu.memref_slice %arg4[%add3A, %add3A_90, %dma_start3A_91] : memref<32x100x100xi32, #tpu.memory_space<hbm>> -> memref<1x1x100xi32, #tpu.memory_space<hbm>>
        %dma_start3A_93 = tpu.memref_squeeze %dma_start3A_92 : memref<1x1x100xi32, #tpu.memory_space<hbm>> -> memref<1x100xi32, #tpu.memory_space<hbm>>
        %dma_start3A_94 = arith.constant 0 : i32
        %dma_start3A_95 = tpu.memref_slice %arg4[%add3A, %add3A_90, %dma_start3A_94] : memref<32x100x100xi32, #tpu.memory_space<hbm>> -> memref<1x1x100xi32, #tpu.memory_space<hbm>>
        %dma_start3A_96 = tpu.memref_squeeze %dma_start3A_95 : memref<1x1x100xi32, #tpu.memory_space<hbm>> -> memref<1x100xi32, #tpu.memory_space<hbm>>
        tpu.enqueue_dma source(%dma_start3A_96 : memref<1x100xi32, #tpu.memory_space<hbm>>) target(%arg8 : memref<1x100xi32, #tpu.memory_space<vmem>>) target_semaphore(%arg15 : memref<!tpu.dma_semaphore, #tpu.memory_space<semaphore_mem>>)
      } else {
      }
      %add3A_64 = arith.constant 1 : i32
      %add3A_65 = arith.addi %mul3A_32, %add3A_64 : i32
      %dma_wait3A_66 = arith.constant 0 : i32
      %dma_wait3A_67 = tpu.memref_slice %arg7[%add3A_65, %dma_wait3A_66] : memref<100x100xi32, #tpu.memory_space<vmem>> -> memref<1x100xi32, #tpu.memory_space<vmem>>
      %dma_wait3A_68 = tpu.memref_squeeze %dma_wait3A_67 : memref<1x100xi32, #tpu.memory_space<vmem>> -> memref<100xi32, #tpu.memory_space<vmem>>
      %dma_wait3A_69 = arith.constant 0 : i32
      %dma_wait3A_70 = arith.constant 0 : i32
      %dma_wait3A_71 = tpu.memref_slice %arg2[%dma_wait3A_69, %dma_wait3A_70] : memref<10000x128xf32, #tpu.memory_space<hbm>> -> memref<10000x128xf32, #tpu.memory_space<hbm>>
      tpu.wait_indirect_dma semaphore(%arg14 : memref<!tpu.dma_semaphore, #tpu.memory_space<semaphore_mem>>) src(%dma_wait3A_71 : memref<10000x128xf32, #tpu.memory_space<hbm>>) dst(%arg11 : memref<100x128xf32, #tpu.memory_space<vmem>>)
      %add3A_72 = arith.constant 1 : i32
      %add3A_73 = arith.addi %mul3A_32, %add3A_72 : i32
      %dma_wait3A_74 = arith.constant 0 : i32
      %dma_wait3A_75 = tpu.memref_slice %arg4[%add3A, %add3A_73, %dma_wait3A_74] : memref<32x100x100xi32, #tpu.memory_space<hbm>> -> memref<1x1x100xi32, #tpu.memory_space<hbm>>
      %dma_wait3A_76 = tpu.memref_squeeze %dma_wait3A_75 : memref<1x1x100xi32, #tpu.memory_space<hbm>> -> memref<1x100xi32, #tpu.memory_space<hbm>>
      %dma_wait3A_77 = arith.constant 0 : i32
      %dma_wait3A_78 = tpu.memref_slice %arg4[%add3A, %add3A_73, %dma_wait3A_77] : memref<32x100x100xi32, #tpu.memory_space<hbm>> -> memref<1x1x100xi32, #tpu.memory_space<hbm>>
      %dma_wait3A_79 = tpu.memref_squeeze %dma_wait3A_78 : memref<1x1x100xi32, #tpu.memory_space<hbm>> -> memref<1x100xi32, #tpu.memory_space<hbm>>
      tpu.wait_dma2 semaphore(%arg16 : memref<!tpu.dma_semaphore, #tpu.memory_space<semaphore_mem>>) src(%dma_wait3A_79 : memref<1x100xi32, #tpu.memory_space<hbm>>) dst(%arg9 : memref<1x100xi32, #tpu.memory_space<vmem>>)
      %run_scoped3A_80 = arith.constant 0 : i32
      "tpu.region"() ({
        %run_scoped3A_81 = tpu.sem_alloc : memref<!tpu.dma_semaphore, #tpu.memory_space<semaphore_mem>>
        %dma_start3A_82 = arith.constant 0 : i32
        %dma_start3A_83 = tpu.memref_slice %arg9[%run_scoped3A_80, %dma_start3A_82] : memref<1x100xi32, #tpu.memory_space<vmem>> -> memref<1x100xi32, #tpu.memory_space<vmem>>
        %dma_start3A_84 = tpu.memref_squeeze %dma_start3A_83 : memref<1x100xi32, #tpu.memory_space<vmem>> -> memref<100xi32, #tpu.memory_space<vmem>>
        %dma_start3A_85 = arith.constant 0 : i32
        %dma_start3A_86 = arith.constant 0 : i32
        %dma_start3A_87 = tpu.memref_slice %arg12[%dma_start3A_85, %dma_start3A_86] : memref<10000x128xf32, #tpu.memory_space<vmem_shared>> -> memref<10000x128xf32, #tpu.memory_space<vmem_shared>>
        tpu.enqueue_indirect_dma source(%arg11 : memref<100x128xf32, #tpu.memory_space<vmem>>) target(%dma_start3A_87 : memref<10000x128xf32, #tpu.memory_space<vmem_shared>>) offsets(%dma_start3A_84 : memref<100xi32, #tpu.memory_space<vmem>>) semaphore(%run_scoped3A_81 : memref<!tpu.dma_semaphore, #tpu.memory_space<semaphore_mem>>) {add = true}
        %dma_wait3A_88 = arith.constant 0 : i32
        %dma_wait3A_89 = tpu.memref_slice %arg9[%run_scoped3A_80, %dma_wait3A_88] : memref<1x100xi32, #tpu.memory_space<vmem>> -> memref<1x100xi32, #tpu.memory_space<vmem>>
        %dma_wait3A_90 = tpu.memref_squeeze %dma_wait3A_89 : memref<1x100xi32, #tpu.memory_space<vmem>> -> memref<100xi32, #tpu.memory_space<vmem>>
        %dma_wait3A_91 = arith.constant 0 : i32
        %dma_wait3A_92 = arith.constant 0 : i32
        %dma_wait3A_93 = tpu.memref_slice %arg12[%dma_wait3A_91, %dma_wait3A_92] : memref<10000x128xf32, #tpu.memory_space<vmem_shared>> -> memref<10000x128xf32, #tpu.memory_space<vmem_shared>>
        tpu.wait_indirect_dma semaphore(%run_scoped3A_81 : memref<!tpu.dma_semaphore, #tpu.memory_space<semaphore_mem>>) src(%arg11 : memref<100x128xf32, #tpu.memory_space<vmem>>) dst(%dma_wait3A_93 : memref<10000x128xf32, #tpu.memory_space<vmem_shared>>)
        tpu.yield
      }) : () -> ()
    }
    %scan3A_21 = arith.constant 50 : i32
    %barrier3A_22 = arith.constant 0 : index
    tpu.barrier barrier_id(%barrier3A_22)
    %mul3A_23 = arith.constant 624 : i32
    %mul3A_24 = arith.muli %arg1, %mul3A_23 : i32
    %multiple_of3A = tpu.assume_multiple %mul3A_24, 8 : i32
    "tpu.region"() ({
      %run_scoped3A = tpu.sem_alloc : memref<!tpu.dma_semaphore, #tpu.memory_space<semaphore_mem>>
      %dma_start3A_30 = arith.constant 0 : i32
      %dma_start3A_31 = tpu.memref_slice %arg6[%arg0, %multiple_of3A, %dma_start3A_30] : memref<2x10000x128xf32, #tpu.memory_space<hbm>> -> memref<1x624x128xf32, #tpu.memory_space<hbm>>
      %dma_start3A_32 = tpu.memref_squeeze %dma_start3A_31 : memref<1x624x128xf32, #tpu.memory_space<hbm>> -> memref<624x128xf32, #tpu.memory_space<hbm>>
      %dma_start3A_33 = arith.constant 0 : i32
      %dma_start3A_34 = tpu.memref_slice %arg12[%multiple_of3A, %dma_start3A_33] : memref<10000x128xf32, #tpu.memory_space<vmem_shared>> -> memref<624x128xf32, #tpu.memory_space<vmem_shared>>
      tpu.enqueue_dma source(%dma_start3A_34 : memref<624x128xf32, #tpu.memory_space<vmem_shared>>) target(%dma_start3A_32 : memref<624x128xf32, #tpu.memory_space<hbm>>) target_semaphore(%run_scoped3A : memref<!tpu.dma_semaphore, #tpu.memory_space<semaphore_mem>>)
      %dma_wait3A = arith.constant 0 : i32
      %dma_wait3A_35 = tpu.memref_slice %arg6[%arg0, %multiple_of3A, %dma_wait3A] : memref<2x10000x128xf32, #tpu.memory_space<hbm>> -> memref<1x624x128xf32, #tpu.memory_space<hbm>>
      %dma_wait3A_36 = tpu.memref_squeeze %dma_wait3A_35 : memref<1x624x128xf32, #tpu.memory_space<hbm>> -> memref<624x128xf32, #tpu.memory_space<hbm>>
      %dma_wait3A_37 = arith.constant 0 : i32
      %dma_wait3A_38 = tpu.memref_slice %arg12[%multiple_of3A, %dma_wait3A_37] : memref<10000x128xf32, #tpu.memory_space<vmem_shared>> -> memref<624x128xf32, #tpu.memory_space<vmem_shared>>
      tpu.wait_dma2 semaphore(%run_scoped3A : memref<!tpu.dma_semaphore, #tpu.memory_space<semaphore_mem>>) src(%dma_wait3A_38 : memref<624x128xf32, #tpu.memory_space<vmem_shared>>) dst(%dma_wait3A_36 : memref<624x128xf32, #tpu.memory_space<hbm>>)
      tpu.yield
    }) : () -> ()
    %eq3A_25 = arith.constant 0 : i32
    %eq3A_26 = arith.cmpi eq, %arg1, %eq3A_25 : i32
    %convert_element_type3A_27 = arith.extui %eq3A_26 : i1 to i32
    %cond3A_28 = arith.constant 0 : i32
    %cond3A_29 = arith.cmpi ne, %convert_element_type3A_27, %cond3A_28 : i32
    scf.if %cond3A_29 {
      "tpu.region"() ({
        %run_scoped3A = tpu.sem_alloc : memref<!tpu.dma_semaphore, #tpu.memory_space<semaphore_mem>>
        %dma_start3A_30 = arith.constant 9984 : i32
        %dma_start3A_31 = arith.constant 0 : i32
        %dma_start3A_32 = tpu.memref_slice %arg6[%arg0, %dma_start3A_30, %dma_start3A_31] : memref<2x10000x128xf32, #tpu.memory_space<hbm>> -> memref<1x16x128xf32, #tpu.memory_space<hbm>>
        %dma_start3A_33 = tpu.memref_squeeze %dma_start3A_32 : memref<1x16x128xf32, #tpu.memory_space<hbm>> -> memref<16x128xf32, #tpu.memory_space<hbm>>
        %dma_start3A_34 = arith.constant 9984 : i32
        %dma_start3A_35 = arith.constant 0 : i32
        %dma_start3A_36 = tpu.memref_slice %arg12[%dma_start3A_34, %dma_start3A_35] : memref<10000x128xf32, #tpu.memory_space<vmem_shared>> -> memref<16x128xf32, #tpu.memory_space<vmem_shared>>
        tpu.enqueue_dma source(%dma_start3A_36 : memref<16x128xf32, #tpu.memory_space<vmem_shared>>) target(%dma_start3A_33 : memref<16x128xf32, #tpu.memory_space<hbm>>) target_semaphore(%run_scoped3A : memref<!tpu.dma_semaphore, #tpu.memory_space<semaphore_mem>>)
        %dma_wait3A = arith.constant 9984 : i32
        %dma_wait3A_37 = arith.constant 0 : i32
        %dma_wait3A_38 = tpu.memref_slice %arg6[%arg0, %dma_wait3A, %dma_wait3A_37] : memref<2x10000x128xf32, #tpu.memory_space<hbm>> -> memref<1x16x128xf32, #tpu.memory_space<hbm>>
        %dma_wait3A_39 = tpu.memref_squeeze %dma_wait3A_38 : memref<1x16x128xf32, #tpu.memory_space<hbm>> -> memref<16x128xf32, #tpu.memory_space<hbm>>
        %dma_wait3A_40 = arith.constant 9984 : i32
        %dma_wait3A_41 = arith.constant 0 : i32
        %dma_wait3A_42 = tpu.memref_slice %arg12[%dma_wait3A_40, %dma_wait3A_41] : memref<10000x128xf32, #tpu.memory_space<vmem_shared>> -> memref<16x128xf32, #tpu.memory_space<vmem_shared>>
        tpu.wait_dma2 semaphore(%run_scoped3A : memref<!tpu.dma_semaphore, #tpu.memory_space<semaphore_mem>>) src(%dma_wait3A_42 : memref<16x128xf32, #tpu.memory_space<vmem_shared>>) dst(%dma_wait3A_39 : memref<16x128xf32, #tpu.memory_space<hbm>>)
        tpu.yield
      }) : () -> ()
    } else {
    }
    return
  }
}

#map = affine_map<(d0, d1) -> (0, 0)>
#map1 = affine_map<(d0, d1) -> (0, 0, 0)>
module attributes {stable_mosaic.version = 14 : i64} {
  func.func @_scatter_body(%arg0: i32, %arg1: i32, %arg2: memref<10000x128xf32, #tpu.memory_space<hbm>>, %arg3: memref<32x100x100xi32, #tpu.memory_space<hbm>>, %arg4: memref<32x100x100xi32, #tpu.memory_space<hbm>>, %arg5: memref<10000x128xf32, #tpu.memory_space<hbm>>, %arg6: memref<2x10000x128xf32, #tpu.memory_space<hbm>>, %arg7: memref<100x100xi32, #tpu.memory_space<vmem>>, %arg8: memref<1x100xi32, #tpu.memory_space<vmem>>, %arg9: memref<1x100xi32, #tpu.memory_space<vmem>>, %arg10: memref<100x128xf32, #tpu.memory_space<vmem>>, %arg11: memref<100x128xf32, #tpu.memory_space<vmem>>, %arg12: memref<10000x128xf32, #tpu.memory_space<vmem_shared>>, %arg13: memref<!tpu.dma_semaphore, #tpu.memory_space<semaphore_mem>>, %arg14: memref<!tpu.dma_semaphore, #tpu.memory_space<semaphore_mem>>, %arg15: memref<!tpu.dma_semaphore, #tpu.memory_space<semaphore_mem>>, %arg16: memref<!tpu.dma_semaphore, #tpu.memory_space<semaphore_mem>>) attributes {dimension_semantics = [#tpu.dimension_semantics<core_parallel>, #tpu.dimension_semantics<subcore_parallel>], iteration_bounds = array<i64: 2, 16>, scalar_prefetch = 0 : i64, scratch_operands = 10 : i64, tpu.core_type = #tpu.core_type<sc_vector_subcore>, window_params = [{transform_indices = #map}, {transform_indices = #map1}, {transform_indices = #map1}, {transform_indices = #map}, {transform_indices = #map1}]} {
    %mul3A = arith.constant 2 : i32
    %mul3A_0 = arith.muli %arg1, %mul3A : i32
    %add3A = arith.addi %mul3A_0, %arg0 : i32
    %eq3A = arith.constant 0 : i32
    %eq3A_1 = arith.cmpi eq, %arg1, %eq3A : i32
    %convert_element_type3A = arith.extui %eq3A_1 : i1 to i32
    %cond3A = arith.constant 0 : i32
    %cond3A_2 = arith.cmpi ne, %convert_element_type3A, %cond3A : i32
    scf.if %cond3A_2 {
      "tpu.region"() ({
        %run_scoped3A = tpu.sem_alloc : memref<!tpu.dma_semaphore, #tpu.memory_space<semaphore_mem>>
        tpu.enqueue_dma source(%arg5 : memref<10000x128xf32, #tpu.memory_space<hbm>>) target(%arg12 : memref<10000x128xf32, #tpu.memory_space<vmem_shared>>) target_semaphore(%run_scoped3A : memref<!tpu.dma_semaphore, #tpu.memory_space<semaphore_mem>>)
        tpu.wait_dma2 semaphore(%run_scoped3A : memref<!tpu.dma_semaphore, #tpu.memory_space<semaphore_mem>>) src(%arg5 : memref<10000x128xf32, #tpu.memory_space<hbm>>) dst(%arg12 : memref<10000x128xf32, #tpu.memory_space<vmem_shared>>)
        tpu.yield
      }) : () -> ()
    } else {
    }
    "tpu.region"() ({
      %run_scoped3A = tpu.sem_alloc : memref<!tpu.dma_semaphore, #tpu.memory_space<semaphore_mem>>
      %dma_start3A_30 = arith.constant 0 : i32
      %dma_start3A_31 = arith.constant 0 : i32
      %dma_start3A_32 = tpu.memref_slice %arg3[%add3A, %dma_start3A_30, %dma_start3A_31] : memref<32x100x100xi32, #tpu.memory_space<hbm>> -> memref<1x100x100xi32, #tpu.memory_space<hbm>>
      %dma_start3A_33 = tpu.memref_squeeze %dma_start3A_32 : memref<1x100x100xi32, #tpu.memory_space<hbm>> -> memref<100x100xi32, #tpu.memory_space<hbm>>
      %dma_start3A_34 = arith.constant 0 : i32
      %dma_start3A_35 = arith.constant 0 : i32
      %dma_start3A_36 = tpu.memref_slice %arg3[%add3A, %dma_start3A_34, %dma_start3A_35] : memref<32x100x100xi32, #tpu.memory_space<hbm>> -> memref<1x100x100xi32, #tpu.memory_space<hbm>>
      %dma_start3A_37 = tpu.memref_squeeze %dma_start3A_36 : memref<1x100x100xi32, #tpu.memory_space<hbm>> -> memref<100x100xi32, #tpu.memory_space<hbm>>
      tpu.enqueue_dma source(%dma_start3A_37 : memref<100x100xi32, #tpu.memory_space<hbm>>) target(%arg7 : memref<100x100xi32, #tpu.memory_space<vmem>>) target_semaphore(%run_scoped3A : memref<!tpu.dma_semaphore, #tpu.memory_space<semaphore_mem>>)
      %dma_wait3A = arith.constant 0 : i32
      %dma_wait3A_38 = arith.constant 0 : i32
      %dma_wait3A_39 = tpu.memref_slice %arg3[%add3A, %dma_wait3A, %dma_wait3A_38] : memref<32x100x100xi32, #tpu.memory_space<hbm>> -> memref<1x100x100xi32, #tpu.memory_space<hbm>>
      %dma_wait3A_40 = tpu.memref_squeeze %dma_wait3A_39 : memref<1x100x100xi32, #tpu.memory_space<hbm>> -> memref<100x100xi32, #tpu.memory_space<hbm>>
      %dma_wait3A_41 = arith.constant 0 : i32
      %dma_wait3A_42 = arith.constant 0 : i32
      %dma_wait3A_43 = tpu.memref_slice %arg3[%add3A, %dma_wait3A_41, %dma_wait3A_42] : memref<32x100x100xi32, #tpu.memory_space<hbm>> -> memref<1x100x100xi32, #tpu.memory_space<hbm>>
      %dma_wait3A_44 = tpu.memref_squeeze %dma_wait3A_43 : memref<1x100x100xi32, #tpu.memory_space<hbm>> -> memref<100x100xi32, #tpu.memory_space<hbm>>
      tpu.wait_dma2 semaphore(%run_scoped3A : memref<!tpu.dma_semaphore, #tpu.memory_space<semaphore_mem>>) src(%dma_wait3A_44 : memref<100x100xi32, #tpu.memory_space<hbm>>) dst(%arg7 : memref<100x100xi32, #tpu.memory_space<vmem>>)
      tpu.yield
    }) : () -> ()
    %barrier3A = arith.constant 0 : index
    tpu.barrier barrier_id(%barrier3A)
    %dma_start3A = arith.constant 0 : i32
    %dma_start3A_3 = arith.constant 0 : i32
    %dma_start3A_4 = tpu.memref_slice %arg7[%dma_start3A, %dma_start3A_3] : memref<100x100xi32, #tpu.memory_space<vmem>> -> memref<1x100xi32, #tpu.memory_space<vmem>>
    %dma_start3A_5 = tpu.memref_squeeze %dma_start3A_4 : memref<1x100xi32, #tpu.memory_space<vmem>> -> memref<100xi32, #tpu.memory_space<vmem>>
    %dma_start3A_6 = arith.constant 0 : i32
    %dma_start3A_7 = arith.constant 0 : i32
    %dma_start3A_8 = tpu.memref_slice %arg2[%dma_start3A_6, %dma_start3A_7] : memref<10000x128xf32, #tpu.memory_space<hbm>> -> memref<10000x128xf32, #tpu.memory_space<hbm>>
    tpu.enqueue_indirect_dma source(%dma_start3A_8 : memref<10000x128xf32, #tpu.memory_space<hbm>>) target(%arg10 : memref<100x128xf32, #tpu.memory_space<vmem>>) offsets(%dma_start3A_5 : memref<100xi32, #tpu.memory_space<vmem>>) semaphore(%arg13 : memref<!tpu.dma_semaphore, #tpu.memory_space<semaphore_mem>>)
    %dma_start3A_9 = arith.constant 0 : i32
    %dma_start3A_10 = arith.constant 0 : i32
    %dma_start3A_11 = tpu.memref_slice %arg4[%add3A, %dma_start3A_9, %dma_start3A_10] : memref<32x100x100xi32, #tpu.memory_space<hbm>> -> memref<1x1x100xi32, #tpu.memory_space<hbm>>
    %dma_start3A_12 = tpu.memref_squeeze %dma_start3A_11 : memref<1x1x100xi32, #tpu.memory_space<hbm>> -> memref<1x100xi32, #tpu.memory_space<hbm>>
    %dma_start3A_13 = arith.constant 0 : i32
    %dma_start3A_14 = arith.constant 0 : i32
    %dma_start3A_15 = tpu.memref_slice %arg4[%add3A, %dma_start3A_13, %dma_start3A_14] : memref<32x100x100xi32, #tpu.memory_space<hbm>> -> memref<1x1x100xi32, #tpu.memory_space<hbm>>
    %dma_start3A_16 = tpu.memref_squeeze %dma_start3A_15 : memref<1x1x100xi32, #tpu.memory_space<hbm>> -> memref<1x100xi32, #tpu.memory_space<hbm>>
    tpu.enqueue_dma source(%dma_start3A_16 : memref<1x100xi32, #tpu.memory_space<hbm>>) target(%arg8 : memref<1x100xi32, #tpu.memory_space<vmem>>) target_semaphore(%arg15 : memref<!tpu.dma_semaphore, #tpu.memory_space<semaphore_mem>>)
    %scan3A = arith.constant 0 : i32
    %scan3A_17 = arith.constant 0 : i32
    %scan3A_18 = arith.constant 50 : i32
    %scan3A_19 = arith.addi %scan3A_17, %scan3A_18 : i32
    %scan3A_20 = arith.constant 1 : i32
    scf.for %scan3A_30 = %scan3A_17 to %scan3A_19 step %scan3A_20  : i32 {
      %mul3A_31 = arith.constant 2 : i32
      %mul3A_32 = arith.muli %mul3A_31, %scan3A_30 : i32
      %add3A_33 = arith.constant 1 : i32
      %add3A_34 = arith.addi %mul3A_32, %add3A_33 : i32
      %dma_start3A_35 = arith.constant 0 : i32
      %dma_start3A_36 = tpu.memref_slice %arg7[%add3A_34, %dma_start3A_35] : memref<100x100xi32, #tpu.memory_space<vmem>> -> memref<1x100xi32, #tpu.memory_space<vmem>>
      %dma_start3A_37 = tpu.memref_squeeze %dma_start3A_36 : memref<1x100xi32, #tpu.memory_space<vmem>> -> memref<100xi32, #tpu.memory_space<vmem>>
      %dma_start3A_38 = arith.constant 0 : i32
      %dma_start3A_39 = arith.constant 0 : i32
      %dma_start3A_40 = tpu.memref_slice %arg2[%dma_start3A_38, %dma_start3A_39] : memref<10000x128xf32, #tpu.memory_space<hbm>> -> memref<10000x128xf32, #tpu.memory_space<hbm>>
      tpu.enqueue_indirect_dma source(%dma_start3A_40 : memref<10000x128xf32, #tpu.memory_space<hbm>>) target(%arg11 : memref<100x128xf32, #tpu.memory_space<vmem>>) offsets(%dma_start3A_37 : memref<100xi32, #tpu.memory_space<vmem>>) semaphore(%arg14 : memref<!tpu.dma_semaphore, #tpu.memory_space<semaphore_mem>>)
      %add3A_41 = arith.constant 1 : i32
      %add3A_42 = arith.addi %mul3A_32, %add3A_41 : i32
      %dma_start3A_43 = arith.constant 0 : i32
      %dma_start3A_44 = tpu.memref_slice %arg4[%add3A, %add3A_42, %dma_start3A_43] : memref<32x100x100xi32, #tpu.memory_space<hbm>> -> memref<1x1x100xi32, #tpu.memory_space<hbm>>
      %dma_start3A_45 = tpu.memref_squeeze %dma_start3A_44 : memref<1x1x100xi32, #tpu.memory_space<hbm>> -> memref<1x100xi32, #tpu.memory_space<hbm>>
      %dma_start3A_46 = arith.constant 0 : i32
      %dma_start3A_47 = tpu.memref_slice %arg4[%add3A, %add3A_42, %dma_start3A_46] : memref<32x100x100xi32, #tpu.memory_space<hbm>> -> memref<1x1x100xi32, #tpu.memory_space<hbm>>
      %dma_start3A_48 = tpu.memref_squeeze %dma_start3A_47 : memref<1x1x100xi32, #tpu.memory_space<hbm>> -> memref<1x100xi32, #tpu.memory_space<hbm>>
      tpu.enqueue_dma source(%dma_start3A_48 : memref<1x100xi32, #tpu.memory_space<hbm>>) target(%arg9 : memref<1x100xi32, #tpu.memory_space<vmem>>) target_semaphore(%arg16 : memref<!tpu.dma_semaphore, #tpu.memory_space<semaphore_mem>>)
      %dma_wait3A = arith.constant 0 : i32
      %dma_wait3A_49 = tpu.memref_slice %arg7[%mul3A_32, %dma_wait3A] : memref<100x100xi32, #tpu.memory_space<vmem>> -> memref<1x100xi32, #tpu.memory_space<vmem>>
      %dma_wait3A_50 = tpu.memref_squeeze %dma_wait3A_49 : memref<1x100xi32, #tpu.memory_space<vmem>> -> memref<100xi32, #tpu.memory_space<vmem>>
      %dma_wait3A_51 = arith.constant 0 : i32
      %dma_wait3A_52 = arith.constant 0 : i32
      %dma_wait3A_53 = tpu.memref_slice %arg2[%dma_wait3A_51, %dma_wait3A_52] : memref<10000x128xf32, #tpu.memory_space<hbm>> -> memref<10000x128xf32, #tpu.memory_space<hbm>>
      tpu.wait_indirect_dma semaphore(%arg13 : memref<!tpu.dma_semaphore, #tpu.memory_space<semaphore_mem>>) src(%dma_wait3A_53 : memref<10000x128xf32, #tpu.memory_space<hbm>>) dst(%arg10 : memref<100x128xf32, #tpu.memory_space<vmem>>)
      %dma_wait3A_54 = arith.constant 0 : i32
      %dma_wait3A_55 = tpu.memref_slice %arg4[%add3A, %mul3A_32, %dma_wait3A_54] : memref<32x100x100xi32, #tpu.memory_space<hbm>> -> memref<1x1x100xi32, #tpu.memory_space<hbm>>
      %dma_wait3A_56 = tpu.memref_squeeze %dma_wait3A_55 : memref<1x1x100xi32, #tpu.memory_space<hbm>> -> memref<1x100xi32, #tpu.memory_space<hbm>>
      %dma_wait3A_57 = arith.constant 0 : i32
      %dma_wait3A_58 = tpu.memref_slice %arg4[%add3A, %mul3A_32, %dma_wait3A_57] : memref<32x100x100xi32, #tpu.memory_space<hbm>> -> memref<1x1x100xi32, #tpu.memory_space<hbm>>
      %dma_wait3A_59 = tpu.memref_squeeze %dma_wait3A_58 : memref<1x1x100xi32, #tpu.memory_space<hbm>> -> memref<1x100xi32, #tpu.memory_space<hbm>>
      tpu.wait_dma2 semaphore(%arg15 : memref<!tpu.dma_semaphore, #tpu.memory_space<semaphore_mem>>) src(%dma_wait3A_59 : memref<1x100xi32, #tpu.memory_space<hbm>>) dst(%arg8 : memref<1x100xi32, #tpu.memory_space<vmem>>)
      %run_scoped3A = arith.constant 0 : i32
      "tpu.region"() ({
        %run_scoped3A_81 = tpu.sem_alloc : memref<!tpu.dma_semaphore, #tpu.memory_space<semaphore_mem>>
        %dma_start3A_82 = arith.constant 0 : i32
        %dma_start3A_83 = tpu.memref_slice %arg8[%run_scoped3A, %dma_start3A_82] : memref<1x100xi32, #tpu.memory_space<vmem>> -> memref<1x100xi32, #tpu.memory_space<vmem>>
        %dma_start3A_84 = tpu.memref_squeeze %dma_start3A_83 : memref<1x100xi32, #tpu.memory_space<vmem>> -> memref<100xi32, #tpu.memory_space<vmem>>
        %dma_start3A_85 = arith.constant 0 : i32
        %dma_start3A_86 = arith.constant 0 : i32
        %dma_start3A_87 = tpu.memref_slice %arg12[%dma_start3A_85, %dma_start3A_86] : memref<10000x128xf32, #tpu.memory_space<vmem_shared>> -> memref<10000x128xf32, #tpu.memory_space<vmem_shared>>
        tpu.enqueue_indirect_dma source(%arg10 : memref<100x128xf32, #tpu.memory_space<vmem>>) target(%dma_start3A_87 : memref<10000x128xf32, #tpu.memory_space<vmem_shared>>) offsets(%dma_start3A_84 : memref<100xi32, #tpu.memory_space<vmem>>) semaphore(%run_scoped3A_81 : memref<!tpu.dma_semaphore, #tpu.memory_space<semaphore_mem>>) {add = true}
        %dma_wait3A_88 = arith.constant 0 : i32
        %dma_wait3A_89 = tpu.memref_slice %arg8[%run_scoped3A, %dma_wait3A_88] : memref<1x100xi32, #tpu.memory_space<vmem>> -> memref<1x100xi32, #tpu.memory_space<vmem>>
        %dma_wait3A_90 = tpu.memref_squeeze %dma_wait3A_89 : memref<1x100xi32, #tpu.memory_space<vmem>> -> memref<100xi32, #tpu.memory_space<vmem>>
        %dma_wait3A_91 = arith.constant 0 : i32
        %dma_wait3A_92 = arith.constant 0 : i32
        %dma_wait3A_93 = tpu.memref_slice %arg12[%dma_wait3A_91, %dma_wait3A_92] : memref<10000x128xf32, #tpu.memory_space<vmem_shared>> -> memref<10000x128xf32, #tpu.memory_space<vmem_shared>>
        tpu.wait_indirect_dma semaphore(%run_scoped3A_81 : memref<!tpu.dma_semaphore, #tpu.memory_space<semaphore_mem>>) src(%arg10 : memref<100x128xf32, #tpu.memory_space<vmem>>) dst(%dma_wait3A_93 : memref<10000x128xf32, #tpu.memory_space<vmem_shared>>)
        tpu.yield
      }) : () -> ()
      %lt3A = arith.constant 49 : i32
      %lt3A_60 = arith.cmpi slt, %scan3A_30, %lt3A : i32
      %convert_element_type3A_61 = arith.extui %lt3A_60 : i1 to i32
      %cond3A_62 = arith.constant 0 : i32
      %cond3A_63 = arith.cmpi ne, %convert_element_type3A_61, %cond3A_62 : i32
      scf.if %cond3A_63 {
        %add3A_81 = arith.constant 2 : i32
        %add3A_82 = arith.addi %mul3A_32, %add3A_81 : i32
        %dma_start3A_83 = arith.constant 0 : i32
        %dma_start3A_84 = tpu.memref_slice %arg7[%add3A_82, %dma_start3A_83] : memref<100x100xi32, #tpu.memory_space<vmem>> -> memref<1x100xi32, #tpu.memory_space<vmem>>
        %dma_start3A_85 = tpu.memref_squeeze %dma_start3A_84 : memref<1x100xi32, #tpu.memory_space<vmem>> -> memref<100xi32, #tpu.memory_space<vmem>>
        %dma_start3A_86 = arith.constant 0 : i32
        %dma_start3A_87 = arith.constant 0 : i32
        %dma_start3A_88 = tpu.memref_slice %arg2[%dma_start3A_86, %dma_start3A_87] : memref<10000x128xf32, #tpu.memory_space<hbm>> -> memref<10000x128xf32, #tpu.memory_space<hbm>>
        tpu.enqueue_indirect_dma source(%dma_start3A_88 : memref<10000x128xf32, #tpu.memory_space<hbm>>) target(%arg10 : memref<100x128xf32, #tpu.memory_space<vmem>>) offsets(%dma_start3A_85 : memref<100xi32, #tpu.memory_space<vmem>>) semaphore(%arg13 : memref<!tpu.dma_semaphore, #tpu.memory_space<semaphore_mem>>)
        %add3A_89 = arith.constant 2 : i32
        %add3A_90 = arith.addi %mul3A_32, %add3A_89 : i32
        %dma_start3A_91 = arith.constant 0 : i32
        %dma_start3A_92 = tpu.memref_slice %arg4[%add3A, %add3A_90, %dma_start3A_91] : memref<32x100x100xi32, #tpu.memory_space<hbm>> -> memref<1x1x100xi32, #tpu.memory_space<hbm>>
        %dma_start3A_93 = tpu.memref_squeeze %dma_start3A_92 : memref<1x1x100xi32, #tpu.memory_space<hbm>> -> memref<1x100xi32, #tpu.memory_space<hbm>>
        %dma_start3A_94 = arith.constant 0 : i32
        %dma_start3A_95 = tpu.memref_slice %arg4[%add3A, %add3A_90, %dma_start3A_94] : memref<32x100x100xi32, #tpu.memory_space<hbm>> -> memref<1x1x100xi32, #tpu.memory_space<hbm>>
        %dma_start3A_96 = tpu.memref_squeeze %dma_start3A_95 : memref<1x1x100xi32, #tpu.memory_space<hbm>> -> memref<1x100xi32, #tpu.memory_space<hbm>>
        tpu.enqueue_dma source(%dma_start3A_96 : memref<1x100xi32, #tpu.memory_space<hbm>>) target(%arg8 : memref<1x100xi32, #tpu.memory_space<vmem>>) target_semaphore(%arg15 : memref<!tpu.dma_semaphore, #tpu.memory_space<semaphore_mem>>)
      } else {
      }
      %add3A_64 = arith.constant 1 : i32
      %add3A_65 = arith.addi %mul3A_32, %add3A_64 : i32
      %dma_wait3A_66 = arith.constant 0 : i32
      %dma_wait3A_67 = tpu.memref_slice %arg7[%add3A_65, %dma_wait3A_66] : memref<100x100xi32, #tpu.memory_space<vmem>> -> memref<1x100xi32, #tpu.memory_space<vmem>>
      %dma_wait3A_68 = tpu.memref_squeeze %dma_wait3A_67 : memref<1x100xi32, #tpu.memory_space<vmem>> -> memref<100xi32, #tpu.memory_space<vmem>>
      %dma_wait3A_69 = arith.constant 0 : i32
      %dma_wait3A_70 = arith.constant 0 : i32
      %dma_wait3A_71 = tpu.memref_slice %arg2[%dma_wait3A_69, %dma_wait3A_70] : memref<10000x128xf32, #tpu.memory_space<hbm>> -> memref<10000x128xf32, #tpu.memory_space<hbm>>
      tpu.wait_indirect_dma semaphore(%arg14 : memref<!tpu.dma_semaphore, #tpu.memory_space<semaphore_mem>>) src(%dma_wait3A_71 : memref<10000x128xf32, #tpu.memory_space<hbm>>) dst(%arg11 : memref<100x128xf32, #tpu.memory_space<vmem>>)
      %add3A_72 = arith.constant 1 : i32
      %add3A_73 = arith.addi %mul3A_32, %add3A_72 : i32
      %dma_wait3A_74 = arith.constant 0 : i32
      %dma_wait3A_75 = tpu.memref_slice %arg4[%add3A, %add3A_73, %dma_wait3A_74] : memref<32x100x100xi32, #tpu.memory_space<hbm>> -> memref<1x1x100xi32, #tpu.memory_space<hbm>>
      %dma_wait3A_76 = tpu.memref_squeeze %dma_wait3A_75 : memref<1x1x100xi32, #tpu.memory_space<hbm>> -> memref<1x100xi32, #tpu.memory_space<hbm>>
      %dma_wait3A_77 = arith.constant 0 : i32
      %dma_wait3A_78 = tpu.memref_slice %arg4[%add3A, %add3A_73, %dma_wait3A_77] : memref<32x100x100xi32, #tpu.memory_space<hbm>> -> memref<1x1x100xi32, #tpu.memory_space<hbm>>
      %dma_wait3A_79 = tpu.memref_squeeze %dma_wait3A_78 : memref<1x1x100xi32, #tpu.memory_space<hbm>> -> memref<1x100xi32, #tpu.memory_space<hbm>>
      tpu.wait_dma2 semaphore(%arg16 : memref<!tpu.dma_semaphore, #tpu.memory_space<semaphore_mem>>) src(%dma_wait3A_79 : memref<1x100xi32, #tpu.memory_space<hbm>>) dst(%arg9 : memref<1x100xi32, #tpu.memory_space<vmem>>)
      %run_scoped3A_80 = arith.constant 0 : i32
      "tpu.region"() ({
        %run_scoped3A_81 = tpu.sem_alloc : memref<!tpu.dma_semaphore, #tpu.memory_space<semaphore_mem>>
        %dma_start3A_82 = arith.constant 0 : i32
        %dma_start3A_83 = tpu.memref_slice %arg9[%run_scoped3A_80, %dma_start3A_82] : memref<1x100xi32, #tpu.memory_space<vmem>> -> memref<1x100xi32, #tpu.memory_space<vmem>>
        %dma_start3A_84 = tpu.memref_squeeze %dma_start3A_83 : memref<1x100xi32, #tpu.memory_space<vmem>> -> memref<100xi32, #tpu.memory_space<vmem>>
        %dma_start3A_85 = arith.constant 0 : i32
        %dma_start3A_86 = arith.constant 0 : i32
        %dma_start3A_87 = tpu.memref_slice %arg12[%dma_start3A_85, %dma_start3A_86] : memref<10000x128xf32, #tpu.memory_space<vmem_shared>> -> memref<10000x128xf32, #tpu.memory_space<vmem_shared>>
        tpu.enqueue_indirect_dma source(%arg11 : memref<100x128xf32, #tpu.memory_space<vmem>>) target(%dma_start3A_87 : memref<10000x128xf32, #tpu.memory_space<vmem_shared>>) offsets(%dma_start3A_84 : memref<100xi32, #tpu.memory_space<vmem>>) semaphore(%run_scoped3A_81 : memref<!tpu.dma_semaphore, #tpu.memory_space<semaphore_mem>>) {add = true}
        %dma_wait3A_88 = arith.constant 0 : i32
        %dma_wait3A_89 = tpu.memref_slice %arg9[%run_scoped3A_80, %dma_wait3A_88] : memref<1x100xi32, #tpu.memory_space<vmem>> -> memref<1x100xi32, #tpu.memory_space<vmem>>
        %dma_wait3A_90 = tpu.memref_squeeze %dma_wait3A_89 : memref<1x100xi32, #tpu.memory_space<vmem>> -> memref<100xi32, #tpu.memory_space<vmem>>
        %dma_wait3A_91 = arith.constant 0 : i32
        %dma_wait3A_92 = arith.constant 0 : i32
        %dma_wait3A_93 = tpu.memref_slice %arg12[%dma_wait3A_91, %dma_wait3A_92] : memref<10000x128xf32, #tpu.memory_space<vmem_shared>> -> memref<10000x128xf32, #tpu.memory_space<vmem_shared>>
        tpu.wait_indirect_dma semaphore(%run_scoped3A_81 : memref<!tpu.dma_semaphore, #tpu.memory_space<semaphore_mem>>) src(%arg11 : memref<100x128xf32, #tpu.memory_space<vmem>>) dst(%dma_wait3A_93 : memref<10000x128xf32, #tpu.memory_space<vmem_shared>>)
        tpu.yield
      }) : () -> ()
    }
    %scan3A_21 = arith.constant 50 : i32
    %barrier3A_22 = arith.constant 0 : index
    tpu.barrier barrier_id(%barrier3A_22)
    %mul3A_23 = arith.constant 624 : i32
    %mul3A_24 = arith.muli %arg1, %mul3A_23 : i32
    %multiple_of3A = tpu.assume_multiple %mul3A_24, 8 : i32
    "tpu.region"() ({
      %run_scoped3A = tpu.sem_alloc : memref<!tpu.dma_semaphore, #tpu.memory_space<semaphore_mem>>
      %dma_start3A_30 = arith.constant 0 : i32
      %dma_start3A_31 = tpu.memref_slice %arg6[%arg0, %multiple_of3A, %dma_start3A_30] : memref<2x10000x128xf32, #tpu.memory_space<hbm>> -> memref<1x624x128xf32, #tpu.memory_space<hbm>>
      %dma_start3A_32 = tpu.memref_squeeze %dma_start3A_31 : memref<1x624x128xf32, #tpu.memory_space<hbm>> -> memref<624x128xf32, #tpu.memory_space<hbm>>
      %dma_start3A_33 = arith.constant 0 : i32
      %dma_start3A_34 = tpu.memref_slice %arg12[%multiple_of3A, %dma_start3A_33] : memref<10000x128xf32, #tpu.memory_space<vmem_shared>> -> memref<624x128xf32, #tpu.memory_space<vmem_shared>>
      tpu.enqueue_dma source(%dma_start3A_34 : memref<624x128xf32, #tpu.memory_space<vmem_shared>>) target(%dma_start3A_32 : memref<624x128xf32, #tpu.memory_space<hbm>>) target_semaphore(%run_scoped3A : memref<!tpu.dma_semaphore, #tpu.memory_space<semaphore_mem>>)
      %dma_wait3A = arith.constant 0 : i32
      %dma_wait3A_35 = tpu.memref_slice %arg6[%arg0, %multiple_of3A, %dma_wait3A] : memref<2x10000x128xf32, #tpu.memory_space<hbm>> -> memref<1x624x128xf32, #tpu.memory_space<hbm>>
      %dma_wait3A_36 = tpu.memref_squeeze %dma_wait3A_35 : memref<1x624x128xf32, #tpu.memory_space<hbm>> -> memref<624x128xf32, #tpu.memory_space<hbm>>
      %dma_wait3A_37 = arith.constant 0 : i32
      %dma_wait3A_38 = tpu.memref_slice %arg12[%multiple_of3A, %dma_wait3A_37] : memref<10000x128xf32, #tpu.memory_space<vmem_shared>> -> memref<624x128xf32, #tpu.memory_space<vmem_shared>>
      tpu.wait_dma2 semaphore(%run_scoped3A : memref<!tpu.dma_semaphore, #tpu.memory_space<semaphore_mem>>) src(%dma_wait3A_38 : memref<624x128xf32, #tpu.memory_space<vmem_shared>>) dst(%dma_wait3A_36 : memref<624x128xf32, #tpu.memory_space<hbm>>)
      tpu.yield
    }) : () -> ()
    %eq3A_25 = arith.constant 0 : i32
    %eq3A_26 = arith.cmpi eq, %arg1, %eq3A_25 : i32
    %convert_element_type3A_27 = arith.extui %eq3A_26 : i1 to i32
    %cond3A_28 = arith.constant 0 : i32
    %cond3A_29 = arith.cmpi ne, %convert_element_type3A_27, %cond3A_28 : i32
    scf.if %cond3A_29 {
      "tpu.region"() ({
        %run_scoped3A = tpu.sem_alloc : memref<!tpu.dma_semaphore, #tpu.memory_space<semaphore_mem>>
        %dma_start3A_30 = arith.constant 9984 : i32
        %dma_start3A_31 = arith.constant 0 : i32
        %dma_start3A_32 = tpu.memref_slice %arg6[%arg0, %dma_start3A_30, %dma_start3A_31] : memref<2x10000x128xf32, #tpu.memory_space<hbm>> -> memref<1x16x128xf32, #tpu.memory_space<hbm>>
        %dma_start3A_33 = tpu.memref_squeeze %dma_start3A_32 : memref<1x16x128xf32, #tpu.memory_space<hbm>> -> memref<16x128xf32, #tpu.memory_space<hbm>>
        %dma_start3A_34 = arith.constant 9984 : i32
        %dma_start3A_35 = arith.constant 0 : i32
        %dma_start3A_36 = tpu.memref_slice %arg12[%dma_start3A_34, %dma_start3A_35] : memref<10000x128xf32, #tpu.memory_space<vmem_shared>> -> memref<16x128xf32, #tpu.memory_space<vmem_shared>>
        tpu.enqueue_dma source(%dma_start3A_36 : memref<16x128xf32, #tpu.memory_space<vmem_shared>>) target(%dma_start3A_33 : memref<16x128xf32, #tpu.memory_space<hbm>>) target_semaphore(%run_scoped3A : memref<!tpu.dma_semaphore, #tpu.memory_space<semaphore_mem>>)
        %dma_wait3A = arith.constant 9984 : i32
        %dma_wait3A_37 = arith.constant 0 : i32
        %dma_wait3A_38 = tpu.memref_slice %arg6[%arg0, %dma_wait3A, %dma_wait3A_37] : memref<2x10000x128xf32, #tpu.memory_space<hbm>> -> memref<1x16x128xf32, #tpu.memory_space<hbm>>
        %dma_wait3A_39 = tpu.memref_squeeze %dma_wait3A_38 : memref<1x16x128xf32, #tpu.memory_space<hbm>> -> memref<16x128xf32, #tpu.memory_space<hbm>>
        %dma_wait3A_40 = arith.constant 9984 : i32
        %dma_wait3A_41 = arith.constant 0 : i32
        %dma_wait3A_42 = tpu.memref_slice %arg12[%dma_wait3A_40, %dma_wait3A_41] : memref<10000x128xf32, #tpu.memory_space<vmem_shared>> -> memref<16x128xf32, #tpu.memory_space<vmem_shared>>
        tpu.wait_dma2 semaphore(%run_scoped3A : memref<!tpu.dma_semaphore, #tpu.memory_space<semaphore_mem>>) src(%dma_wait3A_42 : memref<16x128xf32, #tpu.memory_space<vmem_shared>>) dst(%dma_wait3A_39 : memref<16x128xf32, #tpu.memory_space<hbm>>)
        tpu.yield
      }) : () -> ()
    } else {
    }
    return
  }
}

#map = affine_map<(d0, d1) -> (0, 0)>
#map1 = affine_map<(d0, d1) -> (0, 0, 0)>
module attributes {stable_mosaic.version = 14 : i64} {
  func.func @_scatter_body(%arg0: i32, %arg1: i32, %arg2: memref<10000x128xf32, #tpu.memory_space<hbm>>, %arg3: memref<32x100x100xi32, #tpu.memory_space<hbm>>, %arg4: memref<32x100x100xi32, #tpu.memory_space<hbm>>, %arg5: memref<10000x128xf32, #tpu.memory_space<hbm>>, %arg6: memref<2x10000x128xf32, #tpu.memory_space<hbm>>, %arg7: memref<100x100xi32, #tpu.memory_space<vmem>>, %arg8: memref<1x100xi32, #tpu.memory_space<vmem>>, %arg9: memref<1x100xi32, #tpu.memory_space<vmem>>, %arg10: memref<100x128xf32, #tpu.memory_space<vmem>>, %arg11: memref<100x128xf32, #tpu.memory_space<vmem>>, %arg12: memref<10000x128xf32, #tpu.memory_space<vmem_shared>>, %arg13: memref<!tpu.dma_semaphore, #tpu.memory_space<semaphore_mem>>, %arg14: memref<!tpu.dma_semaphore, #tpu.memory_space<semaphore_mem>>, %arg15: memref<!tpu.dma_semaphore, #tpu.memory_space<semaphore_mem>>, %arg16: memref<!tpu.dma_semaphore, #tpu.memory_space<semaphore_mem>>) attributes {dimension_semantics = [#tpu.dimension_semantics<core_parallel>, #tpu.dimension_semantics<subcore_parallel>], iteration_bounds = array<i64: 2, 16>, scalar_prefetch = 0 : i64, scratch_operands = 10 : i64, tpu.core_type = #tpu.core_type<sc_vector_subcore>, window_params = [{transform_indices = #map}, {transform_indices = #map1}, {transform_indices = #map1}, {transform_indices = #map}, {transform_indices = #map1}]} {
    %mul3A = arith.constant 2 : i32
    %mul3A_0 = arith.muli %arg1, %mul3A : i32
    %add3A = arith.addi %mul3A_0, %arg0 : i32
    %eq3A = arith.constant 0 : i32
    %eq3A_1 = arith.cmpi eq, %arg1, %eq3A : i32
    %convert_element_type3A = arith.extui %eq3A_1 : i1 to i32
    %cond3A = arith.constant 0 : i32
    %cond3A_2 = arith.cmpi ne, %convert_element_type3A, %cond3A : i32
    scf.if %cond3A_2 {
      "tpu.region"() ({
        %run_scoped3A = tpu.sem_alloc : memref<!tpu.dma_semaphore, #tpu.memory_space<semaphore_mem>>
        tpu.enqueue_dma source(%arg5 : memref<10000x128xf32, #tpu.memory_space<hbm>>) target(%arg12 : memref<10000x128xf32, #tpu.memory_space<vmem_shared>>) target_semaphore(%run_scoped3A : memref<!tpu.dma_semaphore, #tpu.memory_space<semaphore_mem>>)
        tpu.wait_dma2 semaphore(%run_scoped3A : memref<!tpu.dma_semaphore, #tpu.memory_space<semaphore_mem>>) src(%arg5 : memref<10000x128xf32, #tpu.memory_space<hbm>>) dst(%arg12 : memref<10000x128xf32, #tpu.memory_space<vmem_shared>>)
        tpu.yield
      }) : () -> ()
    } else {
    }
    "tpu.region"() ({
      %run_scoped3A = tpu.sem_alloc : memref<!tpu.dma_semaphore, #tpu.memory_space<semaphore_mem>>
      %dma_start3A_30 = arith.constant 0 : i32
      %dma_start3A_31 = arith.constant 0 : i32
      %dma_start3A_32 = tpu.memref_slice %arg3[%add3A, %dma_start3A_30, %dma_start3A_31] : memref<32x100x100xi32, #tpu.memory_space<hbm>> -> memref<1x100x100xi32, #tpu.memory_space<hbm>>
      %dma_start3A_33 = tpu.memref_squeeze %dma_start3A_32 : memref<1x100x100xi32, #tpu.memory_space<hbm>> -> memref<100x100xi32, #tpu.memory_space<hbm>>
      %dma_start3A_34 = arith.constant 0 : i32
      %dma_start3A_35 = arith.constant 0 : i32
      %dma_start3A_36 = tpu.memref_slice %arg3[%add3A, %dma_start3A_34, %dma_start3A_35] : memref<32x100x100xi32, #tpu.memory_space<hbm>> -> memref<1x100x100xi32, #tpu.memory_space<hbm>>
      %dma_start3A_37 = tpu.memref_squeeze %dma_start3A_36 : memref<1x100x100xi32, #tpu.memory_space<hbm>> -> memref<100x100xi32, #tpu.memory_space<hbm>>
      tpu.enqueue_dma source(%dma_start3A_37 : memref<100x100xi32, #tpu.memory_space<hbm>>) target(%arg7 : memref<100x100xi32, #tpu.memory_space<vmem>>) target_semaphore(%run_scoped3A : memref<!tpu.dma_semaphore, #tpu.memory_space<semaphore_mem>>)
      %dma_wait3A = arith.constant 0 : i32
      %dma_wait3A_38 = arith.constant 0 : i32
      %dma_wait3A_39 = tpu.memref_slice %arg3[%add3A, %dma_wait3A, %dma_wait3A_38] : memref<32x100x100xi32, #tpu.memory_space<hbm>> -> memref<1x100x100xi32, #tpu.memory_space<hbm>>
      %dma_wait3A_40 = tpu.memref_squeeze %dma_wait3A_39 : memref<1x100x100xi32, #tpu.memory_space<hbm>> -> memref<100x100xi32, #tpu.memory_space<hbm>>
      %dma_wait3A_41 = arith.constant 0 : i32
      %dma_wait3A_42 = arith.constant 0 : i32
      %dma_wait3A_43 = tpu.memref_slice %arg3[%add3A, %dma_wait3A_41, %dma_wait3A_42] : memref<32x100x100xi32, #tpu.memory_space<hbm>> -> memref<1x100x100xi32, #tpu.memory_space<hbm>>
      %dma_wait3A_44 = tpu.memref_squeeze %dma_wait3A_43 : memref<1x100x100xi32, #tpu.memory_space<hbm>> -> memref<100x100xi32, #tpu.memory_space<hbm>>
      tpu.wait_dma2 semaphore(%run_scoped3A : memref<!tpu.dma_semaphore, #tpu.memory_space<semaphore_mem>>) src(%dma_wait3A_44 : memref<100x100xi32, #tpu.memory_space<hbm>>) dst(%arg7 : memref<100x100xi32, #tpu.memory_space<vmem>>)
      tpu.yield
    }) : () -> ()
    %barrier3A = arith.constant 0 : index
    tpu.barrier barrier_id(%barrier3A)
    %dma_start3A = arith.constant 0 : i32
    %dma_start3A_3 = arith.constant 0 : i32
    %dma_start3A_4 = tpu.memref_slice %arg7[%dma_start3A, %dma_start3A_3] : memref<100x100xi32, #tpu.memory_space<vmem>> -> memref<1x100xi32, #tpu.memory_space<vmem>>
    %dma_start3A_5 = tpu.memref_squeeze %dma_start3A_4 : memref<1x100xi32, #tpu.memory_space<vmem>> -> memref<100xi32, #tpu.memory_space<vmem>>
    %dma_start3A_6 = arith.constant 0 : i32
    %dma_start3A_7 = arith.constant 0 : i32
    %dma_start3A_8 = tpu.memref_slice %arg2[%dma_start3A_6, %dma_start3A_7] : memref<10000x128xf32, #tpu.memory_space<hbm>> -> memref<10000x128xf32, #tpu.memory_space<hbm>>
    tpu.enqueue_indirect_dma source(%dma_start3A_8 : memref<10000x128xf32, #tpu.memory_space<hbm>>) target(%arg10 : memref<100x128xf32, #tpu.memory_space<vmem>>) offsets(%dma_start3A_5 : memref<100xi32, #tpu.memory_space<vmem>>) semaphore(%arg13 : memref<!tpu.dma_semaphore, #tpu.memory_space<semaphore_mem>>)
    %dma_start3A_9 = arith.constant 0 : i32
    %dma_start3A_10 = arith.constant 0 : i32
    %dma_start3A_11 = tpu.memref_slice %arg4[%add3A, %dma_start3A_9, %dma_start3A_10] : memref<32x100x100xi32, #tpu.memory_space<hbm>> -> memref<1x1x100xi32, #tpu.memory_space<hbm>>
    %dma_start3A_12 = tpu.memref_squeeze %dma_start3A_11 : memref<1x1x100xi32, #tpu.memory_space<hbm>> -> memref<1x100xi32, #tpu.memory_space<hbm>>
    %dma_start3A_13 = arith.constant 0 : i32
    %dma_start3A_14 = arith.constant 0 : i32
    %dma_start3A_15 = tpu.memref_slice %arg4[%add3A, %dma_start3A_13, %dma_start3A_14] : memref<32x100x100xi32, #tpu.memory_space<hbm>> -> memref<1x1x100xi32, #tpu.memory_space<hbm>>
    %dma_start3A_16 = tpu.memref_squeeze %dma_start3A_15 : memref<1x1x100xi32, #tpu.memory_space<hbm>> -> memref<1x100xi32, #tpu.memory_space<hbm>>
    tpu.enqueue_dma source(%dma_start3A_16 : memref<1x100xi32, #tpu.memory_space<hbm>>) target(%arg8 : memref<1x100xi32, #tpu.memory_space<vmem>>) target_semaphore(%arg15 : memref<!tpu.dma_semaphore, #tpu.memory_space<semaphore_mem>>)
    %scan3A = arith.constant 0 : i32
    %scan3A_17 = arith.constant 0 : i32
    %scan3A_18 = arith.constant 50 : i32
    %scan3A_19 = arith.addi %scan3A_17, %scan3A_18 : i32
    %scan3A_20 = arith.constant 1 : i32
    scf.for %scan3A_30 = %scan3A_17 to %scan3A_19 step %scan3A_20  : i32 {
      %mul3A_31 = arith.constant 2 : i32
      %mul3A_32 = arith.muli %mul3A_31, %scan3A_30 : i32
      %add3A_33 = arith.constant 1 : i32
      %add3A_34 = arith.addi %mul3A_32, %add3A_33 : i32
      %dma_start3A_35 = arith.constant 0 : i32
      %dma_start3A_36 = tpu.memref_slice %arg7[%add3A_34, %dma_start3A_35] : memref<100x100xi32, #tpu.memory_space<vmem>> -> memref<1x100xi32, #tpu.memory_space<vmem>>
      %dma_start3A_37 = tpu.memref_squeeze %dma_start3A_36 : memref<1x100xi32, #tpu.memory_space<vmem>> -> memref<100xi32, #tpu.memory_space<vmem>>
      %dma_start3A_38 = arith.constant 0 : i32
      %dma_start3A_39 = arith.constant 0 : i32
      %dma_start3A_40 = tpu.memref_slice %arg2[%dma_start3A_38, %dma_start3A_39] : memref<10000x128xf32, #tpu.memory_space<hbm>> -> memref<10000x128xf32, #tpu.memory_space<hbm>>
      tpu.enqueue_indirect_dma source(%dma_start3A_40 : memref<10000x128xf32, #tpu.memory_space<hbm>>) target(%arg11 : memref<100x128xf32, #tpu.memory_space<vmem>>) offsets(%dma_start3A_37 : memref<100xi32, #tpu.memory_space<vmem>>) semaphore(%arg14 : memref<!tpu.dma_semaphore, #tpu.memory_space<semaphore_mem>>)
      %add3A_41 = arith.constant 1 : i32
      %add3A_42 = arith.addi %mul3A_32, %add3A_41 : i32
      %dma_start3A_43 = arith.constant 0 : i32
      %dma_start3A_44 = tpu.memref_slice %arg4[%add3A, %add3A_42, %dma_start3A_43] : memref<32x100x100xi32, #tpu.memory_space<hbm>> -> memref<1x1x100xi32, #tpu.memory_space<hbm>>
      %dma_start3A_45 = tpu.memref_squeeze %dma_start3A_44 : memref<1x1x100xi32, #tpu.memory_space<hbm>> -> memref<1x100xi32, #tpu.memory_space<hbm>>
      %dma_start3A_46 = arith.constant 0 : i32
      %dma_start3A_47 = tpu.memref_slice %arg4[%add3A, %add3A_42, %dma_start3A_46] : memref<32x100x100xi32, #tpu.memory_space<hbm>> -> memref<1x1x100xi32, #tpu.memory_space<hbm>>
      %dma_start3A_48 = tpu.memref_squeeze %dma_start3A_47 : memref<1x1x100xi32, #tpu.memory_space<hbm>> -> memref<1x100xi32, #tpu.memory_space<hbm>>
      tpu.enqueue_dma source(%dma_start3A_48 : memref<1x100xi32, #tpu.memory_space<hbm>>) target(%arg9 : memref<1x100xi32, #tpu.memory_space<vmem>>) target_semaphore(%arg16 : memref<!tpu.dma_semaphore, #tpu.memory_space<semaphore_mem>>)
      %dma_wait3A = arith.constant 0 : i32
      %dma_wait3A_49 = tpu.memref_slice %arg7[%mul3A_32, %dma_wait3A] : memref<100x100xi32, #tpu.memory_space<vmem>> -> memref<1x100xi32, #tpu.memory_space<vmem>>
      %dma_wait3A_50 = tpu.memref_squeeze %dma_wait3A_49 : memref<1x100xi32, #tpu.memory_space<vmem>> -> memref<100xi32, #tpu.memory_space<vmem>>
      %dma_wait3A_51 = arith.constant 0 : i32
      %dma_wait3A_52 = arith.constant 0 : i32
      %dma_wait3A_53 = tpu.memref_slice %arg2[%dma_wait3A_51, %dma_wait3A_52] : memref<10000x128xf32, #tpu.memory_space<hbm>> -> memref<10000x128xf32, #tpu.memory_space<hbm>>
      tpu.wait_indirect_dma semaphore(%arg13 : memref<!tpu.dma_semaphore, #tpu.memory_space<semaphore_mem>>) src(%dma_wait3A_53 : memref<10000x128xf32, #tpu.memory_space<hbm>>) dst(%arg10 : memref<100x128xf32, #tpu.memory_space<vmem>>)
      %dma_wait3A_54 = arith.constant 0 : i32
      %dma_wait3A_55 = tpu.memref_slice %arg4[%add3A, %mul3A_32, %dma_wait3A_54] : memref<32x100x100xi32, #tpu.memory_space<hbm>> -> memref<1x1x100xi32, #tpu.memory_space<hbm>>
      %dma_wait3A_56 = tpu.memref_squeeze %dma_wait3A_55 : memref<1x1x100xi32, #tpu.memory_space<hbm>> -> memref<1x100xi32, #tpu.memory_space<hbm>>
      %dma_wait3A_57 = arith.constant 0 : i32
      %dma_wait3A_58 = tpu.memref_slice %arg4[%add3A, %mul3A_32, %dma_wait3A_57] : memref<32x100x100xi32, #tpu.memory_space<hbm>> -> memref<1x1x100xi32, #tpu.memory_space<hbm>>
      %dma_wait3A_59 = tpu.memref_squeeze %dma_wait3A_58 : memref<1x1x100xi32, #tpu.memory_space<hbm>> -> memref<1x100xi32, #tpu.memory_space<hbm>>
      tpu.wait_dma2 semaphore(%arg15 : memref<!tpu.dma_semaphore, #tpu.memory_space<semaphore_mem>>) src(%dma_wait3A_59 : memref<1x100xi32, #tpu.memory_space<hbm>>) dst(%arg8 : memref<1x100xi32, #tpu.memory_space<vmem>>)
      %run_scoped3A = arith.constant 0 : i32
      "tpu.region"() ({
        %run_scoped3A_81 = tpu.sem_alloc : memref<!tpu.dma_semaphore, #tpu.memory_space<semaphore_mem>>
        %dma_start3A_82 = arith.constant 0 : i32
        %dma_start3A_83 = tpu.memref_slice %arg8[%run_scoped3A, %dma_start3A_82] : memref<1x100xi32, #tpu.memory_space<vmem>> -> memref<1x100xi32, #tpu.memory_space<vmem>>
        %dma_start3A_84 = tpu.memref_squeeze %dma_start3A_83 : memref<1x100xi32, #tpu.memory_space<vmem>> -> memref<100xi32, #tpu.memory_space<vmem>>
        %dma_start3A_85 = arith.constant 0 : i32
        %dma_start3A_86 = arith.constant 0 : i32
        %dma_start3A_87 = tpu.memref_slice %arg12[%dma_start3A_85, %dma_start3A_86] : memref<10000x128xf32, #tpu.memory_space<vmem_shared>> -> memref<10000x128xf32, #tpu.memory_space<vmem_shared>>
        tpu.enqueue_indirect_dma source(%arg10 : memref<100x128xf32, #tpu.memory_space<vmem>>) target(%dma_start3A_87 : memref<10000x128xf32, #tpu.memory_space<vmem_shared>>) offsets(%dma_start3A_84 : memref<100xi32, #tpu.memory_space<vmem>>) semaphore(%run_scoped3A_81 : memref<!tpu.dma_semaphore, #tpu.memory_space<semaphore_mem>>) {add = true}
        %dma_wait3A_88 = arith.constant 0 : i32
        %dma_wait3A_89 = tpu.memref_slice %arg8[%run_scoped3A, %dma_wait3A_88] : memref<1x100xi32, #tpu.memory_space<vmem>> -> memref<1x100xi32, #tpu.memory_space<vmem>>
        %dma_wait3A_90 = tpu.memref_squeeze %dma_wait3A_89 : memref<1x100xi32, #tpu.memory_space<vmem>> -> memref<100xi32, #tpu.memory_space<vmem>>
        %dma_wait3A_91 = arith.constant 0 : i32
        %dma_wait3A_92 = arith.constant 0 : i32
        %dma_wait3A_93 = tpu.memref_slice %arg12[%dma_wait3A_91, %dma_wait3A_92] : memref<10000x128xf32, #tpu.memory_space<vmem_shared>> -> memref<10000x128xf32, #tpu.memory_space<vmem_shared>>
        tpu.wait_indirect_dma semaphore(%run_scoped3A_81 : memref<!tpu.dma_semaphore, #tpu.memory_space<semaphore_mem>>) src(%arg10 : memref<100x128xf32, #tpu.memory_space<vmem>>) dst(%dma_wait3A_93 : memref<10000x128xf32, #tpu.memory_space<vmem_shared>>)
        tpu.yield
      }) : () -> ()
      %lt3A = arith.constant 49 : i32
      %lt3A_60 = arith.cmpi slt, %scan3A_30, %lt3A : i32
      %convert_element_type3A_61 = arith.extui %lt3A_60 : i1 to i32
      %cond3A_62 = arith.constant 0 : i32
      %cond3A_63 = arith.cmpi ne, %convert_element_type3A_61, %cond3A_62 : i32
      scf.if %cond3A_63 {
        %add3A_81 = arith.constant 2 : i32
        %add3A_82 = arith.addi %mul3A_32, %add3A_81 : i32
        %dma_start3A_83 = arith.constant 0 : i32
        %dma_start3A_84 = tpu.memref_slice %arg7[%add3A_82, %dma_start3A_83] : memref<100x100xi32, #tpu.memory_space<vmem>> -> memref<1x100xi32, #tpu.memory_space<vmem>>
        %dma_start3A_85 = tpu.memref_squeeze %dma_start3A_84 : memref<1x100xi32, #tpu.memory_space<vmem>> -> memref<100xi32, #tpu.memory_space<vmem>>
        %dma_start3A_86 = arith.constant 0 : i32
        %dma_start3A_87 = arith.constant 0 : i32
        %dma_start3A_88 = tpu.memref_slice %arg2[%dma_start3A_86, %dma_start3A_87] : memref<10000x128xf32, #tpu.memory_space<hbm>> -> memref<10000x128xf32, #tpu.memory_space<hbm>>
        tpu.enqueue_indirect_dma source(%dma_start3A_88 : memref<10000x128xf32, #tpu.memory_space<hbm>>) target(%arg10 : memref<100x128xf32, #tpu.memory_space<vmem>>) offsets(%dma_start3A_85 : memref<100xi32, #tpu.memory_space<vmem>>) semaphore(%arg13 : memref<!tpu.dma_semaphore, #tpu.memory_space<semaphore_mem>>)
        %add3A_89 = arith.constant 2 : i32
        %add3A_90 = arith.addi %mul3A_32, %add3A_89 : i32
        %dma_start3A_91 = arith.constant 0 : i32
        %dma_start3A_92 = tpu.memref_slice %arg4[%add3A, %add3A_90, %dma_start3A_91] : memref<32x100x100xi32, #tpu.memory_space<hbm>> -> memref<1x1x100xi32, #tpu.memory_space<hbm>>
        %dma_start3A_93 = tpu.memref_squeeze %dma_start3A_92 : memref<1x1x100xi32, #tpu.memory_space<hbm>> -> memref<1x100xi32, #tpu.memory_space<hbm>>
        %dma_start3A_94 = arith.constant 0 : i32
        %dma_start3A_95 = tpu.memref_slice %arg4[%add3A, %add3A_90, %dma_start3A_94] : memref<32x100x100xi32, #tpu.memory_space<hbm>> -> memref<1x1x100xi32, #tpu.memory_space<hbm>>
        %dma_start3A_96 = tpu.memref_squeeze %dma_start3A_95 : memref<1x1x100xi32, #tpu.memory_space<hbm>> -> memref<1x100xi32, #tpu.memory_space<hbm>>
        tpu.enqueue_dma source(%dma_start3A_96 : memref<1x100xi32, #tpu.memory_space<hbm>>) target(%arg8 : memref<1x100xi32, #tpu.memory_space<vmem>>) target_semaphore(%arg15 : memref<!tpu.dma_semaphore, #tpu.memory_space<semaphore_mem>>)
      } else {
      }
      %add3A_64 = arith.constant 1 : i32
      %add3A_65 = arith.addi %mul3A_32, %add3A_64 : i32
      %dma_wait3A_66 = arith.constant 0 : i32
      %dma_wait3A_67 = tpu.memref_slice %arg7[%add3A_65, %dma_wait3A_66] : memref<100x100xi32, #tpu.memory_space<vmem>> -> memref<1x100xi32, #tpu.memory_space<vmem>>
      %dma_wait3A_68 = tpu.memref_squeeze %dma_wait3A_67 : memref<1x100xi32, #tpu.memory_space<vmem>> -> memref<100xi32, #tpu.memory_space<vmem>>
      %dma_wait3A_69 = arith.constant 0 : i32
      %dma_wait3A_70 = arith.constant 0 : i32
      %dma_wait3A_71 = tpu.memref_slice %arg2[%dma_wait3A_69, %dma_wait3A_70] : memref<10000x128xf32, #tpu.memory_space<hbm>> -> memref<10000x128xf32, #tpu.memory_space<hbm>>
      tpu.wait_indirect_dma semaphore(%arg14 : memref<!tpu.dma_semaphore, #tpu.memory_space<semaphore_mem>>) src(%dma_wait3A_71 : memref<10000x128xf32, #tpu.memory_space<hbm>>) dst(%arg11 : memref<100x128xf32, #tpu.memory_space<vmem>>)
      %add3A_72 = arith.constant 1 : i32
      %add3A_73 = arith.addi %mul3A_32, %add3A_72 : i32
      %dma_wait3A_74 = arith.constant 0 : i32
      %dma_wait3A_75 = tpu.memref_slice %arg4[%add3A, %add3A_73, %dma_wait3A_74] : memref<32x100x100xi32, #tpu.memory_space<hbm>> -> memref<1x1x100xi32, #tpu.memory_space<hbm>>
      %dma_wait3A_76 = tpu.memref_squeeze %dma_wait3A_75 : memref<1x1x100xi32, #tpu.memory_space<hbm>> -> memref<1x100xi32, #tpu.memory_space<hbm>>
      %dma_wait3A_77 = arith.constant 0 : i32
      %dma_wait3A_78 = tpu.memref_slice %arg4[%add3A, %add3A_73, %dma_wait3A_77] : memref<32x100x100xi32, #tpu.memory_space<hbm>> -> memref<1x1x100xi32, #tpu.memory_space<hbm>>
      %dma_wait3A_79 = tpu.memref_squeeze %dma_wait3A_78 : memref<1x1x100xi32, #tpu.memory_space<hbm>> -> memref<1x100xi32, #tpu.memory_space<hbm>>
      tpu.wait_dma2 semaphore(%arg16 : memref<!tpu.dma_semaphore, #tpu.memory_space<semaphore_mem>>) src(%dma_wait3A_79 : memref<1x100xi32, #tpu.memory_space<hbm>>) dst(%arg9 : memref<1x100xi32, #tpu.memory_space<vmem>>)
      %run_scoped3A_80 = arith.constant 0 : i32
      "tpu.region"() ({
        %run_scoped3A_81 = tpu.sem_alloc : memref<!tpu.dma_semaphore, #tpu.memory_space<semaphore_mem>>
        %dma_start3A_82 = arith.constant 0 : i32
        %dma_start3A_83 = tpu.memref_slice %arg9[%run_scoped3A_80, %dma_start3A_82] : memref<1x100xi32, #tpu.memory_space<vmem>> -> memref<1x100xi32, #tpu.memory_space<vmem>>
        %dma_start3A_84 = tpu.memref_squeeze %dma_start3A_83 : memref<1x100xi32, #tpu.memory_space<vmem>> -> memref<100xi32, #tpu.memory_space<vmem>>
        %dma_start3A_85 = arith.constant 0 : i32
        %dma_start3A_86 = arith.constant 0 : i32
        %dma_start3A_87 = tpu.memref_slice %arg12[%dma_start3A_85, %dma_start3A_86] : memref<10000x128xf32, #tpu.memory_space<vmem_shared>> -> memref<10000x128xf32, #tpu.memory_space<vmem_shared>>
        tpu.enqueue_indirect_dma source(%arg11 : memref<100x128xf32, #tpu.memory_space<vmem>>) target(%dma_start3A_87 : memref<10000x128xf32, #tpu.memory_space<vmem_shared>>) offsets(%dma_start3A_84 : memref<100xi32, #tpu.memory_space<vmem>>) semaphore(%run_scoped3A_81 : memref<!tpu.dma_semaphore, #tpu.memory_space<semaphore_mem>>) {add = true}
        %dma_wait3A_88 = arith.constant 0 : i32
        %dma_wait3A_89 = tpu.memref_slice %arg9[%run_scoped3A_80, %dma_wait3A_88] : memref<1x100xi32, #tpu.memory_space<vmem>> -> memref<1x100xi32, #tpu.memory_space<vmem>>
        %dma_wait3A_90 = tpu.memref_squeeze %dma_wait3A_89 : memref<1x100xi32, #tpu.memory_space<vmem>> -> memref<100xi32, #tpu.memory_space<vmem>>
        %dma_wait3A_91 = arith.constant 0 : i32
        %dma_wait3A_92 = arith.constant 0 : i32
        %dma_wait3A_93 = tpu.memref_slice %arg12[%dma_wait3A_91, %dma_wait3A_92] : memref<10000x128xf32, #tpu.memory_space<vmem_shared>> -> memref<10000x128xf32, #tpu.memory_space<vmem_shared>>
        tpu.wait_indirect_dma semaphore(%run_scoped3A_81 : memref<!tpu.dma_semaphore, #tpu.memory_space<semaphore_mem>>) src(%arg11 : memref<100x128xf32, #tpu.memory_space<vmem>>) dst(%dma_wait3A_93 : memref<10000x128xf32, #tpu.memory_space<vmem_shared>>)
        tpu.yield
      }) : () -> ()
    }
    %scan3A_21 = arith.constant 50 : i32
    %barrier3A_22 = arith.constant 0 : index
    tpu.barrier barrier_id(%barrier3A_22)
    %mul3A_23 = arith.constant 624 : i32
    %mul3A_24 = arith.muli %arg1, %mul3A_23 : i32
    %multiple_of3A = tpu.assume_multiple %mul3A_24, 8 : i32
    "tpu.region"() ({
      %run_scoped3A = tpu.sem_alloc : memref<!tpu.dma_semaphore, #tpu.memory_space<semaphore_mem>>
      %dma_start3A_30 = arith.constant 0 : i32
      %dma_start3A_31 = tpu.memref_slice %arg6[%arg0, %multiple_of3A, %dma_start3A_30] : memref<2x10000x128xf32, #tpu.memory_space<hbm>> -> memref<1x624x128xf32, #tpu.memory_space<hbm>>
      %dma_start3A_32 = tpu.memref_squeeze %dma_start3A_31 : memref<1x624x128xf32, #tpu.memory_space<hbm>> -> memref<624x128xf32, #tpu.memory_space<hbm>>
      %dma_start3A_33 = arith.constant 0 : i32
      %dma_start3A_34 = tpu.memref_slice %arg12[%multiple_of3A, %dma_start3A_33] : memref<10000x128xf32, #tpu.memory_space<vmem_shared>> -> memref<624x128xf32, #tpu.memory_space<vmem_shared>>
      tpu.enqueue_dma source(%dma_start3A_34 : memref<624x128xf32, #tpu.memory_space<vmem_shared>>) target(%dma_start3A_32 : memref<624x128xf32, #tpu.memory_space<hbm>>) target_semaphore(%run_scoped3A : memref<!tpu.dma_semaphore, #tpu.memory_space<semaphore_mem>>)
      %dma_wait3A = arith.constant 0 : i32
      %dma_wait3A_35 = tpu.memref_slice %arg6[%arg0, %multiple_of3A, %dma_wait3A] : memref<2x10000x128xf32, #tpu.memory_space<hbm>> -> memref<1x624x128xf32, #tpu.memory_space<hbm>>
      %dma_wait3A_36 = tpu.memref_squeeze %dma_wait3A_35 : memref<1x624x128xf32, #tpu.memory_space<hbm>> -> memref<624x128xf32, #tpu.memory_space<hbm>>
      %dma_wait3A_37 = arith.constant 0 : i32
      %dma_wait3A_38 = tpu.memref_slice %arg12[%multiple_of3A, %dma_wait3A_37] : memref<10000x128xf32, #tpu.memory_space<vmem_shared>> -> memref<624x128xf32, #tpu.memory_space<vmem_shared>>
      tpu.wait_dma2 semaphore(%run_scoped3A : memref<!tpu.dma_semaphore, #tpu.memory_space<semaphore_mem>>) src(%dma_wait3A_38 : memref<624x128xf32, #tpu.memory_space<vmem_shared>>) dst(%dma_wait3A_36 : memref<624x128xf32, #tpu.memory_space<hbm>>)
      tpu.yield
    }) : () -> ()
    %eq3A_25 = arith.constant 0 : i32
    %eq3A_26 = arith.cmpi eq, %arg1, %eq3A_25 : i32
    %convert_element_type3A_27 = arith.extui %eq3A_26 : i1 to i32
    %cond3A_28 = arith.constant 0 : i32
    %cond3A_29 = arith.cmpi ne, %convert_element_type3A_27, %cond3A_28 : i32
    scf.if %cond3A_29 {
      "tpu.region"() ({
        %run_scoped3A = tpu.sem_alloc : memref<!tpu.dma_semaphore, #tpu.memory_space<semaphore_mem>>
        %dma_start3A_30 = arith.constant 9984 : i32
        %dma_start3A_31 = arith.constant 0 : i32
        %dma_start3A_32 = tpu.memref_slice %arg6[%arg0, %dma_start3A_30, %dma_start3A_31] : memref<2x10000x128xf32, #tpu.memory_space<hbm>> -> memref<1x16x128xf32, #tpu.memory_space<hbm>>
        %dma_start3A_33 = tpu.memref_squeeze %dma_start3A_32 : memref<1x16x128xf32, #tpu.memory_space<hbm>> -> memref<16x128xf32, #tpu.memory_space<hbm>>
        %dma_start3A_34 = arith.constant 9984 : i32
        %dma_start3A_35 = arith.constant 0 : i32
        %dma_start3A_36 = tpu.memref_slice %arg12[%dma_start3A_34, %dma_start3A_35] : memref<10000x128xf32, #tpu.memory_space<vmem_shared>> -> memref<16x128xf32, #tpu.memory_space<vmem_shared>>
        tpu.enqueue_dma source(%dma_start3A_36 : memref<16x128xf32, #tpu.memory_space<vmem_shared>>) target(%dma_start3A_33 : memref<16x128xf32, #tpu.memory_space<hbm>>) target_semaphore(%run_scoped3A : memref<!tpu.dma_semaphore, #tpu.memory_space<semaphore_mem>>)
        %dma_wait3A = arith.constant 9984 : i32
        %dma_wait3A_37 = arith.constant 0 : i32
        %dma_wait3A_38 = tpu.memref_slice %arg6[%arg0, %dma_wait3A, %dma_wait3A_37] : memref<2x10000x128xf32, #tpu.memory_space<hbm>> -> memref<1x16x128xf32, #tpu.memory_space<hbm>>
        %dma_wait3A_39 = tpu.memref_squeeze %dma_wait3A_38 : memref<1x16x128xf32, #tpu.memory_space<hbm>> -> memref<16x128xf32, #tpu.memory_space<hbm>>
        %dma_wait3A_40 = arith.constant 9984 : i32
        %dma_wait3A_41 = arith.constant 0 : i32
        %dma_wait3A_42 = tpu.memref_slice %arg12[%dma_wait3A_40, %dma_wait3A_41] : memref<10000x128xf32, #tpu.memory_space<vmem_shared>> -> memref<16x128xf32, #tpu.memory_space<vmem_shared>>
        tpu.wait_dma2 semaphore(%run_scoped3A : memref<!tpu.dma_semaphore, #tpu.memory_space<semaphore_mem>>) src(%dma_wait3A_42 : memref<16x128xf32, #tpu.memory_space<vmem_shared>>) dst(%dma_wait3A_39 : memref<16x128xf32, #tpu.memory_space<hbm>>)
        tpu.yield
      }) : () -> ()
    } else {
    }
    return
  }
}

module attributes {stable_mosaic.version = 14 : i64} {
  func.func @_init_body(%arg0: i32, %arg1: memref<2000x96xf32, #tpu.memory_space<vmem>>, %arg2: memref<2000x1xi32, #tpu.memory_space<vmem>>, %arg3: memref<2000x16xf32, #tpu.memory_space<vmem>>, %arg4: memref<2x2000x16xf32, #tpu.memory_space<vmem>>, %arg5: memref<16x16xf32, #tpu.memory_space<vmem>>, %arg6: memref<128x128xf32, #tpu.memory_space<vmem>>, %arg7: memref<1x128xf32, #tpu.memory_space<vmem>>, %arg8: memref<128x128xf32, #tpu.memory_space<vmem>>, %arg9: memref<2000x128xf32, #tpu.memory_space<vmem>>, %arg10: memref<2000x128xf32, #tpu.memory_space<vmem>>) attributes {dimension_semantics = [#tpu.dimension_semantics<arbitrary>], iteration_bounds = array<i64: 5>, scalar_prefetch = 0 : i64, scratch_operands = 0 : i64, tpu.core_type = #tpu.core_type<tc>, window_params = [{transform_indices = @transform_0, window_bounds = array<i64: 2000, 96>}, {transform_indices = @transform_1, window_bounds = array<i64: 2000, 1>}, {transform_indices = @transform_2, window_bounds = array<i64: 2000, 16>}, {transform_indices = @transform_3, window_bounds = array<i64: 2, 2000, 16>}, {pipeline_mode = #tpu.pipeline_mode<synchronous>, transform_indices = @transform_4, window_bounds = array<i64: 16, 16>}, {pipeline_mode = #tpu.pipeline_mode<synchronous>, transform_indices = @transform_5, window_bounds = array<i64: 128, 128>}, {pipeline_mode = #tpu.pipeline_mode<synchronous>, transform_indices = @transform_6, window_bounds = array<i64: 1, 128>}, {pipeline_mode = #tpu.pipeline_mode<synchronous>, transform_indices = @transform_7, window_bounds = array<i64: 128, 128>}, {transform_indices = @transform_8, window_bounds = array<i64: 2000, 128>}, {transform_indices = @transform_9, window_bounds = array<i64: 2000, 128>}]} {
    %get3A = arith.constant 0 : index
    %get3A_0 = arith.constant 0 : index
    %get3A_1 = arith.constant 0 : index
    %get3A_2 = vector.load %arg4[%get3A, %get3A_0, %get3A_1] : memref<2x2000x16xf32, #tpu.memory_space<vmem>>, vector<2x2000x16xf32>
    %slice3A = vector.extract_strided_slice %get3A_2 {offsets = [0, 0, 0], sizes = [1, 2000, 1], strides = [1, 1, 1]} : vector<2x2000x16xf32> to vector<1x2000x1xf32>
    %squeeze3A = vector.shape_cast %slice3A : vector<1x2000x1xf32> to vector<2000xf32>
    %slice3A_3 = vector.extract_strided_slice %get3A_2 {offsets = [1, 0, 0], sizes = [1, 2000, 1], strides = [1, 1, 1]} : vector<2x2000x16xf32> to vector<1x2000x1xf32>
    %squeeze3A_4 = vector.shape_cast %slice3A_3 : vector<1x2000x1xf32> to vector<2000xf32>
    %add3A = arith.addf %squeeze3A, %squeeze3A_4 : vector<2000xf32>
    %add3A_5 = arith.constant 1.000000e+00 : f32
    %add3A_6 = vector.broadcast %add3A_5 : f32 to vector<2000xf32>
    %add3A_7 = arith.addf %add3A, %add3A_6 : vector<2000xf32>
    %rsqrt3A = math.rsqrt %add3A_7 : vector<2000xf32>
    %iota3A = tpu.iota {dimensions = array<i32: 1>} : vector<1x16xi32>
    %get3A_8 = arith.constant 0 : index
    %get3A_9 = arith.constant 0 : index
    %get3A_10 = vector.load %arg2[%get3A_8, %get3A_9] : memref<2000x1xi32, #tpu.memory_space<vmem>>, vector<2000x1xi32>
    %eq3A = vector.broadcast %get3A_10 : vector<2000x1xi32> to vector<2000x16xi32>
    %eq3A_11 = vector.broadcast %iota3A : vector<1x16xi32> to vector<2000x16xi32>
    %eq3A_12 = arith.cmpi eq, %eq3A, %eq3A_11 : vector<2000x16xi32>
    %convert_element_type3A = arith.extui %eq3A_12 : vector<2000x16xi1> to vector<2000x16xi32>
    %convert_element_type3A_13 = arith.sitofp %convert_element_type3A : vector<2000x16xi32> to vector<2000x16xf32>
    %get3A_14 = arith.constant 0 : index
    %get3A_15 = arith.constant 0 : index
    %get3A_16 = vector.load %arg1[%get3A_14, %get3A_15] : memref<2000x96xf32, #tpu.memory_space<vmem>>, vector<2000x96xf32>
    %get3A_17 = arith.constant 0 : index
    %get3A_18 = arith.constant 0 : index
    %get3A_19 = vector.load %arg6[%get3A_17, %get3A_18] : memref<128x128xf32, #tpu.memory_space<vmem>>, vector<96x128xf32>
    %dot_general3A = arith.constant dense<0.000000e+00> : vector<2000x128xf32>
    %dot_general3A_20 = tpu.matmul %get3A_16, %get3A_19, %dot_general3A {dimension_numbers = #tpu.dot_dimension_numbers<[1], [0], [0], [1], [0, 0, 1, 1], [], []>, precision = #tpu.contract_precision<fp32>, transpose_lhs_hint = false} : vector<2000x96xf32>, vector<96x128xf32>, vector<2000x128xf32> -> vector<2000x128xf32>
    %get3A_21 = arith.constant 0 : index
    %get3A_22 = arith.constant 0 : index
    %get3A_23 = vector.load %arg5[%get3A_21, %get3A_22] : memref<16x16xf32, #tpu.memory_space<vmem>>, vector<16x16xf32>
    %dot_general3A_24 = arith.constant dense<0.000000e+00> : vector<2000x16xf32>
    %dot_general3A_25 = tpu.matmul %convert_element_type3A_13, %get3A_23, %dot_general3A_24 {dimension_numbers = #tpu.dot_dimension_numbers<[1], [0], [0], [1], [0, 0, 1, 1], [], []>, precision = #tpu.contract_precision<fp32>, transpose_lhs_hint = false} : vector<2000x16xf32>, vector<16x16xf32>, vector<2000x16xf32> -> vector<2000x16xf32>
    %get3A_26 = arith.constant 96 : index
    %get3A_27 = arith.constant 0 : index
    %get3A_28 = vector.load %arg6[%get3A_26, %get3A_27] : memref<128x128xf32, #tpu.memory_space<vmem>>, vector<16x128xf32>
    %dot_general3A_29 = arith.constant dense<0.000000e+00> : vector<2000x128xf32>
    %dot_general3A_30 = tpu.matmul %dot_general3A_25, %get3A_28, %dot_general3A_29 {dimension_numbers = #tpu.dot_dimension_numbers<[1], [0], [0], [1], [0, 0, 1, 1], [], []>, precision = #tpu.contract_precision<fp32>, transpose_lhs_hint = false} : vector<2000x16xf32>, vector<16x128xf32>, vector<2000x128xf32> -> vector<2000x128xf32>
    %add3A_31 = arith.addf %dot_general3A_20, %dot_general3A_30 : vector<2000x128xf32>
    %get3A_32 = arith.constant 0 : index
    %get3A_33 = arith.constant 0 : index
    %get3A_34 = vector.load %arg3[%get3A_32, %get3A_33] : memref<2000x16xf32, #tpu.memory_space<vmem>>, vector<2000x16xf32>
    %get3A_35 = arith.constant 112 : index
    %get3A_36 = arith.constant 0 : index
    %get3A_37 = vector.load %arg6[%get3A_35, %get3A_36] : memref<128x128xf32, #tpu.memory_space<vmem>>, vector<16x128xf32>
    %dot_general3A_38 = arith.constant dense<0.000000e+00> : vector<2000x128xf32>
    %dot_general3A_39 = tpu.matmul %get3A_34, %get3A_37, %dot_general3A_38 {dimension_numbers = #tpu.dot_dimension_numbers<[1], [0], [0], [1], [0, 0, 1, 1], [], []>, precision = #tpu.contract_precision<fp32>, transpose_lhs_hint = false} : vector<2000x16xf32>, vector<16x128xf32>, vector<2000x128xf32> -> vector<2000x128xf32>
    %add3A_40 = arith.addf %add3A_31, %dot_general3A_39 : vector<2000x128xf32>
    %get3A_41 = arith.constant 0 : index
    %get3A_42 = arith.constant 0 : index
    %get3A_43 = vector.load %arg7[%get3A_41, %get3A_42] : memref<1x128xf32, #tpu.memory_space<vmem>>, vector<1x128xf32>
    %add3A_44 = vector.broadcast %get3A_43 : vector<1x128xf32> to vector<2000x128xf32>
    %add3A_45 = arith.addf %add3A_40, %add3A_44 : vector<2000x128xf32>
    %max3A = arith.constant 0.000000e+00 : f32
    %max3A_46 = vector.broadcast %max3A : f32 to vector<2000x128xf32>
    %max3A_47 = arith.maximumf %add3A_45, %max3A_46 : vector<2000x128xf32>
    %get3A_48 = arith.constant 0 : index
    %get3A_49 = arith.constant 0 : index
    %get3A_50 = vector.load %arg8[%get3A_48, %get3A_49] : memref<128x128xf32, #tpu.memory_space<vmem>>, vector<128x128xf32>
    %dot_general3A_51 = arith.constant dense<0.000000e+00> : vector<2000x128xf32>
    %dot_general3A_52 = tpu.matmul %max3A_47, %get3A_50, %dot_general3A_51 {dimension_numbers = #tpu.dot_dimension_numbers<[1], [0], [0], [1], [0, 0, 1, 1], [], []>, precision = #tpu.contract_precision<fp32>, transpose_lhs_hint = false} : vector<2000x128xf32>, vector<128x128xf32>, vector<2000x128xf32> -> vector<2000x128xf32>
    %swap3A = arith.constant 0 : index
    %swap3A_53 = arith.constant 0 : index
    %swap3A_54 = vector.load %arg9[%swap3A, %swap3A_53] : memref<2000x128xf32, #tpu.memory_space<vmem>>, vector<2000x128xf32>
    tpu.vector_store %arg9[%swap3A, %swap3A_53], %dot_general3A_52 {strides = array<i32>} : memref<2000x128xf32, #tpu.memory_space<vmem>>, vector<2000x128xf32>,
    %broadcast_in_dim3A = vector.shape_cast %rsqrt3A : vector<2000xf32> to vector<2000x1xf32>
    %mul3A = vector.broadcast %broadcast_in_dim3A : vector<2000x1xf32> to vector<2000x128xf32>
    %mul3A_55 = arith.mulf %dot_general3A_52, %mul3A : vector<2000x128xf32>
    %swap3A_56 = arith.constant 0 : index
    %swap3A_57 = arith.constant 0 : index
    %swap3A_58 = vector.load %arg10[%swap3A_56, %swap3A_57] : memref<2000x128xf32, #tpu.memory_space<vmem>>, vector<2000x128xf32>
    tpu.vector_store %arg10[%swap3A_56, %swap3A_57], %mul3A_55 {strides = array<i32>} : memref<2000x128xf32, #tpu.memory_space<vmem>>, vector<2000x128xf32>,
    return
  }
  func.func @transform_0(%arg0: i32) -> (i32, i32) {
    %c0_i32 = arith.constant 0 : i32
    %c0_i32_0 = arith.constant 0 : i32
    return %arg0, %c0_i32 : i32, i32
  }
  func.func @transform_1(%arg0: i32) -> (i32, i32) {
    %c0_i32 = arith.constant 0 : i32
    %c0_i32_0 = arith.constant 0 : i32
    return %arg0, %c0_i32 : i32, i32
  }
  func.func @transform_2(%arg0: i32) -> (i32, i32) {
    %c0_i32 = arith.constant 0 : i32
    %c0_i32_0 = arith.constant 0 : i32
    return %arg0, %c0_i32 : i32, i32
  }
  func.func @transform_3(%arg0: i32) -> (i32, i32, i32) {
    %c0_i32 = arith.constant 0 : i32
    %c0_i32_0 = arith.constant 0 : i32
    %c0_i32_1 = arith.constant 0 : i32
    return %c0_i32, %arg0, %c0_i32_0 : i32, i32, i32
  }
  func.func @transform_4(%arg0: i32) -> (i32, i32) {
    %c0_i32 = arith.constant 0 : i32
    %c0_i32_0 = arith.constant 0 : i32
    %c0_i32_1 = arith.constant 0 : i32
    return %c0_i32, %c0_i32_0 : i32, i32
  }
  func.func @transform_5(%arg0: i32) -> (i32, i32) {
    %c0_i32 = arith.constant 0 : i32
    %c0_i32_0 = arith.constant 0 : i32
    %c0_i32_1 = arith.constant 0 : i32
    return %c0_i32, %c0_i32_0 : i32, i32
  }
  func.func @transform_6(%arg0: i32) -> (i32, i32) {
    %c0_i32 = arith.constant 0 : i32
    %c0_i32_0 = arith.constant 0 : i32
    %c0_i32_1 = arith.constant 0 : i32
    return %c0_i32, %c0_i32_0 : i32, i32
  }
  func.func @transform_7(%arg0: i32) -> (i32, i32) {
    %c0_i32 = arith.constant 0 : i32
    %c0_i32_0 = arith.constant 0 : i32
    %c0_i32_1 = arith.constant 0 : i32
    return %c0_i32, %c0_i32_0 : i32, i32
  }
  func.func @transform_8(%arg0: i32) -> (i32, i32) {
    %c0_i32 = arith.constant 0 : i32
    %c0_i32_0 = arith.constant 0 : i32
    return %arg0, %c0_i32 : i32, i32
  }
  func.func @transform_9(%arg0: i32) -> (i32, i32) {
    %c0_i32 = arith.constant 0 : i32
    %c0_i32_0 = arith.constant 0 : i32
    return %arg0, %c0_i32 : i32, i32
  }
}

module attributes {stable_mosaic.version = 14 : i64} {
  func.func @_step_body(%arg0: i32, %arg1: memref<2x2000x128xf32, #tpu.memory_space<vmem>>, %arg2: memref<2000x128xf32, #tpu.memory_space<vmem>>, %arg3: memref<2x2000x16xf32, #tpu.memory_space<vmem>>, %arg4: memref<1x128xf32, #tpu.memory_space<vmem>>, %arg5: memref<128x128xf32, #tpu.memory_space<vmem>>, %arg6: memref<2000x128xf32, #tpu.memory_space<vmem>>, %arg7: memref<2000x128xf32, #tpu.memory_space<vmem>>) attributes {dimension_semantics = [#tpu.dimension_semantics<arbitrary>], iteration_bounds = array<i64: 5>, scalar_prefetch = 0 : i64, scratch_operands = 0 : i64, tpu.core_type = #tpu.core_type<tc>, window_params = [{transform_indices = @transform_0, window_bounds = array<i64: 2, 2000, 128>}, {transform_indices = @transform_1, window_bounds = array<i64: 2000, 128>}, {transform_indices = @transform_2, window_bounds = array<i64: 2, 2000, 16>}, {pipeline_mode = #tpu.pipeline_mode<synchronous>, transform_indices = @transform_3, window_bounds = array<i64: 1, 128>}, {pipeline_mode = #tpu.pipeline_mode<synchronous>, transform_indices = @transform_4, window_bounds = array<i64: 128, 128>}, {transform_indices = @transform_5, window_bounds = array<i64: 2000, 128>}, {transform_indices = @transform_6, window_bounds = array<i64: 2000, 128>}]} {
    %get3A = arith.constant 0 : index
    %get3A_0 = arith.constant 0 : index
    %get3A_1 = arith.constant 0 : index
    %get3A_2 = vector.load %arg3[%get3A, %get3A_0, %get3A_1] : memref<2x2000x16xf32, #tpu.memory_space<vmem>>, vector<2x2000x16xf32>
    %slice3A = vector.extract_strided_slice %get3A_2 {offsets = [0, 0, 0], sizes = [1, 2000, 1], strides = [1, 1, 1]} : vector<2x2000x16xf32> to vector<1x2000x1xf32>
    %squeeze3A = vector.shape_cast %slice3A : vector<1x2000x1xf32> to vector<2000xf32>
    %slice3A_3 = vector.extract_strided_slice %get3A_2 {offsets = [1, 0, 0], sizes = [1, 2000, 1], strides = [1, 1, 1]} : vector<2x2000x16xf32> to vector<1x2000x1xf32>
    %squeeze3A_4 = vector.shape_cast %slice3A_3 : vector<1x2000x1xf32> to vector<2000xf32>
    %add3A = arith.addf %squeeze3A, %squeeze3A_4 : vector<2000xf32>
    %add3A_5 = arith.constant 1.000000e+00 : f32
    %add3A_6 = vector.broadcast %add3A_5 : f32 to vector<2000xf32>
    %add3A_7 = arith.addf %add3A, %add3A_6 : vector<2000xf32>
    %rsqrt3A = math.rsqrt %add3A_7 : vector<2000xf32>
    %get3A_8 = arith.constant 0 : index
    %get3A_9 = arith.constant 0 : index
    %get3A_10 = arith.constant 0 : index
    %get3A_11 = vector.load %arg1[%get3A_8, %get3A_9, %get3A_10] : memref<2x2000x128xf32, #tpu.memory_space<vmem>>, vector<1x2000x128xf32>
    %get3A_12 = vector.shape_cast %get3A_11 : vector<1x2000x128xf32> to vector<2000x128xf32>
    %get3A_13 = arith.constant 1 : index
    %get3A_14 = arith.constant 0 : index
    %get3A_15 = arith.constant 0 : index
    %get3A_16 = vector.load %arg1[%get3A_13, %get3A_14, %get3A_15] : memref<2x2000x128xf32, #tpu.memory_space<vmem>>, vector<1x2000x128xf32>
    %get3A_17 = vector.shape_cast %get3A_16 : vector<1x2000x128xf32> to vector<2000x128xf32>
    %add3A_18 = arith.addf %get3A_12, %get3A_17 : vector<2000x128xf32>
    %broadcast_in_dim3A = vector.shape_cast %rsqrt3A : vector<2000xf32> to vector<2000x1xf32>
    %mul3A = vector.broadcast %broadcast_in_dim3A : vector<2000x1xf32> to vector<2000x128xf32>
    %mul3A_19 = arith.mulf %add3A_18, %mul3A : vector<2000x128xf32>
    %get3A_20 = arith.constant 0 : index
    %get3A_21 = arith.constant 0 : index
    %get3A_22 = vector.load %arg2[%get3A_20, %get3A_21] : memref<2000x128xf32, #tpu.memory_space<vmem>>, vector<2000x128xf32>
    %mul3A_23 = arith.mulf %rsqrt3A, %rsqrt3A : vector<2000xf32>
    %broadcast_in_dim3A_24 = vector.shape_cast %mul3A_23 : vector<2000xf32> to vector<2000x1xf32>
    %mul3A_25 = vector.broadcast %broadcast_in_dim3A_24 : vector<2000x1xf32> to vector<2000x128xf32>
    %mul3A_26 = arith.mulf %get3A_22, %mul3A_25 : vector<2000x128xf32>
    %add3A_27 = arith.addf %mul3A_19, %mul3A_26 : vector<2000x128xf32>
    %get3A_28 = arith.constant 0 : index
    %get3A_29 = arith.constant 0 : index
    %get3A_30 = vector.load %arg4[%get3A_28, %get3A_29] : memref<1x128xf32, #tpu.memory_space<vmem>>, vector<1x128xf32>
    %add3A_31 = vector.broadcast %get3A_30 : vector<1x128xf32> to vector<2000x128xf32>
    %add3A_32 = arith.addf %add3A_27, %add3A_31 : vector<2000x128xf32>
    %max3A = arith.constant 0.000000e+00 : f32
    %max3A_33 = vector.broadcast %max3A : f32 to vector<2000x128xf32>
    %max3A_34 = arith.maximumf %add3A_32, %max3A_33 : vector<2000x128xf32>
    %get3A_35 = arith.constant 0 : index
    %get3A_36 = arith.constant 0 : index
    %get3A_37 = vector.load %arg5[%get3A_35, %get3A_36] : memref<128x128xf32, #tpu.memory_space<vmem>>, vector<128x128xf32>
    %dot_general3A = arith.constant dense<0.000000e+00> : vector<2000x128xf32>
    %dot_general3A_38 = tpu.matmul %max3A_34, %get3A_37, %dot_general3A {dimension_numbers = #tpu.dot_dimension_numbers<[1], [0], [0], [1], [0, 0, 1, 1], [], []>, precision = #tpu.contract_precision<fp32>, transpose_lhs_hint = false} : vector<2000x128xf32>, vector<128x128xf32>, vector<2000x128xf32> -> vector<2000x128xf32>
    %swap3A = arith.constant 0 : index
    %swap3A_39 = arith.constant 0 : index
    %swap3A_40 = vector.load %arg6[%swap3A, %swap3A_39] : memref<2000x128xf32, #tpu.memory_space<vmem>>, vector<2000x128xf32>
    tpu.vector_store %arg6[%swap3A, %swap3A_39], %dot_general3A_38 {strides = array<i32>} : memref<2000x128xf32, #tpu.memory_space<vmem>>, vector<2000x128xf32>,
    %broadcast_in_dim3A_41 = vector.shape_cast %rsqrt3A : vector<2000xf32> to vector<2000x1xf32>
    %mul3A_42 = vector.broadcast %broadcast_in_dim3A_41 : vector<2000x1xf32> to vector<2000x128xf32>
    %mul3A_43 = arith.mulf %dot_general3A_38, %mul3A_42 : vector<2000x128xf32>
    %swap3A_44 = arith.constant 0 : index
    %swap3A_45 = arith.constant 0 : index
    %swap3A_46 = vector.load %arg7[%swap3A_44, %swap3A_45] : memref<2000x128xf32, #tpu.memory_space<vmem>>, vector<2000x128xf32>
    tpu.vector_store %arg7[%swap3A_44, %swap3A_45], %mul3A_43 {strides = array<i32>} : memref<2000x128xf32, #tpu.memory_space<vmem>>, vector<2000x128xf32>,
    return
  }
  func.func @transform_0(%arg0: i32) -> (i32, i32, i32) {
    %c0_i32 = arith.constant 0 : i32
    %c0_i32_0 = arith.constant 0 : i32
    %c0_i32_1 = arith.constant 0 : i32
    return %c0_i32, %arg0, %c0_i32_0 : i32, i32, i32
  }
  func.func @transform_1(%arg0: i32) -> (i32, i32) {
    %c0_i32 = arith.constant 0 : i32
    %c0_i32_0 = arith.constant 0 : i32
    return %arg0, %c0_i32 : i32, i32
  }
  func.func @transform_2(%arg0: i32) -> (i32, i32, i32) {
    %c0_i32 = arith.constant 0 : i32
    %c0_i32_0 = arith.constant 0 : i32
    %c0_i32_1 = arith.constant 0 : i32
    return %c0_i32, %arg0, %c0_i32_0 : i32, i32, i32
  }
  func.func @transform_3(%arg0: i32) -> (i32, i32) {
    %c0_i32 = arith.constant 0 : i32
    %c0_i32_0 = arith.constant 0 : i32
    %c0_i32_1 = arith.constant 0 : i32
    return %c0_i32, %c0_i32_0 : i32, i32
  }
  func.func @transform_4(%arg0: i32) -> (i32, i32) {
    %c0_i32 = arith.constant 0 : i32
    %c0_i32_0 = arith.constant 0 : i32
    %c0_i32_1 = arith.constant 0 : i32
    return %c0_i32, %c0_i32_0 : i32, i32
  }
  func.func @transform_5(%arg0: i32) -> (i32, i32) {
    %c0_i32 = arith.constant 0 : i32
    %c0_i32_0 = arith.constant 0 : i32
    return %arg0, %c0_i32 : i32, i32
  }
  func.func @transform_6(%arg0: i32) -> (i32, i32) {
    %c0_i32 = arith.constant 0 : i32
    %c0_i32_0 = arith.constant 0 : i32
    return %arg0, %c0_i32 : i32, i32
  }
}

module attributes {stable_mosaic.version = 14 : i64} {
  func.func @_final_body(%arg0: i32, %arg1: memref<2x2000x128xf32, #tpu.memory_space<vmem>>, %arg2: memref<2000x128xf32, #tpu.memory_space<vmem>>, %arg3: memref<2x2000x16xf32, #tpu.memory_space<vmem>>, %arg4: memref<1x128xf32, #tpu.memory_space<vmem>>, %arg5: memref<2000x128xf32, #tpu.memory_space<vmem>>) attributes {dimension_semantics = [#tpu.dimension_semantics<arbitrary>], iteration_bounds = array<i64: 5>, scalar_prefetch = 0 : i64, scratch_operands = 0 : i64, tpu.core_type = #tpu.core_type<tc>, window_params = [{transform_indices = @transform_0, window_bounds = array<i64: 2, 2000, 128>}, {transform_indices = @transform_1, window_bounds = array<i64: 2000, 128>}, {transform_indices = @transform_2, window_bounds = array<i64: 2, 2000, 16>}, {pipeline_mode = #tpu.pipeline_mode<synchronous>, transform_indices = @transform_3, window_bounds = array<i64: 1, 128>}, {transform_indices = @transform_4, window_bounds = array<i64: 2000, 128>}]} {
    %get3A = arith.constant 0 : index
    %get3A_0 = arith.constant 0 : index
    %get3A_1 = arith.constant 0 : index
    %get3A_2 = vector.load %arg3[%get3A, %get3A_0, %get3A_1] : memref<2x2000x16xf32, #tpu.memory_space<vmem>>, vector<2x2000x16xf32>
    %slice3A = vector.extract_strided_slice %get3A_2 {offsets = [0, 0, 0], sizes = [1, 2000, 1], strides = [1, 1, 1]} : vector<2x2000x16xf32> to vector<1x2000x1xf32>
    %squeeze3A = vector.shape_cast %slice3A : vector<1x2000x1xf32> to vector<2000xf32>
    %slice3A_3 = vector.extract_strided_slice %get3A_2 {offsets = [1, 0, 0], sizes = [1, 2000, 1], strides = [1, 1, 1]} : vector<2x2000x16xf32> to vector<1x2000x1xf32>
    %squeeze3A_4 = vector.shape_cast %slice3A_3 : vector<1x2000x1xf32> to vector<2000xf32>
    %add3A = arith.addf %squeeze3A, %squeeze3A_4 : vector<2000xf32>
    %add3A_5 = arith.constant 1.000000e+00 : f32
    %add3A_6 = vector.broadcast %add3A_5 : f32 to vector<2000xf32>
    %add3A_7 = arith.addf %add3A, %add3A_6 : vector<2000xf32>
    %rsqrt3A = math.rsqrt %add3A_7 : vector<2000xf32>
    %get3A_8 = arith.constant 0 : index
    %get3A_9 = arith.constant 0 : index
    %get3A_10 = arith.constant 0 : index
    %get3A_11 = vector.load %arg1[%get3A_8, %get3A_9, %get3A_10] : memref<2x2000x128xf32, #tpu.memory_space<vmem>>, vector<1x2000x128xf32>
    %get3A_12 = vector.shape_cast %get3A_11 : vector<1x2000x128xf32> to vector<2000x128xf32>
    %get3A_13 = arith.constant 1 : index
    %get3A_14 = arith.constant 0 : index
    %get3A_15 = arith.constant 0 : index
    %get3A_16 = vector.load %arg1[%get3A_13, %get3A_14, %get3A_15] : memref<2x2000x128xf32, #tpu.memory_space<vmem>>, vector<1x2000x128xf32>
    %get3A_17 = vector.shape_cast %get3A_16 : vector<1x2000x128xf32> to vector<2000x128xf32>
    %add3A_18 = arith.addf %get3A_12, %get3A_17 : vector<2000x128xf32>
    %broadcast_in_dim3A = vector.shape_cast %rsqrt3A : vector<2000xf32> to vector<2000x1xf32>
    %mul3A = vector.broadcast %broadcast_in_dim3A : vector<2000x1xf32> to vector<2000x128xf32>
    %mul3A_19 = arith.mulf %add3A_18, %mul3A : vector<2000x128xf32>
    %get3A_20 = arith.constant 0 : index
    %get3A_21 = arith.constant 0 : index
    %get3A_22 = vector.load %arg2[%get3A_20, %get3A_21] : memref<2000x128xf32, #tpu.memory_space<vmem>>, vector<2000x128xf32>
    %mul3A_23 = arith.mulf %rsqrt3A, %rsqrt3A : vector<2000xf32>
    %broadcast_in_dim3A_24 = vector.shape_cast %mul3A_23 : vector<2000xf32> to vector<2000x1xf32>
    %mul3A_25 = vector.broadcast %broadcast_in_dim3A_24 : vector<2000x1xf32> to vector<2000x128xf32>
    %mul3A_26 = arith.mulf %get3A_22, %mul3A_25 : vector<2000x128xf32>
    %add3A_27 = arith.addf %mul3A_19, %mul3A_26 : vector<2000x128xf32>
    %get3A_28 = arith.constant 0 : index
    %get3A_29 = arith.constant 0 : index
    %get3A_30 = vector.load %arg4[%get3A_28, %get3A_29] : memref<1x128xf32, #tpu.memory_space<vmem>>, vector<1x128xf32>
    %add3A_31 = vector.broadcast %get3A_30 : vector<1x128xf32> to vector<2000x128xf32>
    %add3A_32 = arith.addf %add3A_27, %add3A_31 : vector<2000x128xf32>
    %swap3A = arith.constant 0 : index
    %swap3A_33 = arith.constant 0 : index
    %swap3A_34 = vector.load %arg5[%swap3A, %swap3A_33] : memref<2000x128xf32, #tpu.memory_space<vmem>>, vector<2000x128xf32>
    tpu.vector_store %arg5[%swap3A, %swap3A_33], %add3A_32 {strides = array<i32>} : memref<2000x128xf32, #tpu.memory_space<vmem>>, vector<2000x128xf32>,
    return
  }
  func.func @transform_0(%arg0: i32) -> (i32, i32, i32) {
    %c0_i32 = arith.constant 0 : i32
    %c0_i32_0 = arith.constant 0 : i32
    %c0_i32_1 = arith.constant 0 : i32
    return %c0_i32, %arg0, %c0_i32_0 : i32, i32, i32
  }
  func.func @transform_1(%arg0: i32) -> (i32, i32) {
    %c0_i32 = arith.constant 0 : i32
    %c0_i32_0 = arith.constant 0 : i32
    return %arg0, %c0_i32 : i32, i32
  }
  func.func @transform_2(%arg0: i32) -> (i32, i32, i32) {
    %c0_i32 = arith.constant 0 : i32
    %c0_i32_0 = arith.constant 0 : i32
    %c0_i32_1 = arith.constant 0 : i32
    return %c0_i32, %arg0, %c0_i32_0 : i32, i32, i32
  }
  func.func @transform_3(%arg0: i32) -> (i32, i32) {
    %c0_i32 = arith.constant 0 : i32
    %c0_i32_0 = arith.constant 0 : i32
    %c0_i32_1 = arith.constant 0 : i32
    return %c0_i32, %c0_i32_0 : i32, i32
  }
  func.func @transform_4(%arg0: i32) -> (i32, i32) {
    %c0_i32 = arith.constant 0 : i32
    %c0_i32_0 = arith.constant 0 : i32
    return %arg0, %c0_i32 : i32, i32
  }
}

module attributes {stable_mosaic.version = 14 : i64} {
  func.func @_attn_body(%arg0: i32, %arg1: memref<100x100x128xf32, #tpu.memory_space<vmem>>, %arg2: memref<100x100x128xf32, #tpu.memory_space<vmem>>, %arg3: memref<128x128xf32, #tpu.memory_space<vmem>>, %arg4: memref<256x16xf32, #tpu.memory_space<vmem>>, %arg5: memref<1x16xf32, #tpu.memory_space<vmem>>, %arg6: memref<16x1xf32, #tpu.memory_space<vmem>>, %arg7: memref<1x1xf32, #tpu.memory_space<vmem>>, %arg8: memref<100x1xf32, #tpu.memory_space<vmem>>) attributes {dimension_semantics = [#tpu.dimension_semantics<arbitrary>], iteration_bounds = array<i64: 1>, scalar_prefetch = 0 : i64, scratch_operands = 0 : i64, tpu.core_type = #tpu.core_type<tc>, window_params = [{pipeline_mode = #tpu.pipeline_mode<synchronous>, transform_indices = @transform_0, window_bounds = array<i64: 100, 100, 128>}, {pipeline_mode = #tpu.pipeline_mode<synchronous>, transform_indices = @transform_1, window_bounds = array<i64: 100, 100, 128>}, {pipeline_mode = #tpu.pipeline_mode<synchronous>, transform_indices = @transform_2, window_bounds = array<i64: 128, 128>}, {pipeline_mode = #tpu.pipeline_mode<synchronous>, transform_indices = @transform_3, window_bounds = array<i64: 256, 16>}, {pipeline_mode = #tpu.pipeline_mode<synchronous>, transform_indices = @transform_4, window_bounds = array<i64: 1, 16>}, {pipeline_mode = #tpu.pipeline_mode<synchronous>, transform_indices = @transform_5, window_bounds = array<i64: 16, 1>}, {pipeline_mode = #tpu.pipeline_mode<synchronous>, transform_indices = @transform_6, window_bounds = array<i64: 1, 1>}, {pipeline_mode = #tpu.pipeline_mode<synchronous>, transform_indices = @transform_7, window_bounds = array<i64: 100, 1>}]} {
    %get3A = arith.constant 0 : index
    %get3A_0 = arith.constant 0 : index
    %get3A_1 = arith.constant 0 : index
    %get3A_2 = vector.load %arg1[%get3A, %get3A_0, %get3A_1] : memref<100x100x128xf32, #tpu.memory_space<vmem>>, vector<100x100x128xf32>
    %reduce_sum3A = arith.constant dense<0.000000e+00> : vector<100x128xf32>
    %reduce_sum3A_3 = vector.multi_reduction <add>, %get3A_2, %reduce_sum3A [1] : vector<100x100x128xf32> to vector<100x128xf32>
    %div3A = arith.constant 1.000000e+02 : f32
    %div3A_4 = vector.broadcast %div3A : f32 to vector<100x128xf32>
    %div3A_5 = arith.divf %reduce_sum3A_3, %div3A_4 : vector<100x128xf32>
    %get3A_6 = arith.constant 0 : index
    %get3A_7 = arith.constant 0 : index
    %get3A_8 = vector.load %arg3[%get3A_6, %get3A_7] : memref<128x128xf32, #tpu.memory_space<vmem>>, vector<128x128xf32>
    %dot_general3A = arith.constant dense<0.000000e+00> : vector<100x128xf32>
    %dot_general3A_9 = tpu.matmul %div3A_5, %get3A_8, %dot_general3A {dimension_numbers = #tpu.dot_dimension_numbers<[1], [0], [0], [1], [0, 0, 1, 1], [], []>, precision = #tpu.contract_precision<fp32>, transpose_lhs_hint = false} : vector<100x128xf32>, vector<128x128xf32>, vector<100x128xf32> -> vector<100x128xf32>
    %tanh3A = math.tanh %dot_general3A_9 : vector<100x128xf32>
    %broadcast_in_dim3A = vector.shape_cast %tanh3A : vector<100x128xf32> to vector<100x1x128xf32>
    %mul3A = vector.broadcast %broadcast_in_dim3A : vector<100x1x128xf32> to vector<100x100x128xf32>
    %mul3A_10 = arith.mulf %get3A_2, %mul3A : vector<100x100x128xf32>
    %reduce_sum3A_11 = arith.constant dense<0.000000e+00> : vector<100x100xf32>
    %reduce_sum3A_12 = vector.multi_reduction <add>, %mul3A_10, %reduce_sum3A_11 [2] : vector<100x100x128xf32> to vector<100x100xf32>
    %logistic3A = arith.negf %reduce_sum3A_12 : vector<100x100xf32>
    %logistic3A_13 = math.exp %logistic3A : vector<100x100xf32>
    %logistic3A_14 = arith.constant 1.000000e+00 : f32
    %logistic3A_15 = vector.broadcast %logistic3A_14 : f32 to vector<100x100xf32>
    %logistic3A_16 = arith.addf %logistic3A_15, %logistic3A_13 : vector<100x100xf32>
    %logistic3A_17 = arith.divf %logistic3A_15, %logistic3A_16 : vector<100x100xf32>
    %broadcast_in_dim3A_18 = vector.shape_cast %logistic3A_17 : vector<100x100xf32> to vector<100x100x1xf32>
    %mul3A_19 = vector.broadcast %broadcast_in_dim3A_18 : vector<100x100x1xf32> to vector<100x100x128xf32>
    %mul3A_20 = arith.mulf %get3A_2, %mul3A_19 : vector<100x100x128xf32>
    %reduce_sum3A_21 = arith.constant dense<0.000000e+00> : vector<100x128xf32>
    %reduce_sum3A_22 = vector.multi_reduction <add>, %mul3A_20, %reduce_sum3A_21 [1] : vector<100x100x128xf32> to vector<100x128xf32>
    %get3A_23 = arith.constant 0 : index
    %get3A_24 = arith.constant 0 : index
    %get3A_25 = arith.constant 0 : index
    %get3A_26 = vector.load %arg2[%get3A_23, %get3A_24, %get3A_25] : memref<100x100x128xf32, #tpu.memory_space<vmem>>, vector<100x100x128xf32>
    %reduce_sum3A_27 = arith.constant dense<0.000000e+00> : vector<100x128xf32>
    %reduce_sum3A_28 = vector.multi_reduction <add>, %get3A_26, %reduce_sum3A_27 [1] : vector<100x100x128xf32> to vector<100x128xf32>
    %div3A_29 = arith.constant 1.000000e+02 : f32
    %div3A_30 = vector.broadcast %div3A_29 : f32 to vector<100x128xf32>
    %div3A_31 = arith.divf %reduce_sum3A_28, %div3A_30 : vector<100x128xf32>
    %get3A_32 = arith.constant 0 : index
    %get3A_33 = arith.constant 0 : index
    %get3A_34 = vector.load %arg3[%get3A_32, %get3A_33] : memref<128x128xf32, #tpu.memory_space<vmem>>, vector<128x128xf32>
    %dot_general3A_35 = arith.constant dense<0.000000e+00> : vector<100x128xf32>
    %dot_general3A_36 = tpu.matmul %div3A_31, %get3A_34, %dot_general3A_35 {dimension_numbers = #tpu.dot_dimension_numbers<[1], [0], [0], [1], [0, 0, 1, 1], [], []>, precision = #tpu.contract_precision<fp32>, transpose_lhs_hint = false} : vector<100x128xf32>, vector<128x128xf32>, vector<100x128xf32> -> vector<100x128xf32>
    %tanh3A_37 = math.tanh %dot_general3A_36 : vector<100x128xf32>
    %broadcast_in_dim3A_38 = vector.shape_cast %tanh3A_37 : vector<100x128xf32> to vector<100x1x128xf32>
    %mul3A_39 = vector.broadcast %broadcast_in_dim3A_38 : vector<100x1x128xf32> to vector<100x100x128xf32>
    %mul3A_40 = arith.mulf %get3A_26, %mul3A_39 : vector<100x100x128xf32>
    %reduce_sum3A_41 = arith.constant dense<0.000000e+00> : vector<100x100xf32>
    %reduce_sum3A_42 = vector.multi_reduction <add>, %mul3A_40, %reduce_sum3A_41 [2] : vector<100x100x128xf32> to vector<100x100xf32>
    %logistic3A_43 = arith.negf %reduce_sum3A_42 : vector<100x100xf32>
    %logistic3A_44 = math.exp %logistic3A_43 : vector<100x100xf32>
    %logistic3A_45 = arith.constant 1.000000e+00 : f32
    %logistic3A_46 = vector.broadcast %logistic3A_45 : f32 to vector<100x100xf32>
    %logistic3A_47 = arith.addf %logistic3A_46, %logistic3A_44 : vector<100x100xf32>
    %logistic3A_48 = arith.divf %logistic3A_46, %logistic3A_47 : vector<100x100xf32>
    %broadcast_in_dim3A_49 = vector.shape_cast %logistic3A_48 : vector<100x100xf32> to vector<100x100x1xf32>
    %mul3A_50 = vector.broadcast %broadcast_in_dim3A_49 : vector<100x100x1xf32> to vector<100x100x128xf32>
    %mul3A_51 = arith.mulf %get3A_26, %mul3A_50 : vector<100x100x128xf32>
    %reduce_sum3A_52 = arith.constant dense<0.000000e+00> : vector<100x128xf32>
    %reduce_sum3A_53 = vector.multi_reduction <add>, %mul3A_51, %reduce_sum3A_52 [1] : vector<100x100x128xf32> to vector<100x128xf32>
    %concatenate3A = tpu.concatenate %reduce_sum3A_22, %reduce_sum3A_53 in 1 : vector<100x128xf32>, vector<100x128xf32> -> vector<100x256xf32>
    %get3A_54 = arith.constant 0 : index
    %get3A_55 = arith.constant 0 : index
    %get3A_56 = vector.load %arg4[%get3A_54, %get3A_55] : memref<256x16xf32, #tpu.memory_space<vmem>>, vector<256x16xf32>
    %dot_general3A_57 = arith.constant dense<0.000000e+00> : vector<100x16xf32>
    %dot_general3A_58 = tpu.matmul %concatenate3A, %get3A_56, %dot_general3A_57 {dimension_numbers = #tpu.dot_dimension_numbers<[1], [0], [0], [1], [0, 0, 1, 1], [], []>, precision = #tpu.contract_precision<fp32>, transpose_lhs_hint = false} : vector<100x256xf32>, vector<256x16xf32>, vector<100x16xf32> -> vector<100x16xf32>
    %get3A_59 = arith.constant 0 : index
    %get3A_60 = arith.constant 0 : index
    %get3A_61 = vector.load %arg5[%get3A_59, %get3A_60] : memref<1x16xf32, #tpu.memory_space<vmem>>, vector<1x16xf32>
    %add3A = vector.broadcast %get3A_61 : vector<1x16xf32> to vector<100x16xf32>
    %add3A_62 = arith.addf %dot_general3A_58, %add3A : vector<100x16xf32>
    %max3A = arith.constant 0.000000e+00 : f32
    %max3A_63 = vector.broadcast %max3A : f32 to vector<100x16xf32>
    %max3A_64 = arith.maximumf %add3A_62, %max3A_63 : vector<100x16xf32>
    %get3A_65 = arith.constant 0 : index
    %get3A_66 = arith.constant 0 : index
    %get3A_67 = vector.load %arg6[%get3A_65, %get3A_66] : memref<16x1xf32, #tpu.memory_space<vmem>>, vector<16x1xf32>
    %dot_general3A_68 = arith.constant dense<0.000000e+00> : vector<100x1xf32>
    %dot_general3A_69 = tpu.matmul %max3A_64, %get3A_67, %dot_general3A_68 {dimension_numbers = #tpu.dot_dimension_numbers<[1], [0], [0], [1], [0, 0, 1, 1], [], []>, precision = #tpu.contract_precision<fp32>, transpose_lhs_hint = false} : vector<100x16xf32>, vector<16x1xf32>, vector<100x1xf32> -> vector<100x1xf32>
    %get3A_70 = arith.constant 0 : index
    %get3A_71 = arith.constant 0 : index
    %get3A_72 = vector.load %arg7[%get3A_70, %get3A_71] : memref<1x1xf32, #tpu.memory_space<vmem>>, vector<1x1xf32>
    %add3A_73 = vector.broadcast %get3A_72 : vector<1x1xf32> to vector<100x1xf32>
    %add3A_74 = arith.addf %dot_general3A_69, %add3A_73 : vector<100x1xf32>
    %logistic3A_75 = arith.negf %add3A_74 : vector<100x1xf32>
    %logistic3A_76 = math.exp %logistic3A_75 : vector<100x1xf32>
    %logistic3A_77 = arith.constant 1.000000e+00 : f32
    %logistic3A_78 = vector.broadcast %logistic3A_77 : f32 to vector<100x1xf32>
    %logistic3A_79 = arith.addf %logistic3A_78, %logistic3A_76 : vector<100x1xf32>
    %logistic3A_80 = arith.divf %logistic3A_78, %logistic3A_79 : vector<100x1xf32>
    %swap3A = arith.constant 0 : index
    %swap3A_81 = arith.constant 0 : index
    %swap3A_82 = vector.load %arg8[%swap3A, %swap3A_81] : memref<100x1xf32, #tpu.memory_space<vmem>>, vector<100x1xf32>
    tpu.vector_store %arg8[%swap3A, %swap3A_81], %logistic3A_80 {strides = array<i32>} : memref<100x1xf32, #tpu.memory_space<vmem>>, vector<100x1xf32>,
    return
  }
  func.func @transform_0(%arg0: i32) -> (i32, i32, i32) {
    %c0_i32 = arith.constant 0 : i32
    %c0_i32_0 = arith.constant 0 : i32
    %c0_i32_1 = arith.constant 0 : i32
    %c0_i32_2 = arith.constant 0 : i32
    return %c0_i32, %c0_i32_0, %c0_i32_1 : i32, i32, i32
  }
  func.func @transform_1(%arg0: i32) -> (i32, i32, i32) {
    %c0_i32 = arith.constant 0 : i32
    %c0_i32_0 = arith.constant 0 : i32
    %c0_i32_1 = arith.constant 0 : i32
    %c0_i32_2 = arith.constant 0 : i32
    return %c0_i32, %c0_i32_0, %c0_i32_1 : i32, i32, i32
  }
  func.func @transform_2(%arg0: i32) -> (i32, i32) {
    %c0_i32 = arith.constant 0 : i32
    %c0_i32_0 = arith.constant 0 : i32
    %c0_i32_1 = arith.constant 0 : i32
    return %c0_i32, %c0_i32_0 : i32, i32
  }
  func.func @transform_3(%arg0: i32) -> (i32, i32) {
    %c0_i32 = arith.constant 0 : i32
    %c0_i32_0 = arith.constant 0 : i32
    %c0_i32_1 = arith.constant 0 : i32
    return %c0_i32, %c0_i32_0 : i32, i32
  }
  func.func @transform_4(%arg0: i32) -> (i32, i32) {
    %c0_i32 = arith.constant 0 : i32
    %c0_i32_0 = arith.constant 0 : i32
    %c0_i32_1 = arith.constant 0 : i32
    return %c0_i32, %c0_i32_0 : i32, i32
  }
  func.func @transform_5(%arg0: i32) -> (i32, i32) {
    %c0_i32 = arith.constant 0 : i32
    %c0_i32_0 = arith.constant 0 : i32
    %c0_i32_1 = arith.constant 0 : i32
    return %c0_i32, %c0_i32_0 : i32, i32
  }
  func.func @transform_6(%arg0: i32) -> (i32, i32) {
    %c0_i32 = arith.constant 0 : i32
    %c0_i32_0 = arith.constant 0 : i32
    %c0_i32_1 = arith.constant 0 : i32
    return %c0_i32, %c0_i32_0 : i32, i32
  }
  func.func @transform_7(%arg0: i32) -> (i32, i32) {
    %c0_i32 = arith.constant 0 : i32
    %c0_i32_0 = arith.constant 0 : i32
    %c0_i32_1 = arith.constant 0 : i32
    return %c0_i32, %c0_i32_0 : i32, i32
  }
}

module attributes {stable_mosaic.version = 14 : i64} {
  func.func @_sinkhorn_body(%arg0: i32, %arg1: memref<4x100x128xf32, #tpu.memory_space<vmem>>, %arg2: memref<4x100x128xf32, #tpu.memory_space<vmem>>, %arg3: memref<128x128xf32, #tpu.memory_space<vmem>>, %arg4: memref<4x100x100xf32, #tpu.memory_space<vmem>>) attributes {dimension_semantics = [#tpu.dimension_semantics<arbitrary>], iteration_bounds = array<i64: 25>, scalar_prefetch = 0 : i64, scratch_operands = 0 : i64, tpu.core_type = #tpu.core_type<tc>, window_params = [{transform_indices = @transform_0, window_bounds = array<i64: 4, 100, 128>}, {transform_indices = @transform_1, window_bounds = array<i64: 4, 100, 128>}, {pipeline_mode = #tpu.pipeline_mode<synchronous>, transform_indices = @transform_2, window_bounds = array<i64: 128, 128>}, {transform_indices = @transform_3, window_bounds = array<i64: 4, 100, 100>}]} {
    %get3A = arith.constant 0 : index
    %get3A_0 = arith.constant 0 : index
    %get3A_1 = arith.constant 0 : index
    %get3A_2 = vector.load %arg1[%get3A, %get3A_0, %get3A_1] : memref<4x100x128xf32, #tpu.memory_space<vmem>>, vector<1x100x128xf32>
    %get3A_3 = vector.shape_cast %get3A_2 : vector<1x100x128xf32> to vector<100x128xf32>
    %get3A_4 = arith.constant 0 : index
    %get3A_5 = arith.constant 0 : index
    %get3A_6 = vector.load %arg3[%get3A_4, %get3A_5] : memref<128x128xf32, #tpu.memory_space<vmem>>, vector<128x128xf32>
    %dot_general3A = arith.constant dense<0.000000e+00> : vector<100x128xf32>
    %dot_general3A_7 = tpu.matmul %get3A_3, %get3A_6, %dot_general3A {dimension_numbers = #tpu.dot_dimension_numbers<[1], [0], [0], [1], [0, 0, 1, 1], [], []>, precision = #tpu.contract_precision<fp32>, transpose_lhs_hint = false} : vector<100x128xf32>, vector<128x128xf32>, vector<100x128xf32> -> vector<100x128xf32>
    %get3A_8 = arith.constant 0 : index
    %get3A_9 = arith.constant 0 : index
    %get3A_10 = arith.constant 0 : index
    %get3A_11 = vector.load %arg2[%get3A_8, %get3A_9, %get3A_10] : memref<4x100x128xf32, #tpu.memory_space<vmem>>, vector<1x100x128xf32>
    %get3A_12 = vector.shape_cast %get3A_11 : vector<1x100x128xf32> to vector<100x128xf32>
    %dot_general3A_13 = arith.constant dense<0.000000e+00> : vector<100x100xf32>
    %dot_general3A_14 = tpu.matmul %dot_general3A_7, %get3A_12, %dot_general3A_13 {dimension_numbers = #tpu.dot_dimension_numbers<[1], [1], [0], [0], [0, 0, 1, 0], [], []>, precision = #tpu.contract_precision<fp32>, transpose_lhs_hint = false} : vector<100x128xf32>, vector<100x128xf32>, vector<100x100xf32> -> vector<100x100xf32>
    %mul3A = arith.constant 2.000000e+02 : f32
    %mul3A_15 = vector.broadcast %mul3A : f32 to vector<100x100xf32>
    %mul3A_16 = arith.mulf %dot_general3A_14, %mul3A_15 : vector<100x100xf32>
    %scan3A = arith.constant 0 : i32
    %scan3A_17 = arith.constant 10 : i32
    %scan3A_18 = arith.addi %scan3A, %scan3A_17 : i32
    %scan3A_19 = arith.constant 1 : i32
    %scan3A_20 = scf.for %scan3A_122 = %scan3A to %scan3A_18 step %scan3A_19 iter_args(%scan3A_123 = %mul3A_16) -> (vector<100x100xf32>)  : i32 {
      %reduce_max3A = arith.constant dense<0xFF800000> : vector<100xf32>
      %reduce_max3A_124 = vector.multi_reduction <maximumf>, %scan3A_123, %reduce_max3A [1] : vector<100x100xf32> to vector<100xf32>
      %broadcast_in_dim3A = vector.shape_cast %reduce_max3A_124 : vector<100xf32> to vector<100x1xf32>
      %sub3A = vector.broadcast %broadcast_in_dim3A : vector<100x1xf32> to vector<100x100xf32>
      %sub3A_125 = arith.subf %scan3A_123, %sub3A : vector<100x100xf32>
      %exp3A_126 = math.exp %sub3A_125 : vector<100x100xf32>
      %reduce_sum3A = arith.constant dense<0.000000e+00> : vector<100xf32>
      %reduce_sum3A_127 = vector.multi_reduction <add>, %exp3A_126, %reduce_sum3A [1] : vector<100x100xf32> to vector<100xf32>
      %broadcast_in_dim3A_128 = vector.shape_cast %reduce_sum3A_127 : vector<100xf32> to vector<100x1xf32>
      %log3A = math.log %broadcast_in_dim3A_128 : vector<100x1xf32>
      %add3A = arith.addf %broadcast_in_dim3A, %log3A : vector<100x1xf32>
      %sub3A_129 = vector.broadcast %add3A : vector<100x1xf32> to vector<100x100xf32>
      %sub3A_130 = arith.subf %scan3A_123, %sub3A_129 : vector<100x100xf32>
      %reduce_max3A_131 = arith.constant dense<0xFF800000> : vector<100xf32>
      %reduce_max3A_132 = vector.multi_reduction <maximumf>, %sub3A_130, %reduce_max3A_131 [0] : vector<100x100xf32> to vector<100xf32>
      %broadcast_in_dim3A_133 = vector.shape_cast %reduce_max3A_132 : vector<100xf32> to vector<1x100xf32>
      %sub3A_134 = vector.broadcast %broadcast_in_dim3A_133 : vector<1x100xf32> to vector<100x100xf32>
      %sub3A_135 = arith.subf %sub3A_130, %sub3A_134 : vector<100x100xf32>
      %exp3A_136 = math.exp %sub3A_135 : vector<100x100xf32>
      %reduce_sum3A_137 = arith.constant dense<0.000000e+00> : vector<100xf32>
      %reduce_sum3A_138 = vector.multi_reduction <add>, %exp3A_136, %reduce_sum3A_137 [0] : vector<100x100xf32> to vector<100xf32>
      %broadcast_in_dim3A_139 = vector.shape_cast %reduce_sum3A_138 : vector<100xf32> to vector<1x100xf32>
      %log3A_140 = math.log %broadcast_in_dim3A_139 : vector<1x100xf32>
      %add3A_141 = arith.addf %broadcast_in_dim3A_133, %log3A_140 : vector<1x100xf32>
      %sub3A_142 = vector.broadcast %add3A_141 : vector<1x100xf32> to vector<100x100xf32>
      %sub3A_143 = arith.subf %sub3A_130, %sub3A_142 : vector<100x100xf32>
      scf.yield %sub3A_143 : vector<100x100xf32>
    }
    %exp3A = math.exp %scan3A_20 : vector<100x100xf32>
    %swap3A = arith.constant 0 : index
    %swap3A_21 = arith.constant 0 : index
    %swap3A_22 = arith.constant 0 : index
    %swap3A_23 = vector.load %arg4[%swap3A, %swap3A_21, %swap3A_22] : memref<4x100x100xf32, #tpu.memory_space<vmem>>, vector<1x100x100xf32>
    %swap3A_24 = vector.shape_cast %swap3A_23 : vector<1x100x100xf32> to vector<100x100xf32>
    %swap3A_25 = vector.shape_cast %exp3A : vector<100x100xf32> to vector<1x100x100xf32>
    tpu.vector_store %arg4[%swap3A, %swap3A_21, %swap3A_22], %swap3A_25 {strides = array<i32>} : memref<4x100x100xf32, #tpu.memory_space<vmem>>, vector<1x100x100xf32>,
    %get3A_26 = arith.constant 1 : index
    %get3A_27 = arith.constant 0 : index
    %get3A_28 = arith.constant 0 : index
    %get3A_29 = vector.load %arg1[%get3A_26, %get3A_27, %get3A_28] : memref<4x100x128xf32, #tpu.memory_space<vmem>>, vector<1x100x128xf32>
    %get3A_30 = vector.shape_cast %get3A_29 : vector<1x100x128xf32> to vector<100x128xf32>
    %get3A_31 = arith.constant 0 : index
    %get3A_32 = arith.constant 0 : index
    %get3A_33 = vector.load %arg3[%get3A_31, %get3A_32] : memref<128x128xf32, #tpu.memory_space<vmem>>, vector<128x128xf32>
    %dot_general3A_34 = arith.constant dense<0.000000e+00> : vector<100x128xf32>
    %dot_general3A_35 = tpu.matmul %get3A_30, %get3A_33, %dot_general3A_34 {dimension_numbers = #tpu.dot_dimension_numbers<[1], [0], [0], [1], [0, 0, 1, 1], [], []>, precision = #tpu.contract_precision<fp32>, transpose_lhs_hint = false} : vector<100x128xf32>, vector<128x128xf32>, vector<100x128xf32> -> vector<100x128xf32>
    %get3A_36 = arith.constant 1 : index
    %get3A_37 = arith.constant 0 : index
    %get3A_38 = arith.constant 0 : index
    %get3A_39 = vector.load %arg2[%get3A_36, %get3A_37, %get3A_38] : memref<4x100x128xf32, #tpu.memory_space<vmem>>, vector<1x100x128xf32>
    %get3A_40 = vector.shape_cast %get3A_39 : vector<1x100x128xf32> to vector<100x128xf32>
    %dot_general3A_41 = arith.constant dense<0.000000e+00> : vector<100x100xf32>
    %dot_general3A_42 = tpu.matmul %dot_general3A_35, %get3A_40, %dot_general3A_41 {dimension_numbers = #tpu.dot_dimension_numbers<[1], [1], [0], [0], [0, 0, 1, 0], [], []>, precision = #tpu.contract_precision<fp32>, transpose_lhs_hint = false} : vector<100x128xf32>, vector<100x128xf32>, vector<100x100xf32> -> vector<100x100xf32>
    %mul3A_43 = arith.constant 2.000000e+02 : f32
    %mul3A_44 = vector.broadcast %mul3A_43 : f32 to vector<100x100xf32>
    %mul3A_45 = arith.mulf %dot_general3A_42, %mul3A_44 : vector<100x100xf32>
    %scan3A_46 = arith.constant 0 : i32
    %scan3A_47 = arith.constant 10 : i32
    %scan3A_48 = arith.addi %scan3A_46, %scan3A_47 : i32
    %scan3A_49 = arith.constant 1 : i32
    %scan3A_50 = scf.for %scan3A_122 = %scan3A_46 to %scan3A_48 step %scan3A_49 iter_args(%scan3A_123 = %mul3A_45) -> (vector<100x100xf32>)  : i32 {
      %reduce_max3A = arith.constant dense<0xFF800000> : vector<100xf32>
      %reduce_max3A_124 = vector.multi_reduction <maximumf>, %scan3A_123, %reduce_max3A [1] : vector<100x100xf32> to vector<100xf32>
      %broadcast_in_dim3A = vector.shape_cast %reduce_max3A_124 : vector<100xf32> to vector<100x1xf32>
      %sub3A = vector.broadcast %broadcast_in_dim3A : vector<100x1xf32> to vector<100x100xf32>
      %sub3A_125 = arith.subf %scan3A_123, %sub3A : vector<100x100xf32>
      %exp3A_126 = math.exp %sub3A_125 : vector<100x100xf32>
      %reduce_sum3A = arith.constant dense<0.000000e+00> : vector<100xf32>
      %reduce_sum3A_127 = vector.multi_reduction <add>, %exp3A_126, %reduce_sum3A [1] : vector<100x100xf32> to vector<100xf32>
      %broadcast_in_dim3A_128 = vector.shape_cast %reduce_sum3A_127 : vector<100xf32> to vector<100x1xf32>
      %log3A = math.log %broadcast_in_dim3A_128 : vector<100x1xf32>
      %add3A = arith.addf %broadcast_in_dim3A, %log3A : vector<100x1xf32>
      %sub3A_129 = vector.broadcast %add3A : vector<100x1xf32> to vector<100x100xf32>
      %sub3A_130 = arith.subf %scan3A_123, %sub3A_129 : vector<100x100xf32>
      %reduce_max3A_131 = arith.constant dense<0xFF800000> : vector<100xf32>
      %reduce_max3A_132 = vector.multi_reduction <maximumf>, %sub3A_130, %reduce_max3A_131 [0] : vector<100x100xf32> to vector<100xf32>
      %broadcast_in_dim3A_133 = vector.shape_cast %reduce_max3A_132 : vector<100xf32> to vector<1x100xf32>
      %sub3A_134 = vector.broadcast %broadcast_in_dim3A_133 : vector<1x100xf32> to vector<100x100xf32>
      %sub3A_135 = arith.subf %sub3A_130, %sub3A_134 : vector<100x100xf32>
      %exp3A_136 = math.exp %sub3A_135 : vector<100x100xf32>
      %reduce_sum3A_137 = arith.constant dense<0.000000e+00> : vector<100xf32>
      %reduce_sum3A_138 = vector.multi_reduction <add>, %exp3A_136, %reduce_sum3A_137 [0] : vector<100x100xf32> to vector<100xf32>
      %broadcast_in_dim3A_139 = vector.shape_cast %reduce_sum3A_138 : vector<100xf32> to vector<1x100xf32>
      %log3A_140 = math.log %broadcast_in_dim3A_139 : vector<1x100xf32>
      %add3A_141 = arith.addf %broadcast_in_dim3A_133, %log3A_140 : vector<1x100xf32>
      %sub3A_142 = vector.broadcast %add3A_141 : vector<1x100xf32> to vector<100x100xf32>
      %sub3A_143 = arith.subf %sub3A_130, %sub3A_142 : vector<100x100xf32>
      scf.yield %sub3A_143 : vector<100x100xf32>
    }
    %exp3A_51 = math.exp %scan3A_50 : vector<100x100xf32>
    %swap3A_52 = arith.constant 1 : index
    %swap3A_53 = arith.constant 0 : index
    %swap3A_54 = arith.constant 0 : index
    %swap3A_55 = vector.load %arg4[%swap3A_52, %swap3A_53, %swap3A_54] : memref<4x100x100xf32, #tpu.memory_space<vmem>>, vector<1x100x100xf32>
    %swap3A_56 = vector.shape_cast %swap3A_55 : vector<1x100x100xf32> to vector<100x100xf32>
    %swap3A_57 = vector.shape_cast %exp3A_51 : vector<100x100xf32> to vector<1x100x100xf32>
    tpu.vector_store %arg4[%swap3A_52, %swap3A_53, %swap3A_54], %swap3A_57 {strides = array<i32>} : memref<4x100x100xf32, #tpu.memory_space<vmem>>, vector<1x100x100xf32>,
    %get3A_58 = arith.constant 2 : index
    %get3A_59 = arith.constant 0 : index
    %get3A_60 = arith.constant 0 : index
    %get3A_61 = vector.load %arg1[%get3A_58, %get3A_59, %get3A_60] : memref<4x100x128xf32, #tpu.memory_space<vmem>>, vector<1x100x128xf32>
    %get3A_62 = vector.shape_cast %get3A_61 : vector<1x100x128xf32> to vector<100x128xf32>
    %get3A_63 = arith.constant 0 : index
    %get3A_64 = arith.constant 0 : index
    %get3A_65 = vector.load %arg3[%get3A_63, %get3A_64] : memref<128x128xf32, #tpu.memory_space<vmem>>, vector<128x128xf32>
    %dot_general3A_66 = arith.constant dense<0.000000e+00> : vector<100x128xf32>
    %dot_general3A_67 = tpu.matmul %get3A_62, %get3A_65, %dot_general3A_66 {dimension_numbers = #tpu.dot_dimension_numbers<[1], [0], [0], [1], [0, 0, 1, 1], [], []>, precision = #tpu.contract_precision<fp32>, transpose_lhs_hint = false} : vector<100x128xf32>, vector<128x128xf32>, vector<100x128xf32> -> vector<100x128xf32>
    %get3A_68 = arith.constant 2 : index
    %get3A_69 = arith.constant 0 : index
    %get3A_70 = arith.constant 0 : index
    %get3A_71 = vector.load %arg2[%get3A_68, %get3A_69, %get3A_70] : memref<4x100x128xf32, #tpu.memory_space<vmem>>, vector<1x100x128xf32>
    %get3A_72 = vector.shape_cast %get3A_71 : vector<1x100x128xf32> to vector<100x128xf32>
    %dot_general3A_73 = arith.constant dense<0.000000e+00> : vector<100x100xf32>
    %dot_general3A_74 = tpu.matmul %dot_general3A_67, %get3A_72, %dot_general3A_73 {dimension_numbers = #tpu.dot_dimension_numbers<[1], [1], [0], [0], [0, 0, 1, 0], [], []>, precision = #tpu.contract_precision<fp32>, transpose_lhs_hint = false} : vector<100x128xf32>, vector<100x128xf32>, vector<100x100xf32> -> vector<100x100xf32>
    %mul3A_75 = arith.constant 2.000000e+02 : f32
    %mul3A_76 = vector.broadcast %mul3A_75 : f32 to vector<100x100xf32>
    %mul3A_77 = arith.mulf %dot_general3A_74, %mul3A_76 : vector<100x100xf32>
    %scan3A_78 = arith.constant 0 : i32
    %scan3A_79 = arith.constant 10 : i32
    %scan3A_80 = arith.addi %scan3A_78, %scan3A_79 : i32
    %scan3A_81 = arith.constant 1 : i32
    %scan3A_82 = scf.for %scan3A_122 = %scan3A_78 to %scan3A_80 step %scan3A_81 iter_args(%scan3A_123 = %mul3A_77) -> (vector<100x100xf32>)  : i32 {
      %reduce_max3A = arith.constant dense<0xFF800000> : vector<100xf32>
      %reduce_max3A_124 = vector.multi_reduction <maximumf>, %scan3A_123, %reduce_max3A [1] : vector<100x100xf32> to vector<100xf32>
      %broadcast_in_dim3A = vector.shape_cast %reduce_max3A_124 : vector<100xf32> to vector<100x1xf32>
      %sub3A = vector.broadcast %broadcast_in_dim3A : vector<100x1xf32> to vector<100x100xf32>
      %sub3A_125 = arith.subf %scan3A_123, %sub3A : vector<100x100xf32>
      %exp3A_126 = math.exp %sub3A_125 : vector<100x100xf32>
      %reduce_sum3A = arith.constant dense<0.000000e+00> : vector<100xf32>
      %reduce_sum3A_127 = vector.multi_reduction <add>, %exp3A_126, %reduce_sum3A [1] : vector<100x100xf32> to vector<100xf32>
      %broadcast_in_dim3A_128 = vector.shape_cast %reduce_sum3A_127 : vector<100xf32> to vector<100x1xf32>
      %log3A = math.log %broadcast_in_dim3A_128 : vector<100x1xf32>
      %add3A = arith.addf %broadcast_in_dim3A, %log3A : vector<100x1xf32>
      %sub3A_129 = vector.broadcast %add3A : vector<100x1xf32> to vector<100x100xf32>
      %sub3A_130 = arith.subf %scan3A_123, %sub3A_129 : vector<100x100xf32>
      %reduce_max3A_131 = arith.constant dense<0xFF800000> : vector<100xf32>
      %reduce_max3A_132 = vector.multi_reduction <maximumf>, %sub3A_130, %reduce_max3A_131 [0] : vector<100x100xf32> to vector<100xf32>
      %broadcast_in_dim3A_133 = vector.shape_cast %reduce_max3A_132 : vector<100xf32> to vector<1x100xf32>
      %sub3A_134 = vector.broadcast %broadcast_in_dim3A_133 : vector<1x100xf32> to vector<100x100xf32>
      %sub3A_135 = arith.subf %sub3A_130, %sub3A_134 : vector<100x100xf32>
      %exp3A_136 = math.exp %sub3A_135 : vector<100x100xf32>
      %reduce_sum3A_137 = arith.constant dense<0.000000e+00> : vector<100xf32>
      %reduce_sum3A_138 = vector.multi_reduction <add>, %exp3A_136, %reduce_sum3A_137 [0] : vector<100x100xf32> to vector<100xf32>
      %broadcast_in_dim3A_139 = vector.shape_cast %reduce_sum3A_138 : vector<100xf32> to vector<1x100xf32>
      %log3A_140 = math.log %broadcast_in_dim3A_139 : vector<1x100xf32>
      %add3A_141 = arith.addf %broadcast_in_dim3A_133, %log3A_140 : vector<1x100xf32>
      %sub3A_142 = vector.broadcast %add3A_141 : vector<1x100xf32> to vector<100x100xf32>
      %sub3A_143 = arith.subf %sub3A_130, %sub3A_142 : vector<100x100xf32>
      scf.yield %sub3A_143 : vector<100x100xf32>
    }
    %exp3A_83 = math.exp %scan3A_82 : vector<100x100xf32>
    %swap3A_84 = arith.constant 2 : index
    %swap3A_85 = arith.constant 0 : index
    %swap3A_86 = arith.constant 0 : index
    %swap3A_87 = vector.load %arg4[%swap3A_84, %swap3A_85, %swap3A_86] : memref<4x100x100xf32, #tpu.memory_space<vmem>>, vector<1x100x100xf32>
    %swap3A_88 = vector.shape_cast %swap3A_87 : vector<1x100x100xf32> to vector<100x100xf32>
    %swap3A_89 = vector.shape_cast %exp3A_83 : vector<100x100xf32> to vector<1x100x100xf32>
    tpu.vector_store %arg4[%swap3A_84, %swap3A_85, %swap3A_86], %swap3A_89 {strides = array<i32>} : memref<4x100x100xf32, #tpu.memory_space<vmem>>, vector<1x100x100xf32>,
    %get3A_90 = arith.constant 3 : index
    %get3A_91 = arith.constant 0 : index
    %get3A_92 = arith.constant 0 : index
    %get3A_93 = vector.load %arg1[%get3A_90, %get3A_91, %get3A_92] : memref<4x100x128xf32, #tpu.memory_space<vmem>>, vector<1x100x128xf32>
    %get3A_94 = vector.shape_cast %get3A_93 : vector<1x100x128xf32> to vector<100x128xf32>
    %get3A_95 = arith.constant 0 : index
    %get3A_96 = arith.constant 0 : index
    %get3A_97 = vector.load %arg3[%get3A_95, %get3A_96] : memref<128x128xf32, #tpu.memory_space<vmem>>, vector<128x128xf32>
    %dot_general3A_98 = arith.constant dense<0.000000e+00> : vector<100x128xf32>
    %dot_general3A_99 = tpu.matmul %get3A_94, %get3A_97, %dot_general3A_98 {dimension_numbers = #tpu.dot_dimension_numbers<[1], [0], [0], [1], [0, 0, 1, 1], [], []>, precision = #tpu.contract_precision<fp32>, transpose_lhs_hint = false} : vector<100x128xf32>, vector<128x128xf32>, vector<100x128xf32> -> vector<100x128xf32>
    %get3A_100 = arith.constant 3 : index
    %get3A_101 = arith.constant 0 : index
    %get3A_102 = arith.constant 0 : index
    %get3A_103 = vector.load %arg2[%get3A_100, %get3A_101, %get3A_102] : memref<4x100x128xf32, #tpu.memory_space<vmem>>, vector<1x100x128xf32>
    %get3A_104 = vector.shape_cast %get3A_103 : vector<1x100x128xf32> to vector<100x128xf32>
    %dot_general3A_105 = arith.constant dense<0.000000e+00> : vector<100x100xf32>
    %dot_general3A_106 = tpu.matmul %dot_general3A_99, %get3A_104, %dot_general3A_105 {dimension_numbers = #tpu.dot_dimension_numbers<[1], [1], [0], [0], [0, 0, 1, 0], [], []>, precision = #tpu.contract_precision<fp32>, transpose_lhs_hint = false} : vector<100x128xf32>, vector<100x128xf32>, vector<100x100xf32> -> vector<100x100xf32>
    %mul3A_107 = arith.constant 2.000000e+02 : f32
    %mul3A_108 = vector.broadcast %mul3A_107 : f32 to vector<100x100xf32>
    %mul3A_109 = arith.mulf %dot_general3A_106, %mul3A_108 : vector<100x100xf32>
    %scan3A_110 = arith.constant 0 : i32
    %scan3A_111 = arith.constant 10 : i32
    %scan3A_112 = arith.addi %scan3A_110, %scan3A_111 : i32
    %scan3A_113 = arith.constant 1 : i32
    %scan3A_114 = scf.for %scan3A_122 = %scan3A_110 to %scan3A_112 step %scan3A_113 iter_args(%scan3A_123 = %mul3A_109) -> (vector<100x100xf32>)  : i32 {
      %reduce_max3A = arith.constant dense<0xFF800000> : vector<100xf32>
      %reduce_max3A_124 = vector.multi_reduction <maximumf>, %scan3A_123, %reduce_max3A [1] : vector<100x100xf32> to vector<100xf32>
      %broadcast_in_dim3A = vector.shape_cast %reduce_max3A_124 : vector<100xf32> to vector<100x1xf32>
      %sub3A = vector.broadcast %broadcast_in_dim3A : vector<100x1xf32> to vector<100x100xf32>
      %sub3A_125 = arith.subf %scan3A_123, %sub3A : vector<100x100xf32>
      %exp3A_126 = math.exp %sub3A_125 : vector<100x100xf32>
      %reduce_sum3A = arith.constant dense<0.000000e+00> : vector<100xf32>
      %reduce_sum3A_127 = vector.multi_reduction <add>, %exp3A_126, %reduce_sum3A [1] : vector<100x100xf32> to vector<100xf32>
      %broadcast_in_dim3A_128 = vector.shape_cast %reduce_sum3A_127 : vector<100xf32> to vector<100x1xf32>
      %log3A = math.log %broadcast_in_dim3A_128 : vector<100x1xf32>
      %add3A = arith.addf %broadcast_in_dim3A, %log3A : vector<100x1xf32>
      %sub3A_129 = vector.broadcast %add3A : vector<100x1xf32> to vector<100x100xf32>
      %sub3A_130 = arith.subf %scan3A_123, %sub3A_129 : vector<100x100xf32>
      %reduce_max3A_131 = arith.constant dense<0xFF800000> : vector<100xf32>
      %reduce_max3A_132 = vector.multi_reduction <maximumf>, %sub3A_130, %reduce_max3A_131 [0] : vector<100x100xf32> to vector<100xf32>
      %broadcast_in_dim3A_133 = vector.shape_cast %reduce_max3A_132 : vector<100xf32> to vector<1x100xf32>
      %sub3A_134 = vector.broadcast %broadcast_in_dim3A_133 : vector<1x100xf32> to vector<100x100xf32>
      %sub3A_135 = arith.subf %sub3A_130, %sub3A_134 : vector<100x100xf32>
      %exp3A_136 = math.exp %sub3A_135 : vector<100x100xf32>
      %reduce_sum3A_137 = arith.constant dense<0.000000e+00> : vector<100xf32>
      %reduce_sum3A_138 = vector.multi_reduction <add>, %exp3A_136, %reduce_sum3A_137 [0] : vector<100x100xf32> to vector<100xf32>
      %broadcast_in_dim3A_139 = vector.shape_cast %reduce_sum3A_138 : vector<100xf32> to vector<1x100xf32>
      %log3A_140 = math.log %broadcast_in_dim3A_139 : vector<1x100xf32>
      %add3A_141 = arith.addf %broadcast_in_dim3A_133, %log3A_140 : vector<1x100xf32>
      %sub3A_142 = vector.broadcast %add3A_141 : vector<1x100xf32> to vector<100x100xf32>
      %sub3A_143 = arith.subf %sub3A_130, %sub3A_142 : vector<100x100xf32>
      scf.yield %sub3A_143 : vector<100x100xf32>
    }
    %exp3A_115 = math.exp %scan3A_114 : vector<100x100xf32>
    %swap3A_116 = arith.constant 3 : index
    %swap3A_117 = arith.constant 0 : index
    %swap3A_118 = arith.constant 0 : index
    %swap3A_119 = vector.load %arg4[%swap3A_116, %swap3A_117, %swap3A_118] : memref<4x100x100xf32, #tpu.memory_space<vmem>>, vector<1x100x100xf32>
    %swap3A_120 = vector.shape_cast %swap3A_119 : vector<1x100x100xf32> to vector<100x100xf32>
    %swap3A_121 = vector.shape_cast %exp3A_115 : vector<100x100xf32> to vector<1x100x100xf32>
    tpu.vector_store %arg4[%swap3A_116, %swap3A_117, %swap3A_118], %swap3A_121 {strides = array<i32>} : memref<4x100x100xf32, #tpu.memory_space<vmem>>, vector<1x100x100xf32>,
    return
  }
  func.func @transform_0(%arg0: i32) -> (i32, i32, i32) {
    %c0_i32 = arith.constant 0 : i32
    %c0_i32_0 = arith.constant 0 : i32
    %c0_i32_1 = arith.constant 0 : i32
    return %arg0, %c0_i32, %c0_i32_0 : i32, i32, i32
  }
  func.func @transform_1(%arg0: i32) -> (i32, i32, i32) {
    %c0_i32 = arith.constant 0 : i32
    %c0_i32_0 = arith.constant 0 : i32
    %c0_i32_1 = arith.constant 0 : i32
    return %arg0, %c0_i32, %c0_i32_0 : i32, i32, i32
  }
  func.func @transform_2(%arg0: i32) -> (i32, i32) {
    %c0_i32 = arith.constant 0 : i32
    %c0_i32_0 = arith.constant 0 : i32
    %c0_i32_1 = arith.constant 0 : i32
    return %c0_i32, %c0_i32_0 : i32, i32
  }
  func.func @transform_3(%arg0: i32) -> (i32, i32, i32) {
    %c0_i32 = arith.constant 0 : i32
    %c0_i32_0 = arith.constant 0 : i32
    %c0_i32_1 = arith.constant 0 : i32
    return %arg0, %c0_i32, %c0_i32_0 : i32, i32, i32
  }
}

</mosaic_0001>

<sc_bundles>
// kernel: kernel.19.cloned.1.call-start
scs
__scs_entry_jumppad:
0x0: {  	(pc) =	sbr.rel $0x88, $3  }
0x1: {  	(tag) =	ssettag $0x0;
	lr =	simm.s32 $0x1  }
0x2: {  	[smem:$0x3F8A] =	sst lr;
	_ =	strace $0xD0000000  }
0x3: {  	_ = 	snop  }
0x4: {  	_ = 	snop  }
0x5: {  	_ = 	snop  }
0x6: {  	_ = 	snop  }
0x7: {  	_ = 	snop  }
__scs_overlays_trampoline_lowered:
0x8: {  	[smem:$0x3F99] =	sst s0  }
0x9: {  	[smem:$0x3F9A] =	sst s1  }
0xa: {  	[smem:$0x3F9B] =	sst s2  }
0xb: {  	[smem:$0x3F9C] =	sst s3  }
0xc: {  	[smem:$0x3F9D] =	sst s4  }
0xd: {  	[smem:$0x3F9E] =	sst s5  }
0xe: {  	[smem:$0x3F9F] =	sst s6  }
0xf: {  	[smem:$0x3FA0] =	sst s7  }
0x10: {  	[smem:$0x3FA1] =	sst s8  }
0x11: {  	[smem:$0x3FA2] =	sst s9;
	s0 =	simm.s32 @!p0 $0x0  }
0x12: {  	s1 =	sld [smem:$0x3F88];
	s0 =	simm.s32 @p0 $0x1  }
0x13: {  	[smem:$0x3FA3] =	sst s0;
	s0 =	simm.s32 @!p1 $0x0  }
0x14: {  	s2 =	sld [smem:$0x3F87];
	s0 =	simm.s32 @p1 $0x1  }
0x15: {  	[smem:$0x3FA4] =	sst s0;
	s0 =	simm.s32 @!p2 $0x0  }
0x16: {  	s3 =	sld [smem:$0x3FDB];
	s0 =	simm.s32 @p2 $0x1  }
0x17: {  	s4 =	simm.s32 $0x1BF5;
	[smem:$0x3FA6] =	sst s0  }
0x18: {  	s0 =	sld [smem:$0x3F89];
	_ =	swait.ge [sflag:s4], $0x0  }
0x19: {  	s7 =	sld [smem:$0x3F8A]  }
0x1a: {  	s8 =	sadd.s32 $0xFFFFE003, lr  }
0x1b: {  	s9 =	sadd.s32 $0xFFFFFEF7, lr;
	s5 =	simm.s32 $0xFFFFFFFF;
	p2 =	slt.u32 s8, $0xFFFFF086  }
0x1c: {  	p1 =	slt.u32 s9, $0xF7A;
	s5 =	simm.s32 @!p2 $0x0  }
0x1d: {  	s5 =	simm.s32 @p1 $0x1;
	p0 =	seq.s32 s7, s2  }
0x1e: {  	s7 =	smul.u32 @!p0 $0xF7A, s2;
	p2 =	seq.s32 @!p0 s5, $0x0  }
0x1f: {  	s9 =	smul.u32 $0xF7A, s1;
	s8 =	simm.s32 @!p0 $0x1BF5;
	p2 =	por !p2, p0  }
0x20: {  	[sflag:s8] =	ssyncset.s32 @!p0 $0xFFFFF086;
	s6 =	sadd.s32 @!p0 s3, s7;
	s7 =	simm.s32 @!p0 $0x108  }
0x21: {  	s3 =	sadd.s32 s3, s9;
	s6 =	sadd.s32 @!p0 $0x88, s6;
	s7 =	simm.s32 @p2 $0x1082  }
0x22: {  	[simem:s7], [sflag:s8] =	dma.local @!p0 [hbm:s6], $0xF7A  }
0x23: {  	s9 =	sor.u32 $0xD0000000, s2;
	s6 =	simm.s32 $0x108;
	_ =	swait.ge @!p0 [sflag:s8], $0x0  }
0x24: {  	s3 =	sadd.s32 $0x88, s3;
	s6 =	simm.s32 @!p1 $0x1082;
	[sflag:s4] =	ssyncset.s32 $0xFFFFF086  }
0x25: {  	[simem:s6], [sflag:s4] =	dma.local [hbm:s3], $0xF7A  }
0x26: {  	[smem:$0x3F8A] =	sst s1;
	(tag) =	ssettag s2;
	_ =	strace s9  }
0x27: {  	s1 =	sld [smem:$0x3F9A]  }
0x28: {  	s2 =	sld [smem:$0x3F9B]  }
0x29: {  	s4 =	sld [smem:$0x3F9D]  }
0x2a: {  	p0 =	seq.s32 s5, $0x0;
	s5 =	sld [smem:$0x3F9E]  }
0x2b: {  	s6 =	sld [smem:$0x3F9F]  }
0x2c: {  	s7 =	sld [smem:$0x3FA0]  }
0x2d: {  	s3 =	simm.s32 $0x108;
	s8 =	sld [smem:$0x3FA1]  }
0x2e: {  	s3 =	simm.s32 @!p0 $0x1082;
	s9 =	sld [smem:$0x3FA2]  }
0x2f: {  	lr =	sadd.s32 s0, s3;
	s0 =	sld [smem:$0x3F99]  }
0x30: {  	s3 =	sld [smem:$0x3F9C]  }
0x31: {  	[smem:$0x3FA5] =	sst s10  }
0x32: {  	s10 =	sld [smem:$0x3FA3];
	_ =	sdelay $0x3  }
0x33: {  	p0 =	seq.s32 s10, $0x1;
	s10 =	sld [smem:$0x3FA5];
	_ =	sdelay $0x3  }
0x34: {  	[smem:$0x3FA5] =	sst s10  }
0x35: {  	s10 =	sld [smem:$0x3FA4];
	_ =	sdelay $0x3  }
0x36: {  	p1 =	seq.s32 s10, $0x1;
	s10 =	sld [smem:$0x3FA5];
	_ =	sdelay $0x3  }
0x37: {  	[smem:$0x3FA5] =	sst s10  }
0x38: {  	s10 =	sld [smem:$0x3FA6]  }
0x39: {  	_ = 	snop;
	(pc) =	sbr.ind lr, $3  }
0x3a: {  	_ = 	snop  }
0x3b: {  	_ = 	snop  }
0x3c: {  	p2 =	seq.s32 s10, $0x1;
	s10 =	sld [smem:$0x3FA5]  }
0x3d: {  	_ =	shalt  }
0x3e: {  	_ =	shalt  }
0x3f: {  	_ =	shalt  }
0x40: {  	_ =	shalt  }
0x41: {  	_ =	shalt  }
0x42: {  	_ =	shalt  }
0x43: {  	_ =	shalt  }
0x44: {  	_ =	shalt  }
0x45: {  	_ =	shalt  }
0x46: {  	_ =	shalt  }
0x47: {  	_ =	shalt  }
0x48: {  	_ =	shalt  }
0x49: {  	_ =	shalt  }
0x4a: {  	_ =	shalt  }
0x4b: {  	_ =	shalt  }
0x4c: {  	_ =	shalt  }
0x4d: {  	_ =	shalt  }
0x4e: {  	_ =	shalt  }
0x4f: {  	_ =	shalt  }
0x50: {  	_ =	shalt  }
0x51: {  	_ =	shalt  }
0x52: {  	_ =	shalt  }
0x53: {  	_ =	shalt  }
0x54: {  	_ =	shalt  }
0x55: {  	_ =	shalt  }
0x56: {  	_ =	shalt  }
0x57: {  	_ =	shalt  }
0x58: {  	_ =	shalt  }
0x59: {  	_ =	shalt  }
0x5a: {  	_ =	shalt  }
0x5b: {  	_ =	shalt  }
0x5c: {  	_ =	shalt  }
0x5d: {  	_ =	shalt  }
0x5e: {  	_ =	shalt  }
0x5f: {  	_ =	shalt  }
0x60: {  	_ =	shalt  }
0x61: {  	_ =	shalt  }
0x62: {  	_ =	shalt  }
0x63: {  	_ =	shalt  }
0x64: {  	_ =	shalt  }
0x65: {  	_ =	shalt  }
0x66: {  	_ =	shalt  }
0x67: {  	_ =	shalt  }
0x68: {  	_ =	shalt  }
0x69: {  	_ =	shalt  }
0x6a: {  	_ =	shalt  }
0x6b: {  	_ =	shalt  }
0x6c: {  	_ =	shalt  }
0x6d: {  	_ =	shalt  }
0x6e: {  	_ =	shalt  }
0x6f: {  	_ =	shalt  }
0x70: {  	_ =	shalt  }
0x71: {  	_ =	shalt  }
0x72: {  	_ =	shalt  }
0x73: {  	_ =	shalt  }
0x74: {  	_ =	shalt  }
0x75: {  	_ =	shalt  }
0x76: {  	_ =	shalt  }
0x77: {  	_ =	shalt  }
0x78: {  	_ =	shalt  }
0x79: {  	_ =	shalt  }
0x7a: {  	_ =	shalt  }
0x7b: {  	_ =	shalt  }
0x7c: {  	_ =	shalt  }
0x7d: {  	_ =	shalt  }
0x7e: {  	_ =	shalt  }
0x7f: {  	_ =	shalt  }
0x80: {  	_ =	shalt  }
0x81: {  	_ =	shalt  }
0x82: {  	_ =	shalt  }
0x83: {  	_ =	shalt  }
0x84: {  	_ =	shalt  }
0x85: {  	_ =	shalt  }
0x86: {  	_ =	shalt  }
0x87: {  	_ =	shalt  }
.Lfunc_end0:
.L_simem_size_0:
called_computation_lowered:
.L_overlay_start_0:
0x88: {  	s2 =	sld [smem:$0x3FD9]  }
0x89: {  	s3 =	sld [smem:$0x3FFE];
	_ =	sdelay $0x1  }
0x8a: {  	s1 =	srdreg.scid  }
0x8b: {  	s0 =	sand.u32 $0x1, s1  }
0x8c: {  	s14 =	sshll.u32 s0, $0xA;
	s2 =	sadd.s32 s3, s2  }
0x8d: {  	s2 =	sadd.s32 s2, s14  }
0x8e: {  	[smem:$0x3FB1] =	sst s2  }
0x8f: {  	_ = 	snop  }
0x90: {  	s2 =	sld [smem:$0x3FD0];
	_ =	sdelay $0x2  }
0x91: {  	s15 =	simm.s32 $0xB;
	s4 =	simm.s32 $0x10  }
0x92: {  	[smem:s4], [sflag:s15] =	dma.local [hbm:s2], $0x1  }
0x93: {  	_ =	swait.eq [sflag:s15], $0x1  }
0x94: {  	[sflag:s15] =	ssyncset.done $0x0  }
0x95: {  	s16 =	sld [smem:$0x11];
	[sflag:s15] =	ssyncadd.s32 $0xFFFFFFFF  }
0x96: {  	s17 =	sld [smem:$0x13];
	(tm) =	ssettm $0x1  }
0x97: {  	s18 =	sld [smem:$0x3FFB];
	_ =	sdelay $0x3  }
0x98: {  	_ =	strace s18  }
0x99: {  	s4 =	sld [smem:$0x3FFC];
	_ =	sdelay $0x3  }
0x9a: {  	_ =	strace s4  }
0x9b: {  	s4 =	sld [smem:$0x3FFD];
	_ =	sdelay $0x3  }
0x9c: {  	_ =	strace s4  }
0x9d: {  	_ =	strace $0x8FFFFFFF  }
0x9e: {  	s19 =	sld [smem:$0x3FDB];
	_ =	sdelay $0x1  }
0x9f: {  	s5 =	simm.s32 $_scs_section_size  }
0xa0: {  	s6 =	simm.s32 $_size__tile_overlayer_lowered;
	s7 =	simm.s32 $_tile_overlayer_lowered  }
0xa1: {  	s22 =	simm.s32 $0x1BFF;
	s21 =	sshll.u32 s7, $0x1;
	s4 =	sadd.s32 s5, s19  }
0xa2: {  	s8 =	simm.s32 $0x0;
	s20 =	sshll.u32 s6, $0x1;
	s6 =	sadd.s32 s21, s4  }
0xa3: {  	[timem:s8], [sflag:s22] =	dma.local [hbm:s6], s20  }
0xa4: {  	_ =	swait.ge [sflag:s22], s20  }
0xa5: {  	s5 =	ssub.s32 $0x0, s20;
	[sflag:s22] =	ssyncset.done $0x0  }
0xa6: {  	[sflag:s22] =	ssyncadd.s32 s5;
	_ =	sdelay $0x1  }
0xa7: {  	s23 =	simm.s32 $0x1B8B  }
0xa8: {  	_ =	swait.ge [sflag:s23], $0x1  }
0xa9: {  	[sflag:s23] =	ssyncset.done $0x0  }
0xaa: {  	s25 =	simm.s32 $0x1B8E;
	s24 =	sld [smem:$0x3FFE];
	[sflag:s23] =	ssyncadd.s32 $0xFFFFFFFF  }
0xab: {  	s26 =	simm.s32 $execute0_lowered;
	[smem:$0x3FD2] =	sst s25  }
0xac: {  	s6 =	sshll.u32 s26, $0x1;
	_ =	strace $0x80000046;
	[dreg:$0x1] =	wrdreg $0xFFFFFFFF  }
0xad: {  	s28 =	simm.s32 $_size_execute0_lowered;
	s4 =	sadd.s32 s4, s6;
	[dreg:$0x0] =	wrdreg $0x0  }
0xae: {  	s6 =	sshll.u32 s28, $0x1;
	[dreg:$0x2] =	wrdreg s4  }
0xaf: {  	[dreg:$0x3] =	wrdreg s6  }
0xb0: {  	[dreg:$0x4] =	wrdreg $0xC0  }
0xb1: {  	_ =	task [dreg:s8], $0x5FFFF  }
0xb2: {  	[dreg:$0x1] =	wrdreg $0xFFFFFFFF  }
0xb3: {  	[dreg:$0x0] =	wrdreg $0x60  }
0xb4: {  	[dreg:$0x2] =	wrdreg s16  }
0xb5: {  	[dreg:$0x3] =	wrdreg s17  }
0xb6: {  	[dreg:$0x4] =	wrdreg s24  }
0xb7: {  	[dreg:$0x5] =	wrdreg $0x68000  }
0xb8: {  	[dreg:$0x6] =	wrdreg $0x8F100  }
0xb9: {  	[dreg:$0x7] =	wrdreg $0x9  }
0xba: {  	_ =	task.clear_ibuf [dreg:s8], $0x8FFFF;
	_ =	strace $0x90000046  }
0xbb: {  	s29 =	simm.s32 $0x9;
	_ =	strace $0x80000048  }
0xbc: {  	_ =	swait.ge [sflag:s29], $0x1  }
0xbd: {  	[sflag:s29] =	ssyncadd.s32 $0xFFFFFFFF  }
0xbe: {  	_ =	strace $0x90000048  }
0xbf: {  	_ =	sfence  }
0xc0: {  	s30 =	sld [smem:$0x0];
	_ =	sdelay $0x2  }
0xc1: {  	s31 =	sshll.u32 s1, $0xD;
	s1 =	sshrl.u32 s1, $0x2  }
0xc2: {  	s3 =	sand.u32 $0x4000, s31;
	s1 =	sadd.s32 s1, s30  }
0xc3: {  	s0 =	sor.u32 s3, s0;
	s1 =	sshll.u32 s1, $0x11  }
0xc4: {  	s0 =	sor.u32 s1, s0  }
0xc5: {  	s0 =	sadd.s32 $0x8F2B, s0  }
0xc6: {  	[sflag:s0] =	ssyncadd.remote.s32 $0x1  }
0xc7: {  	_ =	sfence.sel $0xFFFF  }
0xc8: {  	[dreg:$0x0] =	wrdreg $0xFFFFFFFF;
	(pc) =	sbr.abs _section_cstart, $3  }
0xc9: {  	[dreg:$0x1] =	wrdreg $0xFFFFFFFF  }
0xca: {  	_ =	task.clear_ibuf [dreg:s8], $0x2FFFF;
	_ =	strace $0x9FFFFFFF  }
0xcb: {  	(tm) =	ssettm $0x7FFFFFFF  }
tec
execute0_lowered:
.L_overlay_start_1:
0x0: {  	(tag) =	ssettag $0x1  }
0x1: {  	s6 =	rddreg [dreg:$0x0]  }
0x2: {  	s0 =	rddreg [dreg:$0x1]  }
0x3: {  	s7 =	rddreg [dreg:$0x2];
	s2 =	srdreg.scid  }
0x4: {  	s1 =	stileid.u32;
	s3 =	rddreg [dreg:$0x3]  }
0x5: {  	s4 =	rddreg [dreg:$0x4];
	s5 =	simm.s32 $0x0;
	s15 =	simm.s32 $0x3  }
0x6: {  	s16 =	simm.s32 $0x64;
	s17 =	simm.s32 $0x3400;
	s18 =	simm.s32 $0x80  }
0x7: {  	s19 =	simm.s32 $0x1;
	s20 =	simm.s32 $0x2;
	s25 =	simm.s32 $0x0  }
0x8: {  	s8 =	sand.u32 $0x1, s2;
	s28 =	sshll.u32 s1, $0x1;
	s2 =	rddreg [dreg:$0x5]  }
0x9: {  	[smem:$0x7FF] =	sst s5;
	s11 =	smul.u32 $0x13800, s1;
	s12 =	sadd.s32 $0x4E00, s7  }
0xa: {  	s23 =	sadd.s32 $0x138000, s3;
	p0 =	sne.s32 s1, $0x0;
	s24 =	sadd.s32 $0x138000, s4  }
0xb: {  	s9 =	sor.u32 s8, s28;
	s10 =	smul.u32 $0x271000, s8;
	_ =	strace $0x80000047  }
0xc: {  	s8 =	ssub.s32 $0x2, s8;
	s14 =	sshrl.u32 @!p0 s4, $0x3;
	s23 =	sshrl.u32 @!p0 s23, $0x3  }
0xd: {  	s24 =	sshrl.u32 @!p0 s24, $0x3;
	s9 =	smul.u32 $0x3400, s9;
	s29 =	sshrl.u32 s8, $0x1  }
0xe: {  	s21 =	sadd.s32 s11, s3;
	s22 =	sadd.s32 s11, s4;
	s13 =	ssub.s32 s8, s29  }
0xf: {  	s30 =	sadd.s32 s11, s10;
	s31 =	sshrl.u32 s10, $0x3;
	s21 =	sshrl.u32 s21, $0x3  }
0x10: {  	s22 =	sshrl.u32 s22, $0x3;
	s9 =	sshrl.u32 s9, $0x3;
	s8 =	sshrl.u32 s30, $0x3  }
0x11: {  	s6 =	sadd.s32 s6, s9;
	s8 =	sadd.s32 s12, s8;
	s12 =	sadd.s32 s12, s31  }
0x12: {  	s7 =	sadd.s32 $0xD000, s6;
	s9 =	sadd.s32 $0x27100, s8;
	s10 =	sadd.s32 $0x27000, s12  }
0x13: {  	v0 =	vimm.f32 $1.000000000e+00;
	s11 =	sadd.s32 $0x4E100, s12;
	s12 =	smax.u32 s13, $0x1;
	s13 =	sshrl.u32 @!p0 s3, $0x3  }
.LBB2_1:
0x14: {  	s26 =	simm.s32 @!p0 $0x1C03;
	s28 =	simm.s32 @!p0 $0x3  }
0x15: {  	[spmem:s13], [sflag:s26] =	dma.local @!p0 [hbm:s0], $0x27100  }
0x16: {  	_ =	swait.ge @!p0 [sflag:s28], $0x27100  }
0x17: {  	[sflag:s28] =	ssyncset.done @!p0 $0x0  }
0x18: {  	[sflag:s28] =	ssyncadd.s32 @!p0 $0xFFFD8F00  }
0x19: {  	[spmem:s14], [sflag:s26] =	dma.local @!p0 [hbm:s0], $0x27100  }
0x1a: {  	_ =	swait.ge @!p0 [sflag:s28], $0x27100  }
0x1b: {  	[sflag:s28] =	ssyncset.done @!p0 $0x0  }
0x1c: {  	s26 =	simm.s32 $0x200;
	[sflag:s28] =	ssyncadd.s32 @!p0 $0xFFFD8F00;
	s28 =	simm.s32 $0x0  }
.LBB2_2:
0x1d: {  	p1 =	sne.s32 s26, $0xC600;
	[tilespmem:s28+$0x3400] =	vst v0;
	s28 =	smov.u32 s26;
	s26 =	sadd.s32 $0x200, s26  }
.Ltmp0:
0x1e: {  	(pc) =	sbr.rel @p1 .LBB2_2-.Ltmp0, $2  }
0x1f: {  	_ =	sdelay $0x2  }
0x20: {  	s28 =	sshra.s32 s28, $0x2  }
0x21: {  	[tilespmem:s28+$0x3400] =	vst v0  }
0x22: {  	[bflag:$0x0] =	sbarrier.arrive $0xFFFF  }
0x23: {  	[tilespmem:s5], [sflag:$0x3] =	stream.linear.gather [hbm4b:s6+s5], $0x3200, $0x38;
	[tilespmem:$0xB620] =	vst v63  }
0x24: {  	_ =	swait.ge [sflag:s15], $0x3200  }
0x25: {  	[sflag:s15] =	ssyncset.done $0x0  }
0x26: {  	[sflag:s15] =	ssyncadd.s32 $0xFFFFCE00  }
0x27: {  	[spmem:s3] =	stream.indirect.scatter.add.f32 [tilespmem:s17], [sflag:$0x1], $0x10, s5, s16, $0xb8;
	[tilespmem:$0xB620] =	vst v63  }
0x28: {  	_ = 	snop  }
0x29: {  	[spmem:s3] =	stream.indirect.scatter.add.f32 [tilespmem:s17], [sflag:$0x2], $0x10, s18, s16, $0xb8;
	[tilespmem:$0xB620] =	vst v63  }
0x2a: {  	_ =	swait.ge [sflag:s19], $0x640  }
0x2b: {  	[sflag:s19] =	ssyncset.done $0x0  }
0x2c: {  	s26 =	simm.s32 $0x100;
	[sflag:s19] =	ssyncadd.s32 $0xFFFFF9C0  }
0x2d: {  	[spmem:s3] =	stream.indirect.scatter.add.f32 [tilespmem:s17], [sflag:$0x1], $0x10, s26, s16, $0xb8;
	[tilespmem:$0xB620] =	vst v63  }
0x2e: {  	_ =	swait.ge [sflag:s20], $0x640  }
0x2f: {  	[sflag:s20] =	ssyncset.done $0x0  }
0x30: {  	s28 =	simm.s32 $0x180;
	s26 =	simm.s32 $0xFFFF4000;
	[sflag:s20] =	ssyncadd.s32 $0xFFFFF9C0  }
.LBB2_4:
0x31: {  	[spmem:s3] =	stream.indirect.scatter.add.f32 [tilespmem:s17], [sflag:$0x2], $0x10, s28, s16, $0xb8;
	[tilespmem:$0xB620] =	vst v63  }
0x32: {  	s28 =	smov.u32 s26  }
0x33: {  	p1 =	sne.s32 s26, $0xFFFFFC00;
	s26 =	sadd.s32 $0x400, s26;
	_ =	swait.ge [sflag:s19], $0x640  }
0x34: {  	s28 =	sshra.s32 s28, $0x2;
	[sflag:s19] =	ssyncset.done $0x0  }
.Ltmp1:
0x35: {  	s29 =	sadd.s32 $0x3200, s28;
	[sflag:s19] =	ssyncadd.s32 $0xFFFFF9C0;
	(pc) =	sbr.rel @p1 .LBB2_4-.Ltmp1, $4  }
0x36: {  	[spmem:s3] =	stream.indirect.scatter.add.f32 [tilespmem:s17], [sflag:$0x1], $0x10, s29, s16, $0xb8;
	[tilespmem:$0xB620] =	vst v63  }
0x37: {  	_ =	swait.ge [sflag:s20], $0x640  }
0x38: {  	[sflag:s20] =	ssyncset.done $0x0  }
0x39: {  	s28 =	sadd.s32 $0x3280, s28;
	[sflag:s20] =	ssyncadd.s32 $0xFFFFF9C0  }
0x3a: {  	[spmem:s3] =	stream.indirect.scatter.add.f32 [tilespmem:s17], [sflag:$0x2], $0x10, s28, s16, $0xb8;
	[tilespmem:$0xB620] =	vst v63  }
0x3b: {  	_ =	swait.ge [sflag:s19], $0x640  }
0x3c: {  	[sflag:s19] =	ssyncset.done $0x0  }
0x3d: {  	[sflag:s19] =	ssyncadd.s32 $0xFFFFF9C0  }
0x3e: {  	_ =	swait.ge [sflag:s20], $0x640  }
0x3f: {  	[sflag:s20] =	ssyncset.done $0x0  }
0x40: {  	[sflag:s20] =	ssyncadd.s32 $0xFFFFF9C0  }
0x41: {  	[tilespmem:s5], [sflag:$0x3] =	stream.linear.gather [hbm4b:s7+s5], $0x3200, $0x38;
	[tilespmem:$0xB620] =	vst v63  }
0x42: {  	_ =	swait.ge [sflag:s15], $0x3200  }
0x43: {  	[sflag:s15] =	ssyncset.done $0x0  }
0x44: {  	[sflag:s15] =	ssyncadd.s32 $0xFFFFCE00  }
0x45: {  	[spmem:s4] =	stream.indirect.scatter.add.f32 [tilespmem:s17], [sflag:$0x1], $0x10, s5, s16, $0xb8;
	[tilespmem:$0xB620] =	vst v63  }
0x46: {  	_ = 	snop  }
0x47: {  	[spmem:s4] =	stream.indirect.scatter.add.f32 [tilespmem:s17], [sflag:$0x2], $0x10, s18, s16, $0xb8;
	[tilespmem:$0xB620] =	vst v63  }
0x48: {  	_ =	swait.ge [sflag:s19], $0x640  }
0x49: {  	[sflag:s19] =	ssyncset.done $0x0  }
0x4a: {  	s26 =	simm.s32 $0x100;
	[sflag:s19] =	ssyncadd.s32 $0xFFFFF9C0  }
0x4b: {  	[spmem:s4] =	stream.indirect.scatter.add.f32 [tilespmem:s17], [sflag:$0x1], $0x10, s26, s16, $0xb8;
	[tilespmem:$0xB620] =	vst v63  }
0x4c: {  	_ =	swait.ge [sflag:s20], $0x640  }
0x4d: {  	[sflag:s20] =	ssyncset.done $0x0  }
0x4e: {  	s28 =	simm.s32 $0x180;
	s26 =	simm.s32 $0xFFFF4000;
	[sflag:s20] =	ssyncadd.s32 $0xFFFFF9C0  }
.LBB2_6:
0x4f: {  	[spmem:s4] =	stream.indirect.scatter.add.f32 [tilespmem:s17], [sflag:$0x2], $0x10, s28, s16, $0xb8;
	[tilespmem:$0xB620] =	vst v63  }
0x50: {  	s28 =	smov.u32 s26  }
0x51: {  	p1 =	sne.s32 s26, $0xFFFFFC00;
	s26 =	sadd.s32 $0x400, s26;
	_ =	swait.ge [sflag:s19], $0x640  }
0x52: {  	s28 =	sshra.s32 s28, $0x2;
	[sflag:s19] =	ssyncset.done $0x0  }
.Ltmp2:
0x53: {  	s29 =	sadd.s32 $0x3200, s28;
	[sflag:s19] =	ssyncadd.s32 $0xFFFFF9C0;
	(pc) =	sbr.rel @p1 .LBB2_6-.Ltmp2, $4  }
0x54: {  	[spmem:s4] =	stream.indirect.scatter.add.f32 [tilespmem:s17], [sflag:$0x1], $0x10, s29, s16, $0xb8;
	[tilespmem:$0xB620] =	vst v63  }
0x55: {  	_ =	swait.ge [sflag:s20], $0x640  }
0x56: {  	[sflag:s20] =	ssyncset.done $0x0  }
0x57: {  	s28 =	sadd.s32 $0x3280, s28;
	[sflag:s20] =	ssyncadd.s32 $0xFFFFF9C0  }
0x58: {  	[spmem:s4] =	stream.indirect.scatter.add.f32 [tilespmem:s17], [sflag:$0x2], $0x10, s28, s16, $0xb8;
	[tilespmem:$0xB620] =	vst v63  }
0x59: {  	_ =	swait.ge [sflag:s19], $0x640  }
0x5a: {  	[sflag:s19] =	ssyncset.done $0x0  }
0x5b: {  	[sflag:s19] =	ssyncadd.s32 $0xFFFFF9C0  }
0x5c: {  	_ =	swait.ge [sflag:s20], $0x640  }
0x5d: {  	[sflag:s20] =	ssyncset.done $0x0  }
0x5e: {  	s26 =	sshll.u32 s1, $0x6;
	[sflag:s20] =	ssyncadd.s32 $0xFFFFF9C0  }
0x5f: {  	s26 =	sor.u32 $0x1C03, s26;
	[bflag:$0x0] =	sbarrier.arrive $0xFFFF  }
0x60: {  	[hbm:s8], [sflag:s26] =	dma.local [spmem:s21], $0x2700  }
0x61: {  	_ =	swait.ge [sflag:s15], $0x2700  }
0x62: {  	[sflag:s15] =	ssyncset.done $0x0  }
0x63: {  	[sflag:s15] =	ssyncadd.s32 $0xFFFFD900  }
0x64: {  	[hbm:s9], [sflag:s26] =	dma.local [spmem:s22], $0x2700  }
0x65: {  	_ =	swait.ge [sflag:s15], $0x2700  }
0x66: {  	[sflag:s15] =	ssyncset.done $0x0  }
0x67: {  	s28 =	simm.s32 @!p0 $0x3;
	[sflag:s15] =	ssyncadd.s32 $0xFFFFD900  }
0x68: {  	[hbm:s10], [sflag:s26] =	dma.local @!p0 [spmem:s23], $0x100  }
0x69: {  	s25 =	sadd.s32 $0x1, s25;
	_ =	swait.ge @!p0 [sflag:s28], $0x100  }
0x6a: {  	p1 =	sne.s32 s25, s12;
	[sflag:s28] =	ssyncset.done @!p0 $0x0  }
.Ltmp3:
0x6b: {  	[sflag:s28] =	ssyncadd.s32 @!p0 $0xFFFFFF00;
	(pc) =	sbr.rel @p1 .LBB2_1-.Ltmp3, $4  }
0x6c: {  	[hbm:s11], [sflag:s26] =	dma.local @!p0 [spmem:s24], $0x100  }
0x6d: {  	_ =	swait.ge @!p0 [sflag:s28], $0x100  }
0x6e: {  	[sflag:s28] =	ssyncset.done @!p0 $0x0  }
0x6f: {  	[sflag:s28] =	ssyncadd.s32 @!p0 $0xFFFFFF00  }
0x70: {  	_ =	sfence.sel $0x180000  }
0x71: {  	[bflag:$0x0] =	sbarrier.arrive $0xFFFF  }
0x72: {  	_ =	strace $0x90000047  }
0x73: {  	s0 =	sadd.s32 @!p0 $0x100000, s2;
	[bflag:$0x2] =	sbarrier.arrive $0xFFFF  }
0x74: {  	[sflag:s0] =	ssyncadd.tile.s32 @!p0 $0x1;
	_ =	shalt  }
.Lfunc_end2:
_tile_overlayer_lowered:
.L_overlay_start_2:
0x75: {  	(tag) =	ssettag $0x2  }
0x76: {  	s0 =	rddreg [dreg:$0x0];
	s2 =	stileid.u32  }
0x77: {  	s1 =	rddreg [dreg:$0x1];
	p0 =	sne.s32 s2, $0x0  }
0x78: {  	s3 =	rddreg [dreg:$0x2];
	[bflag:$0x3] =	sbarrier.arrive $0xFFFF;
	s2 =	simm.s32 @!p0 $0x1C03  }
0x79: {  	[timem:s3], [sflag:s2] =	dma.local @!p0 [hbm:s0], s1  }
0x7a: {  	s0 =	simm.s32 @!p0 $0x3  }
0x7b: {  	_ =	swait.ge @!p0 [sflag:s0], s1  }
0x7c: {  	s1 =	ssub.s32 @!p0 $0x0, s1;
	[sflag:s0] =	ssyncset.done @!p0 $0x0  }
0x7d: {  	[sflag:s0] =	ssyncadd.s32 @!p0 s1  }
0x7e: {  	[bflag:$0x3] =	sbarrier.arrive $0xFFFF  }
0x7f: {  	_ =	shalt  }

// kernel: kernel.22.cloned.1.call-start
scs
__scs_entry_jumppad:
0x0: {  	(pc) =	sbr.rel $0x88, $3  }
0x1: {  	(tag) =	ssettag $0x0;
	lr =	simm.s32 $0x1  }
0x2: {  	[smem:$0x3F8A] =	sst lr;
	_ =	strace $0xD0000000  }
0x3: {  	_ = 	snop  }
0x4: {  	_ = 	snop  }
0x5: {  	_ = 	snop  }
0x6: {  	_ = 	snop  }
0x7: {  	_ = 	snop  }
__scs_overlays_trampoline_lowered:
0x8: {  	[smem:$0x3F99] =	sst s0  }
0x9: {  	[smem:$0x3F9A] =	sst s1  }
0xa: {  	[smem:$0x3F9B] =	sst s2  }
0xb: {  	[smem:$0x3F9C] =	sst s3  }
0xc: {  	[smem:$0x3F9D] =	sst s4  }
0xd: {  	[smem:$0x3F9E] =	sst s5  }
0xe: {  	[smem:$0x3F9F] =	sst s6  }
0xf: {  	[smem:$0x3FA0] =	sst s7  }
0x10: {  	[smem:$0x3FA1] =	sst s8  }
0x11: {  	[smem:$0x3FA2] =	sst s9;
	s0 =	simm.s32 @!p0 $0x0  }
0x12: {  	s1 =	sld [smem:$0x3F88];
	s0 =	simm.s32 @p0 $0x1  }
0x13: {  	[smem:$0x3FA3] =	sst s0;
	s0 =	simm.s32 @!p1 $0x0  }
0x14: {  	s2 =	sld [smem:$0x3F87];
	s0 =	simm.s32 @p1 $0x1  }
0x15: {  	[smem:$0x3FA4] =	sst s0;
	s0 =	simm.s32 @!p2 $0x0  }
0x16: {  	s3 =	sld [smem:$0x3FDB];
	s0 =	simm.s32 @p2 $0x1  }
0x17: {  	s4 =	simm.s32 $0x1BF5;
	[smem:$0x3FA6] =	sst s0  }
0x18: {  	s0 =	sld [smem:$0x3F89];
	_ =	swait.ge [sflag:s4], $0x0  }
0x19: {  	s7 =	sld [smem:$0x3F8A]  }
0x1a: {  	s8 =	sadd.s32 $0xFFFFE003, lr  }
0x1b: {  	s9 =	sadd.s32 $0xFFFFFEF7, lr;
	s5 =	simm.s32 $0xFFFFFFFF;
	p2 =	slt.u32 s8, $0xFFFFF086  }
0x1c: {  	p1 =	slt.u32 s9, $0xF7A;
	s5 =	simm.s32 @!p2 $0x0  }
0x1d: {  	s5 =	simm.s32 @p1 $0x1;
	p0 =	seq.s32 s7, s2  }
0x1e: {  	s7 =	smul.u32 @!p0 $0xF7A, s2;
	p2 =	seq.s32 @!p0 s5, $0x0  }
0x1f: {  	s9 =	smul.u32 $0xF7A, s1;
	s8 =	simm.s32 @!p0 $0x1BF5;
	p2 =	por !p2, p0  }
0x20: {  	[sflag:s8] =	ssyncset.s32 @!p0 $0xFFFFF086;
	s6 =	sadd.s32 @!p0 s3, s7;
	s7 =	simm.s32 @!p0 $0x108  }
0x21: {  	s3 =	sadd.s32 s3, s9;
	s6 =	sadd.s32 @!p0 $0x88, s6;
	s7 =	simm.s32 @p2 $0x1082  }
0x22: {  	[simem:s7], [sflag:s8] =	dma.local @!p0 [hbm:s6], $0xF7A  }
0x23: {  	s9 =	sor.u32 $0xD0000000, s2;
	s6 =	simm.s32 $0x108;
	_ =	swait.ge @!p0 [sflag:s8], $0x0  }
0x24: {  	s3 =	sadd.s32 $0x88, s3;
	s6 =	simm.s32 @!p1 $0x1082;
	[sflag:s4] =	ssyncset.s32 $0xFFFFF086  }
0x25: {  	[simem:s6], [sflag:s4] =	dma.local [hbm:s3], $0xF7A  }
0x26: {  	[smem:$0x3F8A] =	sst s1;
	(tag) =	ssettag s2;
	_ =	strace s9  }
0x27: {  	s1 =	sld [smem:$0x3F9A]  }
0x28: {  	s2 =	sld [smem:$0x3F9B]  }
0x29: {  	s4 =	sld [smem:$0x3F9D]  }
0x2a: {  	p0 =	seq.s32 s5, $0x0;
	s5 =	sld [smem:$0x3F9E]  }
0x2b: {  	s6 =	sld [smem:$0x3F9F]  }
0x2c: {  	s7 =	sld [smem:$0x3FA0]  }
0x2d: {  	s3 =	simm.s32 $0x108;
	s8 =	sld [smem:$0x3FA1]  }
0x2e: {  	s3 =	simm.s32 @!p0 $0x1082;
	s9 =	sld [smem:$0x3FA2]  }
0x2f: {  	lr =	sadd.s32 s0, s3;
	s0 =	sld [smem:$0x3F99]  }
0x30: {  	s3 =	sld [smem:$0x3F9C]  }
0x31: {  	[smem:$0x3FA5] =	sst s10  }
0x32: {  	s10 =	sld [smem:$0x3FA3];
	_ =	sdelay $0x3  }
0x33: {  	p0 =	seq.s32 s10, $0x1;
	s10 =	sld [smem:$0x3FA5];
	_ =	sdelay $0x3  }
0x34: {  	[smem:$0x3FA5] =	sst s10  }
0x35: {  	s10 =	sld [smem:$0x3FA4];
	_ =	sdelay $0x3  }
0x36: {  	p1 =	seq.s32 s10, $0x1;
	s10 =	sld [smem:$0x3FA5];
	_ =	sdelay $0x3  }
0x37: {  	[smem:$0x3FA5] =	sst s10  }
0x38: {  	s10 =	sld [smem:$0x3FA6]  }
0x39: {  	_ = 	snop;
	(pc) =	sbr.ind lr, $3  }
0x3a: {  	_ = 	snop  }
0x3b: {  	_ = 	snop  }
0x3c: {  	p2 =	seq.s32 s10, $0x1;
	s10 =	sld [smem:$0x3FA5]  }
0x3d: {  	_ =	shalt  }
0x3e: {  	_ =	shalt  }
0x3f: {  	_ =	shalt  }
0x40: {  	_ =	shalt  }
0x41: {  	_ =	shalt  }
0x42: {  	_ =	shalt  }
0x43: {  	_ =	shalt  }
0x44: {  	_ =	shalt  }
0x45: {  	_ =	shalt  }
0x46: {  	_ =	shalt  }
0x47: {  	_ =	shalt  }
0x48: {  	_ =	shalt  }
0x49: {  	_ =	shalt  }
0x4a: {  	_ =	shalt  }
0x4b: {  	_ =	shalt  }
0x4c: {  	_ =	shalt  }
0x4d: {  	_ =	shalt  }
0x4e: {  	_ =	shalt  }
0x4f: {  	_ =	shalt  }
0x50: {  	_ =	shalt  }
0x51: {  	_ =	shalt  }
0x52: {  	_ =	shalt  }
0x53: {  	_ =	shalt  }
0x54: {  	_ =	shalt  }
0x55: {  	_ =	shalt  }
0x56: {  	_ =	shalt  }
0x57: {  	_ =	shalt  }
0x58: {  	_ =	shalt  }
0x59: {  	_ =	shalt  }
0x5a: {  	_ =	shalt  }
0x5b: {  	_ =	shalt  }
0x5c: {  	_ =	shalt  }
0x5d: {  	_ =	shalt  }
0x5e: {  	_ =	shalt  }
0x5f: {  	_ =	shalt  }
0x60: {  	_ =	shalt  }
0x61: {  	_ =	shalt  }
0x62: {  	_ =	shalt  }
0x63: {  	_ =	shalt  }
0x64: {  	_ =	shalt  }
0x65: {  	_ =	shalt  }
0x66: {  	_ =	shalt  }
0x67: {  	_ =	shalt  }
0x68: {  	_ =	shalt  }
0x69: {  	_ =	shalt  }
0x6a: {  	_ =	shalt  }
0x6b: {  	_ =	shalt  }
0x6c: {  	_ =	shalt  }
0x6d: {  	_ =	shalt  }
0x6e: {  	_ =	shalt  }
0x6f: {  	_ =	shalt  }
0x70: {  	_ =	shalt  }
0x71: {  	_ =	shalt  }
0x72: {  	_ =	shalt  }
0x73: {  	_ =	shalt  }
0x74: {  	_ =	shalt  }
0x75: {  	_ =	shalt  }
0x76: {  	_ =	shalt  }
0x77: {  	_ =	shalt  }
0x78: {  	_ =	shalt  }
0x79: {  	_ =	shalt  }
0x7a: {  	_ =	shalt  }
0x7b: {  	_ =	shalt  }
0x7c: {  	_ =	shalt  }
0x7d: {  	_ =	shalt  }
0x7e: {  	_ =	shalt  }
0x7f: {  	_ =	shalt  }
0x80: {  	_ =	shalt  }
0x81: {  	_ =	shalt  }
0x82: {  	_ =	shalt  }
0x83: {  	_ =	shalt  }
0x84: {  	_ =	shalt  }
0x85: {  	_ =	shalt  }
0x86: {  	_ =	shalt  }
0x87: {  	_ =	shalt  }
.Lfunc_end0:
.L_simem_size_0:
called_computation.1_lowered:
.L_overlay_start_0:
0x88: {  	s2 =	sld [smem:$0x3FD9]  }
0x89: {  	s3 =	sld [smem:$0x3FFE];
	_ =	sdelay $0x1  }
0x8a: {  	s1 =	srdreg.scid  }
0x8b: {  	s0 =	sand.u32 $0x1, s1  }
0x8c: {  	s15 =	sshll.u32 s0, $0xA;
	s2 =	sadd.s32 s3, s2  }
0x8d: {  	s2 =	sadd.s32 s2, s15  }
0x8e: {  	[smem:$0x3FB1] =	sst s2  }
0x8f: {  	_ = 	snop  }
0x90: {  	s2 =	sld [smem:$0x3FD0];
	_ =	sdelay $0x2  }
0x91: {  	s4 =	simm.s32 $0xB;
	s16 =	simm.s32 $0x10  }
0x92: {  	[smem:s16], [sflag:s4] =	dma.local [hbm:s2], $0x1  }
0x93: {  	_ =	swait.eq [sflag:s4], $0x1  }
0x94: {  	[sflag:s4] =	ssyncset.done $0x0  }
0x95: {  	s17 =	sld [smem:$0x12];
	[sflag:s4] =	ssyncadd.s32 $0xFFFFFFFF  }
0x96: {  	s18 =	sld [smem:$0x13];
	(tm) =	ssettm $0x1  }
0x97: {  	s19 =	sld [smem:$0x3FFB];
	_ =	sdelay $0x3  }
0x98: {  	_ =	strace s19  }
0x99: {  	s2 =	sld [smem:$0x3FFC];
	_ =	sdelay $0x3  }
0x9a: {  	_ =	strace s2  }
0x9b: {  	s2 =	sld [smem:$0x3FFD];
	_ =	sdelay $0x3  }
0x9c: {  	_ =	strace s2  }
0x9d: {  	_ =	strace $0x8FFFFFFF  }
0x9e: {  	s20 =	sld [smem:$0x3FDB];
	_ =	sdelay $0x1  }
0x9f: {  	s5 =	simm.s32 $_scs_section_size  }
0xa0: {  	s6 =	simm.s32 $_size__tile_overlayer_lowered;
	s7 =	simm.s32 $_tile_overlayer_lowered  }
0xa1: {  	s8 =	simm.s32 $0x1BFF;
	s21 =	sshll.u32 s7, $0x1;
	s5 =	sadd.s32 s5, s20  }
0xa2: {  	s22 =	simm.s32 $0x0;
	s6 =	sshll.u32 s6, $0x1;
	s7 =	sadd.s32 s21, s5  }
0xa3: {  	[timem:s22], [sflag:s8] =	dma.local [hbm:s7], s6  }
0xa4: {  	_ =	swait.ge [sflag:s8], s6  }
0xa5: {  	s6 =	ssub.s32 $0x0, s6;
	[sflag:s8] =	ssyncset.done $0x0  }
0xa6: {  	[sflag:s8] =	ssyncadd.s32 s6;
	_ =	sdelay $0x1  }
0xa7: {  	s23 =	simm.s32 $0x1B8B  }
0xa8: {  	_ =	swait.ge [sflag:s23], $0x1  }
0xa9: {  	[sflag:s23] =	ssyncset.done $0x0  }
0xaa: {  	[sflag:s23] =	ssyncadd.s32 $0xFFFFFFFF  }
0xab: {  	s6 =	sld [smem:$0x0]  }
0xac: {  	s7 =	sand.u32 $0xFFFFFFFE, s1  }
0xad: {  	p0 =	sne.s32 s1, s7  }
0xae: {  	s7 =	sshll.u32 @p0 s7, $0xE  }
0xaf: {  	s7 =	sadd.s32 @p0 $0x11B8D, s7;
	s8 =	sshll.u32 @p0 s6, $0x11  }
0xb0: {  	s7 =	sor.u32 @p0 s8, s7  }
0xb1: {  	[sflag:s7] =	ssyncadd.remote.s32 @p0 $0x1;
	_ =	sdelay $0x1  }
0xb2: {  	s7 =	simm.s32 @p0 $0x1B8D  }
0xb3: {  	_ =	swait.eq @p0 [sflag:s7], $0x1  }
0xb4: {  	[sflag:s7] =	ssyncadd.s32 @p0 $0xFFFFFFFF  }
0xb5: {  	s8 =	sshll.u32 @!p0 s1, $0xE  }
0xb6: {  	s8 =	sor.u32 @!p0 $0x4000, s8;
	s7 =	simm.s32 @!p0 $0x1B8D  }
0xb7: {  	s6 =	sshll.u32 @!p0 s6, $0x11;
	s8 =	sadd.s32 @!p0 $0x11B8D, s8;
	_ =	swait.eq @!p0 [sflag:s7], $0x1  }
0xb8: {  	s6 =	sor.u32 @!p0 s6, s8;
	[sflag:s7] =	ssyncadd.s32 @!p0 $0xFFFFFFFF  }
0xb9: {  	s25 =	simm.s32 $0x1B8E;
	s24 =	sld [smem:$0x3FFE];
	[sflag:s6] =	ssyncadd.remote.s32 @!p0 $0x1  }
0xba: {  	s26 =	simm.s32 $execute0_lowered;
	[smem:$0x3FD2] =	sst s25  }
0xbb: {  	s7 =	sshll.u32 s26, $0x1;
	_ =	strace $0x8000004C;
	[dreg:$0x1] =	wrdreg $0xFFFFFFFF  }
0xbc: {  	s28 =	simm.s32 $_size_execute0_lowered;
	s5 =	sadd.s32 s5, s7;
	[dreg:$0x0] =	wrdreg $0x0  }
0xbd: {  	s7 =	sshll.u32 s28, $0x1;
	[dreg:$0x2] =	wrdreg s5  }
0xbe: {  	[dreg:$0x3] =	wrdreg s7  }
0xbf: {  	[dreg:$0x4] =	wrdreg $0xC0  }
0xc0: {  	_ =	task [dreg:s22], $0x5FFFF  }
0xc1: {  	[dreg:$0x1] =	wrdreg $0xFFFFFFFF  }
0xc2: {  	[dreg:$0x0] =	wrdreg $0x60  }
0xc3: {  	[dreg:$0x2] =	wrdreg s18  }
0xc4: {  	[dreg:$0x3] =	wrdreg s24  }
0xc5: {  	[dreg:$0x4] =	wrdreg s17  }
0xc6: {  	[dreg:$0x5] =	wrdreg $0x9D000  }
0xc7: {  	[dreg:$0x6] =	wrdreg $0x9  }
0xc8: {  	_ =	task.clear_ibuf [dreg:s22], $0x7FFFF;
	_ =	strace $0x9000004C  }
0xc9: {  	s29 =	simm.s32 $0x9;
	_ =	strace $0x8000004E  }
0xca: {  	_ =	swait.ge [sflag:s29], $0x1  }
0xcb: {  	[sflag:s29] =	ssyncadd.s32 $0xFFFFFFFF  }
0xcc: {  	_ =	strace $0x9000004E  }
0xcd: {  	_ =	sfence  }
0xce: {  	s30 =	sld [smem:$0x0];
	_ =	sdelay $0x2  }
0xcf: {  	s31 =	sshll.u32 s1, $0xD;
	s1 =	sshrl.u32 s1, $0x2  }
0xd0: {  	s4 =	sand.u32 $0x4000, s31;
	s1 =	sadd.s32 s1, s30  }
0xd1: {  	s0 =	sor.u32 s4, s0;
	s1 =	sshll.u32 s1, $0x11  }
0xd2: {  	s0 =	sor.u32 s1, s0  }
0xd3: {  	s0 =	sadd.s32 $0x8F2B, s0  }
0xd4: {  	[sflag:s0] =	ssyncadd.remote.s32 $0x1  }
0xd5: {  	_ =	sfence.sel $0xFFFF  }
0xd6: {  	[dreg:$0x0] =	wrdreg $0xFFFFFFFF;
	(pc) =	sbr.abs _section_cstart, $3  }
0xd7: {  	[dreg:$0x1] =	wrdreg $0xFFFFFFFF  }
0xd8: {  	_ =	task.clear_ibuf [dreg:s22], $0x2FFFF;
	_ =	strace $0x9FFFFFFF  }
0xd9: {  	(tm) =	ssettm $0x7FFFFFFF  }
tec
execute0_lowered:
.L_overlay_start_1:
0x0: {  	(tag) =	ssettag $0x1  }
0x1: {  	s0 =	rddreg [dreg:$0x0]  }
0x2: {  	s1 =	rddreg [dreg:$0x1];
	s2 =	srdreg.scid  }
0x3: {  	s14 =	stileid.u32;
	s4 =	rddreg [dreg:$0x3];
	s5 =	simm.s32 $0x0  }
0x4: {  	s15 =	simm.s32 $0x5;
	s16 =	simm.s32 $0x64;
	s17 =	simm.s32 $0x3500  }
0x5: {  	s18 =	simm.s32 $0x3400;
	s19 =	simm.s32 $0x6900;
	s20 =	simm.s32 $0x3480  }
0x6: {  	s21 =	simm.s32 $0x1;
	s22 =	simm.s32 $0x3;
	s23 =	simm.s32 $0x2  }
0x7: {  	s29 =	simm.s32 $0x0;
	s2 =	sand.u32 $0x1, s2;
	s3 =	sshll.u32 s14, $0x1  }
0x8: {  	[smem:$0x7FF] =	sst s5;
	s11 =	smul.u32 $0x13800, s14;
	s7 =	sadd.s32 $0x53000, s1  }
0x9: {  	s26 =	smul.u32 $0x4E000, s14;
	p0 =	sne.s32 s14, $0x0;
	s3 =	sor.u32 s2, s3  }
0xa: {  	_ =	strace $0x8000004D;
	s8 =	ssub.s32 $0x2, s2;
	s2 =	smul.u32 $0x138800, s2  }
0xb: {  	s14 =	sshrl.u32 @!p0 s4, $0x3;
	s6 =	smul.u32 $0x3400, s3;
	s10 =	sshrl.u32 s8, $0x1  }
0xc: {  	s30 =	sshrl.u32 s26, $0x2;
	s26 =	simm.s32 $0x4;
	s12 =	ssub.s32 s8, s10  }
0xd: {  	s25 =	sadd.s32 s11, s2;
	s2 =	sshrl.u32 s2, $0x3;
	s3 =	sshrl.u32 s6, $0x3  }
0xe: {  	s31 =	sadd.s32 s30, s4;
	s28 =	sshrl.u32 s25, $0x3;
	s9 =	sadd.s32 s3, s1  }
0xf: {  	s12 =	smax.u32 s12, $0x1;
	s1 =	sadd.s32 $0x157600, s1;
	s24 =	sadd.s32 $0x60000, s9  }
0x10: {  	s9 =	sadd.s32 s7, s3;
	s10 =	sadd.s32 s1, s28;
	s1 =	sadd.s32 s1, s2  }
0x11: {  	[dreg:$0x5] =	wrdreg s24;
	s11 =	sadd.s32 $0x27000, s1;
	s1 =	sadd.s32 $0x138000, s4  }
0x12: {  	s13 =	sadd.s32 $0x630, s9;
	s24 =	sshrl.u32 s31, $0x3;
	s25 =	sshrl.u32 @!p0 s1, $0x3  }
.LBB2_1:
0x13: {  	s1 =	simm.s32 @!p0 $0x1C05;
	s2 =	rddreg [dreg:$0x2]  }
0x14: {  	[spmem:s14], [sflag:s1] =	dma.local @!p0 [hbm:s2], $0x27100  }
0x15: {  	s1 =	simm.s32 @!p0 $0x5  }
0x16: {  	_ =	swait.ge @!p0 [sflag:s1], $0x27100  }
0x17: {  	[sflag:s1] =	ssyncset.done @!p0 $0x0  }
0x18: {  	s2 =	rddreg [dreg:$0x5];
	[sflag:s1] =	ssyncadd.s32 @!p0 $0xFFFD8F00  }
0x19: {  	[tilespmem:s5], [sflag:$0x5] =	stream.linear.gather [hbm4b:s2+s5], $0x3200, $0x38;
	[tilespmem:$0x1D580] =	vst v63  }
0x1a: {  	_ =	swait.ge [sflag:s15], $0x3200  }
0x1b: {  	s3 =	simm.s32 $0x0;
	[sflag:s15] =	ssyncset.done $0x0  }
0x1c: {  	s8 =	simm.s32 $0x80;
	s1 =	sand.u32 $0x3C00, s3;
	[sflag:s15] =	ssyncadd.s32 $0xFFFFCE00  }
0x1d: {  	s1 =	sadd.s32 s6, s1;
	s2 =	sand.u32 $0x380, s8;
	[bflag:$0x0] =	sbarrier.arrive $0xFFFF  }
0x1e: {  	[tilespmem:s17], [sflag:$0x1] =	stream.indirect.gather [hbm4b:s0+s16], $0x80, s5, s16, $0xb8;
	[tilespmem:$0x1D580] =	vst v63  }
0x1f: {  	s1 =	sor.u32 s1, s2  }
0x20: {  	[tilespmem:s18], [sflag:$0x3] =	stream.linear.gather [hbm4b:s9+s5], $0x80, $0x38;
	[tilespmem:$0x1D580] =	vst v63  }
0x21: {  	s3 =	simm.s32 $0x80;
	s1 =	sshrl.u32 s1, $0x3  }
0x22: {  	[tilespmem:s19], [sflag:$0x2] =	stream.indirect.gather [hbm4b:s0+s16], $0x80, s3, s16, $0xb8;
	[tilespmem:$0x1D580] =	vst v63  }
0x23: {  	s1 =	sadd.s32 s7, s1  }
0x24: {  	[tilespmem:s20], [sflag:$0x4] =	stream.linear.gather [hbm4b:s1+s5], $0x80, $0x38;
	[tilespmem:$0x1D580] =	vst v63  }
0x25: {  	_ =	swait.ge [sflag:s21], $0x3200  }
0x26: {  	[sflag:s21] =	ssyncset.done $0x0  }
0x27: {  	[sflag:s21] =	ssyncadd.s32 $0xFFFFCE00  }
0x28: {  	_ =	swait.ge [sflag:s22], $0x80  }
0x29: {  	s8 =	simm.s32 $0x100;
	[sflag:s22] =	ssyncset.done $0x0  }
0x2a: {  	s3 =	sand.u32 $0x7C00, s8;
	[sflag:s22] =	ssyncadd.s32 $0xFFFFFF80  }
0x2b: {  	[spmem:s4] =	stream.indirect.scatter.add.f32 [tilespmem:s17], [sflag:$0x5], $0x80, s18, s16, $0xb8;
	[tilespmem:$0x1D580] =	vst v63  }
0x2c: {  	s2 =	sadd.s32 s6, s3;
	s1 =	sand.u32 $0x300, s8;
	_ =	swait.ge [sflag:s15], $0x3200  }
0x2d: {  	s1 =	sor.u32 s1, s2;
	[sflag:s15] =	ssyncset.done $0x0  }
0x2e: {  	s3 =	simm.s32 $0x100;
	s1 =	sshrl.u32 s1, $0x3;
	[sflag:s15] =	ssyncadd.s32 $0xFFFFCE00  }
0x2f: {  	[tilespmem:s17], [sflag:$0x1] =	stream.indirect.gather [hbm4b:s0+s16], $0x80, s3, s16, $0xb8;
	[tilespmem:$0x1D580] =	vst v63  }
0x30: {  	s1 =	sadd.s32 s7, s1  }
0x31: {  	[tilespmem:s18], [sflag:$0x3] =	stream.linear.gather [hbm4b:s1+s5], $0x80, $0x38;
	[tilespmem:$0x1D580] =	vst v63  }
0x32: {  	_ =	swait.ge [sflag:s23], $0x3200  }
0x33: {  	s31 =	simm.s32 $0x200;
	s30 =	simm.s32 $0x180;
	[sflag:s23] =	ssyncset.done $0x0  }
0x34: {  	s28 =	simm.s32 $0x180;
	s8 =	simm.s32 $0x100;
	[sflag:s23] =	ssyncadd.s32 $0xFFFFCE00  }
0x35: {  	s2 =	simm.s32 $0x300;
	s3 =	sand.u32 $0x3C00, s8;
	_ =	swait.ge [sflag:s26], $0x80  }
.LBB2_2:
0x36: {  	s3 =	sadd.s32 s6, s3  }
0x37: {  	s28 =	sand.u32 $0x380, s28;
	[sflag:s26] =	ssyncset.done $0x0;
	s8 =	smov.u32 s2  }
0x38: {  	s1 =	sadd.s32 $0x100, s2;
	s3 =	sor.u32 s3, s28;
	[sflag:s26] =	ssyncadd.s32 $0xFFFFFF80  }
0x39: {  	[spmem:s4] =	stream.indirect.scatter.add.f32 [tilespmem:s19], [sflag:$0x5], $0x80, s20, s16, $0xb8;
	[tilespmem:$0x1D580] =	vst v63  }
0x3a: {  	p1 =	sne.s32 s2, $0x3100;
	s2 =	sshrl.u32 s3, $0x3;
	_ =	swait.ge [sflag:s15], $0x3200  }
0x3b: {  	[sflag:s15] =	ssyncset.done $0x0  }
0x3c: {  	[sflag:s15] =	ssyncadd.s32 $0xFFFFCE00  }
0x3d: {  	[tilespmem:s19], [sflag:$0x2] =	stream.indirect.gather [hbm4b:s0+s16], $0x80, s30, s16, $0xb8;
	[tilespmem:$0x1D580] =	vst v63  }
0x3e: {  	s2 =	sadd.s32 s7, s2  }
0x3f: {  	[tilespmem:s20], [sflag:$0x4] =	stream.linear.gather [hbm4b:s2+s5], $0x80, $0x38;
	[tilespmem:$0x1D580] =	vst v63  }
0x40: {  	_ =	swait.ge [sflag:s21], $0x3200  }
0x41: {  	[sflag:s21] =	ssyncset.done $0x0  }
0x42: {  	[sflag:s21] =	ssyncadd.s32 $0xFFFFCE00  }
0x43: {  	_ =	swait.ge [sflag:s22], $0x80  }
0x44: {  	[sflag:s22] =	ssyncset.done $0x0  }
0x45: {  	[sflag:s22] =	ssyncadd.s32 $0xFFFFFF80  }
0x46: {  	[spmem:s4] =	stream.indirect.scatter.add.f32 [tilespmem:s17], [sflag:$0x5], $0x80, s18, s16, $0xb8;
	[tilespmem:$0x1D580] =	vst v63  }
0x47: {  	s2 =	sand.u32 $0x7C00, s31;
	_ =	swait.ge [sflag:s15], $0x3200  }
0x48: {  	s3 =	sand.u32 $0x300, s31;
	s2 =	sadd.s32 s6, s2;
	[sflag:s15] =	ssyncset.done $0x0  }
0x49: {  	s28 =	sadd.s32 $0x80, s30;
	s2 =	sor.u32 s3, s2;
	[sflag:s15] =	ssyncadd.s32 $0xFFFFCE00  }
0x4a: {  	[tilespmem:s17], [sflag:$0x1] =	stream.indirect.gather [hbm4b:s0+s16], $0x80, s28, s16, $0xb8;
	[tilespmem:$0x1D580] =	vst v63  }
0x4b: {  	s31 =	smov.u32 s8;
	s2 =	sshrl.u32 s2, $0x3  }
0x4c: {  	s2 =	sadd.s32 s7, s2  }
0x4d: {  	[tilespmem:s18], [sflag:$0x3] =	stream.linear.gather [hbm4b:s2+s5], $0x80, $0x38;
	[tilespmem:$0x1D580] =	vst v63  }
.Ltmp0:
0x4e: {  	_ = 	snop;
	(pc) =	sbr.rel @p1 .LBB2_2-.Ltmp0, $4  }
0x4f: {  	_ =	swait.ge [sflag:s23], $0x3200  }
0x50: {  	s30 =	sadd.s32 $0x100, s30;
	[sflag:s23] =	ssyncset.done $0x0  }
0x51: {  	s28 =	sadd.s32 $0xFFFFFF80, s31;
	s2 =	sadd.s32 $0xFFFFFF00, s31;
	[sflag:s23] =	ssyncadd.s32 $0xFFFFCE00  }
0x52: {  	s3 =	sand.u32 $0x3C00, s2;
	s2 =	smov.u32 s1;
	_ =	swait.ge [sflag:s26], $0x80  }
0x53: {  	[sflag:s26] =	ssyncset.done $0x0  }
0x54: {  	[sflag:s26] =	ssyncadd.s32 $0xFFFFFF80  }
0x55: {  	[spmem:s4] =	stream.indirect.scatter.add.f32 [tilespmem:s19], [sflag:$0x5], $0x80, s20, s16, $0xb8;
	[tilespmem:$0x1D580] =	vst v63  }
0x56: {  	s1 =	sadd.s32 s6, s3;
	s2 =	sand.u32 $0x380, s28;
	_ =	swait.ge [sflag:s15], $0x3200  }
0x57: {  	s1 =	sor.u32 s1, s2;
	[sflag:s15] =	ssyncset.done $0x0  }
0x58: {  	s1 =	sshrl.u32 s1, $0x3;
	[sflag:s15] =	ssyncadd.s32 $0xFFFFCE00  }
0x59: {  	[tilespmem:s19], [sflag:$0x2] =	stream.indirect.gather [hbm4b:s0+s16], $0x80, s30, s16, $0xb8;
	[tilespmem:$0x1D580] =	vst v63  }
0x5a: {  	s1 =	sadd.s32 s7, s1  }
0x5b: {  	[tilespmem:s20], [sflag:$0x4] =	stream.linear.gather [hbm4b:s1+s5], $0x80, $0x38;
	[tilespmem:$0x1D580] =	vst v63  }
0x5c: {  	_ =	swait.ge [sflag:s21], $0x3200  }
0x5d: {  	[sflag:s21] =	ssyncset.done $0x0  }
0x5e: {  	[sflag:s21] =	ssyncadd.s32 $0xFFFFCE00  }
0x5f: {  	_ =	swait.ge [sflag:s22], $0x80  }
0x60: {  	[sflag:s22] =	ssyncset.done $0x0  }
0x61: {  	s3 =	sand.u32 $0x7C00, s31;
	[sflag:s22] =	ssyncadd.s32 $0xFFFFFF80  }
0x62: {  	[spmem:s4] =	stream.indirect.scatter.add.f32 [tilespmem:s17], [sflag:$0x5], $0x80, s18, s16, $0xb8;
	[tilespmem:$0x1D580] =	vst v63  }
0x63: {  	s8 =	sand.u32 $0x300, s31;
	s1 =	sadd.s32 s6, s3;
	_ =	swait.ge [sflag:s15], $0x3200  }
0x64: {  	s1 =	sor.u32 s8, s1;
	[sflag:s15] =	ssyncset.done $0x0  }
0x65: {  	s28 =	sadd.s32 $0x80, s30;
	s1 =	sshrl.u32 s1, $0x3;
	[sflag:s15] =	ssyncadd.s32 $0xFFFFCE00  }
0x66: {  	[tilespmem:s17], [sflag:$0x1] =	stream.indirect.gather [hbm4b:s0+s16], $0x80, s28, s16, $0xb8;
	[tilespmem:$0x1D580] =	vst v63  }
0x67: {  	s1 =	sadd.s32 s7, s1  }
0x68: {  	[tilespmem:s18], [sflag:$0x3] =	stream.linear.gather [hbm4b:s1+s5], $0x80, $0x38;
	[tilespmem:$0x1D580] =	vst v63  }
0x69: {  	_ =	swait.ge [sflag:s23], $0x3200  }
0x6a: {  	[sflag:s23] =	ssyncset.done $0x0  }
0x6b: {  	[sflag:s23] =	ssyncadd.s32 $0xFFFFCE00  }
0x6c: {  	_ =	swait.ge [sflag:s26], $0x80  }
0x6d: {  	[sflag:s26] =	ssyncset.done $0x0  }
0x6e: {  	[sflag:s26] =	ssyncadd.s32 $0xFFFFFF80  }
0x6f: {  	[spmem:s4] =	stream.indirect.scatter.add.f32 [tilespmem:s19], [sflag:$0x5], $0x80, s20, s16, $0xb8;
	[tilespmem:$0x1D580] =	vst v63  }
0x70: {  	_ =	swait.ge [sflag:s15], $0x3200  }
0x71: {  	[sflag:s15] =	ssyncset.done $0x0  }
0x72: {  	s30 =	simm.s32 $0x3180;
	[sflag:s15] =	ssyncadd.s32 $0xFFFFCE00  }
0x73: {  	[tilespmem:s19], [sflag:$0x2] =	stream.indirect.gather [hbm4b:s0+s16], $0x80, s30, s16, $0xb8;
	[tilespmem:$0x1D580] =	vst v63  }
0x74: {  	_ = 	snop  }
0x75: {  	[tilespmem:s20], [sflag:$0x4] =	stream.linear.gather [hbm4b:s13+s5], $0x80, $0x38;
	[tilespmem:$0x1D580] =	vst v63  }
0x76: {  	_ =	swait.ge [sflag:s21], $0x3200  }
0x77: {  	[sflag:s21] =	ssyncset.done $0x0  }
0x78: {  	[sflag:s21] =	ssyncadd.s32 $0xFFFFCE00  }
0x79: {  	_ =	swait.ge [sflag:s22], $0x80  }
0x7a: {  	[sflag:s22] =	ssyncset.done $0x0  }
0x7b: {  	[sflag:s22] =	ssyncadd.s32 $0xFFFFFF80  }
0x7c: {  	[spmem:s4] =	stream.indirect.scatter.add.f32 [tilespmem:s17], [sflag:$0x5], $0x80, s18, s16, $0xb8;
	[tilespmem:$0x1D580] =	vst v63  }
0x7d: {  	_ =	swait.ge [sflag:s15], $0x3200  }
0x7e: {  	[sflag:s15] =	ssyncset.done $0x0  }
0x7f: {  	[sflag:s15] =	ssyncadd.s32 $0xFFFFCE00  }
0x80: {  	_ =	swait.ge [sflag:s23], $0x3200  }
0x81: {  	[sflag:s23] =	ssyncset.done $0x0  }
0x82: {  	[sflag:s23] =	ssyncadd.s32 $0xFFFFCE00  }
0x83: {  	_ =	swait.ge [sflag:s26], $0x80  }
0x84: {  	[sflag:s26] =	ssyncset.done $0x0  }
0x85: {  	[sflag:s26] =	ssyncadd.s32 $0xFFFFFF80  }
0x86: {  	[spmem:s4] =	stream.indirect.scatter.add.f32 [tilespmem:s19], [sflag:$0x5], $0x80, s20, s16, $0xb8;
	[tilespmem:$0x1D580] =	vst v63  }
0x87: {  	_ =	swait.ge [sflag:s15], $0x3200  }
0x88: {  	s31 =	stileid.u32;
	[sflag:s15] =	ssyncset.done $0x0  }
0x89: {  	s1 =	sshll.u32 s31, $0x6;
	[sflag:s15] =	ssyncadd.s32 $0xFFFFCE00  }
0x8a: {  	s1 =	sor.u32 $0x1C05, s1;
	[bflag:$0x0] =	sbarrier.arrive $0xFFFF  }
0x8b: {  	[hbm:s10], [sflag:s1] =	dma.local [spmem:s24], $0x2700  }
0x8c: {  	_ =	swait.ge [sflag:s15], $0x2700  }
0x8d: {  	s29 =	sadd.s32 $0x1, s29;
	[sflag:s15] =	ssyncset.done $0x0  }
0x8e: {  	p1 =	sne.s32 s29, s12;
	[sflag:s15] =	ssyncadd.s32 $0xFFFFD900  }
0x8f: {  	[hbm:s11], [sflag:s1] =	dma.local @!p0 [spmem:s25], $0x100  }
.Ltmp1:
0x90: {  	_ = 	snop;
	(pc) =	sbr.rel @p1 .LBB2_1-.Ltmp1, $4  }
0x91: {  	s1 =	simm.s32 @!p0 $0x5  }
0x92: {  	_ =	swait.ge @!p0 [sflag:s1], $0x100  }
0x93: {  	[sflag:s1] =	ssyncset.done @!p0 $0x0  }
0x94: {  	[sflag:s1] =	ssyncadd.s32 @!p0 $0xFFFFFF00  }
0x95: {  	_ =	sfence.sel $0x180000  }
0x96: {  	[bflag:$0x0] =	sbarrier.arrive $0xFFFF  }
0x97: {  	_ =	strace $0x9000004D  }
0x98: {  	[bflag:$0x2] =	sbarrier.arrive $0xFFFF  }
0x99: {  	s0 =	rddreg [dreg:$0x4]  }
0x9a: {  	s0 =	sadd.s32 @!p0 $0x100000, s0  }
0x9b: {  	[sflag:s0] =	ssyncadd.tile.s32 @!p0 $0x1;
	_ =	shalt  }
.Lfunc_end2:
_tile_overlayer_lowered:
.L_overlay_start_2:
0x9c: {  	(tag) =	ssettag $0x2  }
0x9d: {  	s0 =	rddreg [dreg:$0x0];
	s2 =	stileid.u32  }
0x9e: {  	s1 =	rddreg [dreg:$0x1];
	p0 =	sne.s32 s2, $0x0  }
0x9f: {  	s3 =	rddreg [dreg:$0x2];
	[bflag:$0x3] =	sbarrier.arrive $0xFFFF;
	s2 =	simm.s32 @!p0 $0x1C05  }
0xa0: {  	[timem:s3], [sflag:s2] =	dma.local @!p0 [hbm:s0], s1  }
0xa1: {  	s0 =	simm.s32 @!p0 $0x5  }
0xa2: {  	_ =	swait.ge @!p0 [sflag:s0], s1  }
0xa3: {  	s1 =	ssub.s32 @!p0 $0x0, s1;
	[sflag:s0] =	ssyncset.done @!p0 $0x0  }
0xa4: {  	[sflag:s0] =	ssyncadd.s32 @!p0 s1  }
0xa5: {  	[bflag:$0x3] =	sbarrier.arrive $0xFFFF  }
0xa6: {  	_ =	shalt  }

// kernel: kernel.25.cloned.1.call-start
scs
__scs_entry_jumppad:
0x0: {  	(pc) =	sbr.rel $0x88, $3  }
0x1: {  	(tag) =	ssettag $0x0;
	lr =	simm.s32 $0x1  }
0x2: {  	[smem:$0x3F8A] =	sst lr;
	_ =	strace $0xD0000000  }
0x3: {  	_ = 	snop  }
0x4: {  	_ = 	snop  }
0x5: {  	_ = 	snop  }
0x6: {  	_ = 	snop  }
0x7: {  	_ = 	snop  }
__scs_overlays_trampoline_lowered:
0x8: {  	[smem:$0x3F99] =	sst s0  }
0x9: {  	[smem:$0x3F9A] =	sst s1  }
0xa: {  	[smem:$0x3F9B] =	sst s2  }
0xb: {  	[smem:$0x3F9C] =	sst s3  }
0xc: {  	[smem:$0x3F9D] =	sst s4  }
0xd: {  	[smem:$0x3F9E] =	sst s5  }
0xe: {  	[smem:$0x3F9F] =	sst s6  }
0xf: {  	[smem:$0x3FA0] =	sst s7  }
0x10: {  	[smem:$0x3FA1] =	sst s8  }
0x11: {  	[smem:$0x3FA2] =	sst s9;
	s0 =	simm.s32 @!p0 $0x0  }
0x12: {  	s1 =	sld [smem:$0x3F88];
	s0 =	simm.s32 @p0 $0x1  }
0x13: {  	[smem:$0x3FA3] =	sst s0;
	s0 =	simm.s32 @!p1 $0x0  }
0x14: {  	s2 =	sld [smem:$0x3F87];
	s0 =	simm.s32 @p1 $0x1  }
0x15: {  	[smem:$0x3FA4] =	sst s0;
	s0 =	simm.s32 @!p2 $0x0  }
0x16: {  	s3 =	sld [smem:$0x3FDB];
	s0 =	simm.s32 @p2 $0x1  }
0x17: {  	s4 =	simm.s32 $0x1BF5;
	[smem:$0x3FA6] =	sst s0  }
0x18: {  	s0 =	sld [smem:$0x3F89];
	_ =	swait.ge [sflag:s4], $0x0  }
0x19: {  	s7 =	sld [smem:$0x3F8A]  }
0x1a: {  	s8 =	sadd.s32 $0xFFFFE003, lr  }
0x1b: {  	s9 =	sadd.s32 $0xFFFFFEF7, lr;
	s5 =	simm.s32 $0xFFFFFFFF;
	p2 =	slt.u32 s8, $0xFFFFF086  }
0x1c: {  	p1 =	slt.u32 s9, $0xF7A;
	s5 =	simm.s32 @!p2 $0x0  }
0x1d: {  	s5 =	simm.s32 @p1 $0x1;
	p0 =	seq.s32 s7, s2  }
0x1e: {  	s7 =	smul.u32 @!p0 $0xF7A, s2;
	p2 =	seq.s32 @!p0 s5, $0x0  }
0x1f: {  	s9 =	smul.u32 $0xF7A, s1;
	s8 =	simm.s32 @!p0 $0x1BF5;
	p2 =	por !p2, p0  }
0x20: {  	[sflag:s8] =	ssyncset.s32 @!p0 $0xFFFFF086;
	s6 =	sadd.s32 @!p0 s3, s7;
	s7 =	simm.s32 @!p0 $0x108  }
0x21: {  	s3 =	sadd.s32 s3, s9;
	s6 =	sadd.s32 @!p0 $0x88, s6;
	s7 =	simm.s32 @p2 $0x1082  }
0x22: {  	[simem:s7], [sflag:s8] =	dma.local @!p0 [hbm:s6], $0xF7A  }
0x23: {  	s9 =	sor.u32 $0xD0000000, s2;
	s6 =	simm.s32 $0x108;
	_ =	swait.ge @!p0 [sflag:s8], $0x0  }
0x24: {  	s3 =	sadd.s32 $0x88, s3;
	s6 =	simm.s32 @!p1 $0x1082;
	[sflag:s4] =	ssyncset.s32 $0xFFFFF086  }
0x25: {  	[simem:s6], [sflag:s4] =	dma.local [hbm:s3], $0xF7A  }
0x26: {  	[smem:$0x3F8A] =	sst s1;
	(tag) =	ssettag s2;
	_ =	strace s9  }
0x27: {  	s1 =	sld [smem:$0x3F9A]  }
0x28: {  	s2 =	sld [smem:$0x3F9B]  }
0x29: {  	s4 =	sld [smem:$0x3F9D]  }
0x2a: {  	p0 =	seq.s32 s5, $0x0;
	s5 =	sld [smem:$0x3F9E]  }
0x2b: {  	s6 =	sld [smem:$0x3F9F]  }
0x2c: {  	s7 =	sld [smem:$0x3FA0]  }
0x2d: {  	s3 =	simm.s32 $0x108;
	s8 =	sld [smem:$0x3FA1]  }
0x2e: {  	s3 =	simm.s32 @!p0 $0x1082;
	s9 =	sld [smem:$0x3FA2]  }
0x2f: {  	lr =	sadd.s32 s0, s3;
	s0 =	sld [smem:$0x3F99]  }
0x30: {  	s3 =	sld [smem:$0x3F9C]  }
0x31: {  	[smem:$0x3FA5] =	sst s10  }
0x32: {  	s10 =	sld [smem:$0x3FA3];
	_ =	sdelay $0x3  }
0x33: {  	p0 =	seq.s32 s10, $0x1;
	s10 =	sld [smem:$0x3FA5];
	_ =	sdelay $0x3  }
0x34: {  	[smem:$0x3FA5] =	sst s10  }
0x35: {  	s10 =	sld [smem:$0x3FA4];
	_ =	sdelay $0x3  }
0x36: {  	p1 =	seq.s32 s10, $0x1;
	s10 =	sld [smem:$0x3FA5];
	_ =	sdelay $0x3  }
0x37: {  	[smem:$0x3FA5] =	sst s10  }
0x38: {  	s10 =	sld [smem:$0x3FA6]  }
0x39: {  	_ = 	snop;
	(pc) =	sbr.ind lr, $3  }
0x3a: {  	_ = 	snop  }
0x3b: {  	_ = 	snop  }
0x3c: {  	p2 =	seq.s32 s10, $0x1;
	s10 =	sld [smem:$0x3FA5]  }
0x3d: {  	_ =	shalt  }
0x3e: {  	_ =	shalt  }
0x3f: {  	_ =	shalt  }
0x40: {  	_ =	shalt  }
0x41: {  	_ =	shalt  }
0x42: {  	_ =	shalt  }
0x43: {  	_ =	shalt  }
0x44: {  	_ =	shalt  }
0x45: {  	_ =	shalt  }
0x46: {  	_ =	shalt  }
0x47: {  	_ =	shalt  }
0x48: {  	_ =	shalt  }
0x49: {  	_ =	shalt  }
0x4a: {  	_ =	shalt  }
0x4b: {  	_ =	shalt  }
0x4c: {  	_ =	shalt  }
0x4d: {  	_ =	shalt  }
0x4e: {  	_ =	shalt  }
0x4f: {  	_ =	shalt  }
0x50: {  	_ =	shalt  }
0x51: {  	_ =	shalt  }
0x52: {  	_ =	shalt  }
0x53: {  	_ =	shalt  }
0x54: {  	_ =	shalt  }
0x55: {  	_ =	shalt  }
0x56: {  	_ =	shalt  }
0x57: {  	_ =	shalt  }
0x58: {  	_ =	shalt  }
0x59: {  	_ =	shalt  }
0x5a: {  	_ =	shalt  }
0x5b: {  	_ =	shalt  }
0x5c: {  	_ =	shalt  }
0x5d: {  	_ =	shalt  }
0x5e: {  	_ =	shalt  }
0x5f: {  	_ =	shalt  }
0x60: {  	_ =	shalt  }
0x61: {  	_ =	shalt  }
0x62: {  	_ =	shalt  }
0x63: {  	_ =	shalt  }
0x64: {  	_ =	shalt  }
0x65: {  	_ =	shalt  }
0x66: {  	_ =	shalt  }
0x67: {  	_ =	shalt  }
0x68: {  	_ =	shalt  }
0x69: {  	_ =	shalt  }
0x6a: {  	_ =	shalt  }
0x6b: {  	_ =	shalt  }
0x6c: {  	_ =	shalt  }
0x6d: {  	_ =	shalt  }
0x6e: {  	_ =	shalt  }
0x6f: {  	_ =	shalt  }
0x70: {  	_ =	shalt  }
0x71: {  	_ =	shalt  }
0x72: {  	_ =	shalt  }
0x73: {  	_ =	shalt  }
0x74: {  	_ =	shalt  }
0x75: {  	_ =	shalt  }
0x76: {  	_ =	shalt  }
0x77: {  	_ =	shalt  }
0x78: {  	_ =	shalt  }
0x79: {  	_ =	shalt  }
0x7a: {  	_ =	shalt  }
0x7b: {  	_ =	shalt  }
0x7c: {  	_ =	shalt  }
0x7d: {  	_ =	shalt  }
0x7e: {  	_ =	shalt  }
0x7f: {  	_ =	shalt  }
0x80: {  	_ =	shalt  }
0x81: {  	_ =	shalt  }
0x82: {  	_ =	shalt  }
0x83: {  	_ =	shalt  }
0x84: {  	_ =	shalt  }
0x85: {  	_ =	shalt  }
0x86: {  	_ =	shalt  }
0x87: {  	_ =	shalt  }
.Lfunc_end0:
.L_simem_size_0:
called_computation.2_lowered:
.L_overlay_start_0:
0x88: {  	s2 =	sld [smem:$0x3FD9]  }
0x89: {  	s3 =	sld [smem:$0x3FFE];
	_ =	sdelay $0x1  }
0x8a: {  	s1 =	srdreg.scid  }
0x8b: {  	s0 =	sand.u32 $0x1, s1  }
0x8c: {  	s15 =	sshll.u32 s0, $0xA;
	s2 =	sadd.s32 s3, s2  }
0x8d: {  	s2 =	sadd.s32 s2, s15  }
0x8e: {  	[smem:$0x3FB1] =	sst s2  }
0x8f: {  	_ = 	snop  }
0x90: {  	s2 =	sld [smem:$0x3FD0];
	_ =	sdelay $0x2  }
0x91: {  	s4 =	simm.s32 $0xB;
	s16 =	simm.s32 $0x10  }
0x92: {  	[smem:s16], [sflag:s4] =	dma.local [hbm:s2], $0x1  }
0x93: {  	_ =	swait.eq [sflag:s4], $0x1  }
0x94: {  	[sflag:s4] =	ssyncset.done $0x0  }
0x95: {  	s17 =	sld [smem:$0x12];
	[sflag:s4] =	ssyncadd.s32 $0xFFFFFFFF  }
0x96: {  	s18 =	sld [smem:$0x13];
	(tm) =	ssettm $0x1  }
0x97: {  	s19 =	sld [smem:$0x3FFB];
	_ =	sdelay $0x3  }
0x98: {  	_ =	strace s19  }
0x99: {  	s2 =	sld [smem:$0x3FFC];
	_ =	sdelay $0x3  }
0x9a: {  	_ =	strace s2  }
0x9b: {  	s2 =	sld [smem:$0x3FFD];
	_ =	sdelay $0x3  }
0x9c: {  	_ =	strace s2  }
0x9d: {  	_ =	strace $0x8FFFFFFF  }
0x9e: {  	s20 =	sld [smem:$0x3FDB];
	_ =	sdelay $0x1  }
0x9f: {  	s5 =	simm.s32 $_scs_section_size  }
0xa0: {  	s6 =	simm.s32 $_size__tile_overlayer_lowered;
	s7 =	simm.s32 $_tile_overlayer_lowered  }
0xa1: {  	s8 =	simm.s32 $0x1BFF;
	s21 =	sshll.u32 s7, $0x1;
	s5 =	sadd.s32 s5, s20  }
0xa2: {  	s22 =	simm.s32 $0x0;
	s6 =	sshll.u32 s6, $0x1;
	s7 =	sadd.s32 s21, s5  }
0xa3: {  	[timem:s22], [sflag:s8] =	dma.local [hbm:s7], s6  }
0xa4: {  	_ =	swait.ge [sflag:s8], s6  }
0xa5: {  	s6 =	ssub.s32 $0x0, s6;
	[sflag:s8] =	ssyncset.done $0x0  }
0xa6: {  	[sflag:s8] =	ssyncadd.s32 s6;
	_ =	sdelay $0x1  }
0xa7: {  	s23 =	simm.s32 $0x1B8B  }
0xa8: {  	_ =	swait.ge [sflag:s23], $0x1  }
0xa9: {  	[sflag:s23] =	ssyncset.done $0x0  }
0xaa: {  	[sflag:s23] =	ssyncadd.s32 $0xFFFFFFFF  }
0xab: {  	s6 =	sld [smem:$0x0]  }
0xac: {  	s7 =	sand.u32 $0xFFFFFFFE, s1  }
0xad: {  	p0 =	sne.s32 s1, s7  }
0xae: {  	s7 =	sshll.u32 @p0 s7, $0xE  }
0xaf: {  	s7 =	sadd.s32 @p0 $0x11B8D, s7;
	s8 =	sshll.u32 @p0 s6, $0x11  }
0xb0: {  	s7 =	sor.u32 @p0 s8, s7  }
0xb1: {  	[sflag:s7] =	ssyncadd.remote.s32 @p0 $0x1;
	_ =	sdelay $0x1  }
0xb2: {  	s7 =	simm.s32 @p0 $0x1B8D  }
0xb3: {  	_ =	swait.eq @p0 [sflag:s7], $0x1  }
0xb4: {  	[sflag:s7] =	ssyncadd.s32 @p0 $0xFFFFFFFF  }
0xb5: {  	s8 =	sshll.u32 @!p0 s1, $0xE  }
0xb6: {  	s8 =	sor.u32 @!p0 $0x4000, s8;
	s7 =	simm.s32 @!p0 $0x1B8D  }
0xb7: {  	s6 =	sshll.u32 @!p0 s6, $0x11;
	s8 =	sadd.s32 @!p0 $0x11B8D, s8;
	_ =	swait.eq @!p0 [sflag:s7], $0x1  }
0xb8: {  	s6 =	sor.u32 @!p0 s6, s8;
	[sflag:s7] =	ssyncadd.s32 @!p0 $0xFFFFFFFF  }
0xb9: {  	s25 =	simm.s32 $0x1B8E;
	s24 =	sld [smem:$0x3FFE];
	[sflag:s6] =	ssyncadd.remote.s32 @!p0 $0x1  }
0xba: {  	s26 =	simm.s32 $execute0_lowered;
	[smem:$0x3FD2] =	sst s25  }
0xbb: {  	s7 =	sshll.u32 s26, $0x1;
	_ =	strace $0x80000052;
	[dreg:$0x1] =	wrdreg $0xFFFFFFFF  }
0xbc: {  	s28 =	simm.s32 $_size_execute0_lowered;
	s5 =	sadd.s32 s5, s7;
	[dreg:$0x0] =	wrdreg $0x0  }
0xbd: {  	s7 =	sshll.u32 s28, $0x1;
	[dreg:$0x2] =	wrdreg s5  }
0xbe: {  	[dreg:$0x3] =	wrdreg s7  }
0xbf: {  	[dreg:$0x4] =	wrdreg $0xC0  }
0xc0: {  	_ =	task [dreg:s22], $0x5FFFF  }
0xc1: {  	[dreg:$0x1] =	wrdreg $0xFFFFFFFF  }
0xc2: {  	[dreg:$0x0] =	wrdreg $0x60  }
0xc3: {  	[dreg:$0x2] =	wrdreg s18  }
0xc4: {  	[dreg:$0x3] =	wrdreg s24  }
0xc5: {  	[dreg:$0x4] =	wrdreg s17  }
0xc6: {  	[dreg:$0x5] =	wrdreg $0x9D000  }
0xc7: {  	[dreg:$0x6] =	wrdreg $0x9  }
0xc8: {  	_ =	task.clear_ibuf [dreg:s22], $0x7FFFF;
	_ =	strace $0x90000052  }
0xc9: {  	s29 =	simm.s32 $0x9;
	_ =	strace $0x80000054  }
0xca: {  	_ =	swait.ge [sflag:s29], $0x1  }
0xcb: {  	[sflag:s29] =	ssyncadd.s32 $0xFFFFFFFF  }
0xcc: {  	_ =	strace $0x90000054  }
0xcd: {  	_ =	sfence  }
0xce: {  	s30 =	sld [smem:$0x0];
	_ =	sdelay $0x2  }
0xcf: {  	s31 =	sshll.u32 s1, $0xD;
	s1 =	sshrl.u32 s1, $0x2  }
0xd0: {  	s4 =	sand.u32 $0x4000, s31;
	s1 =	sadd.s32 s1, s30  }
0xd1: {  	s0 =	sor.u32 s4, s0;
	s1 =	sshll.u32 s1, $0x11  }
0xd2: {  	s0 =	sor.u32 s1, s0  }
0xd3: {  	s0 =	sadd.s32 $0x8F2B, s0  }
0xd4: {  	[sflag:s0] =	ssyncadd.remote.s32 $0x1  }
0xd5: {  	_ =	sfence.sel $0xFFFF  }
0xd6: {  	[dreg:$0x0] =	wrdreg $0xFFFFFFFF;
	(pc) =	sbr.abs _section_cstart, $3  }
0xd7: {  	[dreg:$0x1] =	wrdreg $0xFFFFFFFF  }
0xd8: {  	_ =	task.clear_ibuf [dreg:s22], $0x2FFFF;
	_ =	strace $0x9FFFFFFF  }
0xd9: {  	(tm) =	ssettm $0x7FFFFFFF  }
tec
execute0_lowered:
.L_overlay_start_1:
0x0: {  	(tag) =	ssettag $0x1  }
0x1: {  	s0 =	rddreg [dreg:$0x0]  }
0x2: {  	s1 =	rddreg [dreg:$0x1];
	s2 =	srdreg.scid  }
0x3: {  	s14 =	stileid.u32;
	s4 =	rddreg [dreg:$0x3];
	s5 =	simm.s32 $0x0  }
0x4: {  	s15 =	simm.s32 $0x5;
	s16 =	simm.s32 $0x64;
	s17 =	simm.s32 $0x3500  }
0x5: {  	s18 =	simm.s32 $0x3400;
	s19 =	simm.s32 $0x6900;
	s20 =	simm.s32 $0x3480  }
0x6: {  	s21 =	simm.s32 $0x1;
	s22 =	simm.s32 $0x3;
	s23 =	simm.s32 $0x2  }
0x7: {  	s29 =	simm.s32 $0x0;
	s2 =	sand.u32 $0x1, s2;
	s3 =	sshll.u32 s14, $0x1  }
0x8: {  	[smem:$0x7FF] =	sst s5;
	s11 =	smul.u32 $0x13800, s14;
	s7 =	sadd.s32 $0x53000, s1  }
0x9: {  	s26 =	smul.u32 $0x4E000, s14;
	p0 =	sne.s32 s14, $0x0;
	s3 =	sor.u32 s2, s3  }
0xa: {  	_ =	strace $0x80000053;
	s8 =	ssub.s32 $0x2, s2;
	s2 =	smul.u32 $0x138800, s2  }
0xb: {  	s14 =	sshrl.u32 @!p0 s4, $0x3;
	s6 =	smul.u32 $0x3400, s3;
	s10 =	sshrl.u32 s8, $0x1  }
0xc: {  	s30 =	sshrl.u32 s26, $0x2;
	s26 =	simm.s32 $0x4;
	s12 =	ssub.s32 s8, s10  }
0xd: {  	s25 =	sadd.s32 s11, s2;
	s2 =	sshrl.u32 s2, $0x3;
	s3 =	sshrl.u32 s6, $0x3  }
0xe: {  	s31 =	sadd.s32 s30, s4;
	s28 =	sshrl.u32 s25, $0x3;
	s9 =	sadd.s32 s3, s1  }
0xf: {  	s12 =	smax.u32 s12, $0x1;
	s1 =	sadd.s32 $0x157600, s1;
	s24 =	sadd.s32 $0x60000, s9  }
0x10: {  	s9 =	sadd.s32 s7, s3;
	s10 =	sadd.s32 s1, s28;
	s1 =	sadd.s32 s1, s2  }
0x11: {  	[dreg:$0x5] =	wrdreg s24;
	s11 =	sadd.s32 $0x27000, s1;
	s1 =	sadd.s32 $0x138000, s4  }
0x12: {  	s13 =	sadd.s32 $0x630, s9;
	s24 =	sshrl.u32 s31, $0x3;
	s25 =	sshrl.u32 @!p0 s1, $0x3  }
.LBB2_1:
0x13: {  	s1 =	simm.s32 @!p0 $0x1C05;
	s2 =	rddreg [dreg:$0x2]  }
0x14: {  	[spmem:s14], [sflag:s1] =	dma.local @!p0 [hbm:s2], $0x27100  }
0x15: {  	s1 =	simm.s32 @!p0 $0x5  }
0x16: {  	_ =	swait.ge @!p0 [sflag:s1], $0x27100  }
0x17: {  	[sflag:s1] =	ssyncset.done @!p0 $0x0  }
0x18: {  	s2 =	rddreg [dreg:$0x5];
	[sflag:s1] =	ssyncadd.s32 @!p0 $0xFFFD8F00  }
0x19: {  	[tilespmem:s5], [sflag:$0x5] =	stream.linear.gather [hbm4b:s2+s5], $0x3200, $0x38;
	[tilespmem:$0x1D580] =	vst v63  }
0x1a: {  	_ =	swait.ge [sflag:s15], $0x3200  }
0x1b: {  	s3 =	simm.s32 $0x0;
	[sflag:s15] =	ssyncset.done $0x0  }
0x1c: {  	s8 =	simm.s32 $0x80;
	s1 =	sand.u32 $0x3C00, s3;
	[sflag:s15] =	ssyncadd.s32 $0xFFFFCE00  }
0x1d: {  	s1 =	sadd.s32 s6, s1;
	s2 =	sand.u32 $0x380, s8;
	[bflag:$0x0] =	sbarrier.arrive $0xFFFF  }
0x1e: {  	[tilespmem:s17], [sflag:$0x1] =	stream.indirect.gather [hbm4b:s0+s16], $0x80, s5, s16, $0xb8;
	[tilespmem:$0x1D580] =	vst v63  }
0x1f: {  	s1 =	sor.u32 s1, s2  }
0x20: {  	[tilespmem:s18], [sflag:$0x3] =	stream.linear.gather [hbm4b:s9+s5], $0x80, $0x38;
	[tilespmem:$0x1D580] =	vst v63  }
0x21: {  	s3 =	simm.s32 $0x80;
	s1 =	sshrl.u32 s1, $0x3  }
0x22: {  	[tilespmem:s19], [sflag:$0x2] =	stream.indirect.gather [hbm4b:s0+s16], $0x80, s3, s16, $0xb8;
	[tilespmem:$0x1D580] =	vst v63  }
0x23: {  	s1 =	sadd.s32 s7, s1  }
0x24: {  	[tilespmem:s20], [sflag:$0x4] =	stream.linear.gather [hbm4b:s1+s5], $0x80, $0x38;
	[tilespmem:$0x1D580] =	vst v63  }
0x25: {  	_ =	swait.ge [sflag:s21], $0x3200  }
0x26: {  	[sflag:s21] =	ssyncset.done $0x0  }
0x27: {  	[sflag:s21] =	ssyncadd.s32 $0xFFFFCE00  }
0x28: {  	_ =	swait.ge [sflag:s22], $0x80  }
0x29: {  	s8 =	simm.s32 $0x100;
	[sflag:s22] =	ssyncset.done $0x0  }
0x2a: {  	s3 =	sand.u32 $0x7C00, s8;
	[sflag:s22] =	ssyncadd.s32 $0xFFFFFF80  }
0x2b: {  	[spmem:s4] =	stream.indirect.scatter.add.f32 [tilespmem:s17], [sflag:$0x5], $0x80, s18, s16, $0xb8;
	[tilespmem:$0x1D580] =	vst v63  }
0x2c: {  	s2 =	sadd.s32 s6, s3;
	s1 =	sand.u32 $0x300, s8;
	_ =	swait.ge [sflag:s15], $0x3200  }
0x2d: {  	s1 =	sor.u32 s1, s2;
	[sflag:s15] =	ssyncset.done $0x0  }
0x2e: {  	s3 =	simm.s32 $0x100;
	s1 =	sshrl.u32 s1, $0x3;
	[sflag:s15] =	ssyncadd.s32 $0xFFFFCE00  }
0x2f: {  	[tilespmem:s17], [sflag:$0x1] =	stream.indirect.gather [hbm4b:s0+s16], $0x80, s3, s16, $0xb8;
	[tilespmem:$0x1D580] =	vst v63  }
0x30: {  	s1 =	sadd.s32 s7, s1  }
0x31: {  	[tilespmem:s18], [sflag:$0x3] =	stream.linear.gather [hbm4b:s1+s5], $0x80, $0x38;
	[tilespmem:$0x1D580] =	vst v63  }
0x32: {  	_ =	swait.ge [sflag:s23], $0x3200  }
0x33: {  	s31 =	simm.s32 $0x200;
	s30 =	simm.s32 $0x180;
	[sflag:s23] =	ssyncset.done $0x0  }
0x34: {  	s28 =	simm.s32 $0x180;
	s8 =	simm.s32 $0x100;
	[sflag:s23] =	ssyncadd.s32 $0xFFFFCE00  }
0x35: {  	s2 =	simm.s32 $0x300;
	s3 =	sand.u32 $0x3C00, s8;
	_ =	swait.ge [sflag:s26], $0x80  }
.LBB2_2:
0x36: {  	s3 =	sadd.s32 s6, s3  }
0x37: {  	s28 =	sand.u32 $0x380, s28;
	[sflag:s26] =	ssyncset.done $0x0;
	s8 =	smov.u32 s2  }
0x38: {  	s1 =	sadd.s32 $0x100, s2;
	s3 =	sor.u32 s3, s28;
	[sflag:s26] =	ssyncadd.s32 $0xFFFFFF80  }
0x39: {  	[spmem:s4] =	stream.indirect.scatter.add.f32 [tilespmem:s19], [sflag:$0x5], $0x80, s20, s16, $0xb8;
	[tilespmem:$0x1D580] =	vst v63  }
0x3a: {  	p1 =	sne.s32 s2, $0x3100;
	s2 =	sshrl.u32 s3, $0x3;
	_ =	swait.ge [sflag:s15], $0x3200  }
0x3b: {  	[sflag:s15] =	ssyncset.done $0x0  }
0x3c: {  	[sflag:s15] =	ssyncadd.s32 $0xFFFFCE00  }
0x3d: {  	[tilespmem:s19], [sflag:$0x2] =	stream.indirect.gather [hbm4b:s0+s16], $0x80, s30, s16, $0xb8;
	[tilespmem:$0x1D580] =	vst v63  }
0x3e: {  	s2 =	sadd.s32 s7, s2  }
0x3f: {  	[tilespmem:s20], [sflag:$0x4] =	stream.linear.gather [hbm4b:s2+s5], $0x80, $0x38;
	[tilespmem:$0x1D580] =	vst v63  }
0x40: {  	_ =	swait.ge [sflag:s21], $0x3200  }
0x41: {  	[sflag:s21] =	ssyncset.done $0x0  }
0x42: {  	[sflag:s21] =	ssyncadd.s32 $0xFFFFCE00  }
0x43: {  	_ =	swait.ge [sflag:s22], $0x80  }
0x44: {  	[sflag:s22] =	ssyncset.done $0x0  }
0x45: {  	[sflag:s22] =	ssyncadd.s32 $0xFFFFFF80  }
0x46: {  	[spmem:s4] =	stream.indirect.scatter.add.f32 [tilespmem:s17], [sflag:$0x5], $0x80, s18, s16, $0xb8;
	[tilespmem:$0x1D580] =	vst v63  }
0x47: {  	s2 =	sand.u32 $0x7C00, s31;
	_ =	swait.ge [sflag:s15], $0x3200  }
0x48: {  	s3 =	sand.u32 $0x300, s31;
	s2 =	sadd.s32 s6, s2;
	[sflag:s15] =	ssyncset.done $0x0  }
0x49: {  	s28 =	sadd.s32 $0x80, s30;
	s2 =	sor.u32 s3, s2;
	[sflag:s15] =	ssyncadd.s32 $0xFFFFCE00  }
0x4a: {  	[tilespmem:s17], [sflag:$0x1] =	stream.indirect.gather [hbm4b:s0+s16], $0x80, s28, s16, $0xb8;
	[tilespmem:$0x1D580] =	vst v63  }
0x4b: {  	s31 =	smov.u32 s8;
	s2 =	sshrl.u32 s2, $0x3  }
0x4c: {  	s2 =	sadd.s32 s7, s2  }
0x4d: {  	[tilespmem:s18], [sflag:$0x3] =	stream.linear.gather [hbm4b:s2+s5], $0x80, $0x38;
	[tilespmem:$0x1D580] =	vst v63  }
.Ltmp0:
0x4e: {  	_ = 	snop;
	(pc) =	sbr.rel @p1 .LBB2_2-.Ltmp0, $4  }
0x4f: {  	_ =	swait.ge [sflag:s23], $0x3200  }
0x50: {  	s30 =	sadd.s32 $0x100, s30;
	[sflag:s23] =	ssyncset.done $0x0  }
0x51: {  	s28 =	sadd.s32 $0xFFFFFF80, s31;
	s2 =	sadd.s32 $0xFFFFFF00, s31;
	[sflag:s23] =	ssyncadd.s32 $0xFFFFCE00  }
0x52: {  	s3 =	sand.u32 $0x3C00, s2;
	s2 =	smov.u32 s1;
	_ =	swait.ge [sflag:s26], $0x80  }
0x53: {  	[sflag:s26] =	ssyncset.done $0x0  }
0x54: {  	[sflag:s26] =	ssyncadd.s32 $0xFFFFFF80  }
0x55: {  	[spmem:s4] =	stream.indirect.scatter.add.f32 [tilespmem:s19], [sflag:$0x5], $0x80, s20, s16, $0xb8;
	[tilespmem:$0x1D580] =	vst v63  }
0x56: {  	s1 =	sadd.s32 s6, s3;
	s2 =	sand.u32 $0x380, s28;
	_ =	swait.ge [sflag:s15], $0x3200  }
0x57: {  	s1 =	sor.u32 s1, s2;
	[sflag:s15] =	ssyncset.done $0x0  }
0x58: {  	s1 =	sshrl.u32 s1, $0x3;
	[sflag:s15] =	ssyncadd.s32 $0xFFFFCE00  }
0x59: {  	[tilespmem:s19], [sflag:$0x2] =	stream.indirect.gather [hbm4b:s0+s16], $0x80, s30, s16, $0xb8;
	[tilespmem:$0x1D580] =	vst v63  }
0x5a: {  	s1 =	sadd.s32 s7, s1  }
0x5b: {  	[tilespmem:s20], [sflag:$0x4] =	stream.linear.gather [hbm4b:s1+s5], $0x80, $0x38;
	[tilespmem:$0x1D580] =	vst v63  }
0x5c: {  	_ =	swait.ge [sflag:s21], $0x3200  }
0x5d: {  	[sflag:s21] =	ssyncset.done $0x0  }
0x5e: {  	[sflag:s21] =	ssyncadd.s32 $0xFFFFCE00  }
0x5f: {  	_ =	swait.ge [sflag:s22], $0x80  }
0x60: {  	[sflag:s22] =	ssyncset.done $0x0  }
0x61: {  	s3 =	sand.u32 $0x7C00, s31;
	[sflag:s22] =	ssyncadd.s32 $0xFFFFFF80  }
0x62: {  	[spmem:s4] =	stream.indirect.scatter.add.f32 [tilespmem:s17], [sflag:$0x5], $0x80, s18, s16, $0xb8;
	[tilespmem:$0x1D580] =	vst v63  }
0x63: {  	s8 =	sand.u32 $0x300, s31;
	s1 =	sadd.s32 s6, s3;
	_ =	swait.ge [sflag:s15], $0x3200  }
0x64: {  	s1 =	sor.u32 s8, s1;
	[sflag:s15] =	ssyncset.done $0x0  }
0x65: {  	s28 =	sadd.s32 $0x80, s30;
	s1 =	sshrl.u32 s1, $0x3;
	[sflag:s15] =	ssyncadd.s32 $0xFFFFCE00  }
0x66: {  	[tilespmem:s17], [sflag:$0x1] =	stream.indirect.gather [hbm4b:s0+s16], $0x80, s28, s16, $0xb8;
	[tilespmem:$0x1D580] =	vst v63  }
0x67: {  	s1 =	sadd.s32 s7, s1  }
0x68: {  	[tilespmem:s18], [sflag:$0x3] =	stream.linear.gather [hbm4b:s1+s5], $0x80, $0x38;
	[tilespmem:$0x1D580] =	vst v63  }
0x69: {  	_ =	swait.ge [sflag:s23], $0x3200  }
0x6a: {  	[sflag:s23] =	ssyncset.done $0x0  }
0x6b: {  	[sflag:s23] =	ssyncadd.s32 $0xFFFFCE00  }
0x6c: {  	_ =	swait.ge [sflag:s26], $0x80  }
0x6d: {  	[sflag:s26] =	ssyncset.done $0x0  }
0x6e: {  	[sflag:s26] =	ssyncadd.s32 $0xFFFFFF80  }
0x6f: {  	[spmem:s4] =	stream.indirect.scatter.add.f32 [tilespmem:s19], [sflag:$0x5], $0x80, s20, s16, $0xb8;
	[tilespmem:$0x1D580] =	vst v63  }
0x70: {  	_ =	swait.ge [sflag:s15], $0x3200  }
0x71: {  	[sflag:s15] =	ssyncset.done $0x0  }
0x72: {  	s30 =	simm.s32 $0x3180;
	[sflag:s15] =	ssyncadd.s32 $0xFFFFCE00  }
0x73: {  	[tilespmem:s19], [sflag:$0x2] =	stream.indirect.gather [hbm4b:s0+s16], $0x80, s30, s16, $0xb8;
	[tilespmem:$0x1D580] =	vst v63  }
0x74: {  	_ = 	snop  }
0x75: {  	[tilespmem:s20], [sflag:$0x4] =	stream.linear.gather [hbm4b:s13+s5], $0x80, $0x38;
	[tilespmem:$0x1D580] =	vst v63  }
0x76: {  	_ =	swait.ge [sflag:s21], $0x3200  }
0x77: {  	[sflag:s21] =	ssyncset.done $0x0  }
0x78: {  	[sflag:s21] =	ssyncadd.s32 $0xFFFFCE00  }
0x79: {  	_ =	swait.ge [sflag:s22], $0x80  }
0x7a: {  	[sflag:s22] =	ssyncset.done $0x0  }
0x7b: {  	[sflag:s22] =	ssyncadd.s32 $0xFFFFFF80  }
0x7c: {  	[spmem:s4] =	stream.indirect.scatter.add.f32 [tilespmem:s17], [sflag:$0x5], $0x80, s18, s16, $0xb8;
	[tilespmem:$0x1D580] =	vst v63  }
0x7d: {  	_ =	swait.ge [sflag:s15], $0x3200  }
0x7e: {  	[sflag:s15] =	ssyncset.done $0x0  }
0x7f: {  	[sflag:s15] =	ssyncadd.s32 $0xFFFFCE00  }
0x80: {  	_ =	swait.ge [sflag:s23], $0x3200  }
0x81: {  	[sflag:s23] =	ssyncset.done $0x0  }
0x82: {  	[sflag:s23] =	ssyncadd.s32 $0xFFFFCE00  }
0x83: {  	_ =	swait.ge [sflag:s26], $0x80  }
0x84: {  	[sflag:s26] =	ssyncset.done $0x0  }
0x85: {  	[sflag:s26] =	ssyncadd.s32 $0xFFFFFF80  }
0x86: {  	[spmem:s4] =	stream.indirect.scatter.add.f32 [tilespmem:s19], [sflag:$0x5], $0x80, s20, s16, $0xb8;
	[tilespmem:$0x1D580] =	vst v63  }
0x87: {  	_ =	swait.ge [sflag:s15], $0x3200  }
0x88: {  	s31 =	stileid.u32;
	[sflag:s15] =	ssyncset.done $0x0  }
0x89: {  	s1 =	sshll.u32 s31, $0x6;
	[sflag:s15] =	ssyncadd.s32 $0xFFFFCE00  }
0x8a: {  	s1 =	sor.u32 $0x1C05, s1;
	[bflag:$0x0] =	sbarrier.arrive $0xFFFF  }
0x8b: {  	[hbm:s10], [sflag:s1] =	dma.local [spmem:s24], $0x2700  }
0x8c: {  	_ =	swait.ge [sflag:s15], $0x2700  }
0x8d: {  	s29 =	sadd.s32 $0x1, s29;
	[sflag:s15] =	ssyncset.done $0x0  }
0x8e: {  	p1 =	sne.s32 s29, s12;
	[sflag:s15] =	ssyncadd.s32 $0xFFFFD900  }
0x8f: {  	[hbm:s11], [sflag:s1] =	dma.local @!p0 [spmem:s25], $0x100  }
.Ltmp1:
0x90: {  	_ = 	snop;
	(pc) =	sbr.rel @p1 .LBB2_1-.Ltmp1, $4  }
0x91: {  	s1 =	simm.s32 @!p0 $0x5  }
0x92: {  	_ =	swait.ge @!p0 [sflag:s1], $0x100  }
0x93: {  	[sflag:s1] =	ssyncset.done @!p0 $0x0  }
0x94: {  	[sflag:s1] =	ssyncadd.s32 @!p0 $0xFFFFFF00  }
0x95: {  	_ =	sfence.sel $0x180000  }
0x96: {  	[bflag:$0x0] =	sbarrier.arrive $0xFFFF  }
0x97: {  	_ =	strace $0x90000053  }
0x98: {  	[bflag:$0x2] =	sbarrier.arrive $0xFFFF  }
0x99: {  	s0 =	rddreg [dreg:$0x4]  }
0x9a: {  	s0 =	sadd.s32 @!p0 $0x100000, s0  }
0x9b: {  	[sflag:s0] =	ssyncadd.tile.s32 @!p0 $0x1;
	_ =	shalt  }
.Lfunc_end2:
_tile_overlayer_lowered:
.L_overlay_start_2:
0x9c: {  	(tag) =	ssettag $0x2  }
0x9d: {  	s0 =	rddreg [dreg:$0x0];
	s2 =	stileid.u32  }
0x9e: {  	s1 =	rddreg [dreg:$0x1];
	p0 =	sne.s32 s2, $0x0  }
0x9f: {  	s3 =	rddreg [dreg:$0x2];
	[bflag:$0x3] =	sbarrier.arrive $0xFFFF;
	s2 =	simm.s32 @!p0 $0x1C05  }
0xa0: {  	[timem:s3], [sflag:s2] =	dma.local @!p0 [hbm:s0], s1  }
0xa1: {  	s0 =	simm.s32 @!p0 $0x5  }
0xa2: {  	_ =	swait.ge @!p0 [sflag:s0], s1  }
0xa3: {  	s1 =	ssub.s32 @!p0 $0x0, s1;
	[sflag:s0] =	ssyncset.done @!p0 $0x0  }
0xa4: {  	[sflag:s0] =	ssyncadd.s32 @!p0 s1  }
0xa5: {  	[bflag:$0x3] =	sbarrier.arrive $0xFFFF  }
0xa6: {  	_ =	shalt  }

// kernel: kernel.28.cloned.1.call-start
scs
__scs_entry_jumppad:
0x0: {  	(pc) =	sbr.rel $0x88, $3  }
0x1: {  	(tag) =	ssettag $0x0;
	lr =	simm.s32 $0x1  }
0x2: {  	[smem:$0x3F8A] =	sst lr;
	_ =	strace $0xD0000000  }
0x3: {  	_ = 	snop  }
0x4: {  	_ = 	snop  }
0x5: {  	_ = 	snop  }
0x6: {  	_ = 	snop  }
0x7: {  	_ = 	snop  }
__scs_overlays_trampoline_lowered:
0x8: {  	[smem:$0x3F99] =	sst s0  }
0x9: {  	[smem:$0x3F9A] =	sst s1  }
0xa: {  	[smem:$0x3F9B] =	sst s2  }
0xb: {  	[smem:$0x3F9C] =	sst s3  }
0xc: {  	[smem:$0x3F9D] =	sst s4  }
0xd: {  	[smem:$0x3F9E] =	sst s5  }
0xe: {  	[smem:$0x3F9F] =	sst s6  }
0xf: {  	[smem:$0x3FA0] =	sst s7  }
0x10: {  	[smem:$0x3FA1] =	sst s8  }
0x11: {  	[smem:$0x3FA2] =	sst s9;
	s0 =	simm.s32 @!p0 $0x0  }
0x12: {  	s1 =	sld [smem:$0x3F88];
	s0 =	simm.s32 @p0 $0x1  }
0x13: {  	[smem:$0x3FA3] =	sst s0;
	s0 =	simm.s32 @!p1 $0x0  }
0x14: {  	s2 =	sld [smem:$0x3F87];
	s0 =	simm.s32 @p1 $0x1  }
0x15: {  	[smem:$0x3FA4] =	sst s0;
	s0 =	simm.s32 @!p2 $0x0  }
0x16: {  	s3 =	sld [smem:$0x3FDB];
	s0 =	simm.s32 @p2 $0x1  }
0x17: {  	s4 =	simm.s32 $0x1BF5;
	[smem:$0x3FA6] =	sst s0  }
0x18: {  	s0 =	sld [smem:$0x3F89];
	_ =	swait.ge [sflag:s4], $0x0  }
0x19: {  	s7 =	sld [smem:$0x3F8A]  }
0x1a: {  	s8 =	sadd.s32 $0xFFFFE003, lr  }
0x1b: {  	s9 =	sadd.s32 $0xFFFFFEF7, lr;
	s5 =	simm.s32 $0xFFFFFFFF;
	p2 =	slt.u32 s8, $0xFFFFF086  }
0x1c: {  	p1 =	slt.u32 s9, $0xF7A;
	s5 =	simm.s32 @!p2 $0x0  }
0x1d: {  	s5 =	simm.s32 @p1 $0x1;
	p0 =	seq.s32 s7, s2  }
0x1e: {  	s7 =	smul.u32 @!p0 $0xF7A, s2;
	p2 =	seq.s32 @!p0 s5, $0x0  }
0x1f: {  	s9 =	smul.u32 $0xF7A, s1;
	s8 =	simm.s32 @!p0 $0x1BF5;
	p2 =	por !p2, p0  }
0x20: {  	[sflag:s8] =	ssyncset.s32 @!p0 $0xFFFFF086;
	s6 =	sadd.s32 @!p0 s3, s7;
	s7 =	simm.s32 @!p0 $0x108  }
0x21: {  	s3 =	sadd.s32 s3, s9;
	s6 =	sadd.s32 @!p0 $0x88, s6;
	s7 =	simm.s32 @p2 $0x1082  }
0x22: {  	[simem:s7], [sflag:s8] =	dma.local @!p0 [hbm:s6], $0xF7A  }
0x23: {  	s9 =	sor.u32 $0xD0000000, s2;
	s6 =	simm.s32 $0x108;
	_ =	swait.ge @!p0 [sflag:s8], $0x0  }
0x24: {  	s3 =	sadd.s32 $0x88, s3;
	s6 =	simm.s32 @!p1 $0x1082;
	[sflag:s4] =	ssyncset.s32 $0xFFFFF086  }
0x25: {  	[simem:s6], [sflag:s4] =	dma.local [hbm:s3], $0xF7A  }
0x26: {  	[smem:$0x3F8A] =	sst s1;
	(tag) =	ssettag s2;
	_ =	strace s9  }
0x27: {  	s1 =	sld [smem:$0x3F9A]  }
0x28: {  	s2 =	sld [smem:$0x3F9B]  }
0x29: {  	s4 =	sld [smem:$0x3F9D]  }
0x2a: {  	p0 =	seq.s32 s5, $0x0;
	s5 =	sld [smem:$0x3F9E]  }
0x2b: {  	s6 =	sld [smem:$0x3F9F]  }
0x2c: {  	s7 =	sld [smem:$0x3FA0]  }
0x2d: {  	s3 =	simm.s32 $0x108;
	s8 =	sld [smem:$0x3FA1]  }
0x2e: {  	s3 =	simm.s32 @!p0 $0x1082;
	s9 =	sld [smem:$0x3FA2]  }
0x2f: {  	lr =	sadd.s32 s0, s3;
	s0 =	sld [smem:$0x3F99]  }
0x30: {  	s3 =	sld [smem:$0x3F9C]  }
0x31: {  	[smem:$0x3FA5] =	sst s10  }
0x32: {  	s10 =	sld [smem:$0x3FA3];
	_ =	sdelay $0x3  }
0x33: {  	p0 =	seq.s32 s10, $0x1;
	s10 =	sld [smem:$0x3FA5];
	_ =	sdelay $0x3  }
0x34: {  	[smem:$0x3FA5] =	sst s10  }
0x35: {  	s10 =	sld [smem:$0x3FA4];
	_ =	sdelay $0x3  }
0x36: {  	p1 =	seq.s32 s10, $0x1;
	s10 =	sld [smem:$0x3FA5];
	_ =	sdelay $0x3  }
0x37: {  	[smem:$0x3FA5] =	sst s10  }
0x38: {  	s10 =	sld [smem:$0x3FA6]  }
0x39: {  	_ = 	snop;
	(pc) =	sbr.ind lr, $3  }
0x3a: {  	_ = 	snop  }
0x3b: {  	_ = 	snop  }
0x3c: {  	p2 =	seq.s32 s10, $0x1;
	s10 =	sld [smem:$0x3FA5]  }
0x3d: {  	_ =	shalt  }
0x3e: {  	_ =	shalt  }
0x3f: {  	_ =	shalt  }
0x40: {  	_ =	shalt  }
0x41: {  	_ =	shalt  }
0x42: {  	_ =	shalt  }
0x43: {  	_ =	shalt  }
0x44: {  	_ =	shalt  }
0x45: {  	_ =	shalt  }
0x46: {  	_ =	shalt  }
0x47: {  	_ =	shalt  }
0x48: {  	_ =	shalt  }
0x49: {  	_ =	shalt  }
0x4a: {  	_ =	shalt  }
0x4b: {  	_ =	shalt  }
0x4c: {  	_ =	shalt  }
0x4d: {  	_ =	shalt  }
0x4e: {  	_ =	shalt  }
0x4f: {  	_ =	shalt  }
0x50: {  	_ =	shalt  }
0x51: {  	_ =	shalt  }
0x52: {  	_ =	shalt  }
0x53: {  	_ =	shalt  }
0x54: {  	_ =	shalt  }
0x55: {  	_ =	shalt  }
0x56: {  	_ =	shalt  }
0x57: {  	_ =	shalt  }
0x58: {  	_ =	shalt  }
0x59: {  	_ =	shalt  }
0x5a: {  	_ =	shalt  }
0x5b: {  	_ =	shalt  }
0x5c: {  	_ =	shalt  }
0x5d: {  	_ =	shalt  }
0x5e: {  	_ =	shalt  }
0x5f: {  	_ =	shalt  }
0x60: {  	_ =	shalt  }
0x61: {  	_ =	shalt  }
0x62: {  	_ =	shalt  }
0x63: {  	_ =	shalt  }
0x64: {  	_ =	shalt  }
0x65: {  	_ =	shalt  }
0x66: {  	_ =	shalt  }
0x67: {  	_ =	shalt  }
0x68: {  	_ =	shalt  }
0x69: {  	_ =	shalt  }
0x6a: {  	_ =	shalt  }
0x6b: {  	_ =	shalt  }
0x6c: {  	_ =	shalt  }
0x6d: {  	_ =	shalt  }
0x6e: {  	_ =	shalt  }
0x6f: {  	_ =	shalt  }
0x70: {  	_ =	shalt  }
0x71: {  	_ =	shalt  }
0x72: {  	_ =	shalt  }
0x73: {  	_ =	shalt  }
0x74: {  	_ =	shalt  }
0x75: {  	_ =	shalt  }
0x76: {  	_ =	shalt  }
0x77: {  	_ =	shalt  }
0x78: {  	_ =	shalt  }
0x79: {  	_ =	shalt  }
0x7a: {  	_ =	shalt  }
0x7b: {  	_ =	shalt  }
0x7c: {  	_ =	shalt  }
0x7d: {  	_ =	shalt  }
0x7e: {  	_ =	shalt  }
0x7f: {  	_ =	shalt  }
0x80: {  	_ =	shalt  }
0x81: {  	_ =	shalt  }
0x82: {  	_ =	shalt  }
0x83: {  	_ =	shalt  }
0x84: {  	_ =	shalt  }
0x85: {  	_ =	shalt  }
0x86: {  	_ =	shalt  }
0x87: {  	_ =	shalt  }
.Lfunc_end0:
.L_simem_size_0:
called_computation.3_lowered:
.L_overlay_start_0:
0x88: {  	s2 =	sld [smem:$0x3FD9]  }
0x89: {  	s3 =	sld [smem:$0x3FFE];
	_ =	sdelay $0x1  }
0x8a: {  	s1 =	srdreg.scid  }
0x8b: {  	s0 =	sand.u32 $0x1, s1  }
0x8c: {  	s15 =	sshll.u32 s0, $0xA;
	s2 =	sadd.s32 s3, s2  }
0x8d: {  	s2 =	sadd.s32 s2, s15  }
0x8e: {  	[smem:$0x3FB1] =	sst s2  }
0x8f: {  	_ = 	snop  }
0x90: {  	s2 =	sld [smem:$0x3FD0];
	_ =	sdelay $0x2  }
0x91: {  	s4 =	simm.s32 $0xB;
	s16 =	simm.s32 $0x10  }
0x92: {  	[smem:s16], [sflag:s4] =	dma.local [hbm:s2], $0x1  }
0x93: {  	_ =	swait.eq [sflag:s4], $0x1  }
0x94: {  	[sflag:s4] =	ssyncset.done $0x0  }
0x95: {  	s17 =	sld [smem:$0x12];
	[sflag:s4] =	ssyncadd.s32 $0xFFFFFFFF  }
0x96: {  	s18 =	sld [smem:$0x13];
	(tm) =	ssettm $0x1  }
0x97: {  	s19 =	sld [smem:$0x3FFB];
	_ =	sdelay $0x3  }
0x98: {  	_ =	strace s19  }
0x99: {  	s2 =	sld [smem:$0x3FFC];
	_ =	sdelay $0x3  }
0x9a: {  	_ =	strace s2  }
0x9b: {  	s2 =	sld [smem:$0x3FFD];
	_ =	sdelay $0x3  }
0x9c: {  	_ =	strace s2  }
0x9d: {  	_ =	strace $0x8FFFFFFF  }
0x9e: {  	s20 =	sld [smem:$0x3FDB];
	_ =	sdelay $0x1  }
0x9f: {  	s5 =	simm.s32 $_scs_section_size  }
0xa0: {  	s6 =	simm.s32 $_size__tile_overlayer_lowered;
	s7 =	simm.s32 $_tile_overlayer_lowered  }
0xa1: {  	s8 =	simm.s32 $0x1BFF;
	s21 =	sshll.u32 s7, $0x1;
	s5 =	sadd.s32 s5, s20  }
0xa2: {  	s22 =	simm.s32 $0x0;
	s6 =	sshll.u32 s6, $0x1;
	s7 =	sadd.s32 s21, s5  }
0xa3: {  	[timem:s22], [sflag:s8] =	dma.local [hbm:s7], s6  }
0xa4: {  	_ =	swait.ge [sflag:s8], s6  }
0xa5: {  	s6 =	ssub.s32 $0x0, s6;
	[sflag:s8] =	ssyncset.done $0x0  }
0xa6: {  	[sflag:s8] =	ssyncadd.s32 s6;
	_ =	sdelay $0x1  }
0xa7: {  	s23 =	simm.s32 $0x1B8B  }
0xa8: {  	_ =	swait.ge [sflag:s23], $0x1  }
0xa9: {  	[sflag:s23] =	ssyncset.done $0x0  }
0xaa: {  	[sflag:s23] =	ssyncadd.s32 $0xFFFFFFFF  }
0xab: {  	s6 =	sld [smem:$0x0]  }
0xac: {  	s7 =	sand.u32 $0xFFFFFFFE, s1  }
0xad: {  	p0 =	sne.s32 s1, s7  }
0xae: {  	s7 =	sshll.u32 @p0 s7, $0xE  }
0xaf: {  	s7 =	sadd.s32 @p0 $0x11B8D, s7;
	s8 =	sshll.u32 @p0 s6, $0x11  }
0xb0: {  	s7 =	sor.u32 @p0 s8, s7  }
0xb1: {  	[sflag:s7] =	ssyncadd.remote.s32 @p0 $0x1;
	_ =	sdelay $0x1  }
0xb2: {  	s7 =	simm.s32 @p0 $0x1B8D  }
0xb3: {  	_ =	swait.eq @p0 [sflag:s7], $0x1  }
0xb4: {  	[sflag:s7] =	ssyncadd.s32 @p0 $0xFFFFFFFF  }
0xb5: {  	s8 =	sshll.u32 @!p0 s1, $0xE  }
0xb6: {  	s8 =	sor.u32 @!p0 $0x4000, s8;
	s7 =	simm.s32 @!p0 $0x1B8D  }
0xb7: {  	s6 =	sshll.u32 @!p0 s6, $0x11;
	s8 =	sadd.s32 @!p0 $0x11B8D, s8;
	_ =	swait.eq @!p0 [sflag:s7], $0x1  }
0xb8: {  	s6 =	sor.u32 @!p0 s6, s8;
	[sflag:s7] =	ssyncadd.s32 @!p0 $0xFFFFFFFF  }
0xb9: {  	s25 =	simm.s32 $0x1B8E;
	s24 =	sld [smem:$0x3FFE];
	[sflag:s6] =	ssyncadd.remote.s32 @!p0 $0x1  }
0xba: {  	s26 =	simm.s32 $execute0_lowered;
	[smem:$0x3FD2] =	sst s25  }
0xbb: {  	s7 =	sshll.u32 s26, $0x1;
	_ =	strace $0x80000058;
	[dreg:$0x1] =	wrdreg $0xFFFFFFFF  }
0xbc: {  	s28 =	simm.s32 $_size_execute0_lowered;
	s5 =	sadd.s32 s5, s7;
	[dreg:$0x0] =	wrdreg $0x0  }
0xbd: {  	s7 =	sshll.u32 s28, $0x1;
	[dreg:$0x2] =	wrdreg s5  }
0xbe: {  	[dreg:$0x3] =	wrdreg s7  }
0xbf: {  	[dreg:$0x4] =	wrdreg $0xC0  }
0xc0: {  	_ =	task [dreg:s22], $0x5FFFF  }
0xc1: {  	[dreg:$0x1] =	wrdreg $0xFFFFFFFF  }
0xc2: {  	[dreg:$0x0] =	wrdreg $0x60  }
0xc3: {  	[dreg:$0x2] =	wrdreg s18  }
0xc4: {  	[dreg:$0x3] =	wrdreg s24  }
0xc5: {  	[dreg:$0x4] =	wrdreg s17  }
0xc6: {  	[dreg:$0x5] =	wrdreg $0x9D000  }
0xc7: {  	[dreg:$0x6] =	wrdreg $0x9  }
0xc8: {  	_ =	task.clear_ibuf [dreg:s22], $0x7FFFF;
	_ =	strace $0x90000058  }
0xc9: {  	s29 =	simm.s32 $0x9;
	_ =	strace $0x8000005A  }
0xca: {  	_ =	swait.ge [sflag:s29], $0x1  }
0xcb: {  	[sflag:s29] =	ssyncadd.s32 $0xFFFFFFFF  }
0xcc: {  	_ =	strace $0x9000005A  }
0xcd: {  	_ =	sfence  }
0xce: {  	s30 =	sld [smem:$0x0];
	_ =	sdelay $0x2  }
0xcf: {  	s31 =	sshll.u32 s1, $0xD;
	s1 =	sshrl.u32 s1, $0x2  }
0xd0: {  	s4 =	sand.u32 $0x4000, s31;
	s1 =	sadd.s32 s1, s30  }
0xd1: {  	s0 =	sor.u32 s4, s0;
	s1 =	sshll.u32 s1, $0x11  }
0xd2: {  	s0 =	sor.u32 s1, s0  }
0xd3: {  	s0 =	sadd.s32 $0x8F2B, s0  }
0xd4: {  	[sflag:s0] =	ssyncadd.remote.s32 $0x1  }
0xd5: {  	_ =	sfence.sel $0xFFFF  }
0xd6: {  	[dreg:$0x0] =	wrdreg $0xFFFFFFFF;
	(pc) =	sbr.abs _section_cstart, $3  }
0xd7: {  	[dreg:$0x1] =	wrdreg $0xFFFFFFFF  }
0xd8: {  	_ =	task.clear_ibuf [dreg:s22], $0x2FFFF;
	_ =	strace $0x9FFFFFFF  }
0xd9: {  	(tm) =	ssettm $0x7FFFFFFF  }
tec
execute0_lowered:
.L_overlay_start_1:
0x0: {  	(tag) =	ssettag $0x1  }
0x1: {  	s0 =	rddreg [dreg:$0x0]  }
0x2: {  	s1 =	rddreg [dreg:$0x1];
	s2 =	srdreg.scid  }
0x3: {  	s14 =	stileid.u32;
	s4 =	rddreg [dreg:$0x3];
	s5 =	simm.s32 $0x0  }
0x4: {  	s15 =	simm.s32 $0x5;
	s16 =	simm.s32 $0x64;
	s17 =	simm.s32 $0x3500  }
0x5: {  	s18 =	simm.s32 $0x3400;
	s19 =	simm.s32 $0x6900;
	s20 =	simm.s32 $0x3480  }
0x6: {  	s21 =	simm.s32 $0x1;
	s22 =	simm.s32 $0x3;
	s23 =	simm.s32 $0x2  }
0x7: {  	s29 =	simm.s32 $0x0;
	s2 =	sand.u32 $0x1, s2;
	s3 =	sshll.u32 s14, $0x1  }
0x8: {  	[smem:$0x7FF] =	sst s5;
	s11 =	smul.u32 $0x13800, s14;
	s7 =	sadd.s32 $0x53000, s1  }
0x9: {  	s26 =	smul.u32 $0x4E000, s14;
	p0 =	sne.s32 s14, $0x0;
	s3 =	sor.u32 s2, s3  }
0xa: {  	_ =	strace $0x80000059;
	s8 =	ssub.s32 $0x2, s2;
	s2 =	smul.u32 $0x138800, s2  }
0xb: {  	s14 =	sshrl.u32 @!p0 s4, $0x3;
	s6 =	smul.u32 $0x3400, s3;
	s10 =	sshrl.u32 s8, $0x1  }
0xc: {  	s30 =	sshrl.u32 s26, $0x2;
	s26 =	simm.s32 $0x4;
	s12 =	ssub.s32 s8, s10  }
0xd: {  	s25 =	sadd.s32 s11, s2;
	s2 =	sshrl.u32 s2, $0x3;
	s3 =	sshrl.u32 s6, $0x3  }
0xe: {  	s31 =	sadd.s32 s30, s4;
	s28 =	sshrl.u32 s25, $0x3;
	s9 =	sadd.s32 s3, s1  }
0xf: {  	s12 =	smax.u32 s12, $0x1;
	s1 =	sadd.s32 $0x157600, s1;
	s24 =	sadd.s32 $0x60000, s9  }
0x10: {  	s9 =	sadd.s32 s7, s3;
	s10 =	sadd.s32 s1, s28;
	s1 =	sadd.s32 s1, s2  }
0x11: {  	[dreg:$0x5] =	wrdreg s24;
	s11 =	sadd.s32 $0x27000, s1;
	s1 =	sadd.s32 $0x138000, s4  }
0x12: {  	s13 =	sadd.s32 $0x630, s9;
	s24 =	sshrl.u32 s31, $0x3;
	s25 =	sshrl.u32 @!p0 s1, $0x3  }
.LBB2_1:
0x13: {  	s1 =	simm.s32 @!p0 $0x1C05;
	s2 =	rddreg [dreg:$0x2]  }
0x14: {  	[spmem:s14], [sflag:s1] =	dma.local @!p0 [hbm:s2], $0x27100  }
0x15: {  	s1 =	simm.s32 @!p0 $0x5  }
0x16: {  	_ =	swait.ge @!p0 [sflag:s1], $0x27100  }
0x17: {  	[sflag:s1] =	ssyncset.done @!p0 $0x0  }
0x18: {  	s2 =	rddreg [dreg:$0x5];
	[sflag:s1] =	ssyncadd.s32 @!p0 $0xFFFD8F00  }
0x19: {  	[tilespmem:s5], [sflag:$0x5] =	stream.linear.gather [hbm4b:s2+s5], $0x3200, $0x38;
	[tilespmem:$0x1D580] =	vst v63  }
0x1a: {  	_ =	swait.ge [sflag:s15], $0x3200  }
0x1b: {  	s3 =	simm.s32 $0x0;
	[sflag:s15] =	ssyncset.done $0x0  }
0x1c: {  	s8 =	simm.s32 $0x80;
	s1 =	sand.u32 $0x3C00, s3;
	[sflag:s15] =	ssyncadd.s32 $0xFFFFCE00  }
0x1d: {  	s1 =	sadd.s32 s6, s1;
	s2 =	sand.u32 $0x380, s8;
	[bflag:$0x0] =	sbarrier.arrive $0xFFFF  }
0x1e: {  	[tilespmem:s17], [sflag:$0x1] =	stream.indirect.gather [hbm4b:s0+s16], $0x80, s5, s16, $0xb8;
	[tilespmem:$0x1D580] =	vst v63  }
0x1f: {  	s1 =	sor.u32 s1, s2  }
0x20: {  	[tilespmem:s18], [sflag:$0x3] =	stream.linear.gather [hbm4b:s9+s5], $0x80, $0x38;
	[tilespmem:$0x1D580] =	vst v63  }
0x21: {  	s3 =	simm.s32 $0x80;
	s1 =	sshrl.u32 s1, $0x3  }
0x22: {  	[tilespmem:s19], [sflag:$0x2] =	stream.indirect.gather [hbm4b:s0+s16], $0x80, s3, s16, $0xb8;
	[tilespmem:$0x1D580] =	vst v63  }
0x23: {  	s1 =	sadd.s32 s7, s1  }
0x24: {  	[tilespmem:s20], [sflag:$0x4] =	stream.linear.gather [hbm4b:s1+s5], $0x80, $0x38;
	[tilespmem:$0x1D580] =	vst v63  }
0x25: {  	_ =	swait.ge [sflag:s21], $0x3200  }
0x26: {  	[sflag:s21] =	ssyncset.done $0x0  }
0x27: {  	[sflag:s21] =	ssyncadd.s32 $0xFFFFCE00  }
0x28: {  	_ =	swait.ge [sflag:s22], $0x80  }
0x29: {  	s8 =	simm.s32 $0x100;
	[sflag:s22] =	ssyncset.done $0x0  }
0x2a: {  	s3 =	sand.u32 $0x7C00, s8;
	[sflag:s22] =	ssyncadd.s32 $0xFFFFFF80  }
0x2b: {  	[spmem:s4] =	stream.indirect.scatter.add.f32 [tilespmem:s17], [sflag:$0x5], $0x80, s18, s16, $0xb8;
	[tilespmem:$0x1D580] =	vst v63  }
0x2c: {  	s2 =	sadd.s32 s6, s3;
	s1 =	sand.u32 $0x300, s8;
	_ =	swait.ge [sflag:s15], $0x3200  }
0x2d: {  	s1 =	sor.u32 s1, s2;
	[sflag:s15] =	ssyncset.done $0x0  }
0x2e: {  	s3 =	simm.s32 $0x100;
	s1 =	sshrl.u32 s1, $0x3;
	[sflag:s15] =	ssyncadd.s32 $0xFFFFCE00  }
0x2f: {  	[tilespmem:s17], [sflag:$0x1] =	stream.indirect.gather [hbm4b:s0+s16], $0x80, s3, s16, $0xb8;
	[tilespmem:$0x1D580] =	vst v63  }
0x30: {  	s1 =	sadd.s32 s7, s1  }
0x31: {  	[tilespmem:s18], [sflag:$0x3] =	stream.linear.gather [hbm4b:s1+s5], $0x80, $0x38;
	[tilespmem:$0x1D580] =	vst v63  }
0x32: {  	_ =	swait.ge [sflag:s23], $0x3200  }
0x33: {  	s31 =	simm.s32 $0x200;
	s30 =	simm.s32 $0x180;
	[sflag:s23] =	ssyncset.done $0x0  }
0x34: {  	s28 =	simm.s32 $0x180;
	s8 =	simm.s32 $0x100;
	[sflag:s23] =	ssyncadd.s32 $0xFFFFCE00  }
0x35: {  	s2 =	simm.s32 $0x300;
	s3 =	sand.u32 $0x3C00, s8;
	_ =	swait.ge [sflag:s26], $0x80  }
.LBB2_2:
0x36: {  	s3 =	sadd.s32 s6, s3  }
0x37: {  	s28 =	sand.u32 $0x380, s28;
	[sflag:s26] =	ssyncset.done $0x0;
	s8 =	smov.u32 s2  }
0x38: {  	s1 =	sadd.s32 $0x100, s2;
	s3 =	sor.u32 s3, s28;
	[sflag:s26] =	ssyncadd.s32 $0xFFFFFF80  }
0x39: {  	[spmem:s4] =	stream.indirect.scatter.add.f32 [tilespmem:s19], [sflag:$0x5], $0x80, s20, s16, $0xb8;
	[tilespmem:$0x1D580] =	vst v63  }
0x3a: {  	p1 =	sne.s32 s2, $0x3100;
	s2 =	sshrl.u32 s3, $0x3;
	_ =	swait.ge [sflag:s15], $0x3200  }
0x3b: {  	[sflag:s15] =	ssyncset.done $0x0  }
0x3c: {  	[sflag:s15] =	ssyncadd.s32 $0xFFFFCE00  }
0x3d: {  	[tilespmem:s19], [sflag:$0x2] =	stream.indirect.gather [hbm4b:s0+s16], $0x80, s30, s16, $0xb8;
	[tilespmem:$0x1D580] =	vst v63  }
0x3e: {  	s2 =	sadd.s32 s7, s2  }
0x3f: {  	[tilespmem:s20], [sflag:$0x4] =	stream.linear.gather [hbm4b:s2+s5], $0x80, $0x38;
	[tilespmem:$0x1D580] =	vst v63  }
0x40: {  	_ =	swait.ge [sflag:s21], $0x3200  }
0x41: {  	[sflag:s21] =	ssyncset.done $0x0  }
0x42: {  	[sflag:s21] =	ssyncadd.s32 $0xFFFFCE00  }
0x43: {  	_ =	swait.ge [sflag:s22], $0x80  }
0x44: {  	[sflag:s22] =	ssyncset.done $0x0  }
0x45: {  	[sflag:s22] =	ssyncadd.s32 $0xFFFFFF80  }
0x46: {  	[spmem:s4] =	stream.indirect.scatter.add.f32 [tilespmem:s17], [sflag:$0x5], $0x80, s18, s16, $0xb8;
	[tilespmem:$0x1D580] =	vst v63  }
0x47: {  	s2 =	sand.u32 $0x7C00, s31;
	_ =	swait.ge [sflag:s15], $0x3200  }
0x48: {  	s3 =	sand.u32 $0x300, s31;
	s2 =	sadd.s32 s6, s2;
	[sflag:s15] =	ssyncset.done $0x0  }
0x49: {  	s28 =	sadd.s32 $0x80, s30;
	s2 =	sor.u32 s3, s2;
	[sflag:s15] =	ssyncadd.s32 $0xFFFFCE00  }
0x4a: {  	[tilespmem:s17], [sflag:$0x1] =	stream.indirect.gather [hbm4b:s0+s16], $0x80, s28, s16, $0xb8;
	[tilespmem:$0x1D580] =	vst v63  }
0x4b: {  	s31 =	smov.u32 s8;
	s2 =	sshrl.u32 s2, $0x3  }
0x4c: {  	s2 =	sadd.s32 s7, s2  }
0x4d: {  	[tilespmem:s18], [sflag:$0x3] =	stream.linear.gather [hbm4b:s2+s5], $0x80, $0x38;
	[tilespmem:$0x1D580] =	vst v63  }
.Ltmp0:
0x4e: {  	_ = 	snop;
	(pc) =	sbr.rel @p1 .LBB2_2-.Ltmp0, $4  }
0x4f: {  	_ =	swait.ge [sflag:s23], $0x3200  }
0x50: {  	s30 =	sadd.s32 $0x100, s30;
	[sflag:s23] =	ssyncset.done $0x0  }
0x51: {  	s28 =	sadd.s32 $0xFFFFFF80, s31;
	s2 =	sadd.s32 $0xFFFFFF00, s31;
	[sflag:s23] =	ssyncadd.s32 $0xFFFFCE00  }
0x52: {  	s3 =	sand.u32 $0x3C00, s2;
	s2 =	smov.u32 s1;
	_ =	swait.ge [sflag:s26], $0x80  }
0x53: {  	[sflag:s26] =	ssyncset.done $0x0  }
0x54: {  	[sflag:s26] =	ssyncadd.s32 $0xFFFFFF80  }
0x55: {  	[spmem:s4] =	stream.indirect.scatter.add.f32 [tilespmem:s19], [sflag:$0x5], $0x80, s20, s16, $0xb8;
	[tilespmem:$0x1D580] =	vst v63  }
0x56: {  	s1 =	sadd.s32 s6, s3;
	s2 =	sand.u32 $0x380, s28;
	_ =	swait.ge [sflag:s15], $0x3200  }
0x57: {  	s1 =	sor.u32 s1, s2;
	[sflag:s15] =	ssyncset.done $0x0  }
0x58: {  	s1 =	sshrl.u32 s1, $0x3;
	[sflag:s15] =	ssyncadd.s32 $0xFFFFCE00  }
0x59: {  	[tilespmem:s19], [sflag:$0x2] =	stream.indirect.gather [hbm4b:s0+s16], $0x80, s30, s16, $0xb8;
	[tilespmem:$0x1D580] =	vst v63  }
0x5a: {  	s1 =	sadd.s32 s7, s1  }
0x5b: {  	[tilespmem:s20], [sflag:$0x4] =	stream.linear.gather [hbm4b:s1+s5], $0x80, $0x38;
	[tilespmem:$0x1D580] =	vst v63  }
0x5c: {  	_ =	swait.ge [sflag:s21], $0x3200  }
0x5d: {  	[sflag:s21] =	ssyncset.done $0x0  }
0x5e: {  	[sflag:s21] =	ssyncadd.s32 $0xFFFFCE00  }
0x5f: {  	_ =	swait.ge [sflag:s22], $0x80  }
0x60: {  	[sflag:s22] =	ssyncset.done $0x0  }
0x61: {  	s3 =	sand.u32 $0x7C00, s31;
	[sflag:s22] =	ssyncadd.s32 $0xFFFFFF80  }
0x62: {  	[spmem:s4] =	stream.indirect.scatter.add.f32 [tilespmem:s17], [sflag:$0x5], $0x80, s18, s16, $0xb8;
	[tilespmem:$0x1D580] =	vst v63  }
0x63: {  	s8 =	sand.u32 $0x300, s31;
	s1 =	sadd.s32 s6, s3;
	_ =	swait.ge [sflag:s15], $0x3200  }
0x64: {  	s1 =	sor.u32 s8, s1;
	[sflag:s15] =	ssyncset.done $0x0  }
0x65: {  	s28 =	sadd.s32 $0x80, s30;
	s1 =	sshrl.u32 s1, $0x3;
	[sflag:s15] =	ssyncadd.s32 $0xFFFFCE00  }
0x66: {  	[tilespmem:s17], [sflag:$0x1] =	stream.indirect.gather [hbm4b:s0+s16], $0x80, s28, s16, $0xb8;
	[tilespmem:$0x1D580] =	vst v63  }
0x67: {  	s1 =	sadd.s32 s7, s1  }
0x68: {  	[tilespmem:s18], [sflag:$0x3] =	stream.linear.gather [hbm4b:s1+s5], $0x80, $0x38;
	[tilespmem:$0x1D580] =	vst v63  }
0x69: {  	_ =	swait.ge [sflag:s23], $0x3200  }
0x6a: {  	[sflag:s23] =	ssyncset.done $0x0  }
0x6b: {  	[sflag:s23] =	ssyncadd.s32 $0xFFFFCE00  }
0x6c: {  	_ =	swait.ge [sflag:s26], $0x80  }
0x6d: {  	[sflag:s26] =	ssyncset.done $0x0  }
0x6e: {  	[sflag:s26] =	ssyncadd.s32 $0xFFFFFF80  }
0x6f: {  	[spmem:s4] =	stream.indirect.scatter.add.f32 [tilespmem:s19], [sflag:$0x5], $0x80, s20, s16, $0xb8;
	[tilespmem:$0x1D580] =	vst v63  }
0x70: {  	_ =	swait.ge [sflag:s15], $0x3200  }
0x71: {  	[sflag:s15] =	ssyncset.done $0x0  }
0x72: {  	s30 =	simm.s32 $0x3180;
	[sflag:s15] =	ssyncadd.s32 $0xFFFFCE00  }
0x73: {  	[tilespmem:s19], [sflag:$0x2] =	stream.indirect.gather [hbm4b:s0+s16], $0x80, s30, s16, $0xb8;
	[tilespmem:$0x1D580] =	vst v63  }
0x74: {  	_ = 	snop  }
0x75: {  	[tilespmem:s20], [sflag:$0x4] =	stream.linear.gather [hbm4b:s13+s5], $0x80, $0x38;
	[tilespmem:$0x1D580] =	vst v63  }
0x76: {  	_ =	swait.ge [sflag:s21], $0x3200  }
0x77: {  	[sflag:s21] =	ssyncset.done $0x0  }
0x78: {  	[sflag:s21] =	ssyncadd.s32 $0xFFFFCE00  }
0x79: {  	_ =	swait.ge [sflag:s22], $0x80  }
0x7a: {  	[sflag:s22] =	ssyncset.done $0x0  }
0x7b: {  	[sflag:s22] =	ssyncadd.s32 $0xFFFFFF80  }
0x7c: {  	[spmem:s4] =	stream.indirect.scatter.add.f32 [tilespmem:s17], [sflag:$0x5], $0x80, s18, s16, $0xb8;
	[tilespmem:$0x1D580] =	vst v63  }
0x7d: {  	_ =	swait.ge [sflag:s15], $0x3200  }
0x7e: {  	[sflag:s15] =	ssyncset.done $0x0  }
0x7f: {  	[sflag:s15] =	ssyncadd.s32 $0xFFFFCE00  }
0x80: {  	_ =	swait.ge [sflag:s23], $0x3200  }
0x81: {  	[sflag:s23] =	ssyncset.done $0x0  }
0x82: {  	[sflag:s23] =	ssyncadd.s32 $0xFFFFCE00  }
0x83: {  	_ =	swait.ge [sflag:s26], $0x80  }
0x84: {  	[sflag:s26] =	ssyncset.done $0x0  }
0x85: {  	[sflag:s26] =	ssyncadd.s32 $0xFFFFFF80  }
0x86: {  	[spmem:s4] =	stream.indirect.scatter.add.f32 [tilespmem:s19], [sflag:$0x5], $0x80, s20, s16, $0xb8;
	[tilespmem:$0x1D580] =	vst v63  }
0x87: {  	_ =	swait.ge [sflag:s15], $0x3200  }
0x88: {  	s31 =	stileid.u32;
	[sflag:s15] =	ssyncset.done $0x0  }
0x89: {  	s1 =	sshll.u32 s31, $0x6;
	[sflag:s15] =	ssyncadd.s32 $0xFFFFCE00  }
0x8a: {  	s1 =	sor.u32 $0x1C05, s1;
	[bflag:$0x0] =	sbarrier.arrive $0xFFFF  }
0x8b: {  	[hbm:s10], [sflag:s1] =	dma.local [spmem:s24], $0x2700  }
0x8c: {  	_ =	swait.ge [sflag:s15], $0x2700  }
0x8d: {  	s29 =	sadd.s32 $0x1, s29;
	[sflag:s15] =	ssyncset.done $0x0  }
0x8e: {  	p1 =	sne.s32 s29, s12;
	[sflag:s15] =	ssyncadd.s32 $0xFFFFD900  }
0x8f: {  	[hbm:s11], [sflag:s1] =	dma.local @!p0 [spmem:s25], $0x100  }
.Ltmp1:
0x90: {  	_ = 	snop;
	(pc) =	sbr.rel @p1 .LBB2_1-.Ltmp1, $4  }
0x91: {  	s1 =	simm.s32 @!p0 $0x5  }
0x92: {  	_ =	swait.ge @!p0 [sflag:s1], $0x100  }
0x93: {  	[sflag:s1] =	ssyncset.done @!p0 $0x0  }
0x94: {  	[sflag:s1] =	ssyncadd.s32 @!p0 $0xFFFFFF00  }
0x95: {  	_ =	sfence.sel $0x180000  }
0x96: {  	[bflag:$0x0] =	sbarrier.arrive $0xFFFF  }
0x97: {  	_ =	strace $0x90000059  }
0x98: {  	[bflag:$0x2] =	sbarrier.arrive $0xFFFF  }
0x99: {  	s0 =	rddreg [dreg:$0x4]  }
0x9a: {  	s0 =	sadd.s32 @!p0 $0x100000, s0  }
0x9b: {  	[sflag:s0] =	ssyncadd.tile.s32 @!p0 $0x1;
	_ =	shalt  }
.Lfunc_end2:
_tile_overlayer_lowered:
.L_overlay_start_2:
0x9c: {  	(tag) =	ssettag $0x2  }
0x9d: {  	s0 =	rddreg [dreg:$0x0];
	s2 =	stileid.u32  }
0x9e: {  	s1 =	rddreg [dreg:$0x1];
	p0 =	sne.s32 s2, $0x0  }
0x9f: {  	s3 =	rddreg [dreg:$0x2];
	[bflag:$0x3] =	sbarrier.arrive $0xFFFF;
	s2 =	simm.s32 @!p0 $0x1C05  }
0xa0: {  	[timem:s3], [sflag:s2] =	dma.local @!p0 [hbm:s0], s1  }
0xa1: {  	s0 =	simm.s32 @!p0 $0x5  }
0xa2: {  	_ =	swait.ge @!p0 [sflag:s0], s1  }
0xa3: {  	s1 =	ssub.s32 @!p0 $0x0, s1;
	[sflag:s0] =	ssyncset.done @!p0 $0x0  }
0xa4: {  	[sflag:s0] =	ssyncadd.s32 @!p0 s1  }
0xa5: {  	[bflag:$0x3] =	sbarrier.arrive $0xFFFF  }
0xa6: {  	_ =	shalt  }

// kernel: kernel.31.cloned.1.call-start
scs
__scs_entry_jumppad:
0x0: {  	(pc) =	sbr.rel $0x88, $3  }
0x1: {  	(tag) =	ssettag $0x0;
	lr =	simm.s32 $0x1  }
0x2: {  	[smem:$0x3F8A] =	sst lr;
	_ =	strace $0xD0000000  }
0x3: {  	_ = 	snop  }
0x4: {  	_ = 	snop  }
0x5: {  	_ = 	snop  }
0x6: {  	_ = 	snop  }
0x7: {  	_ = 	snop  }
__scs_overlays_trampoline_lowered:
0x8: {  	[smem:$0x3F99] =	sst s0  }
0x9: {  	[smem:$0x3F9A] =	sst s1  }
0xa: {  	[smem:$0x3F9B] =	sst s2  }
0xb: {  	[smem:$0x3F9C] =	sst s3  }
0xc: {  	[smem:$0x3F9D] =	sst s4  }
0xd: {  	[smem:$0x3F9E] =	sst s5  }
0xe: {  	[smem:$0x3F9F] =	sst s6  }
0xf: {  	[smem:$0x3FA0] =	sst s7  }
0x10: {  	[smem:$0x3FA1] =	sst s8  }
0x11: {  	[smem:$0x3FA2] =	sst s9;
	s0 =	simm.s32 @!p0 $0x0  }
0x12: {  	s1 =	sld [smem:$0x3F88];
	s0 =	simm.s32 @p0 $0x1  }
0x13: {  	[smem:$0x3FA3] =	sst s0;
	s0 =	simm.s32 @!p1 $0x0  }
0x14: {  	s2 =	sld [smem:$0x3F87];
	s0 =	simm.s32 @p1 $0x1  }
0x15: {  	[smem:$0x3FA4] =	sst s0;
	s0 =	simm.s32 @!p2 $0x0  }
0x16: {  	s3 =	sld [smem:$0x3FDB];
	s0 =	simm.s32 @p2 $0x1  }
0x17: {  	s4 =	simm.s32 $0x1BF5;
	[smem:$0x3FA6] =	sst s0  }
0x18: {  	s0 =	sld [smem:$0x3F89];
	_ =	swait.ge [sflag:s4], $0x0  }
0x19: {  	s7 =	sld [smem:$0x3F8A]  }
0x1a: {  	s8 =	sadd.s32 $0xFFFFE003, lr  }
0x1b: {  	s9 =	sadd.s32 $0xFFFFFEF7, lr;
	s5 =	simm.s32 $0xFFFFFFFF;
	p2 =	slt.u32 s8, $0xFFFFF086  }
0x1c: {  	p1 =	slt.u32 s9, $0xF7A;
	s5 =	simm.s32 @!p2 $0x0  }
0x1d: {  	s5 =	simm.s32 @p1 $0x1;
	p0 =	seq.s32 s7, s2  }
0x1e: {  	s7 =	smul.u32 @!p0 $0xF7A, s2;
	p2 =	seq.s32 @!p0 s5, $0x0  }
0x1f: {  	s9 =	smul.u32 $0xF7A, s1;
	s8 =	simm.s32 @!p0 $0x1BF5;
	p2 =	por !p2, p0  }
0x20: {  	[sflag:s8] =	ssyncset.s32 @!p0 $0xFFFFF086;
	s6 =	sadd.s32 @!p0 s3, s7;
	s7 =	simm.s32 @!p0 $0x108  }
0x21: {  	s3 =	sadd.s32 s3, s9;
	s6 =	sadd.s32 @!p0 $0x88, s6;
	s7 =	simm.s32 @p2 $0x1082  }
0x22: {  	[simem:s7], [sflag:s8] =	dma.local @!p0 [hbm:s6], $0xF7A  }
0x23: {  	s9 =	sor.u32 $0xD0000000, s2;
	s6 =	simm.s32 $0x108;
	_ =	swait.ge @!p0 [sflag:s8], $0x0  }
0x24: {  	s3 =	sadd.s32 $0x88, s3;
	s6 =	simm.s32 @!p1 $0x1082;
	[sflag:s4] =	ssyncset.s32 $0xFFFFF086  }
0x25: {  	[simem:s6], [sflag:s4] =	dma.local [hbm:s3], $0xF7A  }
0x26: {  	[smem:$0x3F8A] =	sst s1;
	(tag) =	ssettag s2;
	_ =	strace s9  }
0x27: {  	s1 =	sld [smem:$0x3F9A]  }
0x28: {  	s2 =	sld [smem:$0x3F9B]  }
0x29: {  	s4 =	sld [smem:$0x3F9D]  }
0x2a: {  	p0 =	seq.s32 s5, $0x0;
	s5 =	sld [smem:$0x3F9E]  }
0x2b: {  	s6 =	sld [smem:$0x3F9F]  }
0x2c: {  	s7 =	sld [smem:$0x3FA0]  }
0x2d: {  	s3 =	simm.s32 $0x108;
	s8 =	sld [smem:$0x3FA1]  }
0x2e: {  	s3 =	simm.s32 @!p0 $0x1082;
	s9 =	sld [smem:$0x3FA2]  }
0x2f: {  	lr =	sadd.s32 s0, s3;
	s0 =	sld [smem:$0x3F99]  }
0x30: {  	s3 =	sld [smem:$0x3F9C]  }
0x31: {  	[smem:$0x3FA5] =	sst s10  }
0x32: {  	s10 =	sld [smem:$0x3FA3];
	_ =	sdelay $0x3  }
0x33: {  	p0 =	seq.s32 s10, $0x1;
	s10 =	sld [smem:$0x3FA5];
	_ =	sdelay $0x3  }
0x34: {  	[smem:$0x3FA5] =	sst s10  }
0x35: {  	s10 =	sld [smem:$0x3FA4];
	_ =	sdelay $0x3  }
0x36: {  	p1 =	seq.s32 s10, $0x1;
	s10 =	sld [smem:$0x3FA5];
	_ =	sdelay $0x3  }
0x37: {  	[smem:$0x3FA5] =	sst s10  }
0x38: {  	s10 =	sld [smem:$0x3FA6]  }
0x39: {  	_ = 	snop;
	(pc) =	sbr.ind lr, $3  }
0x3a: {  	_ = 	snop  }
0x3b: {  	_ = 	snop  }
0x3c: {  	p2 =	seq.s32 s10, $0x1;
	s10 =	sld [smem:$0x3FA5]  }
0x3d: {  	_ =	shalt  }
0x3e: {  	_ =	shalt  }
0x3f: {  	_ =	shalt  }
0x40: {  	_ =	shalt  }
0x41: {  	_ =	shalt  }
0x42: {  	_ =	shalt  }
0x43: {  	_ =	shalt  }
0x44: {  	_ =	shalt  }
0x45: {  	_ =	shalt  }
0x46: {  	_ =	shalt  }
0x47: {  	_ =	shalt  }
0x48: {  	_ =	shalt  }
0x49: {  	_ =	shalt  }
0x4a: {  	_ =	shalt  }
0x4b: {  	_ =	shalt  }
0x4c: {  	_ =	shalt  }
0x4d: {  	_ =	shalt  }
0x4e: {  	_ =	shalt  }
0x4f: {  	_ =	shalt  }
0x50: {  	_ =	shalt  }
0x51: {  	_ =	shalt  }
0x52: {  	_ =	shalt  }
0x53: {  	_ =	shalt  }
0x54: {  	_ =	shalt  }
0x55: {  	_ =	shalt  }
0x56: {  	_ =	shalt  }
0x57: {  	_ =	shalt  }
0x58: {  	_ =	shalt  }
0x59: {  	_ =	shalt  }
0x5a: {  	_ =	shalt  }
0x5b: {  	_ =	shalt  }
0x5c: {  	_ =	shalt  }
0x5d: {  	_ =	shalt  }
0x5e: {  	_ =	shalt  }
0x5f: {  	_ =	shalt  }
0x60: {  	_ =	shalt  }
0x61: {  	_ =	shalt  }
0x62: {  	_ =	shalt  }
0x63: {  	_ =	shalt  }
0x64: {  	_ =	shalt  }
0x65: {  	_ =	shalt  }
0x66: {  	_ =	shalt  }
0x67: {  	_ =	shalt  }
0x68: {  	_ =	shalt  }
0x69: {  	_ =	shalt  }
0x6a: {  	_ =	shalt  }
0x6b: {  	_ =	shalt  }
0x6c: {  	_ =	shalt  }
0x6d: {  	_ =	shalt  }
0x6e: {  	_ =	shalt  }
0x6f: {  	_ =	shalt  }
0x70: {  	_ =	shalt  }
0x71: {  	_ =	shalt  }
0x72: {  	_ =	shalt  }
0x73: {  	_ =	shalt  }
0x74: {  	_ =	shalt  }
0x75: {  	_ =	shalt  }
0x76: {  	_ =	shalt  }
0x77: {  	_ =	shalt  }
0x78: {  	_ =	shalt  }
0x79: {  	_ =	shalt  }
0x7a: {  	_ =	shalt  }
0x7b: {  	_ =	shalt  }
0x7c: {  	_ =	shalt  }
0x7d: {  	_ =	shalt  }
0x7e: {  	_ =	shalt  }
0x7f: {  	_ =	shalt  }
0x80: {  	_ =	shalt  }
0x81: {  	_ =	shalt  }
0x82: {  	_ =	shalt  }
0x83: {  	_ =	shalt  }
0x84: {  	_ =	shalt  }
0x85: {  	_ =	shalt  }
0x86: {  	_ =	shalt  }
0x87: {  	_ =	shalt  }
.Lfunc_end0:
.L_simem_size_0:
called_computation.4_lowered:
.L_overlay_start_0:
0x88: {  	s2 =	sld [smem:$0x3FD9]  }
0x89: {  	s3 =	sld [smem:$0x3FFE];
	_ =	sdelay $0x1  }
0x8a: {  	s1 =	srdreg.scid  }
0x8b: {  	s0 =	sand.u32 $0x1, s1  }
0x8c: {  	s14 =	sshll.u32 s0, $0xA;
	s2 =	sadd.s32 s3, s2  }
0x8d: {  	s2 =	sadd.s32 s2, s14  }
0x8e: {  	[smem:$0x3FB1] =	sst s2  }
0x8f: {  	_ = 	snop  }
0x90: {  	s2 =	sld [smem:$0x3FD0];
	_ =	sdelay $0x2  }
0x91: {  	s15 =	simm.s32 $0xB;
	s4 =	simm.s32 $0x10  }
0x92: {  	[smem:s4], [sflag:s15] =	dma.local [hbm:s2], $0x1  }
0x93: {  	_ =	swait.eq [sflag:s15], $0x1  }
0x94: {  	[sflag:s15] =	ssyncset.done $0x0  }
0x95: {  	s16 =	sld [smem:$0x11];
	[sflag:s15] =	ssyncadd.s32 $0xFFFFFFFF  }
0x96: {  	s17 =	sld [smem:$0x12];
	(tm) =	ssettm $0x1  }
0x97: {  	s18 =	sld [smem:$0x3FFB];
	_ =	sdelay $0x3  }
0x98: {  	_ =	strace s18  }
0x99: {  	s4 =	sld [smem:$0x3FFC];
	_ =	sdelay $0x3  }
0x9a: {  	_ =	strace s4  }
0x9b: {  	s4 =	sld [smem:$0x3FFD];
	_ =	sdelay $0x3  }
0x9c: {  	_ =	strace s4  }
0x9d: {  	_ =	strace $0x8FFFFFFF  }
0x9e: {  	s19 =	sld [smem:$0x3FDB];
	_ =	sdelay $0x1  }
0x9f: {  	s5 =	simm.s32 $_scs_section_size  }
0xa0: {  	s6 =	simm.s32 $_size__tile_overlayer_lowered;
	s7 =	simm.s32 $_tile_overlayer_lowered  }
0xa1: {  	s22 =	simm.s32 $0x1BFF;
	s21 =	sshll.u32 s7, $0x1;
	s4 =	sadd.s32 s5, s19  }
0xa2: {  	s8 =	simm.s32 $0x0;
	s20 =	sshll.u32 s6, $0x1;
	s6 =	sadd.s32 s21, s4  }
0xa3: {  	[timem:s8], [sflag:s22] =	dma.local [hbm:s6], s20  }
0xa4: {  	_ =	swait.ge [sflag:s22], s20  }
0xa5: {  	s5 =	ssub.s32 $0x0, s20;
	[sflag:s22] =	ssyncset.done $0x0  }
0xa6: {  	[sflag:s22] =	ssyncadd.s32 s5;
	_ =	sdelay $0x1  }
0xa7: {  	s23 =	simm.s32 $0x1B8B  }
0xa8: {  	_ =	swait.ge [sflag:s23], $0x1  }
0xa9: {  	[sflag:s23] =	ssyncset.done $0x0  }
0xaa: {  	s25 =	simm.s32 $0x1B8E;
	s24 =	sld [smem:$0x3FFE];
	[sflag:s23] =	ssyncadd.s32 $0xFFFFFFFF  }
0xab: {  	s26 =	simm.s32 $execute0_lowered;
	[smem:$0x3FD2] =	sst s25  }
0xac: {  	s6 =	sshll.u32 s26, $0x1;
	_ =	strace $0x80000049;
	[dreg:$0x1] =	wrdreg $0xFFFFFFFF  }
0xad: {  	s28 =	simm.s32 $_size_execute0_lowered;
	s4 =	sadd.s32 s4, s6;
	[dreg:$0x0] =	wrdreg $0x0  }
0xae: {  	s6 =	sshll.u32 s28, $0x1;
	[dreg:$0x2] =	wrdreg s4  }
0xaf: {  	[dreg:$0x3] =	wrdreg s6  }
0xb0: {  	[dreg:$0x4] =	wrdreg $0xC0  }
0xb1: {  	_ =	task [dreg:s8], $0x5FFFF  }
0xb2: {  	[dreg:$0x1] =	wrdreg $0xFFFFFFFF  }
0xb3: {  	[dreg:$0x0] =	wrdreg $0x60  }
0xb4: {  	[dreg:$0x2] =	wrdreg s16  }
0xb5: {  	[dreg:$0x3] =	wrdreg s24  }
0xb6: {  	[dreg:$0x4] =	wrdreg s17  }
0xb7: {  	[dreg:$0x5] =	wrdreg $0x9D000  }
0xb8: {  	[dreg:$0x6] =	wrdreg $0xA  }
0xb9: {  	_ =	task.clear_ibuf [dreg:s8], $0x7FFFF;
	_ =	strace $0x90000049  }
0xba: {  	s29 =	simm.s32 $0xA;
	_ =	strace $0x8000004B  }
0xbb: {  	_ =	swait.ge [sflag:s29], $0x1  }
0xbc: {  	[sflag:s29] =	ssyncadd.s32 $0xFFFFFFFF  }
0xbd: {  	_ =	strace $0x9000004B  }
0xbe: {  	_ =	sfence  }
0xbf: {  	s30 =	sld [smem:$0x0];
	_ =	sdelay $0x2  }
0xc0: {  	s31 =	sshll.u32 s1, $0xD;
	s1 =	sshrl.u32 s1, $0x2  }
0xc1: {  	s3 =	sand.u32 $0x4000, s31;
	s1 =	sadd.s32 s1, s30  }
0xc2: {  	s0 =	sor.u32 s3, s0;
	s1 =	sshll.u32 s1, $0x11  }
0xc3: {  	s0 =	sor.u32 s1, s0  }
0xc4: {  	s0 =	sadd.s32 $0x8F2B, s0  }
0xc5: {  	[sflag:s0] =	ssyncadd.remote.s32 $0x1  }
0xc6: {  	_ =	sfence.sel $0xFFFF  }
0xc7: {  	[dreg:$0x0] =	wrdreg $0xFFFFFFFF;
	(pc) =	sbr.abs _section_cstart, $3  }
0xc8: {  	[dreg:$0x1] =	wrdreg $0xFFFFFFFF  }
0xc9: {  	_ =	task.clear_ibuf [dreg:s8], $0x2FFFF;
	_ =	strace $0x9FFFFFFF  }
0xca: {  	(tm) =	ssettm $0x7FFFFFFF  }
0xcb: {  	_ =	shalt  }
tec
execute0_lowered:
.L_overlay_start_1:
0x0: {  	(tag) =	ssettag $0x1  }
0x1: {  	s0 =	rddreg [dreg:$0x0]  }
0x2: {  	s1 =	rddreg [dreg:$0x1];
	s2 =	srdreg.scid  }
0x3: {  	s14 =	stileid.u32;
	s4 =	rddreg [dreg:$0x3];
	s5 =	simm.s32 $0x0  }
0x4: {  	s15 =	simm.s32 $0x5;
	s16 =	simm.s32 $0x64;
	s17 =	simm.s32 $0x3500  }
0x5: {  	s18 =	simm.s32 $0x3400;
	s19 =	simm.s32 $0x6900;
	s20 =	simm.s32 $0x3480  }
0x6: {  	s21 =	simm.s32 $0x1;
	s22 =	simm.s32 $0x3;
	s23 =	simm.s32 $0x2  }
0x7: {  	s29 =	simm.s32 $0x0;
	s2 =	sand.u32 $0x1, s2;
	s3 =	sshll.u32 s14, $0x1  }
0x8: {  	[smem:$0x7FF] =	sst s5;
	s11 =	smul.u32 $0x13800, s14;
	s7 =	sadd.s32 $0xA1200, s1  }
0x9: {  	s26 =	smul.u32 $0x4E000, s14;
	p0 =	sne.s32 s14, $0x0;
	s3 =	sor.u32 s2, s3  }
0xa: {  	_ =	strace $0x8000004A;
	s8 =	ssub.s32 $0x2, s2;
	s2 =	smul.u32 $0x138800, s2  }
0xb: {  	s14 =	sshrl.u32 @!p0 s4, $0x3;
	s6 =	smul.u32 $0x3400, s3;
	s10 =	sshrl.u32 s8, $0x1  }
0xc: {  	s30 =	sshrl.u32 s26, $0x2;
	s26 =	simm.s32 $0x4;
	s12 =	ssub.s32 s8, s10  }
0xd: {  	s25 =	sadd.s32 s11, s2;
	s2 =	sshrl.u32 s2, $0x3;
	s3 =	sshrl.u32 s6, $0x3  }
0xe: {  	s31 =	sadd.s32 s30, s4;
	s28 =	sshrl.u32 s25, $0x3;
	s9 =	sadd.s32 s3, s1  }
0xf: {  	s12 =	smax.u32 s12, $0x1;
	s1 =	sadd.s32 $0x4E00, s1;
	s24 =	sadd.s32 $0xAE200, s9  }
0x10: {  	s9 =	sadd.s32 s7, s3;
	s10 =	sadd.s32 s1, s28;
	s1 =	sadd.s32 s1, s2  }
0x11: {  	[dreg:$0x5] =	wrdreg s24;
	s11 =	sadd.s32 $0x27000, s1;
	s1 =	sadd.s32 $0x138000, s4  }
0x12: {  	s13 =	sadd.s32 $0x630, s9;
	s24 =	sshrl.u32 s31, $0x3;
	s25 =	sshrl.u32 @!p0 s1, $0x3  }
.LBB2_1:
0x13: {  	s1 =	simm.s32 @!p0 $0x1C05;
	s2 =	rddreg [dreg:$0x2]  }
0x14: {  	[spmem:s14], [sflag:s1] =	dma.local @!p0 [hbm:s2], $0x27100  }
0x15: {  	s1 =	simm.s32 @!p0 $0x5  }
0x16: {  	_ =	swait.ge @!p0 [sflag:s1], $0x27100  }
0x17: {  	[sflag:s1] =	ssyncset.done @!p0 $0x0  }
0x18: {  	s2 =	rddreg [dreg:$0x5];
	[sflag:s1] =	ssyncadd.s32 @!p0 $0xFFFD8F00  }
0x19: {  	[tilespmem:s5], [sflag:$0x5] =	stream.linear.gather [hbm4b:s2+s5], $0x3200, $0x38;
	[tilespmem:$0x1D580] =	vst v63  }
0x1a: {  	_ =	swait.ge [sflag:s15], $0x3200  }
0x1b: {  	s3 =	simm.s32 $0x0;
	[sflag:s15] =	ssyncset.done $0x0  }
0x1c: {  	s8 =	simm.s32 $0x80;
	s1 =	sand.u32 $0x3C00, s3;
	[sflag:s15] =	ssyncadd.s32 $0xFFFFCE00  }
0x1d: {  	s1 =	sadd.s32 s6, s1;
	s2 =	sand.u32 $0x380, s8;
	[bflag:$0x0] =	sbarrier.arrive $0xFFFF  }
0x1e: {  	[tilespmem:s17], [sflag:$0x1] =	stream.indirect.gather [hbm4b:s0+s16], $0x80, s5, s16, $0xb8;
	[tilespmem:$0x1D580] =	vst v63  }
0x1f: {  	s1 =	sor.u32 s1, s2  }
0x20: {  	[tilespmem:s18], [sflag:$0x3] =	stream.linear.gather [hbm4b:s9+s5], $0x80, $0x38;
	[tilespmem:$0x1D580] =	vst v63  }
0x21: {  	s3 =	simm.s32 $0x80;
	s1 =	sshrl.u32 s1, $0x3  }
0x22: {  	[tilespmem:s19], [sflag:$0x2] =	stream.indirect.gather [hbm4b:s0+s16], $0x80, s3, s16, $0xb8;
	[tilespmem:$0x1D580] =	vst v63  }
0x23: {  	s1 =	sadd.s32 s7, s1  }
0x24: {  	[tilespmem:s20], [sflag:$0x4] =	stream.linear.gather [hbm4b:s1+s5], $0x80, $0x38;
	[tilespmem:$0x1D580] =	vst v63  }
0x25: {  	_ =	swait.ge [sflag:s21], $0x3200  }
0x26: {  	[sflag:s21] =	ssyncset.done $0x0  }
0x27: {  	[sflag:s21] =	ssyncadd.s32 $0xFFFFCE00  }
0x28: {  	_ =	swait.ge [sflag:s22], $0x80  }
0x29: {  	s8 =	simm.s32 $0x100;
	[sflag:s22] =	ssyncset.done $0x0  }
0x2a: {  	s3 =	sand.u32 $0x7C00, s8;
	[sflag:s22] =	ssyncadd.s32 $0xFFFFFF80  }
0x2b: {  	[spmem:s4] =	stream.indirect.scatter.add.f32 [tilespmem:s17], [sflag:$0x5], $0x80, s18, s16, $0xb8;
	[tilespmem:$0x1D580] =	vst v63  }
0x2c: {  	s2 =	sadd.s32 s6, s3;
	s1 =	sand.u32 $0x300, s8;
	_ =	swait.ge [sflag:s15], $0x3200  }
0x2d: {  	s1 =	sor.u32 s1, s2;
	[sflag:s15] =	ssyncset.done $0x0  }
0x2e: {  	s3 =	simm.s32 $0x100;
	s1 =	sshrl.u32 s1, $0x3;
	[sflag:s15] =	ssyncadd.s32 $0xFFFFCE00  }
0x2f: {  	[tilespmem:s17], [sflag:$0x1] =	stream.indirect.gather [hbm4b:s0+s16], $0x80, s3, s16, $0xb8;
	[tilespmem:$0x1D580] =	vst v63  }
0x30: {  	s1 =	sadd.s32 s7, s1  }
0x31: {  	[tilespmem:s18], [sflag:$0x3] =	stream.linear.gather [hbm4b:s1+s5], $0x80, $0x38;
	[tilespmem:$0x1D580] =	vst v63  }
0x32: {  	_ =	swait.ge [sflag:s23], $0x3200  }
0x33: {  	s31 =	simm.s32 $0x200;
	s30 =	simm.s32 $0x180;
	[sflag:s23] =	ssyncset.done $0x0  }
0x34: {  	s28 =	simm.s32 $0x180;
	s8 =	simm.s32 $0x100;
	[sflag:s23] =	ssyncadd.s32 $0xFFFFCE00  }
0x35: {  	s2 =	simm.s32 $0x300;
	s3 =	sand.u32 $0x3C00, s8;
	_ =	swait.ge [sflag:s26], $0x80  }
.LBB2_2:
0x36: {  	s3 =	sadd.s32 s6, s3  }
0x37: {  	s28 =	sand.u32 $0x380, s28;
	[sflag:s26] =	ssyncset.done $0x0;
	s8 =	smov.u32 s2  }
0x38: {  	s1 =	sadd.s32 $0x100, s2;
	s3 =	sor.u32 s3, s28;
	[sflag:s26] =	ssyncadd.s32 $0xFFFFFF80  }
0x39: {  	[spmem:s4] =	stream.indirect.scatter.add.f32 [tilespmem:s19], [sflag:$0x5], $0x80, s20, s16, $0xb8;
	[tilespmem:$0x1D580] =	vst v63  }
0x3a: {  	p1 =	sne.s32 s2, $0x3100;
	s2 =	sshrl.u32 s3, $0x3;
	_ =	swait.ge [sflag:s15], $0x3200  }
0x3b: {  	[sflag:s15] =	ssyncset.done $0x0  }
0x3c: {  	[sflag:s15] =	ssyncadd.s32 $0xFFFFCE00  }
0x3d: {  	[tilespmem:s19], [sflag:$0x2] =	stream.indirect.gather [hbm4b:s0+s16], $0x80, s30, s16, $0xb8;
	[tilespmem:$0x1D580] =	vst v63  }
0x3e: {  	s2 =	sadd.s32 s7, s2  }
0x3f: {  	[tilespmem:s20], [sflag:$0x4] =	stream.linear.gather [hbm4b:s2+s5], $0x80, $0x38;
	[tilespmem:$0x1D580] =	vst v63  }
0x40: {  	_ =	swait.ge [sflag:s21], $0x3200  }
0x41: {  	[sflag:s21] =	ssyncset.done $0x0  }
0x42: {  	[sflag:s21] =	ssyncadd.s32 $0xFFFFCE00  }
0x43: {  	_ =	swait.ge [sflag:s22], $0x80  }
0x44: {  	[sflag:s22] =	ssyncset.done $0x0  }
0x45: {  	[sflag:s22] =	ssyncadd.s32 $0xFFFFFF80  }
0x46: {  	[spmem:s4] =	stream.indirect.scatter.add.f32 [tilespmem:s17], [sflag:$0x5], $0x80, s18, s16, $0xb8;
	[tilespmem:$0x1D580] =	vst v63  }
0x47: {  	s2 =	sand.u32 $0x7C00, s31;
	_ =	swait.ge [sflag:s15], $0x3200  }
0x48: {  	s3 =	sand.u32 $0x300, s31;
	s2 =	sadd.s32 s6, s2;
	[sflag:s15] =	ssyncset.done $0x0  }
0x49: {  	s28 =	sadd.s32 $0x80, s30;
	s2 =	sor.u32 s3, s2;
	[sflag:s15] =	ssyncadd.s32 $0xFFFFCE00  }
0x4a: {  	[tilespmem:s17], [sflag:$0x1] =	stream.indirect.gather [hbm4b:s0+s16], $0x80, s28, s16, $0xb8;
	[tilespmem:$0x1D580] =	vst v63  }
0x4b: {  	s31 =	smov.u32 s8;
	s2 =	sshrl.u32 s2, $0x3  }
0x4c: {  	s2 =	sadd.s32 s7, s2  }
0x4d: {  	[tilespmem:s18], [sflag:$0x3] =	stream.linear.gather [hbm4b:s2+s5], $0x80, $0x38;
	[tilespmem:$0x1D580] =	vst v63  }
.Ltmp0:
0x4e: {  	_ = 	snop;
	(pc) =	sbr.rel @p1 .LBB2_2-.Ltmp0, $4  }
0x4f: {  	_ =	swait.ge [sflag:s23], $0x3200  }
0x50: {  	s30 =	sadd.s32 $0x100, s30;
	[sflag:s23] =	ssyncset.done $0x0  }
0x51: {  	s28 =	sadd.s32 $0xFFFFFF80, s31;
	s2 =	sadd.s32 $0xFFFFFF00, s31;
	[sflag:s23] =	ssyncadd.s32 $0xFFFFCE00  }
0x52: {  	s3 =	sand.u32 $0x3C00, s2;
	s2 =	smov.u32 s1;
	_ =	swait.ge [sflag:s26], $0x80  }
0x53: {  	[sflag:s26] =	ssyncset.done $0x0  }
0x54: {  	[sflag:s26] =	ssyncadd.s32 $0xFFFFFF80  }
0x55: {  	[spmem:s4] =	stream.indirect.scatter.add.f32 [tilespmem:s19], [sflag:$0x5], $0x80, s20, s16, $0xb8;
	[tilespmem:$0x1D580] =	vst v63  }
0x56: {  	s1 =	sadd.s32 s6, s3;
	s2 =	sand.u32 $0x380, s28;
	_ =	swait.ge [sflag:s15], $0x3200  }
0x57: {  	s1 =	sor.u32 s1, s2;
	[sflag:s15] =	ssyncset.done $0x0  }
0x58: {  	s1 =	sshrl.u32 s1, $0x3;
	[sflag:s15] =	ssyncadd.s32 $0xFFFFCE00  }
0x59: {  	[tilespmem:s19], [sflag:$0x2] =	stream.indirect.gather [hbm4b:s0+s16], $0x80, s30, s16, $0xb8;
	[tilespmem:$0x1D580] =	vst v63  }
0x5a: {  	s1 =	sadd.s32 s7, s1  }
0x5b: {  	[tilespmem:s20], [sflag:$0x4] =	stream.linear.gather [hbm4b:s1+s5], $0x80, $0x38;
	[tilespmem:$0x1D580] =	vst v63  }
0x5c: {  	_ =	swait.ge [sflag:s21], $0x3200  }
0x5d: {  	[sflag:s21] =	ssyncset.done $0x0  }
0x5e: {  	[sflag:s21] =	ssyncadd.s32 $0xFFFFCE00  }
0x5f: {  	_ =	swait.ge [sflag:s22], $0x80  }
0x60: {  	[sflag:s22] =	ssyncset.done $0x0  }
0x61: {  	s3 =	sand.u32 $0x7C00, s31;
	[sflag:s22] =	ssyncadd.s32 $0xFFFFFF80  }
0x62: {  	[spmem:s4] =	stream.indirect.scatter.add.f32 [tilespmem:s17], [sflag:$0x5], $0x80, s18, s16, $0xb8;
	[tilespmem:$0x1D580] =	vst v63  }
0x63: {  	s8 =	sand.u32 $0x300, s31;
	s1 =	sadd.s32 s6, s3;
	_ =	swait.ge [sflag:s15], $0x3200  }
0x64: {  	s1 =	sor.u32 s8, s1;
	[sflag:s15] =	ssyncset.done $0x0  }
0x65: {  	s28 =	sadd.s32 $0x80, s30;
	s1 =	sshrl.u32 s1, $0x3;
	[sflag:s15] =	ssyncadd.s32 $0xFFFFCE00  }
0x66: {  	[tilespmem:s17], [sflag:$0x1] =	stream.indirect.gather [hbm4b:s0+s16], $0x80, s28, s16, $0xb8;
	[tilespmem:$0x1D580] =	vst v63  }
0x67: {  	s1 =	sadd.s32 s7, s1  }
0x68: {  	[tilespmem:s18], [sflag:$0x3] =	stream.linear.gather [hbm4b:s1+s5], $0x80, $0x38;
	[tilespmem:$0x1D580] =	vst v63  }
0x69: {  	_ =	swait.ge [sflag:s23], $0x3200  }
0x6a: {  	[sflag:s23] =	ssyncset.done $0x0  }
0x6b: {  	[sflag:s23] =	ssyncadd.s32 $0xFFFFCE00  }
0x6c: {  	_ =	swait.ge [sflag:s26], $0x80  }
0x6d: {  	[sflag:s26] =	ssyncset.done $0x0  }
0x6e: {  	[sflag:s26] =	ssyncadd.s32 $0xFFFFFF80  }
0x6f: {  	[spmem:s4] =	stream.indirect.scatter.add.f32 [tilespmem:s19], [sflag:$0x5], $0x80, s20, s16, $0xb8;
	[tilespmem:$0x1D580] =	vst v63  }
0x70: {  	_ =	swait.ge [sflag:s15], $0x3200  }
0x71: {  	[sflag:s15] =	ssyncset.done $0x0  }
0x72: {  	s30 =	simm.s32 $0x3180;
	[sflag:s15] =	ssyncadd.s32 $0xFFFFCE00  }
0x73: {  	[tilespmem:s19], [sflag:$0x2] =	stream.indirect.gather [hbm4b:s0+s16], $0x80, s30, s16, $0xb8;
	[tilespmem:$0x1D580] =	vst v63  }
0x74: {  	_ = 	snop  }
0x75: {  	[tilespmem:s20], [sflag:$0x4] =	stream.linear.gather [hbm4b:s13+s5], $0x80, $0x38;
	[tilespmem:$0x1D580] =	vst v63  }
0x76: {  	_ =	swait.ge [sflag:s21], $0x3200  }
0x77: {  	[sflag:s21] =	ssyncset.done $0x0  }
0x78: {  	[sflag:s21] =	ssyncadd.s32 $0xFFFFCE00  }
0x79: {  	_ =	swait.ge [sflag:s22], $0x80  }
0x7a: {  	[sflag:s22] =	ssyncset.done $0x0  }
0x7b: {  	[sflag:s22] =	ssyncadd.s32 $0xFFFFFF80  }
0x7c: {  	[spmem:s4] =	stream.indirect.scatter.add.f32 [tilespmem:s17], [sflag:$0x5], $0x80, s18, s16, $0xb8;
	[tilespmem:$0x1D580] =	vst v63  }
0x7d: {  	_ =	swait.ge [sflag:s15], $0x3200  }
0x7e: {  	[sflag:s15] =	ssyncset.done $0x0  }
0x7f: {  	[sflag:s15] =	ssyncadd.s32 $0xFFFFCE00  }
0x80: {  	_ =	swait.ge [sflag:s23], $0x3200  }
0x81: {  	[sflag:s23] =	ssyncset.done $0x0  }
0x82: {  	[sflag:s23] =	ssyncadd.s32 $0xFFFFCE00  }
0x83: {  	_ =	swait.ge [sflag:s26], $0x80  }
0x84: {  	[sflag:s26] =	ssyncset.done $0x0  }
0x85: {  	[sflag:s26] =	ssyncadd.s32 $0xFFFFFF80  }
0x86: {  	[spmem:s4] =	stream.indirect.scatter.add.f32 [tilespmem:s19], [sflag:$0x5], $0x80, s20, s16, $0xb8;
	[tilespmem:$0x1D580] =	vst v63  }
0x87: {  	_ =	swait.ge [sflag:s15], $0x3200  }
0x88: {  	s31 =	stileid.u32;
	[sflag:s15] =	ssyncset.done $0x0  }
0x89: {  	s1 =	sshll.u32 s31, $0x6;
	[sflag:s15] =	ssyncadd.s32 $0xFFFFCE00  }
0x8a: {  	s1 =	sor.u32 $0x1C05, s1;
	[bflag:$0x0] =	sbarrier.arrive $0xFFFF  }
0x8b: {  	[hbm:s10], [sflag:s1] =	dma.local [spmem:s24], $0x2700  }
0x8c: {  	_ =	swait.ge [sflag:s15], $0x2700  }
0x8d: {  	s29 =	sadd.s32 $0x1, s29;
	[sflag:s15] =	ssyncset.done $0x0  }
0x8e: {  	p1 =	sne.s32 s29, s12;
	[sflag:s15] =	ssyncadd.s32 $0xFFFFD900  }
0x8f: {  	[hbm:s11], [sflag:s1] =	dma.local @!p0 [spmem:s25], $0x100  }
.Ltmp1:
0x90: {  	_ = 	snop;
	(pc) =	sbr.rel @p1 .LBB2_1-.Ltmp1, $4  }
0x91: {  	s1 =	simm.s32 @!p0 $0x5  }
0x92: {  	_ =	swait.ge @!p0 [sflag:s1], $0x100  }
0x93: {  	[sflag:s1] =	ssyncset.done @!p0 $0x0  }
0x94: {  	[sflag:s1] =	ssyncadd.s32 @!p0 $0xFFFFFF00  }
0x95: {  	_ =	sfence.sel $0x180000  }
0x96: {  	[bflag:$0x0] =	sbarrier.arrive $0xFFFF  }
0x97: {  	_ =	strace $0x9000004A  }
0x98: {  	[bflag:$0x2] =	sbarrier.arrive $0xFFFF  }
0x99: {  	s0 =	rddreg [dreg:$0x4]  }
0x9a: {  	s0 =	sadd.s32 @!p0 $0x100000, s0  }
0x9b: {  	[sflag:s0] =	ssyncadd.tile.s32 @!p0 $0x1;
	_ =	shalt  }
.Lfunc_end2:
_tile_overlayer_lowered:
.L_overlay_start_2:
0x9c: {  	(tag) =	ssettag $0x2  }
0x9d: {  	s0 =	rddreg [dreg:$0x0];
	s2 =	stileid.u32  }
0x9e: {  	s1 =	rddreg [dreg:$0x1];
	p0 =	sne.s32 s2, $0x0  }
0x9f: {  	s3 =	rddreg [dreg:$0x2];
	[bflag:$0x3] =	sbarrier.arrive $0xFFFF;
	s2 =	simm.s32 @!p0 $0x1C05  }
0xa0: {  	[timem:s3], [sflag:s2] =	dma.local @!p0 [hbm:s0], s1  }
0xa1: {  	s0 =	simm.s32 @!p0 $0x5  }
0xa2: {  	_ =	swait.ge @!p0 [sflag:s0], s1  }
0xa3: {  	s1 =	ssub.s32 @!p0 $0x0, s1;
	[sflag:s0] =	ssyncset.done @!p0 $0x0  }
0xa4: {  	[sflag:s0] =	ssyncadd.s32 @!p0 s1  }
0xa5: {  	[bflag:$0x3] =	sbarrier.arrive $0xFFFF  }
0xa6: {  	_ =	shalt  }

// kernel: kernel.34.cloned.1.call-start
scs
__scs_entry_jumppad:
0x0: {  	(pc) =	sbr.rel $0x88, $3  }
0x1: {  	(tag) =	ssettag $0x0;
	lr =	simm.s32 $0x1  }
0x2: {  	[smem:$0x3F8A] =	sst lr;
	_ =	strace $0xD0000000  }
0x3: {  	_ = 	snop  }
0x4: {  	_ = 	snop  }
0x5: {  	_ = 	snop  }
0x6: {  	_ = 	snop  }
0x7: {  	_ = 	snop  }
__scs_overlays_trampoline_lowered:
0x8: {  	[smem:$0x3F99] =	sst s0  }
0x9: {  	[smem:$0x3F9A] =	sst s1  }
0xa: {  	[smem:$0x3F9B] =	sst s2  }
0xb: {  	[smem:$0x3F9C] =	sst s3  }
0xc: {  	[smem:$0x3F9D] =	sst s4  }
0xd: {  	[smem:$0x3F9E] =	sst s5  }
0xe: {  	[smem:$0x3F9F] =	sst s6  }
0xf: {  	[smem:$0x3FA0] =	sst s7  }
0x10: {  	[smem:$0x3FA1] =	sst s8  }
0x11: {  	[smem:$0x3FA2] =	sst s9;
	s0 =	simm.s32 @!p0 $0x0  }
0x12: {  	s1 =	sld [smem:$0x3F88];
	s0 =	simm.s32 @p0 $0x1  }
0x13: {  	[smem:$0x3FA3] =	sst s0;
	s0 =	simm.s32 @!p1 $0x0  }
0x14: {  	s2 =	sld [smem:$0x3F87];
	s0 =	simm.s32 @p1 $0x1  }
0x15: {  	[smem:$0x3FA4] =	sst s0;
	s0 =	simm.s32 @!p2 $0x0  }
0x16: {  	s3 =	sld [smem:$0x3FDB];
	s0 =	simm.s32 @p2 $0x1  }
0x17: {  	s4 =	simm.s32 $0x1BF5;
	[smem:$0x3FA6] =	sst s0  }
0x18: {  	s0 =	sld [smem:$0x3F89];
	_ =	swait.ge [sflag:s4], $0x0  }
0x19: {  	s7 =	sld [smem:$0x3F8A]  }
0x1a: {  	s8 =	sadd.s32 $0xFFFFE003, lr  }
0x1b: {  	s9 =	sadd.s32 $0xFFFFFEF7, lr;
	s5 =	simm.s32 $0xFFFFFFFF;
	p2 =	slt.u32 s8, $0xFFFFF086  }
0x1c: {  	p1 =	slt.u32 s9, $0xF7A;
	s5 =	simm.s32 @!p2 $0x0  }
0x1d: {  	s5 =	simm.s32 @p1 $0x1;
	p0 =	seq.s32 s7, s2  }
0x1e: {  	s7 =	smul.u32 @!p0 $0xF7A, s2;
	p2 =	seq.s32 @!p0 s5, $0x0  }
0x1f: {  	s9 =	smul.u32 $0xF7A, s1;
	s8 =	simm.s32 @!p0 $0x1BF5;
	p2 =	por !p2, p0  }
0x20: {  	[sflag:s8] =	ssyncset.s32 @!p0 $0xFFFFF086;
	s6 =	sadd.s32 @!p0 s3, s7;
	s7 =	simm.s32 @!p0 $0x108  }
0x21: {  	s3 =	sadd.s32 s3, s9;
	s6 =	sadd.s32 @!p0 $0x88, s6;
	s7 =	simm.s32 @p2 $0x1082  }
0x22: {  	[simem:s7], [sflag:s8] =	dma.local @!p0 [hbm:s6], $0xF7A  }
0x23: {  	s9 =	sor.u32 $0xD0000000, s2;
	s6 =	simm.s32 $0x108;
	_ =	swait.ge @!p0 [sflag:s8], $0x0  }
0x24: {  	s3 =	sadd.s32 $0x88, s3;
	s6 =	simm.s32 @!p1 $0x1082;
	[sflag:s4] =	ssyncset.s32 $0xFFFFF086  }
0x25: {  	[simem:s6], [sflag:s4] =	dma.local [hbm:s3], $0xF7A  }
0x26: {  	[smem:$0x3F8A] =	sst s1;
	(tag) =	ssettag s2;
	_ =	strace s9  }
0x27: {  	s1 =	sld [smem:$0x3F9A]  }
0x28: {  	s2 =	sld [smem:$0x3F9B]  }
0x29: {  	s4 =	sld [smem:$0x3F9D]  }
0x2a: {  	p0 =	seq.s32 s5, $0x0;
	s5 =	sld [smem:$0x3F9E]  }
0x2b: {  	s6 =	sld [smem:$0x3F9F]  }
0x2c: {  	s7 =	sld [smem:$0x3FA0]  }
0x2d: {  	s3 =	simm.s32 $0x108;
	s8 =	sld [smem:$0x3FA1]  }
0x2e: {  	s3 =	simm.s32 @!p0 $0x1082;
	s9 =	sld [smem:$0x3FA2]  }
0x2f: {  	lr =	sadd.s32 s0, s3;
	s0 =	sld [smem:$0x3F99]  }
0x30: {  	s3 =	sld [smem:$0x3F9C]  }
0x31: {  	[smem:$0x3FA5] =	sst s10  }
0x32: {  	s10 =	sld [smem:$0x3FA3];
	_ =	sdelay $0x3  }
0x33: {  	p0 =	seq.s32 s10, $0x1;
	s10 =	sld [smem:$0x3FA5];
	_ =	sdelay $0x3  }
0x34: {  	[smem:$0x3FA5] =	sst s10  }
0x35: {  	s10 =	sld [smem:$0x3FA4];
	_ =	sdelay $0x3  }
0x36: {  	p1 =	seq.s32 s10, $0x1;
	s10 =	sld [smem:$0x3FA5];
	_ =	sdelay $0x3  }
0x37: {  	[smem:$0x3FA5] =	sst s10  }
0x38: {  	s10 =	sld [smem:$0x3FA6]  }
0x39: {  	_ = 	snop;
	(pc) =	sbr.ind lr, $3  }
0x3a: {  	_ = 	snop  }
0x3b: {  	_ = 	snop  }
0x3c: {  	p2 =	seq.s32 s10, $0x1;
	s10 =	sld [smem:$0x3FA5]  }
0x3d: {  	_ =	shalt  }
0x3e: {  	_ =	shalt  }
0x3f: {  	_ =	shalt  }
0x40: {  	_ =	shalt  }
0x41: {  	_ =	shalt  }
0x42: {  	_ =	shalt  }
0x43: {  	_ =	shalt  }
0x44: {  	_ =	shalt  }
0x45: {  	_ =	shalt  }
0x46: {  	_ =	shalt  }
0x47: {  	_ =	shalt  }
0x48: {  	_ =	shalt  }
0x49: {  	_ =	shalt  }
0x4a: {  	_ =	shalt  }
0x4b: {  	_ =	shalt  }
0x4c: {  	_ =	shalt  }
0x4d: {  	_ =	shalt  }
0x4e: {  	_ =	shalt  }
0x4f: {  	_ =	shalt  }
0x50: {  	_ =	shalt  }
0x51: {  	_ =	shalt  }
0x52: {  	_ =	shalt  }
0x53: {  	_ =	shalt  }
0x54: {  	_ =	shalt  }
0x55: {  	_ =	shalt  }
0x56: {  	_ =	shalt  }
0x57: {  	_ =	shalt  }
0x58: {  	_ =	shalt  }
0x59: {  	_ =	shalt  }
0x5a: {  	_ =	shalt  }
0x5b: {  	_ =	shalt  }
0x5c: {  	_ =	shalt  }
0x5d: {  	_ =	shalt  }
0x5e: {  	_ =	shalt  }
0x5f: {  	_ =	shalt  }
0x60: {  	_ =	shalt  }
0x61: {  	_ =	shalt  }
0x62: {  	_ =	shalt  }
0x63: {  	_ =	shalt  }
0x64: {  	_ =	shalt  }
0x65: {  	_ =	shalt  }
0x66: {  	_ =	shalt  }
0x67: {  	_ =	shalt  }
0x68: {  	_ =	shalt  }
0x69: {  	_ =	shalt  }
0x6a: {  	_ =	shalt  }
0x6b: {  	_ =	shalt  }
0x6c: {  	_ =	shalt  }
0x6d: {  	_ =	shalt  }
0x6e: {  	_ =	shalt  }
0x6f: {  	_ =	shalt  }
0x70: {  	_ =	shalt  }
0x71: {  	_ =	shalt  }
0x72: {  	_ =	shalt  }
0x73: {  	_ =	shalt  }
0x74: {  	_ =	shalt  }
0x75: {  	_ =	shalt  }
0x76: {  	_ =	shalt  }
0x77: {  	_ =	shalt  }
0x78: {  	_ =	shalt  }
0x79: {  	_ =	shalt  }
0x7a: {  	_ =	shalt  }
0x7b: {  	_ =	shalt  }
0x7c: {  	_ =	shalt  }
0x7d: {  	_ =	shalt  }
0x7e: {  	_ =	shalt  }
0x7f: {  	_ =	shalt  }
0x80: {  	_ =	shalt  }
0x81: {  	_ =	shalt  }
0x82: {  	_ =	shalt  }
0x83: {  	_ =	shalt  }
0x84: {  	_ =	shalt  }
0x85: {  	_ =	shalt  }
0x86: {  	_ =	shalt  }
0x87: {  	_ =	shalt  }
.Lfunc_end0:
.L_simem_size_0:
called_computation.5_lowered:
.L_overlay_start_0:
0x88: {  	s2 =	sld [smem:$0x3FD9]  }
0x89: {  	s3 =	sld [smem:$0x3FFE];
	_ =	sdelay $0x1  }
0x8a: {  	s1 =	srdreg.scid  }
0x8b: {  	s0 =	sand.u32 $0x1, s1  }
0x8c: {  	s15 =	sshll.u32 s0, $0xA;
	s2 =	sadd.s32 s3, s2  }
0x8d: {  	s2 =	sadd.s32 s2, s15  }
0x8e: {  	[smem:$0x3FB1] =	sst s2  }
0x8f: {  	_ = 	snop  }
0x90: {  	s2 =	sld [smem:$0x3FD0];
	_ =	sdelay $0x2  }
0x91: {  	s4 =	simm.s32 $0xB;
	s16 =	simm.s32 $0x10  }
0x92: {  	[smem:s16], [sflag:s4] =	dma.local [hbm:s2], $0x1  }
0x93: {  	_ =	swait.eq [sflag:s4], $0x1  }
0x94: {  	[sflag:s4] =	ssyncset.done $0x0  }
0x95: {  	s17 =	sld [smem:$0x11];
	[sflag:s4] =	ssyncadd.s32 $0xFFFFFFFF  }
0x96: {  	s18 =	sld [smem:$0x12];
	(tm) =	ssettm $0x1  }
0x97: {  	s19 =	sld [smem:$0x3FFB];
	_ =	sdelay $0x3  }
0x98: {  	_ =	strace s19  }
0x99: {  	s2 =	sld [smem:$0x3FFC];
	_ =	sdelay $0x3  }
0x9a: {  	_ =	strace s2  }
0x9b: {  	s2 =	sld [smem:$0x3FFD];
	_ =	sdelay $0x3  }
0x9c: {  	_ =	strace s2  }
0x9d: {  	_ =	strace $0x8FFFFFFF  }
0x9e: {  	s20 =	sld [smem:$0x3FDB];
	_ =	sdelay $0x1  }
0x9f: {  	s5 =	simm.s32 $_scs_section_size  }
0xa0: {  	s6 =	simm.s32 $_size__tile_overlayer_lowered;
	s7 =	simm.s32 $_tile_overlayer_lowered  }
0xa1: {  	s8 =	simm.s32 $0x1BFF;
	s21 =	sshll.u32 s7, $0x1;
	s5 =	sadd.s32 s5, s20  }
0xa2: {  	s22 =	simm.s32 $0x0;
	s6 =	sshll.u32 s6, $0x1;
	s7 =	sadd.s32 s21, s5  }
0xa3: {  	[timem:s22], [sflag:s8] =	dma.local [hbm:s7], s6  }
0xa4: {  	_ =	swait.ge [sflag:s8], s6  }
0xa5: {  	s6 =	ssub.s32 $0x0, s6;
	[sflag:s8] =	ssyncset.done $0x0  }
0xa6: {  	[sflag:s8] =	ssyncadd.s32 s6;
	_ =	sdelay $0x1  }
0xa7: {  	s23 =	simm.s32 $0x1B8B  }
0xa8: {  	_ =	swait.ge [sflag:s23], $0x1  }
0xa9: {  	[sflag:s23] =	ssyncset.done $0x0  }
0xaa: {  	[sflag:s23] =	ssyncadd.s32 $0xFFFFFFFF  }
0xab: {  	s6 =	sld [smem:$0x0]  }
0xac: {  	s7 =	sand.u32 $0xFFFFFFFE, s1  }
0xad: {  	p0 =	sne.s32 s1, s7  }
0xae: {  	s7 =	sshll.u32 @p0 s7, $0xE  }
0xaf: {  	s7 =	sadd.s32 @p0 $0x11B8D, s7;
	s8 =	sshll.u32 @p0 s6, $0x11  }
0xb0: {  	s7 =	sor.u32 @p0 s8, s7  }
0xb1: {  	[sflag:s7] =	ssyncadd.remote.s32 @p0 $0x1;
	_ =	sdelay $0x1  }
0xb2: {  	s7 =	simm.s32 @p0 $0x1B8D  }
0xb3: {  	_ =	swait.eq @p0 [sflag:s7], $0x1  }
0xb4: {  	[sflag:s7] =	ssyncadd.s32 @p0 $0xFFFFFFFF  }
0xb5: {  	s8 =	sshll.u32 @!p0 s1, $0xE  }
0xb6: {  	s8 =	sor.u32 @!p0 $0x4000, s8;
	s7 =	simm.s32 @!p0 $0x1B8D  }
0xb7: {  	s6 =	sshll.u32 @!p0 s6, $0x11;
	s8 =	sadd.s32 @!p0 $0x11B8D, s8;
	_ =	swait.eq @!p0 [sflag:s7], $0x1  }
0xb8: {  	s6 =	sor.u32 @!p0 s6, s8;
	[sflag:s7] =	ssyncadd.s32 @!p0 $0xFFFFFFFF  }
0xb9: {  	s25 =	simm.s32 $0x1B8E;
	s24 =	sld [smem:$0x3FFE];
	[sflag:s6] =	ssyncadd.remote.s32 @!p0 $0x1  }
0xba: {  	s26 =	simm.s32 $execute0_lowered;
	[smem:$0x3FD2] =	sst s25  }
0xbb: {  	s7 =	sshll.u32 s26, $0x1;
	_ =	strace $0x8000004F;
	[dreg:$0x1] =	wrdreg $0xFFFFFFFF  }
0xbc: {  	s28 =	simm.s32 $_size_execute0_lowered;
	s5 =	sadd.s32 s5, s7;
	[dreg:$0x0] =	wrdreg $0x0  }
0xbd: {  	s7 =	sshll.u32 s28, $0x1;
	[dreg:$0x2] =	wrdreg s5  }
0xbe: {  	[dreg:$0x3] =	wrdreg s7  }
0xbf: {  	[dreg:$0x4] =	wrdreg $0xC0  }
0xc0: {  	_ =	task [dreg:s22], $0x5FFFF  }
0xc1: {  	[dreg:$0x1] =	wrdreg $0xFFFFFFFF  }
0xc2: {  	[dreg:$0x0] =	wrdreg $0x60  }
0xc3: {  	[dreg:$0x2] =	wrdreg s17  }
0xc4: {  	[dreg:$0x3] =	wrdreg s24  }
0xc5: {  	[dreg:$0x4] =	wrdreg s18  }
0xc6: {  	[dreg:$0x5] =	wrdreg $0x9D000  }
0xc7: {  	[dreg:$0x6] =	wrdreg $0xA  }
0xc8: {  	_ =	task.clear_ibuf [dreg:s22], $0x7FFFF;
	_ =	strace $0x9000004F  }
0xc9: {  	s29 =	simm.s32 $0xA;
	_ =	strace $0x80000051  }
0xca: {  	_ =	swait.ge [sflag:s29], $0x1  }
0xcb: {  	[sflag:s29] =	ssyncadd.s32 $0xFFFFFFFF  }
0xcc: {  	_ =	strace $0x90000051  }
0xcd: {  	_ =	sfence  }
0xce: {  	s30 =	sld [smem:$0x0];
	_ =	sdelay $0x2  }
0xcf: {  	s31 =	sshll.u32 s1, $0xD;
	s1 =	sshrl.u32 s1, $0x2  }
0xd0: {  	s4 =	sand.u32 $0x4000, s31;
	s1 =	sadd.s32 s1, s30  }
0xd1: {  	s0 =	sor.u32 s4, s0;
	s1 =	sshll.u32 s1, $0x11  }
0xd2: {  	s0 =	sor.u32 s1, s0  }
0xd3: {  	s0 =	sadd.s32 $0x8F2B, s0  }
0xd4: {  	[sflag:s0] =	ssyncadd.remote.s32 $0x1  }
0xd5: {  	_ =	sfence.sel $0xFFFF  }
0xd6: {  	[dreg:$0x0] =	wrdreg $0xFFFFFFFF;
	(pc) =	sbr.abs _section_cstart, $3  }
0xd7: {  	[dreg:$0x1] =	wrdreg $0xFFFFFFFF  }
0xd8: {  	_ =	task.clear_ibuf [dreg:s22], $0x2FFFF;
	_ =	strace $0x9FFFFFFF  }
0xd9: {  	(tm) =	ssettm $0x7FFFFFFF  }
tec
execute0_lowered:
.L_overlay_start_1:
0x0: {  	(tag) =	ssettag $0x1  }
0x1: {  	s0 =	rddreg [dreg:$0x0]  }
0x2: {  	s1 =	rddreg [dreg:$0x1];
	s2 =	srdreg.scid  }
0x3: {  	s14 =	stileid.u32;
	s4 =	rddreg [dreg:$0x3];
	s5 =	simm.s32 $0x0  }
0x4: {  	s15 =	simm.s32 $0x5;
	s16 =	simm.s32 $0x64;
	s17 =	simm.s32 $0x3500  }
0x5: {  	s18 =	simm.s32 $0x3400;
	s19 =	simm.s32 $0x6900;
	s20 =	simm.s32 $0x3480  }
0x6: {  	s21 =	simm.s32 $0x1;
	s22 =	simm.s32 $0x3;
	s23 =	simm.s32 $0x2  }
0x7: {  	s29 =	simm.s32 $0x0;
	s2 =	sand.u32 $0x1, s2;
	s3 =	sshll.u32 s14, $0x1  }
0x8: {  	[smem:$0x7FF] =	sst s5;
	s11 =	smul.u32 $0x13800, s14;
	s7 =	sadd.s32 $0xA1200, s1  }
0x9: {  	s26 =	smul.u32 $0x4E000, s14;
	p0 =	sne.s32 s14, $0x0;
	s3 =	sor.u32 s2, s3  }
0xa: {  	_ =	strace $0x80000050;
	s8 =	ssub.s32 $0x2, s2;
	s2 =	smul.u32 $0x138800, s2  }
0xb: {  	s14 =	sshrl.u32 @!p0 s4, $0x3;
	s6 =	smul.u32 $0x3400, s3;
	s10 =	sshrl.u32 s8, $0x1  }
0xc: {  	s30 =	sshrl.u32 s26, $0x2;
	s26 =	simm.s32 $0x4;
	s12 =	ssub.s32 s8, s10  }
0xd: {  	s25 =	sadd.s32 s11, s2;
	s2 =	sshrl.u32 s2, $0x3;
	s3 =	sshrl.u32 s6, $0x3  }
0xe: {  	s31 =	sadd.s32 s30, s4;
	s28 =	sshrl.u32 s25, $0x3;
	s9 =	sadd.s32 s3, s1  }
0xf: {  	s12 =	smax.u32 s12, $0x1;
	s1 =	sadd.s32 $0x4E00, s1;
	s24 =	sadd.s32 $0xAE200, s9  }
0x10: {  	s9 =	sadd.s32 s7, s3;
	s10 =	sadd.s32 s1, s28;
	s1 =	sadd.s32 s1, s2  }
0x11: {  	[dreg:$0x5] =	wrdreg s24;
	s11 =	sadd.s32 $0x27000, s1;
	s1 =	sadd.s32 $0x138000, s4  }
0x12: {  	s13 =	sadd.s32 $0x630, s9;
	s24 =	sshrl.u32 s31, $0x3;
	s25 =	sshrl.u32 @!p0 s1, $0x3  }
.LBB2_1:
0x13: {  	s1 =	simm.s32 @!p0 $0x1C05;
	s2 =	rddreg [dreg:$0x2]  }
0x14: {  	[spmem:s14], [sflag:s1] =	dma.local @!p0 [hbm:s2], $0x27100  }
0x15: {  	s1 =	simm.s32 @!p0 $0x5  }
0x16: {  	_ =	swait.ge @!p0 [sflag:s1], $0x27100  }
0x17: {  	[sflag:s1] =	ssyncset.done @!p0 $0x0  }
0x18: {  	s2 =	rddreg [dreg:$0x5];
	[sflag:s1] =	ssyncadd.s32 @!p0 $0xFFFD8F00  }
0x19: {  	[tilespmem:s5], [sflag:$0x5] =	stream.linear.gather [hbm4b:s2+s5], $0x3200, $0x38;
	[tilespmem:$0x1D580] =	vst v63  }
0x1a: {  	_ =	swait.ge [sflag:s15], $0x3200  }
0x1b: {  	s3 =	simm.s32 $0x0;
	[sflag:s15] =	ssyncset.done $0x0  }
0x1c: {  	s8 =	simm.s32 $0x80;
	s1 =	sand.u32 $0x3C00, s3;
	[sflag:s15] =	ssyncadd.s32 $0xFFFFCE00  }
0x1d: {  	s1 =	sadd.s32 s6, s1;
	s2 =	sand.u32 $0x380, s8;
	[bflag:$0x0] =	sbarrier.arrive $0xFFFF  }
0x1e: {  	[tilespmem:s17], [sflag:$0x1] =	stream.indirect.gather [hbm4b:s0+s16], $0x80, s5, s16, $0xb8;
	[tilespmem:$0x1D580] =	vst v63  }
0x1f: {  	s1 =	sor.u32 s1, s2  }
0x20: {  	[tilespmem:s18], [sflag:$0x3] =	stream.linear.gather [hbm4b:s9+s5], $0x80, $0x38;
	[tilespmem:$0x1D580] =	vst v63  }
0x21: {  	s3 =	simm.s32 $0x80;
	s1 =	sshrl.u32 s1, $0x3  }
0x22: {  	[tilespmem:s19], [sflag:$0x2] =	stream.indirect.gather [hbm4b:s0+s16], $0x80, s3, s16, $0xb8;
	[tilespmem:$0x1D580] =	vst v63  }
0x23: {  	s1 =	sadd.s32 s7, s1  }
0x24: {  	[tilespmem:s20], [sflag:$0x4] =	stream.linear.gather [hbm4b:s1+s5], $0x80, $0x38;
	[tilespmem:$0x1D580] =	vst v63  }
0x25: {  	_ =	swait.ge [sflag:s21], $0x3200  }
0x26: {  	[sflag:s21] =	ssyncset.done $0x0  }
0x27: {  	[sflag:s21] =	ssyncadd.s32 $0xFFFFCE00  }
0x28: {  	_ =	swait.ge [sflag:s22], $0x80  }
0x29: {  	s8 =	simm.s32 $0x100;
	[sflag:s22] =	ssyncset.done $0x0  }
0x2a: {  	s3 =	sand.u32 $0x7C00, s8;
	[sflag:s22] =	ssyncadd.s32 $0xFFFFFF80  }
0x2b: {  	[spmem:s4] =	stream.indirect.scatter.add.f32 [tilespmem:s17], [sflag:$0x5], $0x80, s18, s16, $0xb8;
	[tilespmem:$0x1D580] =	vst v63  }
0x2c: {  	s2 =	sadd.s32 s6, s3;
	s1 =	sand.u32 $0x300, s8;
	_ =	swait.ge [sflag:s15], $0x3200  }
0x2d: {  	s1 =	sor.u32 s1, s2;
	[sflag:s15] =	ssyncset.done $0x0  }
0x2e: {  	s3 =	simm.s32 $0x100;
	s1 =	sshrl.u32 s1, $0x3;
	[sflag:s15] =	ssyncadd.s32 $0xFFFFCE00  }
0x2f: {  	[tilespmem:s17], [sflag:$0x1] =	stream.indirect.gather [hbm4b:s0+s16], $0x80, s3, s16, $0xb8;
	[tilespmem:$0x1D580] =	vst v63  }
0x30: {  	s1 =	sadd.s32 s7, s1  }
0x31: {  	[tilespmem:s18], [sflag:$0x3] =	stream.linear.gather [hbm4b:s1+s5], $0x80, $0x38;
	[tilespmem:$0x1D580] =	vst v63  }
0x32: {  	_ =	swait.ge [sflag:s23], $0x3200  }
0x33: {  	s31 =	simm.s32 $0x200;
	s30 =	simm.s32 $0x180;
	[sflag:s23] =	ssyncset.done $0x0  }
0x34: {  	s28 =	simm.s32 $0x180;
	s8 =	simm.s32 $0x100;
	[sflag:s23] =	ssyncadd.s32 $0xFFFFCE00  }
0x35: {  	s2 =	simm.s32 $0x300;
	s3 =	sand.u32 $0x3C00, s8;
	_ =	swait.ge [sflag:s26], $0x80  }
.LBB2_2:
0x36: {  	s3 =	sadd.s32 s6, s3  }
0x37: {  	s28 =	sand.u32 $0x380, s28;
	[sflag:s26] =	ssyncset.done $0x0;
	s8 =	smov.u32 s2  }
0x38: {  	s1 =	sadd.s32 $0x100, s2;
	s3 =	sor.u32 s3, s28;
	[sflag:s26] =	ssyncadd.s32 $0xFFFFFF80  }
0x39: {  	[spmem:s4] =	stream.indirect.scatter.add.f32 [tilespmem:s19], [sflag:$0x5], $0x80, s20, s16, $0xb8;
	[tilespmem:$0x1D580] =	vst v63  }
0x3a: {  	p1 =	sne.s32 s2, $0x3100;
	s2 =	sshrl.u32 s3, $0x3;
	_ =	swait.ge [sflag:s15], $0x3200  }
0x3b: {  	[sflag:s15] =	ssyncset.done $0x0  }
0x3c: {  	[sflag:s15] =	ssyncadd.s32 $0xFFFFCE00  }
0x3d: {  	[tilespmem:s19], [sflag:$0x2] =	stream.indirect.gather [hbm4b:s0+s16], $0x80, s30, s16, $0xb8;
	[tilespmem:$0x1D580] =	vst v63  }
0x3e: {  	s2 =	sadd.s32 s7, s2  }
0x3f: {  	[tilespmem:s20], [sflag:$0x4] =	stream.linear.gather [hbm4b:s2+s5], $0x80, $0x38;
	[tilespmem:$0x1D580] =	vst v63  }
0x40: {  	_ =	swait.ge [sflag:s21], $0x3200  }
0x41: {  	[sflag:s21] =	ssyncset.done $0x0  }
0x42: {  	[sflag:s21] =	ssyncadd.s32 $0xFFFFCE00  }
0x43: {  	_ =	swait.ge [sflag:s22], $0x80  }
0x44: {  	[sflag:s22] =	ssyncset.done $0x0  }
0x45: {  	[sflag:s22] =	ssyncadd.s32 $0xFFFFFF80  }
0x46: {  	[spmem:s4] =	stream.indirect.scatter.add.f32 [tilespmem:s17], [sflag:$0x5], $0x80, s18, s16, $0xb8;
	[tilespmem:$0x1D580] =	vst v63  }
0x47: {  	s2 =	sand.u32 $0x7C00, s31;
	_ =	swait.ge [sflag:s15], $0x3200  }
0x48: {  	s3 =	sand.u32 $0x300, s31;
	s2 =	sadd.s32 s6, s2;
	[sflag:s15] =	ssyncset.done $0x0  }
0x49: {  	s28 =	sadd.s32 $0x80, s30;
	s2 =	sor.u32 s3, s2;
	[sflag:s15] =	ssyncadd.s32 $0xFFFFCE00  }
0x4a: {  	[tilespmem:s17], [sflag:$0x1] =	stream.indirect.gather [hbm4b:s0+s16], $0x80, s28, s16, $0xb8;
	[tilespmem:$0x1D580] =	vst v63  }
0x4b: {  	s31 =	smov.u32 s8;
	s2 =	sshrl.u32 s2, $0x3  }
0x4c: {  	s2 =	sadd.s32 s7, s2  }
0x4d: {  	[tilespmem:s18], [sflag:$0x3] =	stream.linear.gather [hbm4b:s2+s5], $0x80, $0x38;
	[tilespmem:$0x1D580] =	vst v63  }
.Ltmp0:
0x4e: {  	_ = 	snop;
	(pc) =	sbr.rel @p1 .LBB2_2-.Ltmp0, $4  }
0x4f: {  	_ =	swait.ge [sflag:s23], $0x3200  }
0x50: {  	s30 =	sadd.s32 $0x100, s30;
	[sflag:s23] =	ssyncset.done $0x0  }
0x51: {  	s28 =	sadd.s32 $0xFFFFFF80, s31;
	s2 =	sadd.s32 $0xFFFFFF00, s31;
	[sflag:s23] =	ssyncadd.s32 $0xFFFFCE00  }
0x52: {  	s3 =	sand.u32 $0x3C00, s2;
	s2 =	smov.u32 s1;
	_ =	swait.ge [sflag:s26], $0x80  }
0x53: {  	[sflag:s26] =	ssyncset.done $0x0  }
0x54: {  	[sflag:s26] =	ssyncadd.s32 $0xFFFFFF80  }
0x55: {  	[spmem:s4] =	stream.indirect.scatter.add.f32 [tilespmem:s19], [sflag:$0x5], $0x80, s20, s16, $0xb8;
	[tilespmem:$0x1D580] =	vst v63  }
0x56: {  	s1 =	sadd.s32 s6, s3;
	s2 =	sand.u32 $0x380, s28;
	_ =	swait.ge [sflag:s15], $0x3200  }
0x57: {  	s1 =	sor.u32 s1, s2;
	[sflag:s15] =	ssyncset.done $0x0  }
0x58: {  	s1 =	sshrl.u32 s1, $0x3;
	[sflag:s15] =	ssyncadd.s32 $0xFFFFCE00  }
0x59: {  	[tilespmem:s19], [sflag:$0x2] =	stream.indirect.gather [hbm4b:s0+s16], $0x80, s30, s16, $0xb8;
	[tilespmem:$0x1D580] =	vst v63  }
0x5a: {  	s1 =	sadd.s32 s7, s1  }
0x5b: {  	[tilespmem:s20], [sflag:$0x4] =	stream.linear.gather [hbm4b:s1+s5], $0x80, $0x38;
	[tilespmem:$0x1D580] =	vst v63  }
0x5c: {  	_ =	swait.ge [sflag:s21], $0x3200  }
0x5d: {  	[sflag:s21] =	ssyncset.done $0x0  }
0x5e: {  	[sflag:s21] =	ssyncadd.s32 $0xFFFFCE00  }
0x5f: {  	_ =	swait.ge [sflag:s22], $0x80  }
0x60: {  	[sflag:s22] =	ssyncset.done $0x0  }
0x61: {  	s3 =	sand.u32 $0x7C00, s31;
	[sflag:s22] =	ssyncadd.s32 $0xFFFFFF80  }
0x62: {  	[spmem:s4] =	stream.indirect.scatter.add.f32 [tilespmem:s17], [sflag:$0x5], $0x80, s18, s16, $0xb8;
	[tilespmem:$0x1D580] =	vst v63  }
0x63: {  	s8 =	sand.u32 $0x300, s31;
	s1 =	sadd.s32 s6, s3;
	_ =	swait.ge [sflag:s15], $0x3200  }
0x64: {  	s1 =	sor.u32 s8, s1;
	[sflag:s15] =	ssyncset.done $0x0  }
0x65: {  	s28 =	sadd.s32 $0x80, s30;
	s1 =	sshrl.u32 s1, $0x3;
	[sflag:s15] =	ssyncadd.s32 $0xFFFFCE00  }
0x66: {  	[tilespmem:s17], [sflag:$0x1] =	stream.indirect.gather [hbm4b:s0+s16], $0x80, s28, s16, $0xb8;
	[tilespmem:$0x1D580] =	vst v63  }
0x67: {  	s1 =	sadd.s32 s7, s1  }
0x68: {  	[tilespmem:s18], [sflag:$0x3] =	stream.linear.gather [hbm4b:s1+s5], $0x80, $0x38;
	[tilespmem:$0x1D580] =	vst v63  }
0x69: {  	_ =	swait.ge [sflag:s23], $0x3200  }
0x6a: {  	[sflag:s23] =	ssyncset.done $0x0  }
0x6b: {  	[sflag:s23] =	ssyncadd.s32 $0xFFFFCE00  }
0x6c: {  	_ =	swait.ge [sflag:s26], $0x80  }
0x6d: {  	[sflag:s26] =	ssyncset.done $0x0  }
0x6e: {  	[sflag:s26] =	ssyncadd.s32 $0xFFFFFF80  }
0x6f: {  	[spmem:s4] =	stream.indirect.scatter.add.f32 [tilespmem:s19], [sflag:$0x5], $0x80, s20, s16, $0xb8;
	[tilespmem:$0x1D580] =	vst v63  }
0x70: {  	_ =	swait.ge [sflag:s15], $0x3200  }
0x71: {  	[sflag:s15] =	ssyncset.done $0x0  }
0x72: {  	s30 =	simm.s32 $0x3180;
	[sflag:s15] =	ssyncadd.s32 $0xFFFFCE00  }
0x73: {  	[tilespmem:s19], [sflag:$0x2] =	stream.indirect.gather [hbm4b:s0+s16], $0x80, s30, s16, $0xb8;
	[tilespmem:$0x1D580] =	vst v63  }
0x74: {  	_ = 	snop  }
0x75: {  	[tilespmem:s20], [sflag:$0x4] =	stream.linear.gather [hbm4b:s13+s5], $0x80, $0x38;
	[tilespmem:$0x1D580] =	vst v63  }
0x76: {  	_ =	swait.ge [sflag:s21], $0x3200  }
0x77: {  	[sflag:s21] =	ssyncset.done $0x0  }
0x78: {  	[sflag:s21] =	ssyncadd.s32 $0xFFFFCE00  }
0x79: {  	_ =	swait.ge [sflag:s22], $0x80  }
0x7a: {  	[sflag:s22] =	ssyncset.done $0x0  }
0x7b: {  	[sflag:s22] =	ssyncadd.s32 $0xFFFFFF80  }
0x7c: {  	[spmem:s4] =	stream.indirect.scatter.add.f32 [tilespmem:s17], [sflag:$0x5], $0x80, s18, s16, $0xb8;
	[tilespmem:$0x1D580] =	vst v63  }
0x7d: {  	_ =	swait.ge [sflag:s15], $0x3200  }
0x7e: {  	[sflag:s15] =	ssyncset.done $0x0  }
0x7f: {  	[sflag:s15] =	ssyncadd.s32 $0xFFFFCE00  }
0x80: {  	_ =	swait.ge [sflag:s23], $0x3200  }
0x81: {  	[sflag:s23] =	ssyncset.done $0x0  }
0x82: {  	[sflag:s23] =	ssyncadd.s32 $0xFFFFCE00  }
0x83: {  	_ =	swait.ge [sflag:s26], $0x80  }
0x84: {  	[sflag:s26] =	ssyncset.done $0x0  }
0x85: {  	[sflag:s26] =	ssyncadd.s32 $0xFFFFFF80  }
0x86: {  	[spmem:s4] =	stream.indirect.scatter.add.f32 [tilespmem:s19], [sflag:$0x5], $0x80, s20, s16, $0xb8;
	[tilespmem:$0x1D580] =	vst v63  }
0x87: {  	_ =	swait.ge [sflag:s15], $0x3200  }
0x88: {  	s31 =	stileid.u32;
	[sflag:s15] =	ssyncset.done $0x0  }
0x89: {  	s1 =	sshll.u32 s31, $0x6;
	[sflag:s15] =	ssyncadd.s32 $0xFFFFCE00  }
0x8a: {  	s1 =	sor.u32 $0x1C05, s1;
	[bflag:$0x0] =	sbarrier.arrive $0xFFFF  }
0x8b: {  	[hbm:s10], [sflag:s1] =	dma.local [spmem:s24], $0x2700  }
0x8c: {  	_ =	swait.ge [sflag:s15], $0x2700  }
0x8d: {  	s29 =	sadd.s32 $0x1, s29;
	[sflag:s15] =	ssyncset.done $0x0  }
0x8e: {  	p1 =	sne.s32 s29, s12;
	[sflag:s15] =	ssyncadd.s32 $0xFFFFD900  }
0x8f: {  	[hbm:s11], [sflag:s1] =	dma.local @!p0 [spmem:s25], $0x100  }
.Ltmp1:
0x90: {  	_ = 	snop;
	(pc) =	sbr.rel @p1 .LBB2_1-.Ltmp1, $4  }
0x91: {  	s1 =	simm.s32 @!p0 $0x5  }
0x92: {  	_ =	swait.ge @!p0 [sflag:s1], $0x100  }
0x93: {  	[sflag:s1] =	ssyncset.done @!p0 $0x0  }
0x94: {  	[sflag:s1] =	ssyncadd.s32 @!p0 $0xFFFFFF00  }
0x95: {  	_ =	sfence.sel $0x180000  }
0x96: {  	[bflag:$0x0] =	sbarrier.arrive $0xFFFF  }
0x97: {  	_ =	strace $0x90000050  }
0x98: {  	[bflag:$0x2] =	sbarrier.arrive $0xFFFF  }
0x99: {  	s0 =	rddreg [dreg:$0x4]  }
0x9a: {  	s0 =	sadd.s32 @!p0 $0x100000, s0  }
0x9b: {  	[sflag:s0] =	ssyncadd.tile.s32 @!p0 $0x1;
	_ =	shalt  }
.Lfunc_end2:
_tile_overlayer_lowered:
.L_overlay_start_2:
0x9c: {  	(tag) =	ssettag $0x2  }
0x9d: {  	s0 =	rddreg [dreg:$0x0];
	s2 =	stileid.u32  }
0x9e: {  	s1 =	rddreg [dreg:$0x1];
	p0 =	sne.s32 s2, $0x0  }
0x9f: {  	s3 =	rddreg [dreg:$0x2];
	[bflag:$0x3] =	sbarrier.arrive $0xFFFF;
	s2 =	simm.s32 @!p0 $0x1C05  }
0xa0: {  	[timem:s3], [sflag:s2] =	dma.local @!p0 [hbm:s0], s1  }
0xa1: {  	s0 =	simm.s32 @!p0 $0x5  }
0xa2: {  	_ =	swait.ge @!p0 [sflag:s0], s1  }
0xa3: {  	s1 =	ssub.s32 @!p0 $0x0, s1;
	[sflag:s0] =	ssyncset.done @!p0 $0x0  }
0xa4: {  	[sflag:s0] =	ssyncadd.s32 @!p0 s1  }
0xa5: {  	[bflag:$0x3] =	sbarrier.arrive $0xFFFF  }
0xa6: {  	_ =	shalt  }

// kernel: kernel.37.cloned.1.call-start
scs
__scs_entry_jumppad:
0x0: {  	(pc) =	sbr.rel $0x88, $3  }
0x1: {  	(tag) =	ssettag $0x0;
	lr =	simm.s32 $0x1  }
0x2: {  	[smem:$0x3F8A] =	sst lr;
	_ =	strace $0xD0000000  }
0x3: {  	_ = 	snop  }
0x4: {  	_ = 	snop  }
0x5: {  	_ = 	snop  }
0x6: {  	_ = 	snop  }
0x7: {  	_ = 	snop  }
__scs_overlays_trampoline_lowered:
0x8: {  	[smem:$0x3F99] =	sst s0  }
0x9: {  	[smem:$0x3F9A] =	sst s1  }
0xa: {  	[smem:$0x3F9B] =	sst s2  }
0xb: {  	[smem:$0x3F9C] =	sst s3  }
0xc: {  	[smem:$0x3F9D] =	sst s4  }
0xd: {  	[smem:$0x3F9E] =	sst s5  }
0xe: {  	[smem:$0x3F9F] =	sst s6  }
0xf: {  	[smem:$0x3FA0] =	sst s7  }
0x10: {  	[smem:$0x3FA1] =	sst s8  }
0x11: {  	[smem:$0x3FA2] =	sst s9;
	s0 =	simm.s32 @!p0 $0x0  }
0x12: {  	s1 =	sld [smem:$0x3F88];
	s0 =	simm.s32 @p0 $0x1  }
0x13: {  	[smem:$0x3FA3] =	sst s0;
	s0 =	simm.s32 @!p1 $0x0  }
0x14: {  	s2 =	sld [smem:$0x3F87];
	s0 =	simm.s32 @p1 $0x1  }
0x15: {  	[smem:$0x3FA4] =	sst s0;
	s0 =	simm.s32 @!p2 $0x0  }
0x16: {  	s3 =	sld [smem:$0x3FDB];
	s0 =	simm.s32 @p2 $0x1  }
0x17: {  	s4 =	simm.s32 $0x1BF5;
	[smem:$0x3FA6] =	sst s0  }
0x18: {  	s0 =	sld [smem:$0x3F89];
	_ =	swait.ge [sflag:s4], $0x0  }
0x19: {  	s7 =	sld [smem:$0x3F8A]  }
0x1a: {  	s8 =	sadd.s32 $0xFFFFE003, lr  }
0x1b: {  	s9 =	sadd.s32 $0xFFFFFEF7, lr;
	s5 =	simm.s32 $0xFFFFFFFF;
	p2 =	slt.u32 s8, $0xFFFFF086  }
0x1c: {  	p1 =	slt.u32 s9, $0xF7A;
	s5 =	simm.s32 @!p2 $0x0  }
0x1d: {  	s5 =	simm.s32 @p1 $0x1;
	p0 =	seq.s32 s7, s2  }
0x1e: {  	s7 =	smul.u32 @!p0 $0xF7A, s2;
	p2 =	seq.s32 @!p0 s5, $0x0  }
0x1f: {  	s9 =	smul.u32 $0xF7A, s1;
	s8 =	simm.s32 @!p0 $0x1BF5;
	p2 =	por !p2, p0  }
0x20: {  	[sflag:s8] =	ssyncset.s32 @!p0 $0xFFFFF086;
	s6 =	sadd.s32 @!p0 s3, s7;
	s7 =	simm.s32 @!p0 $0x108  }
0x21: {  	s3 =	sadd.s32 s3, s9;
	s6 =	sadd.s32 @!p0 $0x88, s6;
	s7 =	simm.s32 @p2 $0x1082  }
0x22: {  	[simem:s7], [sflag:s8] =	dma.local @!p0 [hbm:s6], $0xF7A  }
0x23: {  	s9 =	sor.u32 $0xD0000000, s2;
	s6 =	simm.s32 $0x108;
	_ =	swait.ge @!p0 [sflag:s8], $0x0  }
0x24: {  	s3 =	sadd.s32 $0x88, s3;
	s6 =	simm.s32 @!p1 $0x1082;
	[sflag:s4] =	ssyncset.s32 $0xFFFFF086  }
0x25: {  	[simem:s6], [sflag:s4] =	dma.local [hbm:s3], $0xF7A  }
0x26: {  	[smem:$0x3F8A] =	sst s1;
	(tag) =	ssettag s2;
	_ =	strace s9  }
0x27: {  	s1 =	sld [smem:$0x3F9A]  }
0x28: {  	s2 =	sld [smem:$0x3F9B]  }
0x29: {  	s4 =	sld [smem:$0x3F9D]  }
0x2a: {  	p0 =	seq.s32 s5, $0x0;
	s5 =	sld [smem:$0x3F9E]  }
0x2b: {  	s6 =	sld [smem:$0x3F9F]  }
0x2c: {  	s7 =	sld [smem:$0x3FA0]  }
0x2d: {  	s3 =	simm.s32 $0x108;
	s8 =	sld [smem:$0x3FA1]  }
0x2e: {  	s3 =	simm.s32 @!p0 $0x1082;
	s9 =	sld [smem:$0x3FA2]  }
0x2f: {  	lr =	sadd.s32 s0, s3;
	s0 =	sld [smem:$0x3F99]  }
0x30: {  	s3 =	sld [smem:$0x3F9C]  }
0x31: {  	[smem:$0x3FA5] =	sst s10  }
0x32: {  	s10 =	sld [smem:$0x3FA3];
	_ =	sdelay $0x3  }
0x33: {  	p0 =	seq.s32 s10, $0x1;
	s10 =	sld [smem:$0x3FA5];
	_ =	sdelay $0x3  }
0x34: {  	[smem:$0x3FA5] =	sst s10  }
0x35: {  	s10 =	sld [smem:$0x3FA4];
	_ =	sdelay $0x3  }
0x36: {  	p1 =	seq.s32 s10, $0x1;
	s10 =	sld [smem:$0x3FA5];
	_ =	sdelay $0x3  }
0x37: {  	[smem:$0x3FA5] =	sst s10  }
0x38: {  	s10 =	sld [smem:$0x3FA6]  }
0x39: {  	_ = 	snop;
	(pc) =	sbr.ind lr, $3  }
0x3a: {  	_ = 	snop  }
0x3b: {  	_ = 	snop  }
0x3c: {  	p2 =	seq.s32 s10, $0x1;
	s10 =	sld [smem:$0x3FA5]  }
0x3d: {  	_ =	shalt  }
0x3e: {  	_ =	shalt  }
0x3f: {  	_ =	shalt  }
0x40: {  	_ =	shalt  }
0x41: {  	_ =	shalt  }
0x42: {  	_ =	shalt  }
0x43: {  	_ =	shalt  }
0x44: {  	_ =	shalt  }
0x45: {  	_ =	shalt  }
0x46: {  	_ =	shalt  }
0x47: {  	_ =	shalt  }
0x48: {  	_ =	shalt  }
0x49: {  	_ =	shalt  }
0x4a: {  	_ =	shalt  }
0x4b: {  	_ =	shalt  }
0x4c: {  	_ =	shalt  }
0x4d: {  	_ =	shalt  }
0x4e: {  	_ =	shalt  }
0x4f: {  	_ =	shalt  }
0x50: {  	_ =	shalt  }
0x51: {  	_ =	shalt  }
0x52: {  	_ =	shalt  }
0x53: {  	_ =	shalt  }
0x54: {  	_ =	shalt  }
0x55: {  	_ =	shalt  }
0x56: {  	_ =	shalt  }
0x57: {  	_ =	shalt  }
0x58: {  	_ =	shalt  }
0x59: {  	_ =	shalt  }
0x5a: {  	_ =	shalt  }
0x5b: {  	_ =	shalt  }
0x5c: {  	_ =	shalt  }
0x5d: {  	_ =	shalt  }
0x5e: {  	_ =	shalt  }
0x5f: {  	_ =	shalt  }
0x60: {  	_ =	shalt  }
0x61: {  	_ =	shalt  }
0x62: {  	_ =	shalt  }
0x63: {  	_ =	shalt  }
0x64: {  	_ =	shalt  }
0x65: {  	_ =	shalt  }
0x66: {  	_ =	shalt  }
0x67: {  	_ =	shalt  }
0x68: {  	_ =	shalt  }
0x69: {  	_ =	shalt  }
0x6a: {  	_ =	shalt  }
0x6b: {  	_ =	shalt  }
0x6c: {  	_ =	shalt  }
0x6d: {  	_ =	shalt  }
0x6e: {  	_ =	shalt  }
0x6f: {  	_ =	shalt  }
0x70: {  	_ =	shalt  }
0x71: {  	_ =	shalt  }
0x72: {  	_ =	shalt  }
0x73: {  	_ =	shalt  }
0x74: {  	_ =	shalt  }
0x75: {  	_ =	shalt  }
0x76: {  	_ =	shalt  }
0x77: {  	_ =	shalt  }
0x78: {  	_ =	shalt  }
0x79: {  	_ =	shalt  }
0x7a: {  	_ =	shalt  }
0x7b: {  	_ =	shalt  }
0x7c: {  	_ =	shalt  }
0x7d: {  	_ =	shalt  }
0x7e: {  	_ =	shalt  }
0x7f: {  	_ =	shalt  }
0x80: {  	_ =	shalt  }
0x81: {  	_ =	shalt  }
0x82: {  	_ =	shalt  }
0x83: {  	_ =	shalt  }
0x84: {  	_ =	shalt  }
0x85: {  	_ =	shalt  }
0x86: {  	_ =	shalt  }
0x87: {  	_ =	shalt  }
.Lfunc_end0:
.L_simem_size_0:
called_computation.6_lowered:
.L_overlay_start_0:
0x88: {  	s2 =	sld [smem:$0x3FD9]  }
0x89: {  	s3 =	sld [smem:$0x3FFE];
	_ =	sdelay $0x1  }
0x8a: {  	s1 =	srdreg.scid  }
0x8b: {  	s0 =	sand.u32 $0x1, s1  }
0x8c: {  	s15 =	sshll.u32 s0, $0xA;
	s2 =	sadd.s32 s3, s2  }
0x8d: {  	s2 =	sadd.s32 s2, s15  }
0x8e: {  	[smem:$0x3FB1] =	sst s2  }
0x8f: {  	_ = 	snop  }
0x90: {  	s2 =	sld [smem:$0x3FD0];
	_ =	sdelay $0x2  }
0x91: {  	s4 =	simm.s32 $0xB;
	s16 =	simm.s32 $0x10  }
0x92: {  	[smem:s16], [sflag:s4] =	dma.local [hbm:s2], $0x1  }
0x93: {  	_ =	swait.eq [sflag:s4], $0x1  }
0x94: {  	[sflag:s4] =	ssyncset.done $0x0  }
0x95: {  	s17 =	sld [smem:$0x11];
	[sflag:s4] =	ssyncadd.s32 $0xFFFFFFFF  }
0x96: {  	s18 =	sld [smem:$0x12];
	(tm) =	ssettm $0x1  }
0x97: {  	s19 =	sld [smem:$0x3FFB];
	_ =	sdelay $0x3  }
0x98: {  	_ =	strace s19  }
0x99: {  	s2 =	sld [smem:$0x3FFC];
	_ =	sdelay $0x3  }
0x9a: {  	_ =	strace s2  }
0x9b: {  	s2 =	sld [smem:$0x3FFD];
	_ =	sdelay $0x3  }
0x9c: {  	_ =	strace s2  }
0x9d: {  	_ =	strace $0x8FFFFFFF  }
0x9e: {  	s20 =	sld [smem:$0x3FDB];
	_ =	sdelay $0x1  }
0x9f: {  	s5 =	simm.s32 $_scs_section_size  }
0xa0: {  	s6 =	simm.s32 $_size__tile_overlayer_lowered;
	s7 =	simm.s32 $_tile_overlayer_lowered  }
0xa1: {  	s8 =	simm.s32 $0x1BFF;
	s21 =	sshll.u32 s7, $0x1;
	s5 =	sadd.s32 s5, s20  }
0xa2: {  	s22 =	simm.s32 $0x0;
	s6 =	sshll.u32 s6, $0x1;
	s7 =	sadd.s32 s21, s5  }
0xa3: {  	[timem:s22], [sflag:s8] =	dma.local [hbm:s7], s6  }
0xa4: {  	_ =	swait.ge [sflag:s8], s6  }
0xa5: {  	s6 =	ssub.s32 $0x0, s6;
	[sflag:s8] =	ssyncset.done $0x0  }
0xa6: {  	[sflag:s8] =	ssyncadd.s32 s6;
	_ =	sdelay $0x1  }
0xa7: {  	s23 =	simm.s32 $0x1B8B  }
0xa8: {  	_ =	swait.ge [sflag:s23], $0x1  }
0xa9: {  	[sflag:s23] =	ssyncset.done $0x0  }
0xaa: {  	[sflag:s23] =	ssyncadd.s32 $0xFFFFFFFF  }
0xab: {  	s6 =	sld [smem:$0x0]  }
0xac: {  	s7 =	sand.u32 $0xFFFFFFFE, s1  }
0xad: {  	p0 =	sne.s32 s1, s7  }
0xae: {  	s7 =	sshll.u32 @p0 s7, $0xE  }
0xaf: {  	s7 =	sadd.s32 @p0 $0x11B8D, s7;
	s8 =	sshll.u32 @p0 s6, $0x11  }
0xb0: {  	s7 =	sor.u32 @p0 s8, s7  }
0xb1: {  	[sflag:s7] =	ssyncadd.remote.s32 @p0 $0x1;
	_ =	sdelay $0x1  }
0xb2: {  	s7 =	simm.s32 @p0 $0x1B8D  }
0xb3: {  	_ =	swait.eq @p0 [sflag:s7], $0x1  }
0xb4: {  	[sflag:s7] =	ssyncadd.s32 @p0 $0xFFFFFFFF  }
0xb5: {  	s8 =	sshll.u32 @!p0 s1, $0xE  }
0xb6: {  	s8 =	sor.u32 @!p0 $0x4000, s8;
	s7 =	simm.s32 @!p0 $0x1B8D  }
0xb7: {  	s6 =	sshll.u32 @!p0 s6, $0x11;
	s8 =	sadd.s32 @!p0 $0x11B8D, s8;
	_ =	swait.eq @!p0 [sflag:s7], $0x1  }
0xb8: {  	s6 =	sor.u32 @!p0 s6, s8;
	[sflag:s7] =	ssyncadd.s32 @!p0 $0xFFFFFFFF  }
0xb9: {  	s25 =	simm.s32 $0x1B8E;
	s24 =	sld [smem:$0x3FFE];
	[sflag:s6] =	ssyncadd.remote.s32 @!p0 $0x1  }
0xba: {  	s26 =	simm.s32 $execute0_lowered;
	[smem:$0x3FD2] =	sst s25  }
0xbb: {  	s7 =	sshll.u32 s26, $0x1;
	_ =	strace $0x80000055;
	[dreg:$0x1] =	wrdreg $0xFFFFFFFF  }
0xbc: {  	s28 =	simm.s32 $_size_execute0_lowered;
	s5 =	sadd.s32 s5, s7;
	[dreg:$0x0] =	wrdreg $0x0  }
0xbd: {  	s7 =	sshll.u32 s28, $0x1;
	[dreg:$0x2] =	wrdreg s5  }
0xbe: {  	[dreg:$0x3] =	wrdreg s7  }
0xbf: {  	[dreg:$0x4] =	wrdreg $0xC0  }
0xc0: {  	_ =	task [dreg:s22], $0x5FFFF  }
0xc1: {  	[dreg:$0x1] =	wrdreg $0xFFFFFFFF  }
0xc2: {  	[dreg:$0x0] =	wrdreg $0x60  }
0xc3: {  	[dreg:$0x2] =	wrdreg s17  }
0xc4: {  	[dreg:$0x3] =	wrdreg s24  }
0xc5: {  	[dreg:$0x4] =	wrdreg s18  }
0xc6: {  	[dreg:$0x5] =	wrdreg $0x9D000  }
0xc7: {  	[dreg:$0x6] =	wrdreg $0xA  }
0xc8: {  	_ =	task.clear_ibuf [dreg:s22], $0x7FFFF;
	_ =	strace $0x90000055  }
0xc9: {  	s29 =	simm.s32 $0xA;
	_ =	strace $0x80000057  }
0xca: {  	_ =	swait.ge [sflag:s29], $0x1  }
0xcb: {  	[sflag:s29] =	ssyncadd.s32 $0xFFFFFFFF  }
0xcc: {  	_ =	strace $0x90000057  }
0xcd: {  	_ =	sfence  }
0xce: {  	s30 =	sld [smem:$0x0];
	_ =	sdelay $0x2  }
0xcf: {  	s31 =	sshll.u32 s1, $0xD;
	s1 =	sshrl.u32 s1, $0x2  }
0xd0: {  	s4 =	sand.u32 $0x4000, s31;
	s1 =	sadd.s32 s1, s30  }
0xd1: {  	s0 =	sor.u32 s4, s0;
	s1 =	sshll.u32 s1, $0x11  }
0xd2: {  	s0 =	sor.u32 s1, s0  }
0xd3: {  	s0 =	sadd.s32 $0x8F2B, s0  }
0xd4: {  	[sflag:s0] =	ssyncadd.remote.s32 $0x1  }
0xd5: {  	_ =	sfence.sel $0xFFFF  }
0xd6: {  	[dreg:$0x0] =	wrdreg $0xFFFFFFFF;
	(pc) =	sbr.abs _section_cstart, $3  }
0xd7: {  	[dreg:$0x1] =	wrdreg $0xFFFFFFFF  }
0xd8: {  	_ =	task.clear_ibuf [dreg:s22], $0x2FFFF;
	_ =	strace $0x9FFFFFFF  }
0xd9: {  	(tm) =	ssettm $0x7FFFFFFF  }
tec
execute0_lowered:
.L_overlay_start_1:
0x0: {  	(tag) =	ssettag $0x1  }
0x1: {  	s0 =	rddreg [dreg:$0x0]  }
0x2: {  	s1 =	rddreg [dreg:$0x1];
	s2 =	srdreg.scid  }
0x3: {  	s14 =	stileid.u32;
	s4 =	rddreg [dreg:$0x3];
	s5 =	simm.s32 $0x0  }
0x4: {  	s15 =	simm.s32 $0x5;
	s16 =	simm.s32 $0x64;
	s17 =	simm.s32 $0x3500  }
0x5: {  	s18 =	simm.s32 $0x3400;
	s19 =	simm.s32 $0x6900;
	s20 =	simm.s32 $0x3480  }
0x6: {  	s21 =	simm.s32 $0x1;
	s22 =	simm.s32 $0x3;
	s23 =	simm.s32 $0x2  }
0x7: {  	s29 =	simm.s32 $0x0;
	s2 =	sand.u32 $0x1, s2;
	s3 =	sshll.u32 s14, $0x1  }
0x8: {  	[smem:$0x7FF] =	sst s5;
	s11 =	smul.u32 $0x13800, s14;
	s7 =	sadd.s32 $0xA1200, s1  }
0x9: {  	s26 =	smul.u32 $0x4E000, s14;
	p0 =	sne.s32 s14, $0x0;
	s3 =	sor.u32 s2, s3  }
0xa: {  	_ =	strace $0x80000056;
	s8 =	ssub.s32 $0x2, s2;
	s2 =	smul.u32 $0x138800, s2  }
0xb: {  	s14 =	sshrl.u32 @!p0 s4, $0x3;
	s6 =	smul.u32 $0x3400, s3;
	s10 =	sshrl.u32 s8, $0x1  }
0xc: {  	s30 =	sshrl.u32 s26, $0x2;
	s26 =	simm.s32 $0x4;
	s12 =	ssub.s32 s8, s10  }
0xd: {  	s25 =	sadd.s32 s11, s2;
	s2 =	sshrl.u32 s2, $0x3;
	s3 =	sshrl.u32 s6, $0x3  }
0xe: {  	s31 =	sadd.s32 s30, s4;
	s28 =	sshrl.u32 s25, $0x3;
	s9 =	sadd.s32 s3, s1  }
0xf: {  	s12 =	smax.u32 s12, $0x1;
	s1 =	sadd.s32 $0x4E00, s1;
	s24 =	sadd.s32 $0xAE200, s9  }
0x10: {  	s9 =	sadd.s32 s7, s3;
	s10 =	sadd.s32 s1, s28;
	s1 =	sadd.s32 s1, s2  }
0x11: {  	[dreg:$0x5] =	wrdreg s24;
	s11 =	sadd.s32 $0x27000, s1;
	s1 =	sadd.s32 $0x138000, s4  }
0x12: {  	s13 =	sadd.s32 $0x630, s9;
	s24 =	sshrl.u32 s31, $0x3;
	s25 =	sshrl.u32 @!p0 s1, $0x3  }
.LBB2_1:
0x13: {  	s1 =	simm.s32 @!p0 $0x1C05;
	s2 =	rddreg [dreg:$0x2]  }
0x14: {  	[spmem:s14], [sflag:s1] =	dma.local @!p0 [hbm:s2], $0x27100  }
0x15: {  	s1 =	simm.s32 @!p0 $0x5  }
0x16: {  	_ =	swait.ge @!p0 [sflag:s1], $0x27100  }
0x17: {  	[sflag:s1] =	ssyncset.done @!p0 $0x0  }
0x18: {  	s2 =	rddreg [dreg:$0x5];
	[sflag:s1] =	ssyncadd.s32 @!p0 $0xFFFD8F00  }
0x19: {  	[tilespmem:s5], [sflag:$0x5] =	stream.linear.gather [hbm4b:s2+s5], $0x3200, $0x38;
	[tilespmem:$0x1D580] =	vst v63  }
0x1a: {  	_ =	swait.ge [sflag:s15], $0x3200  }
0x1b: {  	s3 =	simm.s32 $0x0;
	[sflag:s15] =	ssyncset.done $0x0  }
0x1c: {  	s8 =	simm.s32 $0x80;
	s1 =	sand.u32 $0x3C00, s3;
	[sflag:s15] =	ssyncadd.s32 $0xFFFFCE00  }
0x1d: {  	s1 =	sadd.s32 s6, s1;
	s2 =	sand.u32 $0x380, s8;
	[bflag:$0x0] =	sbarrier.arrive $0xFFFF  }
0x1e: {  	[tilespmem:s17], [sflag:$0x1] =	stream.indirect.gather [hbm4b:s0+s16], $0x80, s5, s16, $0xb8;
	[tilespmem:$0x1D580] =	vst v63  }
0x1f: {  	s1 =	sor.u32 s1, s2  }
0x20: {  	[tilespmem:s18], [sflag:$0x3] =	stream.linear.gather [hbm4b:s9+s5], $0x80, $0x38;
	[tilespmem:$0x1D580] =	vst v63  }
0x21: {  	s3 =	simm.s32 $0x80;
	s1 =	sshrl.u32 s1, $0x3  }
0x22: {  	[tilespmem:s19], [sflag:$0x2] =	stream.indirect.gather [hbm4b:s0+s16], $0x80, s3, s16, $0xb8;
	[tilespmem:$0x1D580] =	vst v63  }
0x23: {  	s1 =	sadd.s32 s7, s1  }
0x24: {  	[tilespmem:s20], [sflag:$0x4] =	stream.linear.gather [hbm4b:s1+s5], $0x80, $0x38;
	[tilespmem:$0x1D580] =	vst v63  }
0x25: {  	_ =	swait.ge [sflag:s21], $0x3200  }
0x26: {  	[sflag:s21] =	ssyncset.done $0x0  }
0x27: {  	[sflag:s21] =	ssyncadd.s32 $0xFFFFCE00  }
0x28: {  	_ =	swait.ge [sflag:s22], $0x80  }
0x29: {  	s8 =	simm.s32 $0x100;
	[sflag:s22] =	ssyncset.done $0x0  }
0x2a: {  	s3 =	sand.u32 $0x7C00, s8;
	[sflag:s22] =	ssyncadd.s32 $0xFFFFFF80  }
0x2b: {  	[spmem:s4] =	stream.indirect.scatter.add.f32 [tilespmem:s17], [sflag:$0x5], $0x80, s18, s16, $0xb8;
	[tilespmem:$0x1D580] =	vst v63  }
0x2c: {  	s2 =	sadd.s32 s6, s3;
	s1 =	sand.u32 $0x300, s8;
	_ =	swait.ge [sflag:s15], $0x3200  }
0x2d: {  	s1 =	sor.u32 s1, s2;
	[sflag:s15] =	ssyncset.done $0x0  }
0x2e: {  	s3 =	simm.s32 $0x100;
	s1 =	sshrl.u32 s1, $0x3;
	[sflag:s15] =	ssyncadd.s32 $0xFFFFCE00  }
0x2f: {  	[tilespmem:s17], [sflag:$0x1] =	stream.indirect.gather [hbm4b:s0+s16], $0x80, s3, s16, $0xb8;
	[tilespmem:$0x1D580] =	vst v63  }
0x30: {  	s1 =	sadd.s32 s7, s1  }
0x31: {  	[tilespmem:s18], [sflag:$0x3] =	stream.linear.gather [hbm4b:s1+s5], $0x80, $0x38;
	[tilespmem:$0x1D580] =	vst v63  }
0x32: {  	_ =	swait.ge [sflag:s23], $0x3200  }
0x33: {  	s31 =	simm.s32 $0x200;
	s30 =	simm.s32 $0x180;
	[sflag:s23] =	ssyncset.done $0x0  }
0x34: {  	s28 =	simm.s32 $0x180;
	s8 =	simm.s32 $0x100;
	[sflag:s23] =	ssyncadd.s32 $0xFFFFCE00  }
0x35: {  	s2 =	simm.s32 $0x300;
	s3 =	sand.u32 $0x3C00, s8;
	_ =	swait.ge [sflag:s26], $0x80  }
.LBB2_2:
0x36: {  	s3 =	sadd.s32 s6, s3  }
0x37: {  	s28 =	sand.u32 $0x380, s28;
	[sflag:s26] =	ssyncset.done $0x0;
	s8 =	smov.u32 s2  }
0x38: {  	s1 =	sadd.s32 $0x100, s2;
	s3 =	sor.u32 s3, s28;
	[sflag:s26] =	ssyncadd.s32 $0xFFFFFF80  }
0x39: {  	[spmem:s4] =	stream.indirect.scatter.add.f32 [tilespmem:s19], [sflag:$0x5], $0x80, s20, s16, $0xb8;
	[tilespmem:$0x1D580] =	vst v63  }
0x3a: {  	p1 =	sne.s32 s2, $0x3100;
	s2 =	sshrl.u32 s3, $0x3;
	_ =	swait.ge [sflag:s15], $0x3200  }
0x3b: {  	[sflag:s15] =	ssyncset.done $0x0  }
0x3c: {  	[sflag:s15] =	ssyncadd.s32 $0xFFFFCE00  }
0x3d: {  	[tilespmem:s19], [sflag:$0x2] =	stream.indirect.gather [hbm4b:s0+s16], $0x80, s30, s16, $0xb8;
	[tilespmem:$0x1D580] =	vst v63  }
0x3e: {  	s2 =	sadd.s32 s7, s2  }
0x3f: {  	[tilespmem:s20], [sflag:$0x4] =	stream.linear.gather [hbm4b:s2+s5], $0x80, $0x38;
	[tilespmem:$0x1D580] =	vst v63  }
0x40: {  	_ =	swait.ge [sflag:s21], $0x3200  }
0x41: {  	[sflag:s21] =	ssyncset.done $0x0  }
0x42: {  	[sflag:s21] =	ssyncadd.s32 $0xFFFFCE00  }
0x43: {  	_ =	swait.ge [sflag:s22], $0x80  }
0x44: {  	[sflag:s22] =	ssyncset.done $0x0  }
0x45: {  	[sflag:s22] =	ssyncadd.s32 $0xFFFFFF80  }
0x46: {  	[spmem:s4] =	stream.indirect.scatter.add.f32 [tilespmem:s17], [sflag:$0x5], $0x80, s18, s16, $0xb8;
	[tilespmem:$0x1D580] =	vst v63  }
0x47: {  	s2 =	sand.u32 $0x7C00, s31;
	_ =	swait.ge [sflag:s15], $0x3200  }
0x48: {  	s3 =	sand.u32 $0x300, s31;
	s2 =	sadd.s32 s6, s2;
	[sflag:s15] =	ssyncset.done $0x0  }
0x49: {  	s28 =	sadd.s32 $0x80, s30;
	s2 =	sor.u32 s3, s2;
	[sflag:s15] =	ssyncadd.s32 $0xFFFFCE00  }
0x4a: {  	[tilespmem:s17], [sflag:$0x1] =	stream.indirect.gather [hbm4b:s0+s16], $0x80, s28, s16, $0xb8;
	[tilespmem:$0x1D580] =	vst v63  }
0x4b: {  	s31 =	smov.u32 s8;
	s2 =	sshrl.u32 s2, $0x3  }
0x4c: {  	s2 =	sadd.s32 s7, s2  }
0x4d: {  	[tilespmem:s18], [sflag:$0x3] =	stream.linear.gather [hbm4b:s2+s5], $0x80, $0x38;
	[tilespmem:$0x1D580] =	vst v63  }
.Ltmp0:
0x4e: {  	_ = 	snop;
	(pc) =	sbr.rel @p1 .LBB2_2-.Ltmp0, $4  }
0x4f: {  	_ =	swait.ge [sflag:s23], $0x3200  }
0x50: {  	s30 =	sadd.s32 $0x100, s30;
	[sflag:s23] =	ssyncset.done $0x0  }
0x51: {  	s28 =	sadd.s32 $0xFFFFFF80, s31;
	s2 =	sadd.s32 $0xFFFFFF00, s31;
	[sflag:s23] =	ssyncadd.s32 $0xFFFFCE00  }
0x52: {  	s3 =	sand.u32 $0x3C00, s2;
	s2 =	smov.u32 s1;
	_ =	swait.ge [sflag:s26], $0x80  }
0x53: {  	[sflag:s26] =	ssyncset.done $0x0  }
0x54: {  	[sflag:s26] =	ssyncadd.s32 $0xFFFFFF80  }
0x55: {  	[spmem:s4] =	stream.indirect.scatter.add.f32 [tilespmem:s19], [sflag:$0x5], $0x80, s20, s16, $0xb8;
	[tilespmem:$0x1D580] =	vst v63  }
0x56: {  	s1 =	sadd.s32 s6, s3;
	s2 =	sand.u32 $0x380, s28;
	_ =	swait.ge [sflag:s15], $0x3200  }
0x57: {  	s1 =	sor.u32 s1, s2;
	[sflag:s15] =	ssyncset.done $0x0  }
0x58: {  	s1 =	sshrl.u32 s1, $0x3;
	[sflag:s15] =	ssyncadd.s32 $0xFFFFCE00  }
0x59: {  	[tilespmem:s19], [sflag:$0x2] =	stream.indirect.gather [hbm4b:s0+s16], $0x80, s30, s16, $0xb8;
	[tilespmem:$0x1D580] =	vst v63  }
0x5a: {  	s1 =	sadd.s32 s7, s1  }
0x5b: {  	[tilespmem:s20], [sflag:$0x4] =	stream.linear.gather [hbm4b:s1+s5], $0x80, $0x38;
	[tilespmem:$0x1D580] =	vst v63  }
0x5c: {  	_ =	swait.ge [sflag:s21], $0x3200  }
0x5d: {  	[sflag:s21] =	ssyncset.done $0x0  }
0x5e: {  	[sflag:s21] =	ssyncadd.s32 $0xFFFFCE00  }
0x5f: {  	_ =	swait.ge [sflag:s22], $0x80  }
0x60: {  	[sflag:s22] =	ssyncset.done $0x0  }
0x61: {  	s3 =	sand.u32 $0x7C00, s31;
	[sflag:s22] =	ssyncadd.s32 $0xFFFFFF80  }
0x62: {  	[spmem:s4] =	stream.indirect.scatter.add.f32 [tilespmem:s17], [sflag:$0x5], $0x80, s18, s16, $0xb8;
	[tilespmem:$0x1D580] =	vst v63  }
0x63: {  	s8 =	sand.u32 $0x300, s31;
	s1 =	sadd.s32 s6, s3;
	_ =	swait.ge [sflag:s15], $0x3200  }
0x64: {  	s1 =	sor.u32 s8, s1;
	[sflag:s15] =	ssyncset.done $0x0  }
0x65: {  	s28 =	sadd.s32 $0x80, s30;
	s1 =	sshrl.u32 s1, $0x3;
	[sflag:s15] =	ssyncadd.s32 $0xFFFFCE00  }
0x66: {  	[tilespmem:s17], [sflag:$0x1] =	stream.indirect.gather [hbm4b:s0+s16], $0x80, s28, s16, $0xb8;
	[tilespmem:$0x1D580] =	vst v63  }
0x67: {  	s1 =	sadd.s32 s7, s1  }
0x68: {  	[tilespmem:s18], [sflag:$0x3] =	stream.linear.gather [hbm4b:s1+s5], $0x80, $0x38;
	[tilespmem:$0x1D580] =	vst v63  }
0x69: {  	_ =	swait.ge [sflag:s23], $0x3200  }
0x6a: {  	[sflag:s23] =	ssyncset.done $0x0  }
0x6b: {  	[sflag:s23] =	ssyncadd.s32 $0xFFFFCE00  }
0x6c: {  	_ =	swait.ge [sflag:s26], $0x80  }
0x6d: {  	[sflag:s26] =	ssyncset.done $0x0  }
0x6e: {  	[sflag:s26] =	ssyncadd.s32 $0xFFFFFF80  }
0x6f: {  	[spmem:s4] =	stream.indirect.scatter.add.f32 [tilespmem:s19], [sflag:$0x5], $0x80, s20, s16, $0xb8;
	[tilespmem:$0x1D580] =	vst v63  }
0x70: {  	_ =	swait.ge [sflag:s15], $0x3200  }
0x71: {  	[sflag:s15] =	ssyncset.done $0x0  }
0x72: {  	s30 =	simm.s32 $0x3180;
	[sflag:s15] =	ssyncadd.s32 $0xFFFFCE00  }
0x73: {  	[tilespmem:s19], [sflag:$0x2] =	stream.indirect.gather [hbm4b:s0+s16], $0x80, s30, s16, $0xb8;
	[tilespmem:$0x1D580] =	vst v63  }
0x74: {  	_ = 	snop  }
0x75: {  	[tilespmem:s20], [sflag:$0x4] =	stream.linear.gather [hbm4b:s13+s5], $0x80, $0x38;
	[tilespmem:$0x1D580] =	vst v63  }
0x76: {  	_ =	swait.ge [sflag:s21], $0x3200  }
0x77: {  	[sflag:s21] =	ssyncset.done $0x0  }
0x78: {  	[sflag:s21] =	ssyncadd.s32 $0xFFFFCE00  }
0x79: {  	_ =	swait.ge [sflag:s22], $0x80  }
0x7a: {  	[sflag:s22] =	ssyncset.done $0x0  }
0x7b: {  	[sflag:s22] =	ssyncadd.s32 $0xFFFFFF80  }
0x7c: {  	[spmem:s4] =	stream.indirect.scatter.add.f32 [tilespmem:s17], [sflag:$0x5], $0x80, s18, s16, $0xb8;
	[tilespmem:$0x1D580] =	vst v63  }
0x7d: {  	_ =	swait.ge [sflag:s15], $0x3200  }
0x7e: {  	[sflag:s15] =	ssyncset.done $0x0  }
0x7f: {  	[sflag:s15] =	ssyncadd.s32 $0xFFFFCE00  }
0x80: {  	_ =	swait.ge [sflag:s23], $0x3200  }
0x81: {  	[sflag:s23] =	ssyncset.done $0x0  }
0x82: {  	[sflag:s23] =	ssyncadd.s32 $0xFFFFCE00  }
0x83: {  	_ =	swait.ge [sflag:s26], $0x80  }
0x84: {  	[sflag:s26] =	ssyncset.done $0x0  }
0x85: {  	[sflag:s26] =	ssyncadd.s32 $0xFFFFFF80  }
0x86: {  	[spmem:s4] =	stream.indirect.scatter.add.f32 [tilespmem:s19], [sflag:$0x5], $0x80, s20, s16, $0xb8;
	[tilespmem:$0x1D580] =	vst v63  }
0x87: {  	_ =	swait.ge [sflag:s15], $0x3200  }
0x88: {  	s31 =	stileid.u32;
	[sflag:s15] =	ssyncset.done $0x0  }
0x89: {  	s1 =	sshll.u32 s31, $0x6;
	[sflag:s15] =	ssyncadd.s32 $0xFFFFCE00  }
0x8a: {  	s1 =	sor.u32 $0x1C05, s1;
	[bflag:$0x0] =	sbarrier.arrive $0xFFFF  }
0x8b: {  	[hbm:s10], [sflag:s1] =	dma.local [spmem:s24], $0x2700  }
0x8c: {  	_ =	swait.ge [sflag:s15], $0x2700  }
0x8d: {  	s29 =	sadd.s32 $0x1, s29;
	[sflag:s15] =	ssyncset.done $0x0  }
0x8e: {  	p1 =	sne.s32 s29, s12;
	[sflag:s15] =	ssyncadd.s32 $0xFFFFD900  }
0x8f: {  	[hbm:s11], [sflag:s1] =	dma.local @!p0 [spmem:s25], $0x100  }
.Ltmp1:
0x90: {  	_ = 	snop;
	(pc) =	sbr.rel @p1 .LBB2_1-.Ltmp1, $4  }
0x91: {  	s1 =	simm.s32 @!p0 $0x5  }
0x92: {  	_ =	swait.ge @!p0 [sflag:s1], $0x100  }
0x93: {  	[sflag:s1] =	ssyncset.done @!p0 $0x0  }
0x94: {  	[sflag:s1] =	ssyncadd.s32 @!p0 $0xFFFFFF00  }
0x95: {  	_ =	sfence.sel $0x180000  }
0x96: {  	[bflag:$0x0] =	sbarrier.arrive $0xFFFF  }
0x97: {  	_ =	strace $0x90000056  }
0x98: {  	[bflag:$0x2] =	sbarrier.arrive $0xFFFF  }
0x99: {  	s0 =	rddreg [dreg:$0x4]  }
0x9a: {  	s0 =	sadd.s32 @!p0 $0x100000, s0  }
0x9b: {  	[sflag:s0] =	ssyncadd.tile.s32 @!p0 $0x1;
	_ =	shalt  }
.Lfunc_end2:
_tile_overlayer_lowered:
.L_overlay_start_2:
0x9c: {  	(tag) =	ssettag $0x2  }
0x9d: {  	s0 =	rddreg [dreg:$0x0];
	s2 =	stileid.u32  }
0x9e: {  	s1 =	rddreg [dreg:$0x1];
	p0 =	sne.s32 s2, $0x0  }
0x9f: {  	s3 =	rddreg [dreg:$0x2];
	[bflag:$0x3] =	sbarrier.arrive $0xFFFF;
	s2 =	simm.s32 @!p0 $0x1C05  }
0xa0: {  	[timem:s3], [sflag:s2] =	dma.local @!p0 [hbm:s0], s1  }
0xa1: {  	s0 =	simm.s32 @!p0 $0x5  }
0xa2: {  	_ =	swait.ge @!p0 [sflag:s0], s1  }
0xa3: {  	s1 =	ssub.s32 @!p0 $0x0, s1;
	[sflag:s0] =	ssyncset.done @!p0 $0x0  }
0xa4: {  	[sflag:s0] =	ssyncadd.s32 @!p0 s1  }
0xa5: {  	[bflag:$0x3] =	sbarrier.arrive $0xFFFF  }
0xa6: {  	_ =	shalt  }

</sc_bundles>
